<compile_context>
chip_gen: v7x
topology: tpu7x:2x2x1
jax: 0.10.2.dev20260603
libtpu: 0.0.44.dev20260713+nightly
codegen_flags: <defaults>
</compile_context>

<pallas_src>
import functools

import jax
import jax.numpy as jnp
import numpy as np
from jax import lax
from jax.experimental import pallas as pl
from jax.experimental.pallas import tpu as pltpu
from jax.experimental.pallas import tpu_sc as plsc

N = 10000
E = 320000
D = 128
EPS = 1e-5

CHUNK = 128
HALF = CHUNK // 2
NC = 2
NS = 16
NW = NC * NS
KPW = 80
STAGE = 8
NSTAGE = KPW // STAGE
EPAD = NW * KPW * CHUNK
NPAD = 10112
ROWS_PER_TILE = NPAD // NS

def _sc_spmm_body(x_hbm, col_hbm, row_hbm, w_hbm, out_hbm,
                  col_s, row_s, w_s, fb0, fb1,
                  acc, gs0, gs1, ss0, ss1, ls):
    cid = lax.axis_index("c")
    sid = lax.axis_index("s")
    wid = sid * NC + cid
    wstart = wid * KPW
    fbufs = (fb0, fb1)
    gsems = (gs0, gs1)
    ssems = (ss0, ss1)
    fb = fb0

    zero16 = jnp.zeros((16,), jnp.float32)

    def zrow(r, carry):
        for j in range(D // 16):
            fb[r, pl.ds(16 * j, 16)] = zero16
        return carry

    lax.fori_loop(0, CHUNK, zrow, 0)

    zbase = sid * ROWS_PER_TILE
    for kk in range(4):
        pltpu.sync_copy(fb, acc.at[pl.ds(zbase + CHUNK * kk, CHUNK)])
    remr = ROWS_PER_TILE - 4 * CHUNK
    pltpu.sync_copy(fb.at[pl.ds(0, remr)],
                    acc.at[pl.ds(zbase + 4 * CHUNK, remr)])

    plsc.subcore_barrier()

    def load_stage(st, slot):
        off = wstart + STAGE * st
        pltpu.async_copy(col_hbm.at[pl.ds(off, STAGE)], col_s.at[slot], ls)
        pltpu.async_copy(row_hbm.at[pl.ds(off, STAGE)], row_s.at[slot], ls)
        pltpu.async_copy(w_hbm.at[pl.ds(off, STAGE)], w_s.at[slot], ls)

    def load_stage_wait(st, slot):
        off = wstart + STAGE * st
        pltpu.make_async_copy(
            col_hbm.at[pl.ds(off, STAGE)], col_s.at[slot], ls).wait()
        pltpu.make_async_copy(
            row_hbm.at[pl.ds(off, STAGE)], row_s.at[slot], ls).wait()
        pltpu.make_async_copy(
            w_hbm.at[pl.ds(off, STAGE)], w_s.at[slot], ls).wait()

    def gather_start(k, b):
        slot = lax.rem(lax.div(k, STAGE), 2)
        kp = lax.rem(k, STAGE)
        pltpu.async_copy(x_hbm.at[col_s.at[slot, kp]], fbufs[b], gsems[b])

    def gather_wait(k, b):
        slot = lax.rem(lax.div(k, STAGE), 2)
        kp = lax.rem(k, STAGE)
        pltpu.make_async_copy(
            x_hbm.at[col_s.at[slot, kp]], fbufs[b], gsems[b]).wait()

    def scale_inplace(buf, slot, kp):
        @plsc.parallel_loop(0, CHUNK // 16, unroll=2)
        def sgroup(g):
            r0 = 16 * g
            wv = w_s[slot, kp, pl.ds(r0, 16)]
            for rp in range(16):
                wr = wv[rp]
                r = r0 + rp
                for j in range(D // 16):
                    sl = pl.ds(16 * j, 16)
                    buf[r, sl] = buf[r, sl] * wr

    def scatter_start(slot, kp, b):
        pltpu.async_copy(fbufs[b], acc.at[row_s.at[slot, kp]],
                         ssems[b], add=True)

    def scatter_wait(slot, kp, b):
        pltpu.make_async_copy(fbufs[b], acc.at[row_s.at[slot, kp]],
                              ssems[b]).wait()

    def chunk_body(k, b):
        slot = lax.rem(lax.div(k, STAGE), 2)
        kp = lax.rem(k, STAGE)
        st = lax.div(k, STAGE)

        @pl.when(jnp.logical_and(kp == 0, st + 1 < NSTAGE))
        def _():
            load_stage(st + 1, lax.rem(st + 1, 2))

        @pl.when(jnp.logical_and(kp == STAGE - 1, st + 1 < NSTAGE))
        def _():
            load_stage_wait(st + 1, lax.rem(st + 1, 2))

        @pl.when(k + 1 < KPW)
        def _():
            @pl.when(k >= 1)
            def _():
                scatter_wait(slot, kp, 1 - b)

            gather_start(k + 1, 1 - b)

        gather_wait(k, b)
        scale_inplace(fbufs[b], slot, kp)
        scatter_start(slot, kp, b)

    load_stage(0, 0)
    load_stage_wait(0, 0)
    gather_start(0, 0)

    def pair_body(i, carry):
        chunk_body(2 * i, 0)
        chunk_body(2 * i + 1, 1)
        return carry

    lax.fori_loop(0, KPW // 2, pair_body, 0)

    last_slot = (NSTAGE - 1) % 2
    for b in range(2):
        scatter_wait(last_slot, STAGE - 2 + b, b)

    plsc.subcore_barrier()

    pltpu.sync_copy(acc.at[pl.ds(zbase, ROWS_PER_TILE)],
                    out_hbm.at[cid, pl.ds(zbase, ROWS_PER_TILE)])


_sc_spmm = functools.partial(
    pl.kernel,
    out_type=jax.ShapeDtypeStruct((NC, NPAD, D), jnp.float32),
    mesh=plsc.VectorSubcoreMesh(core_axis_name="c", subcore_axis_name="s"),
    scratch_types=[
        pltpu.VMEM((2, STAGE, CHUNK), jnp.int32),
        pltpu.VMEM((2, STAGE, CHUNK), jnp.int32),
        pltpu.VMEM((2, STAGE, CHUNK), jnp.float32),
        pltpu.VMEM((CHUNK, D), jnp.float32),
        pltpu.VMEM((CHUNK, D), jnp.float32),
        pltpu.VMEM_SHARED((NPAD, D), jnp.float32),
        pltpu.SemaphoreType.DMA,
        pltpu.SemaphoreType.DMA,
        pltpu.SemaphoreType.DMA,
        pltpu.SemaphoreType.DMA,
        pltpu.SemaphoreType.DMA,
    ],
)(_sc_spmm_body)


BLK = 5000
NBLK = N // BLK


def _tc_body(agg_ref, wt_ref, b_ref, gamma_ref, beta_ref, out_ref,
             h_scr, stats_scr):
    i = pl.program_id(0)

    @pl.when(i < NBLK)
    def _():
        a = agg_ref[0] + agg_ref[1]
        h = jnp.dot(a, wt_ref[...], preferred_element_type=jnp.float32)
        h = h + b_ref[...]
        h_scr[pl.ds(i * BLK, BLK), :] = h

        @pl.when(i == 0)
        def _():
            stats_scr[...] = jnp.zeros_like(stats_scr)

        stats_scr[0:1, :] += jnp.sum(h, axis=0, keepdims=True)
        stats_scr[1:2, :] += jnp.sum(h * h, axis=0, keepdims=True)

    @pl.when(i >= NBLK)
    def _():
        j = i - NBLK
        mean = stats_scr[0:1, :] / N
        var = stats_scr[1:2, :] / N - mean * mean
        inv = lax.rsqrt(var + EPS)
        scale = inv * gamma_ref[...]
        shift = beta_ref[...] - mean * scale
        out_ref[...] = h_scr[pl.ds(j * BLK, BLK), :] * scale + shift


def _tc_fused(agg2, wt, b2, gamma2, beta2):
    return pl.pallas_call(
        _tc_body,
        grid=(2 * NBLK,),
        in_specs=[
            pl.BlockSpec((NC, BLK, D),
                         lambda i: (0, jnp.minimum(i, NBLK - 1), 0)),
            pl.BlockSpec((D, D), lambda i: (0, 0)),
            pl.BlockSpec((1, D), lambda i: (0, 0)),
            pl.BlockSpec((1, D), lambda i: (0, 0)),
            pl.BlockSpec((1, D), lambda i: (0, 0)),
        ],
        out_specs=pl.BlockSpec(
            (BLK, D), lambda i: (jnp.maximum(i - NBLK, 0), 0)),
        out_shape=jax.ShapeDtypeStruct((N, D), jnp.float32),
        scratch_shapes=[
            pltpu.VMEM((N, D), jnp.float32),
            pltpu.VMEM((8, D), jnp.float32),
        ],
    )(agg2, wt, b2, gamma2, beta2)


@jax.jit
def kernel(x, edge_index, edge_weight, W, b, gamma, beta):
    pad = EPAD - E
    pad_row = N + jnp.arange(pad, dtype=jnp.int32) % (NPAD - N)
    pad_col = jnp.arange(pad, dtype=jnp.int32) % N
    row = jnp.concatenate([edge_index[0].astype(jnp.int32), pad_row])
    row = row.reshape(-1, CHUNK)
    col = jnp.concatenate([edge_index[1].astype(jnp.int32), pad_col])
    col = col.reshape(-1, CHUNK)
    ew = jnp.pad(edge_weight, (0, pad)).reshape(-1, CHUNK)
    agg2 = _sc_spmm(x, col, row, ew)
    return _tc_fused(agg2, W.T, b.reshape(1, D),
                     gamma.reshape(1, D), beta.reshape(1, D))

# --- scband reference (transcript-rebuilt; emitter-appended) ---
"""Pipeline reference for scband-gcnlayer-15092515078147 (READ-ONLY COPY).

The authoritative reference and input builder live on the scoring server;
editing this copy changes nothing except your own understanding.
"""

import jax, jax.numpy as jnp
import numpy as np

N = 10000
E = 320000
D_IN = 128
D_OUT = 128
EPS = 1e-5


def setup_inputs(seed: int = 0) -> dict:
    key = jax.random.key(seed)
    k_x, k_ei, k_ew, k_w, k_b, k_g, k_beta = jax.random.split(key, 7)
    x = jax.random.normal(k_x, (N, D_IN), dtype=jnp.float32)
    edge_index = jax.random.randint(k_ei, (2, E), 0, N, dtype=jnp.int64)
    edge_weight = jax.random.uniform(k_ew, (E,), dtype=jnp.float32)
    # Learned params (nn.Linear + nn.BatchNorm1d)
    bound = 1.0 / np.sqrt(D_IN)
    W = jax.random.uniform(k_w, (D_OUT, D_IN), minval=-bound, maxval=bound, dtype=jnp.float32)
    b = jax.random.uniform(k_b, (D_OUT,), minval=-bound, maxval=bound, dtype=jnp.float32)
    gamma = jnp.ones((D_OUT,), dtype=jnp.float32)
    beta = jnp.zeros((D_OUT,), dtype=jnp.float32)
    return {"x": x, "edge_index": edge_index, "edge_weight": edge_weight,
            "W": W, "b": b, "gamma": gamma, "beta": beta}


def reference(x, edge_index, edge_weight, W, b, gamma, beta):
    # torch.spmm(adj, x): adj given in COO form (edge_index=[row, col], edge_weight)
    row = edge_index[0]
    col = edge_index[1]
    gathered = jnp.take(x, col, axis=0) * edge_weight[:, None]   # gather (SparseCore)
    agg = jnp.zeros((N, D_IN), dtype=x.dtype).at[row].add(gathered)  # scatter-add
    # Linear
    h = agg @ W.T + b
    # BatchNorm1d (training-mode statistics, biased variance)
    mean = jnp.mean(h, axis=0)
    var = jnp.mean((h - mean) ** 2, axis=0)
    out = (h - mean) / jnp.sqrt(var + EPS) * gamma + beta
    return out

if __name__ == "__main__":
    import jax
    _d = setup_inputs()
    print(jax.jit(kernel)(*tuple(_d.values())))

</pallas_src>

<mosaic_0001>
#map = affine_map<(d0, d1) -> (0, 0)>
#map1 = affine_map<(d0, d1) -> (0, 0, 0)>
module attributes {stable_mosaic.version = 14 : i64} {
  func.func @_sc_spmm_body(%arg0: i32, %arg1: i32, %arg2: memref<10000x128xf32, #tpu.memory_space<hbm>>, %arg3: memref<2560x128xi32, #tpu.memory_space<hbm>>, %arg4: memref<2560x128xi32, #tpu.memory_space<hbm>>, %arg5: memref<2560x128xf32, #tpu.memory_space<hbm>>, %arg6: memref<2x10112x128xf32, #tpu.memory_space<hbm>>, %arg7: memref<2x8x128xi32, #tpu.memory_space<vmem>>, %arg8: memref<2x8x128xi32, #tpu.memory_space<vmem>>, %arg9: memref<2x8x128xf32, #tpu.memory_space<vmem>>, %arg10: memref<128x128xf32, #tpu.memory_space<vmem>>, %arg11: memref<128x128xf32, #tpu.memory_space<vmem>>, %arg12: memref<10112x128xf32, #tpu.memory_space<vmem_shared>>, %arg13: memref<!tpu.dma_semaphore, #tpu.memory_space<semaphore_mem>>, %arg14: memref<!tpu.dma_semaphore, #tpu.memory_space<semaphore_mem>>, %arg15: memref<!tpu.dma_semaphore, #tpu.memory_space<semaphore_mem>>, %arg16: memref<!tpu.dma_semaphore, #tpu.memory_space<semaphore_mem>>, %arg17: memref<!tpu.dma_semaphore, #tpu.memory_space<semaphore_mem>>) attributes {dimension_semantics = [#tpu.dimension_semantics<core_parallel>, #tpu.dimension_semantics<subcore_parallel>], iteration_bounds = array<i64: 2, 16>, scalar_prefetch = 0 : i64, scratch_operands = 11 : i64, tpu.core_type = #tpu.core_type<sc_vector_subcore>, window_params = [{transform_indices = #map}, {transform_indices = #map}, {transform_indices = #map}, {transform_indices = #map}, {transform_indices = #map1}]} {
    %mul3A = arith.constant 2 : i32
    %mul3A_0 = arith.muli %arg1, %mul3A : i32
    %add3A = arith.addi %mul3A_0, %arg0 : i32
    %mul3A_1 = arith.constant 80 : i32
    %mul3A_2 = arith.muli %add3A, %mul3A_1 : i32
    %broadcast_in_dim3A = arith.constant 0.000000e+00 : f32
    %broadcast_in_dim3A_3 = vector.broadcast %broadcast_in_dim3A : f32 to vector<16xf32>
    %scan3A = arith.constant 0 : i32
    %scan3A_4 = arith.constant 0 : i32
    %scan3A_5 = arith.constant 128 : i32
    %scan3A_6 = arith.addi %scan3A_4, %scan3A_5 : i32
    %scan3A_7 = arith.constant 1 : i32
    scf.for %scan3A_136 = %scan3A_4 to %scan3A_6 step %scan3A_7  : i32 {
      %swap3A = arith.index_cast %scan3A_136 : i32 to index
      %swap3A_137 = arith.constant 0 : index
      %swap3A_138 = tpu.vector_load %arg10[%swap3A, %swap3A_137] {strides = array<i32>} : memref<128x128xf32, #tpu.memory_space<vmem>>, vector<1x16xf32>,
      %swap3A_139 = vector.shape_cast %swap3A_138 : vector<1x16xf32> to vector<16xf32>
      %swap3A_140 = vector.shape_cast %broadcast_in_dim3A_3 : vector<16xf32> to vector<1x16xf32>
      tpu.vector_store %arg10[%swap3A, %swap3A_137], %swap3A_140 {strides = array<i32>} : memref<128x128xf32, #tpu.memory_space<vmem>>, vector<1x16xf32>,
      %swap3A_141 = arith.index_cast %scan3A_136 : i32 to index
      %swap3A_142 = arith.constant 16 : index
      %swap3A_143 = tpu.vector_load %arg10[%swap3A_141, %swap3A_142] {strides = array<i32>} : memref<128x128xf32, #tpu.memory_space<vmem>>, vector<1x16xf32>,
      %swap3A_144 = vector.shape_cast %swap3A_143 : vector<1x16xf32> to vector<16xf32>
      %swap3A_145 = vector.shape_cast %broadcast_in_dim3A_3 : vector<16xf32> to vector<1x16xf32>
      tpu.vector_store %arg10[%swap3A_141, %swap3A_142], %swap3A_145 {strides = array<i32>} : memref<128x128xf32, #tpu.memory_space<vmem>>, vector<1x16xf32>,
      %swap3A_146 = arith.index_cast %scan3A_136 : i32 to index
      %swap3A_147 = arith.constant 32 : index
      %swap3A_148 = tpu.vector_load %arg10[%swap3A_146, %swap3A_147] {strides = array<i32>} : memref<128x128xf32, #tpu.memory_space<vmem>>, vector<1x16xf32>,
      %swap3A_149 = vector.shape_cast %swap3A_148 : vector<1x16xf32> to vector<16xf32>
      %swap3A_150 = vector.shape_cast %broadcast_in_dim3A_3 : vector<16xf32> to vector<1x16xf32>
      tpu.vector_store %arg10[%swap3A_146, %swap3A_147], %swap3A_150 {strides = array<i32>} : memref<128x128xf32, #tpu.memory_space<vmem>>, vector<1x16xf32>,
      %swap3A_151 = arith.index_cast %scan3A_136 : i32 to index
      %swap3A_152 = arith.constant 48 : index
      %swap3A_153 = tpu.vector_load %arg10[%swap3A_151, %swap3A_152] {strides = array<i32>} : memref<128x128xf32, #tpu.memory_space<vmem>>, vector<1x16xf32>,
      %swap3A_154 = vector.shape_cast %swap3A_153 : vector<1x16xf32> to vector<16xf32>
      %swap3A_155 = vector.shape_cast %broadcast_in_dim3A_3 : vector<16xf32> to vector<1x16xf32>
      tpu.vector_store %arg10[%swap3A_151, %swap3A_152], %swap3A_155 {strides = array<i32>} : memref<128x128xf32, #tpu.memory_space<vmem>>, vector<1x16xf32>,
      %swap3A_156 = arith.index_cast %scan3A_136 : i32 to index
      %swap3A_157 = arith.constant 64 : index
      %swap3A_158 = tpu.vector_load %arg10[%swap3A_156, %swap3A_157] {strides = array<i32>} : memref<128x128xf32, #tpu.memory_space<vmem>>, vector<1x16xf32>,
      %swap3A_159 = vector.shape_cast %swap3A_158 : vector<1x16xf32> to vector<16xf32>
      %swap3A_160 = vector.shape_cast %broadcast_in_dim3A_3 : vector<16xf32> to vector<1x16xf32>
      tpu.vector_store %arg10[%swap3A_156, %swap3A_157], %swap3A_160 {strides = array<i32>} : memref<128x128xf32, #tpu.memory_space<vmem>>, vector<1x16xf32>,
      %swap3A_161 = arith.index_cast %scan3A_136 : i32 to index
      %swap3A_162 = arith.constant 80 : index
      %swap3A_163 = tpu.vector_load %arg10[%swap3A_161, %swap3A_162] {strides = array<i32>} : memref<128x128xf32, #tpu.memory_space<vmem>>, vector<1x16xf32>,
      %swap3A_164 = vector.shape_cast %swap3A_163 : vector<1x16xf32> to vector<16xf32>
      %swap3A_165 = vector.shape_cast %broadcast_in_dim3A_3 : vector<16xf32> to vector<1x16xf32>
      tpu.vector_store %arg10[%swap3A_161, %swap3A_162], %swap3A_165 {strides = array<i32>} : memref<128x128xf32, #tpu.memory_space<vmem>>, vector<1x16xf32>,
      %swap3A_166 = arith.index_cast %scan3A_136 : i32 to index
      %swap3A_167 = arith.constant 96 : index
      %swap3A_168 = tpu.vector_load %arg10[%swap3A_166, %swap3A_167] {strides = array<i32>} : memref<128x128xf32, #tpu.memory_space<vmem>>, vector<1x16xf32>,
      %swap3A_169 = vector.shape_cast %swap3A_168 : vector<1x16xf32> to vector<16xf32>
      %swap3A_170 = vector.shape_cast %broadcast_in_dim3A_3 : vector<16xf32> to vector<1x16xf32>
      tpu.vector_store %arg10[%swap3A_166, %swap3A_167], %swap3A_170 {strides = array<i32>} : memref<128x128xf32, #tpu.memory_space<vmem>>, vector<1x16xf32>,
      %swap3A_171 = arith.index_cast %scan3A_136 : i32 to index
      %swap3A_172 = arith.constant 112 : index
      %swap3A_173 = tpu.vector_load %arg10[%swap3A_171, %swap3A_172] {strides = array<i32>} : memref<128x128xf32, #tpu.memory_space<vmem>>, vector<1x16xf32>,
      %swap3A_174 = vector.shape_cast %swap3A_173 : vector<1x16xf32> to vector<16xf32>
      %swap3A_175 = vector.shape_cast %broadcast_in_dim3A_3 : vector<16xf32> to vector<1x16xf32>
      tpu.vector_store %arg10[%swap3A_171, %swap3A_172], %swap3A_175 {strides = array<i32>} : memref<128x128xf32, #tpu.memory_space<vmem>>, vector<1x16xf32>,
    }
    %scan3A_8 = arith.constant 128 : i32
    %mul3A_9 = arith.constant 632 : i32
    %mul3A_10 = arith.muli %arg1, %mul3A_9 : i32
    %add3A_11 = arith.constant 0 : i32
    %add3A_12 = arith.addi %mul3A_10, %add3A_11 : i32
    "tpu.region"() ({
      %run_scoped3A = tpu.sem_alloc : memref<!tpu.dma_semaphore, #tpu.memory_space<semaphore_mem>>
      %dma_start3A_136 = arith.constant 0 : i32
      %dma_start3A_137 = tpu.memref_slice %arg12[%add3A_12, %dma_start3A_136] : memref<10112x128xf32, #tpu.memory_space<vmem_shared>> -> memref<128x128xf32, #tpu.memory_space<vmem_shared>>
      %dma_start3A_138 = arith.constant 0 : i32
      %dma_start3A_139 = tpu.memref_slice %arg12[%add3A_12, %dma_start3A_138] : memref<10112x128xf32, #tpu.memory_space<vmem_shared>> -> memref<128x128xf32, #tpu.memory_space<vmem_shared>>
      tpu.enqueue_dma source(%arg10 : memref<128x128xf32, #tpu.memory_space<vmem>>) target(%dma_start3A_139 : memref<128x128xf32, #tpu.memory_space<vmem_shared>>) target_semaphore(%run_scoped3A : memref<!tpu.dma_semaphore, #tpu.memory_space<semaphore_mem>>)
      %dma_wait3A_140 = arith.constant 0 : i32
      %dma_wait3A_141 = tpu.memref_slice %arg12[%add3A_12, %dma_wait3A_140] : memref<10112x128xf32, #tpu.memory_space<vmem_shared>> -> memref<128x128xf32, #tpu.memory_space<vmem_shared>>
      %dma_wait3A_142 = arith.constant 0 : i32
      %dma_wait3A_143 = tpu.memref_slice %arg12[%add3A_12, %dma_wait3A_142] : memref<10112x128xf32, #tpu.memory_space<vmem_shared>> -> memref<128x128xf32, #tpu.memory_space<vmem_shared>>
      tpu.wait_dma2 semaphore(%run_scoped3A : memref<!tpu.dma_semaphore, #tpu.memory_space<semaphore_mem>>) src(%arg10 : memref<128x128xf32, #tpu.memory_space<vmem>>) dst(%dma_wait3A_143 : memref<128x128xf32, #tpu.memory_space<vmem_shared>>)
      tpu.yield
    }) : () -> ()
    %add3A_13 = arith.constant 128 : i32
    %add3A_14 = arith.addi %mul3A_10, %add3A_13 : i32
    "tpu.region"() ({
      %run_scoped3A = tpu.sem_alloc : memref<!tpu.dma_semaphore, #tpu.memory_space<semaphore_mem>>
      %dma_start3A_136 = arith.constant 0 : i32
      %dma_start3A_137 = tpu.memref_slice %arg12[%add3A_14, %dma_start3A_136] : memref<10112x128xf32, #tpu.memory_space<vmem_shared>> -> memref<128x128xf32, #tpu.memory_space<vmem_shared>>
      %dma_start3A_138 = arith.constant 0 : i32
      %dma_start3A_139 = tpu.memref_slice %arg12[%add3A_14, %dma_start3A_138] : memref<10112x128xf32, #tpu.memory_space<vmem_shared>> -> memref<128x128xf32, #tpu.memory_space<vmem_shared>>
      tpu.enqueue_dma source(%arg10 : memref<128x128xf32, #tpu.memory_space<vmem>>) target(%dma_start3A_139 : memref<128x128xf32, #tpu.memory_space<vmem_shared>>) target_semaphore(%run_scoped3A : memref<!tpu.dma_semaphore, #tpu.memory_space<semaphore_mem>>)
      %dma_wait3A_140 = arith.constant 0 : i32
      %dma_wait3A_141 = tpu.memref_slice %arg12[%add3A_14, %dma_wait3A_140] : memref<10112x128xf32, #tpu.memory_space<vmem_shared>> -> memref<128x128xf32, #tpu.memory_space<vmem_shared>>
      %dma_wait3A_142 = arith.constant 0 : i32
      %dma_wait3A_143 = tpu.memref_slice %arg12[%add3A_14, %dma_wait3A_142] : memref<10112x128xf32, #tpu.memory_space<vmem_shared>> -> memref<128x128xf32, #tpu.memory_space<vmem_shared>>
      tpu.wait_dma2 semaphore(%run_scoped3A : memref<!tpu.dma_semaphore, #tpu.memory_space<semaphore_mem>>) src(%arg10 : memref<128x128xf32, #tpu.memory_space<vmem>>) dst(%dma_wait3A_143 : memref<128x128xf32, #tpu.memory_space<vmem_shared>>)
      tpu.yield
    }) : () -> ()
    %add3A_15 = arith.constant 256 : i32
    %add3A_16 = arith.addi %mul3A_10, %add3A_15 : i32
    "tpu.region"() ({
      %run_scoped3A = tpu.sem_alloc : memref<!tpu.dma_semaphore, #tpu.memory_space<semaphore_mem>>
      %dma_start3A_136 = arith.constant 0 : i32
      %dma_start3A_137 = tpu.memref_slice %arg12[%add3A_16, %dma_start3A_136] : memref<10112x128xf32, #tpu.memory_space<vmem_shared>> -> memref<128x128xf32, #tpu.memory_space<vmem_shared>>
      %dma_start3A_138 = arith.constant 0 : i32
      %dma_start3A_139 = tpu.memref_slice %arg12[%add3A_16, %dma_start3A_138] : memref<10112x128xf32, #tpu.memory_space<vmem_shared>> -> memref<128x128xf32, #tpu.memory_space<vmem_shared>>
      tpu.enqueue_dma source(%arg10 : memref<128x128xf32, #tpu.memory_space<vmem>>) target(%dma_start3A_139 : memref<128x128xf32, #tpu.memory_space<vmem_shared>>) target_semaphore(%run_scoped3A : memref<!tpu.dma_semaphore, #tpu.memory_space<semaphore_mem>>)
      %dma_wait3A_140 = arith.constant 0 : i32
      %dma_wait3A_141 = tpu.memref_slice %arg12[%add3A_16, %dma_wait3A_140] : memref<10112x128xf32, #tpu.memory_space<vmem_shared>> -> memref<128x128xf32, #tpu.memory_space<vmem_shared>>
      %dma_wait3A_142 = arith.constant 0 : i32
      %dma_wait3A_143 = tpu.memref_slice %arg12[%add3A_16, %dma_wait3A_142] : memref<10112x128xf32, #tpu.memory_space<vmem_shared>> -> memref<128x128xf32, #tpu.memory_space<vmem_shared>>
      tpu.wait_dma2 semaphore(%run_scoped3A : memref<!tpu.dma_semaphore, #tpu.memory_space<semaphore_mem>>) src(%arg10 : memref<128x128xf32, #tpu.memory_space<vmem>>) dst(%dma_wait3A_143 : memref<128x128xf32, #tpu.memory_space<vmem_shared>>)
      tpu.yield
    }) : () -> ()
    %add3A_17 = arith.constant 384 : i32
    %add3A_18 = arith.addi %mul3A_10, %add3A_17 : i32
    "tpu.region"() ({
      %run_scoped3A = tpu.sem_alloc : memref<!tpu.dma_semaphore, #tpu.memory_space<semaphore_mem>>
      %dma_start3A_136 = arith.constant 0 : i32
      %dma_start3A_137 = tpu.memref_slice %arg12[%add3A_18, %dma_start3A_136] : memref<10112x128xf32, #tpu.memory_space<vmem_shared>> -> memref<128x128xf32, #tpu.memory_space<vmem_shared>>
      %dma_start3A_138 = arith.constant 0 : i32
      %dma_start3A_139 = tpu.memref_slice %arg12[%add3A_18, %dma_start3A_138] : memref<10112x128xf32, #tpu.memory_space<vmem_shared>> -> memref<128x128xf32, #tpu.memory_space<vmem_shared>>
      tpu.enqueue_dma source(%arg10 : memref<128x128xf32, #tpu.memory_space<vmem>>) target(%dma_start3A_139 : memref<128x128xf32, #tpu.memory_space<vmem_shared>>) target_semaphore(%run_scoped3A : memref<!tpu.dma_semaphore, #tpu.memory_space<semaphore_mem>>)
      %dma_wait3A_140 = arith.constant 0 : i32
      %dma_wait3A_141 = tpu.memref_slice %arg12[%add3A_18, %dma_wait3A_140] : memref<10112x128xf32, #tpu.memory_space<vmem_shared>> -> memref<128x128xf32, #tpu.memory_space<vmem_shared>>
      %dma_wait3A_142 = arith.constant 0 : i32
      %dma_wait3A_143 = tpu.memref_slice %arg12[%add3A_18, %dma_wait3A_142] : memref<10112x128xf32, #tpu.memory_space<vmem_shared>> -> memref<128x128xf32, #tpu.memory_space<vmem_shared>>
      tpu.wait_dma2 semaphore(%run_scoped3A : memref<!tpu.dma_semaphore, #tpu.memory_space<semaphore_mem>>) src(%arg10 : memref<128x128xf32, #tpu.memory_space<vmem>>) dst(%dma_wait3A_143 : memref<128x128xf32, #tpu.memory_space<vmem_shared>>)
      tpu.yield
    }) : () -> ()
    %add3A_19 = arith.constant 512 : i32
    %add3A_20 = arith.addi %mul3A_10, %add3A_19 : i32
    "tpu.region"() ({
      %run_scoped3A = tpu.sem_alloc : memref<!tpu.dma_semaphore, #tpu.memory_space<semaphore_mem>>
      %dma_start3A_136 = arith.constant 0 : i32
      %dma_start3A_137 = arith.constant 0 : i32
      %dma_start3A_138 = tpu.memref_slice %arg10[%dma_start3A_136, %dma_start3A_137] : memref<128x128xf32, #tpu.memory_space<vmem>> -> memref<120x128xf32, #tpu.memory_space<vmem>>
      %dma_start3A_139 = arith.constant 0 : i32
      %dma_start3A_140 = tpu.memref_slice %arg12[%add3A_20, %dma_start3A_139] : memref<10112x128xf32, #tpu.memory_space<vmem_shared>> -> memref<120x128xf32, #tpu.memory_space<vmem_shared>>
      %dma_start3A_141 = arith.constant 0 : i32
      %dma_start3A_142 = tpu.memref_slice %arg12[%add3A_20, %dma_start3A_141] : memref<10112x128xf32, #tpu.memory_space<vmem_shared>> -> memref<120x128xf32, #tpu.memory_space<vmem_shared>>
      %dma_start3A_143 = arith.constant 0 : i32
      %dma_start3A_144 = arith.constant 0 : i32
      %dma_start3A_145 = tpu.memref_slice %arg10[%dma_start3A_143, %dma_start3A_144] : memref<128x128xf32, #tpu.memory_space<vmem>> -> memref<120x128xf32, #tpu.memory_space<vmem>>
      tpu.enqueue_dma source(%dma_start3A_145 : memref<120x128xf32, #tpu.memory_space<vmem>>) target(%dma_start3A_142 : memref<120x128xf32, #tpu.memory_space<vmem_shared>>) target_semaphore(%run_scoped3A : memref<!tpu.dma_semaphore, #tpu.memory_space<semaphore_mem>>)
      %dma_wait3A_146 = arith.constant 0 : i32
      %dma_wait3A_147 = arith.constant 0 : i32
      %dma_wait3A_148 = tpu.memref_slice %arg10[%dma_wait3A_146, %dma_wait3A_147] : memref<128x128xf32, #tpu.memory_space<vmem>> -> memref<120x128xf32, #tpu.memory_space<vmem>>
      %dma_wait3A_149 = arith.constant 0 : i32
      %dma_wait3A_150 = tpu.memref_slice %arg12[%add3A_20, %dma_wait3A_149] : memref<10112x128xf32, #tpu.memory_space<vmem_shared>> -> memref<120x128xf32, #tpu.memory_space<vmem_shared>>
      %dma_wait3A_151 = arith.constant 0 : i32
      %dma_wait3A_152 = tpu.memref_slice %arg12[%add3A_20, %dma_wait3A_151] : memref<10112x128xf32, #tpu.memory_space<vmem_shared>> -> memref<120x128xf32, #tpu.memory_space<vmem_shared>>
      %dma_wait3A_153 = arith.constant 0 : i32
      %dma_wait3A_154 = arith.constant 0 : i32
      %dma_wait3A_155 = tpu.memref_slice %arg10[%dma_wait3A_153, %dma_wait3A_154] : memref<128x128xf32, #tpu.memory_space<vmem>> -> memref<120x128xf32, #tpu.memory_space<vmem>>
      tpu.wait_dma2 semaphore(%run_scoped3A : memref<!tpu.dma_semaphore, #tpu.memory_space<semaphore_mem>>) src(%dma_wait3A_155 : memref<120x128xf32, #tpu.memory_space<vmem>>) dst(%dma_wait3A_152 : memref<120x128xf32, #tpu.memory_space<vmem_shared>>)
      tpu.yield
    }) : () -> ()
    %barrier3A = arith.constant 0 : index
    tpu.barrier barrier_id(%barrier3A)
    %add3A_21 = arith.constant 0 : i32
    %add3A_22 = arith.addi %mul3A_2, %add3A_21 : i32
    %dma_start3A = arith.constant 0 : i32
    %dma_start3A_23 = arith.constant 0 : i32
    %dma_start3A_24 = arith.constant 0 : i32
    %dma_start3A_25 = tpu.memref_slice %arg7[%dma_start3A, %dma_start3A_23, %dma_start3A_24] : memref<2x8x128xi32, #tpu.memory_space<vmem>> -> memref<1x8x128xi32, #tpu.memory_space<vmem>>
    %dma_start3A_26 = tpu.memref_squeeze %dma_start3A_25 : memref<1x8x128xi32, #tpu.memory_space<vmem>> -> memref<8x128xi32, #tpu.memory_space<vmem>>
    %dma_start3A_27 = arith.constant 0 : i32
    %dma_start3A_28 = tpu.memref_slice %arg3[%add3A_22, %dma_start3A_27] : memref<2560x128xi32, #tpu.memory_space<hbm>> -> memref<8x128xi32, #tpu.memory_space<hbm>>
    %dma_start3A_29 = arith.constant 0 : i32
    %dma_start3A_30 = arith.constant 0 : i32
    %dma_start3A_31 = tpu.memref_slice %arg7[%dma_start3A, %dma_start3A_29, %dma_start3A_30] : memref<2x8x128xi32, #tpu.memory_space<vmem>> -> memref<1x8x128xi32, #tpu.memory_space<vmem>>
    %dma_start3A_32 = tpu.memref_squeeze %dma_start3A_31 : memref<1x8x128xi32, #tpu.memory_space<vmem>> -> memref<8x128xi32, #tpu.memory_space<vmem>>
    %dma_start3A_33 = arith.constant 0 : i32
    %dma_start3A_34 = tpu.memref_slice %arg3[%add3A_22, %dma_start3A_33] : memref<2560x128xi32, #tpu.memory_space<hbm>> -> memref<8x128xi32, #tpu.memory_space<hbm>>
    tpu.enqueue_dma source(%dma_start3A_34 : memref<8x128xi32, #tpu.memory_space<hbm>>) target(%dma_start3A_32 : memref<8x128xi32, #tpu.memory_space<vmem>>) target_semaphore(%arg17 : memref<!tpu.dma_semaphore, #tpu.memory_space<semaphore_mem>>)
    %dma_start3A_35 = arith.constant 0 : i32
    %dma_start3A_36 = arith.constant 0 : i32
    %dma_start3A_37 = arith.constant 0 : i32
    %dma_start3A_38 = tpu.memref_slice %arg8[%dma_start3A_35, %dma_start3A_36, %dma_start3A_37] : memref<2x8x128xi32, #tpu.memory_space<vmem>> -> memref<1x8x128xi32, #tpu.memory_space<vmem>>
    %dma_start3A_39 = tpu.memref_squeeze %dma_start3A_38 : memref<1x8x128xi32, #tpu.memory_space<vmem>> -> memref<8x128xi32, #tpu.memory_space<vmem>>
    %dma_start3A_40 = arith.constant 0 : i32
    %dma_start3A_41 = tpu.memref_slice %arg4[%add3A_22, %dma_start3A_40] : memref<2560x128xi32, #tpu.memory_space<hbm>> -> memref<8x128xi32, #tpu.memory_space<hbm>>
    %dma_start3A_42 = arith.constant 0 : i32
    %dma_start3A_43 = arith.constant 0 : i32
    %dma_start3A_44 = tpu.memref_slice %arg8[%dma_start3A_35, %dma_start3A_42, %dma_start3A_43] : memref<2x8x128xi32, #tpu.memory_space<vmem>> -> memref<1x8x128xi32, #tpu.memory_space<vmem>>
    %dma_start3A_45 = tpu.memref_squeeze %dma_start3A_44 : memref<1x8x128xi32, #tpu.memory_space<vmem>> -> memref<8x128xi32, #tpu.memory_space<vmem>>
    %dma_start3A_46 = arith.constant 0 : i32
    %dma_start3A_47 = tpu.memref_slice %arg4[%add3A_22, %dma_start3A_46] : memref<2560x128xi32, #tpu.memory_space<hbm>> -> memref<8x128xi32, #tpu.memory_space<hbm>>
    tpu.enqueue_dma source(%dma_start3A_47 : memref<8x128xi32, #tpu.memory_space<hbm>>) target(%dma_start3A_45 : memref<8x128xi32, #tpu.memory_space<vmem>>) target_semaphore(%arg17 : memref<!tpu.dma_semaphore, #tpu.memory_space<semaphore_mem>>)
    %dma_start3A_48 = arith.constant 0 : i32
    %dma_start3A_49 = arith.constant 0 : i32
    %dma_start3A_50 = arith.constant 0 : i32
    %dma_start3A_51 = tpu.memref_slice %arg9[%dma_start3A_48, %dma_start3A_49, %dma_start3A_50] : memref<2x8x128xf32, #tpu.memory_space<vmem>> -> memref<1x8x128xf32, #tpu.memory_space<vmem>>
    %dma_start3A_52 = tpu.memref_squeeze %dma_start3A_51 : memref<1x8x128xf32, #tpu.memory_space<vmem>> -> memref<8x128xf32, #tpu.memory_space<vmem>>
    %dma_start3A_53 = arith.constant 0 : i32
    %dma_start3A_54 = tpu.memref_slice %arg5[%add3A_22, %dma_start3A_53] : memref<2560x128xf32, #tpu.memory_space<hbm>> -> memref<8x128xf32, #tpu.memory_space<hbm>>
    %dma_start3A_55 = arith.constant 0 : i32
    %dma_start3A_56 = arith.constant 0 : i32
    %dma_start3A_57 = tpu.memref_slice %arg9[%dma_start3A_48, %dma_start3A_55, %dma_start3A_56] : memref<2x8x128xf32, #tpu.memory_space<vmem>> -> memref<1x8x128xf32, #tpu.memory_space<vmem>>
    %dma_start3A_58 = tpu.memref_squeeze %dma_start3A_57 : memref<1x8x128xf32, #tpu.memory_space<vmem>> -> memref<8x128xf32, #tpu.memory_space<vmem>>
    %dma_start3A_59 = arith.constant 0 : i32
    %dma_start3A_60 = tpu.memref_slice %arg5[%add3A_22, %dma_start3A_59] : memref<2560x128xf32, #tpu.memory_space<hbm>> -> memref<8x128xf32, #tpu.memory_space<hbm>>
    tpu.enqueue_dma source(%dma_start3A_60 : memref<8x128xf32, #tpu.memory_space<hbm>>) target(%dma_start3A_58 : memref<8x128xf32, #tpu.memory_space<vmem>>) target_semaphore(%arg17 : memref<!tpu.dma_semaphore, #tpu.memory_space<semaphore_mem>>)
    %add3A_61 = arith.constant 0 : i32
    %add3A_62 = arith.addi %mul3A_2, %add3A_61 : i32
    %dma_wait3A = arith.constant 0 : i32
    %dma_wait3A_63 = arith.constant 0 : i32
    %dma_wait3A_64 = arith.constant 0 : i32
    %dma_wait3A_65 = tpu.memref_slice %arg7[%dma_wait3A, %dma_wait3A_63, %dma_wait3A_64] : memref<2x8x128xi32, #tpu.memory_space<vmem>> -> memref<1x8x128xi32, #tpu.memory_space<vmem>>
    %dma_wait3A_66 = tpu.memref_squeeze %dma_wait3A_65 : memref<1x8x128xi32, #tpu.memory_space<vmem>> -> memref<8x128xi32, #tpu.memory_space<vmem>>
    %dma_wait3A_67 = arith.constant 0 : i32
    %dma_wait3A_68 = tpu.memref_slice %arg3[%add3A_62, %dma_wait3A_67] : memref<2560x128xi32, #tpu.memory_space<hbm>> -> memref<8x128xi32, #tpu.memory_space<hbm>>
    %dma_wait3A_69 = arith.constant 0 : i32
    %dma_wait3A_70 = arith.constant 0 : i32
    %dma_wait3A_71 = tpu.memref_slice %arg7[%dma_wait3A, %dma_wait3A_69, %dma_wait3A_70] : memref<2x8x128xi32, #tpu.memory_space<vmem>> -> memref<1x8x128xi32, #tpu.memory_space<vmem>>
    %dma_wait3A_72 = tpu.memref_squeeze %dma_wait3A_71 : memref<1x8x128xi32, #tpu.memory_space<vmem>> -> memref<8x128xi32, #tpu.memory_space<vmem>>
    %dma_wait3A_73 = arith.constant 0 : i32
    %dma_wait3A_74 = tpu.memref_slice %arg3[%add3A_62, %dma_wait3A_73] : memref<2560x128xi32, #tpu.memory_space<hbm>> -> memref<8x128xi32, #tpu.memory_space<hbm>>
    tpu.wait_dma2 semaphore(%arg17 : memref<!tpu.dma_semaphore, #tpu.memory_space<semaphore_mem>>) src(%dma_wait3A_74 : memref<8x128xi32, #tpu.memory_space<hbm>>) dst(%dma_wait3A_72 : memref<8x128xi32, #tpu.memory_space<vmem>>)
    %dma_wait3A_75 = arith.constant 0 : i32
    %dma_wait3A_76 = arith.constant 0 : i32
    %dma_wait3A_77 = arith.constant 0 : i32
    %dma_wait3A_78 = tpu.memref_slice %arg8[%dma_wait3A_75, %dma_wait3A_76, %dma_wait3A_77] : memref<2x8x128xi32, #tpu.memory_space<vmem>> -> memref<1x8x128xi32, #tpu.memory_space<vmem>>
    %dma_wait3A_79 = tpu.memref_squeeze %dma_wait3A_78 : memref<1x8x128xi32, #tpu.memory_space<vmem>> -> memref<8x128xi32, #tpu.memory_space<vmem>>
    %dma_wait3A_80 = arith.constant 0 : i32
    %dma_wait3A_81 = tpu.memref_slice %arg4[%add3A_62, %dma_wait3A_80] : memref<2560x128xi32, #tpu.memory_space<hbm>> -> memref<8x128xi32, #tpu.memory_space<hbm>>
    %dma_wait3A_82 = arith.constant 0 : i32
    %dma_wait3A_83 = arith.constant 0 : i32
    %dma_wait3A_84 = tpu.memref_slice %arg8[%dma_wait3A_75, %dma_wait3A_82, %dma_wait3A_83] : memref<2x8x128xi32, #tpu.memory_space<vmem>> -> memref<1x8x128xi32, #tpu.memory_space<vmem>>
    %dma_wait3A_85 = tpu.memref_squeeze %dma_wait3A_84 : memref<1x8x128xi32, #tpu.memory_space<vmem>> -> memref<8x128xi32, #tpu.memory_space<vmem>>
    %dma_wait3A_86 = arith.constant 0 : i32
    %dma_wait3A_87 = tpu.memref_slice %arg4[%add3A_62, %dma_wait3A_86] : memref<2560x128xi32, #tpu.memory_space<hbm>> -> memref<8x128xi32, #tpu.memory_space<hbm>>
    tpu.wait_dma2 semaphore(%arg17 : memref<!tpu.dma_semaphore, #tpu.memory_space<semaphore_mem>>) src(%dma_wait3A_87 : memref<8x128xi32, #tpu.memory_space<hbm>>) dst(%dma_wait3A_85 : memref<8x128xi32, #tpu.memory_space<vmem>>)
    %dma_wait3A_88 = arith.constant 0 : i32
    %dma_wait3A_89 = arith.constant 0 : i32
    %dma_wait3A_90 = arith.constant 0 : i32
    %dma_wait3A_91 = tpu.memref_slice %arg9[%dma_wait3A_88, %dma_wait3A_89, %dma_wait3A_90] : memref<2x8x128xf32, #tpu.memory_space<vmem>> -> memref<1x8x128xf32, #tpu.memory_space<vmem>>
    %dma_wait3A_92 = tpu.memref_squeeze %dma_wait3A_91 : memref<1x8x128xf32, #tpu.memory_space<vmem>> -> memref<8x128xf32, #tpu.memory_space<vmem>>
    %dma_wait3A_93 = arith.constant 0 : i32
    %dma_wait3A_94 = tpu.memref_slice %arg5[%add3A_62, %dma_wait3A_93] : memref<2560x128xf32, #tpu.memory_space<hbm>> -> memref<8x128xf32, #tpu.memory_space<hbm>>
    %dma_wait3A_95 = arith.constant 0 : i32
    %dma_wait3A_96 = arith.constant 0 : i32
    %dma_wait3A_97 = tpu.memref_slice %arg9[%dma_wait3A_88, %dma_wait3A_95, %dma_wait3A_96] : memref<2x8x128xf32, #tpu.memory_space<vmem>> -> memref<1x8x128xf32, #tpu.memory_space<vmem>>
    %dma_wait3A_98 = tpu.memref_squeeze %dma_wait3A_97 : memref<1x8x128xf32, #tpu.memory_space<vmem>> -> memref<8x128xf32, #tpu.memory_space<vmem>>
    %dma_wait3A_99 = arith.constant 0 : i32
    %dma_wait3A_100 = tpu.memref_slice %arg5[%add3A_62, %dma_wait3A_99] : memref<2560x128xf32, #tpu.memory_space<hbm>> -> memref<8x128xf32, #tpu.memory_space<hbm>>
    tpu.wait_dma2 semaphore(%arg17 : memref<!tpu.dma_semaphore, #tpu.memory_space<semaphore_mem>>) src(%dma_wait3A_100 : memref<8x128xf32, #tpu.memory_space<hbm>>) dst(%dma_wait3A_98 : memref<8x128xf32, #tpu.memory_space<vmem>>)
    %div3A = arith.constant 0 : i32
    %div3A_101 = arith.constant 8 : i32
    %div3A_102 = arith.divsi %div3A, %div3A_101 : i32
    %rem3A = arith.constant 2 : i32
    %rem3A_103 = arith.remsi %div3A_102, %rem3A : i32
    %rem3A_104 = arith.constant 0 : i32
    %rem3A_105 = arith.constant 8 : i32
    %rem3A_106 = arith.remsi %rem3A_104, %rem3A_105 : i32
    %dma_start3A_107 = arith.constant 0 : i32
    %dma_start3A_108 = tpu.memref_slice %arg7[%rem3A_103, %rem3A_106, %dma_start3A_107] : memref<2x8x128xi32, #tpu.memory_space<vmem>> -> memref<1x1x128xi32, #tpu.memory_space<vmem>>
    %dma_start3A_109 = tpu.memref_squeeze %dma_start3A_108 : memref<1x1x128xi32, #tpu.memory_space<vmem>> -> memref<128xi32, #tpu.memory_space<vmem>>
    %dma_start3A_110 = arith.constant 0 : i32
    %dma_start3A_111 = arith.constant 0 : i32
    %dma_start3A_112 = tpu.memref_slice %arg2[%dma_start3A_110, %dma_start3A_111] : memref<10000x128xf32, #tpu.memory_space<hbm>> -> memref<10000x128xf32, #tpu.memory_space<hbm>>
    tpu.enqueue_indirect_dma source(%dma_start3A_112 : memref<10000x128xf32, #tpu.memory_space<hbm>>) target(%arg10 : memref<128x128xf32, #tpu.memory_space<vmem>>) offsets(%dma_start3A_109 : memref<128xi32, #tpu.memory_space<vmem>>) semaphore(%arg13 : memref<!tpu.dma_semaphore, #tpu.memory_space<semaphore_mem>>)
    %scan3A_113 = arith.constant 0 : i32
    %scan3A_114 = arith.constant 0 : i32
    %scan3A_115 = arith.constant 40 : i32
    %scan3A_116 = arith.addi %scan3A_114, %scan3A_115 : i32
    %scan3A_117 = arith.constant 1 : i32
    scf.for %scan3A_136 = %scan3A_114 to %scan3A_116 step %scan3A_117  : i32 {
      %mul3A_137 = arith.constant 2 : i32
      %mul3A_138 = arith.muli %mul3A_137, %scan3A_136 : i32
      %div3A_139 = arith.constant 8 : i32
      %div3A_140 = arith.divsi %mul3A_138, %div3A_139 : i32
      %rem3A_141 = arith.constant 2 : i32
      %rem3A_142 = arith.remsi %div3A_140, %rem3A_141 : i32
      %rem3A_143 = arith.constant 8 : i32
      %rem3A_144 = arith.remsi %mul3A_138, %rem3A_143 : i32
      %div3A_145 = arith.constant 8 : i32
      %div3A_146 = arith.divsi %mul3A_138, %div3A_145 : i32
      %eq3A = arith.constant 0 : i32
      %eq3A_147 = arith.cmpi eq, %rem3A_144, %eq3A : i32
      %add3A_148 = arith.constant 1 : i32
      %add3A_149 = arith.addi %div3A_146, %add3A_148 : i32
      %lt3A = arith.constant 10 : i32
      %lt3A_150 = arith.cmpi slt, %add3A_149, %lt3A : i32
      %and3A = arith.andi %eq3A_147, %lt3A_150 : i1
      %convert_element_type3A = arith.extui %and3A : i1 to i32
      %cond3A = arith.constant 0 : i32
      %cond3A_151 = arith.cmpi ne, %convert_element_type3A, %cond3A : i32
      scf.if %cond3A_151 {
        %add3A_249 = arith.constant 1 : i32
        %add3A_250 = arith.addi %div3A_146, %add3A_249 : i32
        %add3A_251 = arith.constant 1 : i32
        %add3A_252 = arith.addi %div3A_146, %add3A_251 : i32
        %rem3A_253 = arith.constant 2 : i32
        %rem3A_254 = arith.remsi %add3A_252, %rem3A_253 : i32
        %mul3A_255 = arith.constant 8 : i32
        %mul3A_256 = arith.muli %mul3A_255, %add3A_250 : i32
        %add3A_257 = arith.addi %mul3A_2, %mul3A_256 : i32
        %dma_start3A_258 = arith.constant 0 : i32
        %dma_start3A_259 = arith.constant 0 : i32
        %dma_start3A_260 = tpu.memref_slice %arg7[%rem3A_254, %dma_start3A_258, %dma_start3A_259] : memref<2x8x128xi32, #tpu.memory_space<vmem>> -> memref<1x8x128xi32, #tpu.memory_space<vmem>>
        %dma_start3A_261 = tpu.memref_squeeze %dma_start3A_260 : memref<1x8x128xi32, #tpu.memory_space<vmem>> -> memref<8x128xi32, #tpu.memory_space<vmem>>
        %dma_start3A_262 = arith.constant 0 : i32
        %dma_start3A_263 = tpu.memref_slice %arg3[%add3A_257, %dma_start3A_262] : memref<2560x128xi32, #tpu.memory_space<hbm>> -> memref<8x128xi32, #tpu.memory_space<hbm>>
        %dma_start3A_264 = arith.constant 0 : i32
        %dma_start3A_265 = arith.constant 0 : i32
        %dma_start3A_266 = tpu.memref_slice %arg7[%rem3A_254, %dma_start3A_264, %dma_start3A_265] : memref<2x8x128xi32, #tpu.memory_space<vmem>> -> memref<1x8x128xi32, #tpu.memory_space<vmem>>
        %dma_start3A_267 = tpu.memref_squeeze %dma_start3A_266 : memref<1x8x128xi32, #tpu.memory_space<vmem>> -> memref<8x128xi32, #tpu.memory_space<vmem>>
        %dma_start3A_268 = arith.constant 0 : i32
        %dma_start3A_269 = tpu.memref_slice %arg3[%add3A_257, %dma_start3A_268] : memref<2560x128xi32, #tpu.memory_space<hbm>> -> memref<8x128xi32, #tpu.memory_space<hbm>>
        tpu.enqueue_dma source(%dma_start3A_269 : memref<8x128xi32, #tpu.memory_space<hbm>>) target(%dma_start3A_267 : memref<8x128xi32, #tpu.memory_space<vmem>>) target_semaphore(%arg17 : memref<!tpu.dma_semaphore, #tpu.memory_space<semaphore_mem>>)
        %dma_start3A_270 = arith.constant 0 : i32
        %dma_start3A_271 = arith.constant 0 : i32
        %dma_start3A_272 = tpu.memref_slice %arg8[%rem3A_254, %dma_start3A_270, %dma_start3A_271] : memref<2x8x128xi32, #tpu.memory_space<vmem>> -> memref<1x8x128xi32, #tpu.memory_space<vmem>>
        %dma_start3A_273 = tpu.memref_squeeze %dma_start3A_272 : memref<1x8x128xi32, #tpu.memory_space<vmem>> -> memref<8x128xi32, #tpu.memory_space<vmem>>
        %dma_start3A_274 = arith.constant 0 : i32
        %dma_start3A_275 = tpu.memref_slice %arg4[%add3A_257, %dma_start3A_274] : memref<2560x128xi32, #tpu.memory_space<hbm>> -> memref<8x128xi32, #tpu.memory_space<hbm>>
        %dma_start3A_276 = arith.constant 0 : i32
        %dma_start3A_277 = arith.constant 0 : i32
        %dma_start3A_278 = tpu.memref_slice %arg8[%rem3A_254, %dma_start3A_276, %dma_start3A_277] : memref<2x8x128xi32, #tpu.memory_space<vmem>> -> memref<1x8x128xi32, #tpu.memory_space<vmem>>
        %dma_start3A_279 = tpu.memref_squeeze %dma_start3A_278 : memref<1x8x128xi32, #tpu.memory_space<vmem>> -> memref<8x128xi32, #tpu.memory_space<vmem>>
        %dma_start3A_280 = arith.constant 0 : i32
        %dma_start3A_281 = tpu.memref_slice %arg4[%add3A_257, %dma_start3A_280] : memref<2560x128xi32, #tpu.memory_space<hbm>> -> memref<8x128xi32, #tpu.memory_space<hbm>>
        tpu.enqueue_dma source(%dma_start3A_281 : memref<8x128xi32, #tpu.memory_space<hbm>>) target(%dma_start3A_279 : memref<8x128xi32, #tpu.memory_space<vmem>>) target_semaphore(%arg17 : memref<!tpu.dma_semaphore, #tpu.memory_space<semaphore_mem>>)
        %dma_start3A_282 = arith.constant 0 : i32
        %dma_start3A_283 = arith.constant 0 : i32
        %dma_start3A_284 = tpu.memref_slice %arg9[%rem3A_254, %dma_start3A_282, %dma_start3A_283] : memref<2x8x128xf32, #tpu.memory_space<vmem>> -> memref<1x8x128xf32, #tpu.memory_space<vmem>>
        %dma_start3A_285 = tpu.memref_squeeze %dma_start3A_284 : memref<1x8x128xf32, #tpu.memory_space<vmem>> -> memref<8x128xf32, #tpu.memory_space<vmem>>
        %dma_start3A_286 = arith.constant 0 : i32
        %dma_start3A_287 = tpu.memref_slice %arg5[%add3A_257, %dma_start3A_286] : memref<2560x128xf32, #tpu.memory_space<hbm>> -> memref<8x128xf32, #tpu.memory_space<hbm>>
        %dma_start3A_288 = arith.constant 0 : i32
        %dma_start3A_289 = arith.constant 0 : i32
        %dma_start3A_290 = tpu.memref_slice %arg9[%rem3A_254, %dma_start3A_288, %dma_start3A_289] : memref<2x8x128xf32, #tpu.memory_space<vmem>> -> memref<1x8x128xf32, #tpu.memory_space<vmem>>
        %dma_start3A_291 = tpu.memref_squeeze %dma_start3A_290 : memref<1x8x128xf32, #tpu.memory_space<vmem>> -> memref<8x128xf32, #tpu.memory_space<vmem>>
        %dma_start3A_292 = arith.constant 0 : i32
        %dma_start3A_293 = tpu.memref_slice %arg5[%add3A_257, %dma_start3A_292] : memref<2560x128xf32, #tpu.memory_space<hbm>> -> memref<8x128xf32, #tpu.memory_space<hbm>>
        tpu.enqueue_dma source(%dma_start3A_293 : memref<8x128xf32, #tpu.memory_space<hbm>>) target(%dma_start3A_291 : memref<8x128xf32, #tpu.memory_space<vmem>>) target_semaphore(%arg17 : memref<!tpu.dma_semaphore, #tpu.memory_space<semaphore_mem>>)
      } else {
      }
      %eq3A_152 = arith.constant 7 : i32
      %eq3A_153 = arith.cmpi eq, %rem3A_144, %eq3A_152 : i32
      %add3A_154 = arith.constant 1 : i32
      %add3A_155 = arith.addi %div3A_146, %add3A_154 : i32
      %lt3A_156 = arith.constant 10 : i32
      %lt3A_157 = arith.cmpi slt, %add3A_155, %lt3A_156 : i32
      %and3A_158 = arith.andi %eq3A_153, %lt3A_157 : i1
      %convert_element_type3A_159 = arith.extui %and3A_158 : i1 to i32
      %cond3A_160 = arith.constant 0 : i32
      %cond3A_161 = arith.cmpi ne, %convert_element_type3A_159, %cond3A_160 : i32
      scf.if %cond3A_161 {
        %add3A_249 = arith.constant 1 : i32
        %add3A_250 = arith.addi %div3A_146, %add3A_249 : i32
        %add3A_251 = arith.constant 1 : i32
        %add3A_252 = arith.addi %div3A_146, %add3A_251 : i32
        %rem3A_253 = arith.constant 2 : i32
        %rem3A_254 = arith.remsi %add3A_252, %rem3A_253 : i32
        %mul3A_255 = arith.constant 8 : i32
        %mul3A_256 = arith.muli %mul3A_255, %add3A_250 : i32
        %add3A_257 = arith.addi %mul3A_2, %mul3A_256 : i32
        %dma_wait3A_258 = arith.constant 0 : i32
        %dma_wait3A_259 = arith.constant 0 : i32
        %dma_wait3A_260 = tpu.memref_slice %arg7[%rem3A_254, %dma_wait3A_258, %dma_wait3A_259] : memref<2x8x128xi32, #tpu.memory_space<vmem>> -> memref<1x8x128xi32, #tpu.memory_space<vmem>>
        %dma_wait3A_261 = tpu.memref_squeeze %dma_wait3A_260 : memref<1x8x128xi32, #tpu.memory_space<vmem>> -> memref<8x128xi32, #tpu.memory_space<vmem>>
        %dma_wait3A_262 = arith.constant 0 : i32
        %dma_wait3A_263 = tpu.memref_slice %arg3[%add3A_257, %dma_wait3A_262] : memref<2560x128xi32, #tpu.memory_space<hbm>> -> memref<8x128xi32, #tpu.memory_space<hbm>>
        %dma_wait3A_264 = arith.constant 0 : i32
        %dma_wait3A_265 = arith.constant 0 : i32
        %dma_wait3A_266 = tpu.memref_slice %arg7[%rem3A_254, %dma_wait3A_264, %dma_wait3A_265] : memref<2x8x128xi32, #tpu.memory_space<vmem>> -> memref<1x8x128xi32, #tpu.memory_space<vmem>>
        %dma_wait3A_267 = tpu.memref_squeeze %dma_wait3A_266 : memref<1x8x128xi32, #tpu.memory_space<vmem>> -> memref<8x128xi32, #tpu.memory_space<vmem>>
        %dma_wait3A_268 = arith.constant 0 : i32
        %dma_wait3A_269 = tpu.memref_slice %arg3[%add3A_257, %dma_wait3A_268] : memref<2560x128xi32, #tpu.memory_space<hbm>> -> memref<8x128xi32, #tpu.memory_space<hbm>>
        tpu.wait_dma2 semaphore(%arg17 : memref<!tpu.dma_semaphore, #tpu.memory_space<semaphore_mem>>) src(%dma_wait3A_269 : memref<8x128xi32, #tpu.memory_space<hbm>>) dst(%dma_wait3A_267 : memref<8x128xi32, #tpu.memory_space<vmem>>)
        %dma_wait3A_270 = arith.constant 0 : i32
        %dma_wait3A_271 = arith.constant 0 : i32
        %dma_wait3A_272 = tpu.memref_slice %arg8[%rem3A_254, %dma_wait3A_270, %dma_wait3A_271] : memref<2x8x128xi32, #tpu.memory_space<vmem>> -> memref<1x8x128xi32, #tpu.memory_space<vmem>>
        %dma_wait3A_273 = tpu.memref_squeeze %dma_wait3A_272 : memref<1x8x128xi32, #tpu.memory_space<vmem>> -> memref<8x128xi32, #tpu.memory_space<vmem>>
        %dma_wait3A_274 = arith.constant 0 : i32
        %dma_wait3A_275 = tpu.memref_slice %arg4[%add3A_257, %dma_wait3A_274] : memref<2560x128xi32, #tpu.memory_space<hbm>> -> memref<8x128xi32, #tpu.memory_space<hbm>>
        %dma_wait3A_276 = arith.constant 0 : i32
        %dma_wait3A_277 = arith.constant 0 : i32
        %dma_wait3A_278 = tpu.memref_slice %arg8[%rem3A_254, %dma_wait3A_276, %dma_wait3A_277] : memref<2x8x128xi32, #tpu.memory_space<vmem>> -> memref<1x8x128xi32, #tpu.memory_space<vmem>>
        %dma_wait3A_279 = tpu.memref_squeeze %dma_wait3A_278 : memref<1x8x128xi32, #tpu.memory_space<vmem>> -> memref<8x128xi32, #tpu.memory_space<vmem>>
        %dma_wait3A_280 = arith.constant 0 : i32
        %dma_wait3A_281 = tpu.memref_slice %arg4[%add3A_257, %dma_wait3A_280] : memref<2560x128xi32, #tpu.memory_space<hbm>> -> memref<8x128xi32, #tpu.memory_space<hbm>>
        tpu.wait_dma2 semaphore(%arg17 : memref<!tpu.dma_semaphore, #tpu.memory_space<semaphore_mem>>) src(%dma_wait3A_281 : memref<8x128xi32, #tpu.memory_space<hbm>>) dst(%dma_wait3A_279 : memref<8x128xi32, #tpu.memory_space<vmem>>)
        %dma_wait3A_282 = arith.constant 0 : i32
        %dma_wait3A_283 = arith.constant 0 : i32
        %dma_wait3A_284 = tpu.memref_slice %arg9[%rem3A_254, %dma_wait3A_282, %dma_wait3A_283] : memref<2x8x128xf32, #tpu.memory_space<vmem>> -> memref<1x8x128xf32, #tpu.memory_space<vmem>>
        %dma_wait3A_285 = tpu.memref_squeeze %dma_wait3A_284 : memref<1x8x128xf32, #tpu.memory_space<vmem>> -> memref<8x128xf32, #tpu.memory_space<vmem>>
        %dma_wait3A_286 = arith.constant 0 : i32
        %dma_wait3A_287 = tpu.memref_slice %arg5[%add3A_257, %dma_wait3A_286] : memref<2560x128xf32, #tpu.memory_space<hbm>> -> memref<8x128xf32, #tpu.memory_space<hbm>>
        %dma_wait3A_288 = arith.constant 0 : i32
        %dma_wait3A_289 = arith.constant 0 : i32
        %dma_wait3A_290 = tpu.memref_slice %arg9[%rem3A_254, %dma_wait3A_288, %dma_wait3A_289] : memref<2x8x128xf32, #tpu.memory_space<vmem>> -> memref<1x8x128xf32, #tpu.memory_space<vmem>>
        %dma_wait3A_291 = tpu.memref_squeeze %dma_wait3A_290 : memref<1x8x128xf32, #tpu.memory_space<vmem>> -> memref<8x128xf32, #tpu.memory_space<vmem>>
        %dma_wait3A_292 = arith.constant 0 : i32
        %dma_wait3A_293 = tpu.memref_slice %arg5[%add3A_257, %dma_wait3A_292] : memref<2560x128xf32, #tpu.memory_space<hbm>> -> memref<8x128xf32, #tpu.memory_space<hbm>>
        tpu.wait_dma2 semaphore(%arg17 : memref<!tpu.dma_semaphore, #tpu.memory_space<semaphore_mem>>) src(%dma_wait3A_293 : memref<8x128xf32, #tpu.memory_space<hbm>>) dst(%dma_wait3A_291 : memref<8x128xf32, #tpu.memory_space<vmem>>)
      } else {
      }
      %add3A_162 = arith.constant 1 : i32
      %add3A_163 = arith.addi %mul3A_138, %add3A_162 : i32
      %lt3A_164 = arith.constant 80 : i32
      %lt3A_165 = arith.cmpi slt, %add3A_163, %lt3A_164 : i32
      %convert_element_type3A_166 = arith.extui %lt3A_165 : i1 to i32
      %cond3A_167 = arith.constant 0 : i32
      %cond3A_168 = arith.cmpi ne, %convert_element_type3A_166, %cond3A_167 : i32
      scf.if %cond3A_168 {
        %ge3A = arith.constant 1 : i32
        %ge3A_249 = arith.cmpi sge, %mul3A_138, %ge3A : i32
        %convert_element_type3A_250 = arith.extui %ge3A_249 : i1 to i32
        %cond3A_251 = arith.constant 0 : i32
        %cond3A_252 = arith.cmpi ne, %convert_element_type3A_250, %cond3A_251 : i32
        scf.if %cond3A_252 {
          %dma_wait3A_267 = arith.constant 0 : i32
          %dma_wait3A_268 = tpu.memref_slice %arg8[%rem3A_142, %rem3A_144, %dma_wait3A_267] : memref<2x8x128xi32, #tpu.memory_space<vmem>> -> memref<1x1x128xi32, #tpu.memory_space<vmem>>
          %dma_wait3A_269 = tpu.memref_squeeze %dma_wait3A_268 : memref<1x1x128xi32, #tpu.memory_space<vmem>> -> memref<128xi32, #tpu.memory_space<vmem>>
          %dma_wait3A_270 = arith.constant 0 : i32
          %dma_wait3A_271 = arith.constant 0 : i32
          %dma_wait3A_272 = tpu.memref_slice %arg12[%dma_wait3A_270, %dma_wait3A_271] : memref<10112x128xf32, #tpu.memory_space<vmem_shared>> -> memref<10112x128xf32, #tpu.memory_space<vmem_shared>>
          tpu.wait_indirect_dma semaphore(%arg16 : memref<!tpu.dma_semaphore, #tpu.memory_space<semaphore_mem>>) src(%arg11 : memref<128x128xf32, #tpu.memory_space<vmem>>) dst(%dma_wait3A_272 : memref<10112x128xf32, #tpu.memory_space<vmem_shared>>)
        } else {
        }
        %add3A_253 = arith.constant 1 : i32
        %add3A_254 = arith.addi %mul3A_138, %add3A_253 : i32
        %div3A_255 = arith.constant 8 : i32
        %div3A_256 = arith.divsi %add3A_254, %div3A_255 : i32
        %rem3A_257 = arith.constant 2 : i32
        %rem3A_258 = arith.remsi %div3A_256, %rem3A_257 : i32
        %rem3A_259 = arith.constant 8 : i32
        %rem3A_260 = arith.remsi %add3A_254, %rem3A_259 : i32
        %dma_start3A_261 = arith.constant 0 : i32
        %dma_start3A_262 = tpu.memref_slice %arg7[%rem3A_258, %rem3A_260, %dma_start3A_261] : memref<2x8x128xi32, #tpu.memory_space<vmem>> -> memref<1x1x128xi32, #tpu.memory_space<vmem>>
        %dma_start3A_263 = tpu.memref_squeeze %dma_start3A_262 : memref<1x1x128xi32, #tpu.memory_space<vmem>> -> memref<128xi32, #tpu.memory_space<vmem>>
        %dma_start3A_264 = arith.constant 0 : i32
        %dma_start3A_265 = arith.constant 0 : i32
        %dma_start3A_266 = tpu.memref_slice %arg2[%dma_start3A_264, %dma_start3A_265] : memref<10000x128xf32, #tpu.memory_space<hbm>> -> memref<10000x128xf32, #tpu.memory_space<hbm>>
        tpu.enqueue_indirect_dma source(%dma_start3A_266 : memref<10000x128xf32, #tpu.memory_space<hbm>>) target(%arg11 : memref<128x128xf32, #tpu.memory_space<vmem>>) offsets(%dma_start3A_263 : memref<128xi32, #tpu.memory_space<vmem>>) semaphore(%arg14 : memref<!tpu.dma_semaphore, #tpu.memory_space<semaphore_mem>>)
      } else {
      }
      %div3A_169 = arith.constant 8 : i32
      %div3A_170 = arith.divsi %mul3A_138, %div3A_169 : i32
      %rem3A_171 = arith.constant 2 : i32
      %rem3A_172 = arith.remsi %div3A_170, %rem3A_171 : i32
      %rem3A_173 = arith.constant 8 : i32
      %rem3A_174 = arith.remsi %mul3A_138, %rem3A_173 : i32
      %dma_wait3A_175 = arith.constant 0 : i32
      %dma_wait3A_176 = tpu.memref_slice %arg7[%rem3A_172, %rem3A_174, %dma_wait3A_175] : memref<2x8x128xi32, #tpu.memory_space<vmem>> -> memref<1x1x128xi32, #tpu.memory_space<vmem>>
      %dma_wait3A_177 = tpu.memref_squeeze %dma_wait3A_176 : memref<1x1x128xi32, #tpu.memory_space<vmem>> -> memref<128xi32, #tpu.memory_space<vmem>>
      %dma_wait3A_178 = arith.constant 0 : i32
      %dma_wait3A_179 = arith.constant 0 : i32
      %dma_wait3A_180 = tpu.memref_slice %arg2[%dma_wait3A_178, %dma_wait3A_179] : memref<10000x128xf32, #tpu.memory_space<hbm>> -> memref<10000x128xf32, #tpu.memory_space<hbm>>
      tpu.wait_indirect_dma semaphore(%arg13 : memref<!tpu.dma_semaphore, #tpu.memory_space<semaphore_mem>>) src(%dma_wait3A_180 : memref<10000x128xf32, #tpu.memory_space<hbm>>) dst(%arg10 : memref<128x128xf32, #tpu.memory_space<vmem>>)
      %parallel_loop3A = arith.constant 0 : i32
      %parallel_loop3A_181 = arith.constant 8 : i32
      %parallel_loop3A_182 = arith.constant 1 : i32
      scf.for %parallel_loop3A_249 = %parallel_loop3A to %parallel_loop3A_181 step %parallel_loop3A_182  : i32 {
        %parallel_loop3A_250 = arith.constant 16 : i32
        %parallel_loop3A_251 = arith.muli %parallel_loop3A_250, %parallel_loop3A_249 : i32
        %parallel_loop3A_252 = arith.index_cast %rem3A_142 : i32 to index
        %parallel_loop3A_253 = arith.index_cast %rem3A_144 : i32 to index
        %parallel_loop3A_254 = arith.index_cast %parallel_loop3A_251 : i32 to index
        %parallel_loop3A_255 = tpu.vector_load %arg9[%parallel_loop3A_252, %parallel_loop3A_253, %parallel_loop3A_254] {strides = array<i32>} : memref<2x8x128xf32, #tpu.memory_space<vmem>>, vector<1x1x16xf32>,
        %parallel_loop3A_256 = vector.shape_cast %parallel_loop3A_255 : vector<1x1x16xf32> to vector<16xf32>
        %parallel_loop3A_257 = vector.extract_strided_slice %parallel_loop3A_256 {offsets = [0], sizes = [1], strides = [1]} : vector<16xf32> to vector<1xf32>
        %parallel_loop3A_258 = vector.extract %parallel_loop3A_257[0] : f32 from vector<1xf32>
        %parallel_loop3A_259 = arith.constant 0 : i32
        %parallel_loop3A_260 = arith.addi %parallel_loop3A_251, %parallel_loop3A_259 : i32
        %parallel_loop3A_261 = arith.index_cast %parallel_loop3A_260 : i32 to index
        %parallel_loop3A_262 = arith.constant 0 : index
        %parallel_loop3A_263 = tpu.vector_load %arg10[%parallel_loop3A_261, %parallel_loop3A_262] {strides = array<i32>} : memref<128x128xf32, #tpu.memory_space<vmem>>, vector<1x16xf32>,
        %parallel_loop3A_264 = vector.shape_cast %parallel_loop3A_263 : vector<1x16xf32> to vector<16xf32>
        %parallel_loop3A_265 = vector.broadcast %parallel_loop3A_258 : f32 to vector<16xf32>
        %parallel_loop3A_266 = arith.mulf %parallel_loop3A_264, %parallel_loop3A_265 : vector<16xf32>
        %parallel_loop3A_267 = arith.index_cast %parallel_loop3A_260 : i32 to index
        %parallel_loop3A_268 = arith.constant 0 : index
        %parallel_loop3A_269 = tpu.vector_load %arg10[%parallel_loop3A_267, %parallel_loop3A_268] {strides = array<i32>} : memref<128x128xf32, #tpu.memory_space<vmem>>, vector<1x16xf32>,
        %parallel_loop3A_270 = vector.shape_cast %parallel_loop3A_269 : vector<1x16xf32> to vector<16xf32>
        %parallel_loop3A_271 = vector.shape_cast %parallel_loop3A_266 : vector<16xf32> to vector<1x16xf32>
        tpu.vector_store %arg10[%parallel_loop3A_267, %parallel_loop3A_268], %parallel_loop3A_271 {strides = array<i32>} : memref<128x128xf32, #tpu.memory_space<vmem>>, vector<1x16xf32>,
        %parallel_loop3A_272 = arith.index_cast %parallel_loop3A_260 : i32 to index
        %parallel_loop3A_273 = arith.constant 16 : index
        %parallel_loop3A_274 = tpu.vector_load %arg10[%parallel_loop3A_272, %parallel_loop3A_273] {strides = array<i32>} : memref<128x128xf32, #tpu.memory_space<vmem>>, vector<1x16xf32>,
        %parallel_loop3A_275 = vector.shape_cast %parallel_loop3A_274 : vector<1x16xf32> to vector<16xf32>
        %parallel_loop3A_276 = vector.broadcast %parallel_loop3A_258 : f32 to vector<16xf32>
        %parallel_loop3A_277 = arith.mulf %parallel_loop3A_275, %parallel_loop3A_276 : vector<16xf32>
        %parallel_loop3A_278 = arith.index_cast %parallel_loop3A_260 : i32 to index
        %parallel_loop3A_279 = arith.constant 16 : index
        %parallel_loop3A_280 = tpu.vector_load %arg10[%parallel_loop3A_278, %parallel_loop3A_279] {strides = array<i32>} : memref<128x128xf32, #tpu.memory_space<vmem>>, vector<1x16xf32>,
        %parallel_loop3A_281 = vector.shape_cast %parallel_loop3A_280 : vector<1x16xf32> to vector<16xf32>
        %parallel_loop3A_282 = vector.shape_cast %parallel_loop3A_277 : vector<16xf32> to vector<1x16xf32>
        tpu.vector_store %arg10[%parallel_loop3A_278, %parallel_loop3A_279], %parallel_loop3A_282 {strides = array<i32>} : memref<128x128xf32, #tpu.memory_space<vmem>>, vector<1x16xf32>,
        %parallel_loop3A_283 = arith.index_cast %parallel_loop3A_260 : i32 to index
        %parallel_loop3A_284 = arith.constant 32 : index
        %parallel_loop3A_285 = tpu.vector_load %arg10[%parallel_loop3A_283, %parallel_loop3A_284] {strides = array<i32>} : memref<128x128xf32, #tpu.memory_space<vmem>>, vector<1x16xf32>,
        %parallel_loop3A_286 = vector.shape_cast %parallel_loop3A_285 : vector<1x16xf32> to vector<16xf32>
        %parallel_loop3A_287 = vector.broadcast %parallel_loop3A_258 : f32 to vector<16xf32>
        %parallel_loop3A_288 = arith.mulf %parallel_loop3A_286, %parallel_loop3A_287 : vector<16xf32>
        %parallel_loop3A_289 = arith.index_cast %parallel_loop3A_260 : i32 to index
        %parallel_loop3A_290 = arith.constant 32 : index
        %parallel_loop3A_291 = tpu.vector_load %arg10[%parallel_loop3A_289, %parallel_loop3A_290] {strides = array<i32>} : memref<128x128xf32, #tpu.memory_space<vmem>>, vector<1x16xf32>,
        %parallel_loop3A_292 = vector.shape_cast %parallel_loop3A_291 : vector<1x16xf32> to vector<16xf32>
        %parallel_loop3A_293 = vector.shape_cast %parallel_loop3A_288 : vector<16xf32> to vector<1x16xf32>
        tpu.vector_store %arg10[%parallel_loop3A_289, %parallel_loop3A_290], %parallel_loop3A_293 {strides = array<i32>} : memref<128x128xf32, #tpu.memory_space<vmem>>, vector<1x16xf32>,
        %parallel_loop3A_294 = arith.index_cast %parallel_loop3A_260 : i32 to index
        %parallel_loop3A_295 = arith.constant 48 : index
        %parallel_loop3A_296 = tpu.vector_load %arg10[%parallel_loop3A_294, %parallel_loop3A_295] {strides = array<i32>} : memref<128x128xf32, #tpu.memory_space<vmem>>, vector<1x16xf32>,
        %parallel_loop3A_297 = vector.shape_cast %parallel_loop3A_296 : vector<1x16xf32> to vector<16xf32>
        %parallel_loop3A_298 = vector.broadcast %parallel_loop3A_258 : f32 to vector<16xf32>
        %parallel_loop3A_299 = arith.mulf %parallel_loop3A_297, %parallel_loop3A_298 : vector<16xf32>
        %parallel_loop3A_300 = arith.index_cast %parallel_loop3A_260 : i32 to index
        %parallel_loop3A_301 = arith.constant 48 : index
        %parallel_loop3A_302 = tpu.vector_load %arg10[%parallel_loop3A_300, %parallel_loop3A_301] {strides = array<i32>} : memref<128x128xf32, #tpu.memory_space<vmem>>, vector<1x16xf32>,
        %parallel_loop3A_303 = vector.shape_cast %parallel_loop3A_302 : vector<1x16xf32> to vector<16xf32>
        %parallel_loop3A_304 = vector.shape_cast %parallel_loop3A_299 : vector<16xf32> to vector<1x16xf32>
        tpu.vector_store %arg10[%parallel_loop3A_300, %parallel_loop3A_301], %parallel_loop3A_304 {strides = array<i32>} : memref<128x128xf32, #tpu.memory_space<vmem>>, vector<1x16xf32>,
        %parallel_loop3A_305 = arith.index_cast %parallel_loop3A_260 : i32 to index
        %parallel_loop3A_306 = arith.constant 64 : index
        %parallel_loop3A_307 = tpu.vector_load %arg10[%parallel_loop3A_305, %parallel_loop3A_306] {strides = array<i32>} : memref<128x128xf32, #tpu.memory_space<vmem>>, vector<1x16xf32>,
        %parallel_loop3A_308 = vector.shape_cast %parallel_loop3A_307 : vector<1x16xf32> to vector<16xf32>
        %parallel_loop3A_309 = vector.broadcast %parallel_loop3A_258 : f32 to vector<16xf32>
        %parallel_loop3A_310 = arith.mulf %parallel_loop3A_308, %parallel_loop3A_309 : vector<16xf32>
        %parallel_loop3A_311 = arith.index_cast %parallel_loop3A_260 : i32 to index
        %parallel_loop3A_312 = arith.constant 64 : index
        %parallel_loop3A_313 = tpu.vector_load %arg10[%parallel_loop3A_311, %parallel_loop3A_312] {strides = array<i32>} : memref<128x128xf32, #tpu.memory_space<vmem>>, vector<1x16xf32>,
        %parallel_loop3A_314 = vector.shape_cast %parallel_loop3A_313 : vector<1x16xf32> to vector<16xf32>
        %parallel_loop3A_315 = vector.shape_cast %parallel_loop3A_310 : vector<16xf32> to vector<1x16xf32>
        tpu.vector_store %arg10[%parallel_loop3A_311, %parallel_loop3A_312], %parallel_loop3A_315 {strides = array<i32>} : memref<128x128xf32, #tpu.memory_space<vmem>>, vector<1x16xf32>,
        %parallel_loop3A_316 = arith.index_cast %parallel_loop3A_260 : i32 to index
        %parallel_loop3A_317 = arith.constant 80 : index
        %parallel_loop3A_318 = tpu.vector_load %arg10[%parallel_loop3A_316, %parallel_loop3A_317] {strides = array<i32>} : memref<128x128xf32, #tpu.memory_space<vmem>>, vector<1x16xf32>,
        %parallel_loop3A_319 = vector.shape_cast %parallel_loop3A_318 : vector<1x16xf32> to vector<16xf32>
        %parallel_loop3A_320 = vector.broadcast %parallel_loop3A_258 : f32 to vector<16xf32>
        %parallel_loop3A_321 = arith.mulf %parallel_loop3A_319, %parallel_loop3A_320 : vector<16xf32>
        %parallel_loop3A_322 = arith.index_cast %parallel_loop3A_260 : i32 to index
        %parallel_loop3A_323 = arith.constant 80 : index
        %parallel_loop3A_324 = tpu.vector_load %arg10[%parallel_loop3A_322, %parallel_loop3A_323] {strides = array<i32>} : memref<128x128xf32, #tpu.memory_space<vmem>>, vector<1x16xf32>,
        %parallel_loop3A_325 = vector.shape_cast %parallel_loop3A_324 : vector<1x16xf32> to vector<16xf32>
        %parallel_loop3A_326 = vector.shape_cast %parallel_loop3A_321 : vector<16xf32> to vector<1x16xf32>
        tpu.vector_store %arg10[%parallel_loop3A_322, %parallel_loop3A_323], %parallel_loop3A_326 {strides = array<i32>} : memref<128x128xf32, #tpu.memory_space<vmem>>, vector<1x16xf32>,
        %parallel_loop3A_327 = arith.index_cast %parallel_loop3A_260 : i32 to index
        %parallel_loop3A_328 = arith.constant 96 : index
        %parallel_loop3A_329 = tpu.vector_load %arg10[%parallel_loop3A_327, %parallel_loop3A_328] {strides = array<i32>} : memref<128x128xf32, #tpu.memory_space<vmem>>, vector<1x16xf32>,
        %parallel_loop3A_330 = vector.shape_cast %parallel_loop3A_329 : vector<1x16xf32> to vector<16xf32>
        %parallel_loop3A_331 = vector.broadcast %parallel_loop3A_258 : f32 to vector<16xf32>
        %parallel_loop3A_332 = arith.mulf %parallel_loop3A_330, %parallel_loop3A_331 : vector<16xf32>
        %parallel_loop3A_333 = arith.index_cast %parallel_loop3A_260 : i32 to index
        %parallel_loop3A_334 = arith.constant 96 : index
        %parallel_loop3A_335 = tpu.vector_load %arg10[%parallel_loop3A_333, %parallel_loop3A_334] {strides = array<i32>} : memref<128x128xf32, #tpu.memory_space<vmem>>, vector<1x16xf32>,
        %parallel_loop3A_336 = vector.shape_cast %parallel_loop3A_335 : vector<1x16xf32> to vector<16xf32>
        %parallel_loop3A_337 = vector.shape_cast %parallel_loop3A_332 : vector<16xf32> to vector<1x16xf32>
        tpu.vector_store %arg10[%parallel_loop3A_333, %parallel_loop3A_334], %parallel_loop3A_337 {strides = array<i32>} : memref<128x128xf32, #tpu.memory_space<vmem>>, vector<1x16xf32>,
        %parallel_loop3A_338 = arith.index_cast %parallel_loop3A_260 : i32 to index
        %parallel_loop3A_339 = arith.constant 112 : index
        %parallel_loop3A_340 = tpu.vector_load %arg10[%parallel_loop3A_338, %parallel_loop3A_339] {strides = array<i32>} : memref<128x128xf32, #tpu.memory_space<vmem>>, vector<1x16xf32>,
        %parallel_loop3A_341 = vector.shape_cast %parallel_loop3A_340 : vector<1x16xf32> to vector<16xf32>
        %parallel_loop3A_342 = vector.broadcast %parallel_loop3A_258 : f32 to vector<16xf32>
        %parallel_loop3A_343 = arith.mulf %parallel_loop3A_341, %parallel_loop3A_342 : vector<16xf32>
        %parallel_loop3A_344 = arith.index_cast %parallel_loop3A_260 : i32 to index
        %parallel_loop3A_345 = arith.constant 112 : index
        %parallel_loop3A_346 = tpu.vector_load %arg10[%parallel_loop3A_344, %parallel_loop3A_345] {strides = array<i32>} : memref<128x128xf32, #tpu.memory_space<vmem>>, vector<1x16xf32>,
        %parallel_loop3A_347 = vector.shape_cast %parallel_loop3A_346 : vector<1x16xf32> to vector<16xf32>
        %parallel_loop3A_348 = vector.shape_cast %parallel_loop3A_343 : vector<16xf32> to vector<1x16xf32>
        tpu.vector_store %arg10[%parallel_loop3A_344, %parallel_loop3A_345], %parallel_loop3A_348 {strides = array<i32>} : memref<128x128xf32, #tpu.memory_space<vmem>>, vector<1x16xf32>,
        %parallel_loop3A_349 = vector.extract_strided_slice %parallel_loop3A_256 {offsets = [1], sizes = [1], strides = [1]} : vector<16xf32> to vector<1xf32>
        %parallel_loop3A_350 = vector.extract %parallel_loop3A_349[0] : f32 from vector<1xf32>
        %parallel_loop3A_351 = arith.constant 1 : i32
        %parallel_loop3A_352 = arith.addi %parallel_loop3A_251, %parallel_loop3A_351 : i32
        %parallel_loop3A_353 = arith.index_cast %parallel_loop3A_352 : i32 to index
        %parallel_loop3A_354 = arith.constant 0 : index
        %parallel_loop3A_355 = tpu.vector_load %arg10[%parallel_loop3A_353, %parallel_loop3A_354] {strides = array<i32>} : memref<128x128xf32, #tpu.memory_space<vmem>>, vector<1x16xf32>,
        %parallel_loop3A_356 = vector.shape_cast %parallel_loop3A_355 : vector<1x16xf32> to vector<16xf32>
        %parallel_loop3A_357 = vector.broadcast %parallel_loop3A_350 : f32 to vector<16xf32>
        %parallel_loop3A_358 = arith.mulf %parallel_loop3A_356, %parallel_loop3A_357 : vector<16xf32>
        %parallel_loop3A_359 = arith.index_cast %parallel_loop3A_352 : i32 to index
        %parallel_loop3A_360 = arith.constant 0 : index
        %parallel_loop3A_361 = tpu.vector_load %arg10[%parallel_loop3A_359, %parallel_loop3A_360] {strides = array<i32>} : memref<128x128xf32, #tpu.memory_space<vmem>>, vector<1x16xf32>,
        %parallel_loop3A_362 = vector.shape_cast %parallel_loop3A_361 : vector<1x16xf32> to vector<16xf32>
        %parallel_loop3A_363 = vector.shape_cast %parallel_loop3A_358 : vector<16xf32> to vector<1x16xf32>
        tpu.vector_store %arg10[%parallel_loop3A_359, %parallel_loop3A_360], %parallel_loop3A_363 {strides = array<i32>} : memref<128x128xf32, #tpu.memory_space<vmem>>, vector<1x16xf32>,
        %parallel_loop3A_364 = arith.index_cast %parallel_loop3A_352 : i32 to index
        %parallel_loop3A_365 = arith.constant 16 : index
        %parallel_loop3A_366 = tpu.vector_load %arg10[%parallel_loop3A_364, %parallel_loop3A_365] {strides = array<i32>} : memref<128x128xf32, #tpu.memory_space<vmem>>, vector<1x16xf32>,
        %parallel_loop3A_367 = vector.shape_cast %parallel_loop3A_366 : vector<1x16xf32> to vector<16xf32>
        %parallel_loop3A_368 = vector.broadcast %parallel_loop3A_350 : f32 to vector<16xf32>
        %parallel_loop3A_369 = arith.mulf %parallel_loop3A_367, %parallel_loop3A_368 : vector<16xf32>
        %parallel_loop3A_370 = arith.index_cast %parallel_loop3A_352 : i32 to index
        %parallel_loop3A_371 = arith.constant 16 : index
        %parallel_loop3A_372 = tpu.vector_load %arg10[%parallel_loop3A_370, %parallel_loop3A_371] {strides = array<i32>} : memref<128x128xf32, #tpu.memory_space<vmem>>, vector<1x16xf32>,
        %parallel_loop3A_373 = vector.shape_cast %parallel_loop3A_372 : vector<1x16xf32> to vector<16xf32>
        %parallel_loop3A_374 = vector.shape_cast %parallel_loop3A_369 : vector<16xf32> to vector<1x16xf32>
        tpu.vector_store %arg10[%parallel_loop3A_370, %parallel_loop3A_371], %parallel_loop3A_374 {strides = array<i32>} : memref<128x128xf32, #tpu.memory_space<vmem>>, vector<1x16xf32>,
        %parallel_loop3A_375 = arith.index_cast %parallel_loop3A_352 : i32 to index
        %parallel_loop3A_376 = arith.constant 32 : index
        %parallel_loop3A_377 = tpu.vector_load %arg10[%parallel_loop3A_375, %parallel_loop3A_376] {strides = array<i32>} : memref<128x128xf32, #tpu.memory_space<vmem>>, vector<1x16xf32>,
        %parallel_loop3A_378 = vector.shape_cast %parallel_loop3A_377 : vector<1x16xf32> to vector<16xf32>
        %parallel_loop3A_379 = vector.broadcast %parallel_loop3A_350 : f32 to vector<16xf32>
        %parallel_loop3A_380 = arith.mulf %parallel_loop3A_378, %parallel_loop3A_379 : vector<16xf32>
        %parallel_loop3A_381 = arith.index_cast %parallel_loop3A_352 : i32 to index
        %parallel_loop3A_382 = arith.constant 32 : index
        %parallel_loop3A_383 = tpu.vector_load %arg10[%parallel_loop3A_381, %parallel_loop3A_382] {strides = array<i32>} : memref<128x128xf32, #tpu.memory_space<vmem>>, vector<1x16xf32>,
        %parallel_loop3A_384 = vector.shape_cast %parallel_loop3A_383 : vector<1x16xf32> to vector<16xf32>
        %parallel_loop3A_385 = vector.shape_cast %parallel_loop3A_380 : vector<16xf32> to vector<1x16xf32>
        tpu.vector_store %arg10[%parallel_loop3A_381, %parallel_loop3A_382], %parallel_loop3A_385 {strides = array<i32>} : memref<128x128xf32, #tpu.memory_space<vmem>>, vector<1x16xf32>,
        %parallel_loop3A_386 = arith.index_cast %parallel_loop3A_352 : i32 to index
        %parallel_loop3A_387 = arith.constant 48 : index
        %parallel_loop3A_388 = tpu.vector_load %arg10[%parallel_loop3A_386, %parallel_loop3A_387] {strides = array<i32>} : memref<128x128xf32, #tpu.memory_space<vmem>>, vector<1x16xf32>,
        %parallel_loop3A_389 = vector.shape_cast %parallel_loop3A_388 : vector<1x16xf32> to vector<16xf32>
        %parallel_loop3A_390 = vector.broadcast %parallel_loop3A_350 : f32 to vector<16xf32>
        %parallel_loop3A_391 = arith.mulf %parallel_loop3A_389, %parallel_loop3A_390 : vector<16xf32>
        %parallel_loop3A_392 = arith.index_cast %parallel_loop3A_352 : i32 to index
        %parallel_loop3A_393 = arith.constant 48 : index
        %parallel_loop3A_394 = tpu.vector_load %arg10[%parallel_loop3A_392, %parallel_loop3A_393] {strides = array<i32>} : memref<128x128xf32, #tpu.memory_space<vmem>>, vector<1x16xf32>,
        %parallel_loop3A_395 = vector.shape_cast %parallel_loop3A_394 : vector<1x16xf32> to vector<16xf32>
        %parallel_loop3A_396 = vector.shape_cast %parallel_loop3A_391 : vector<16xf32> to vector<1x16xf32>
        tpu.vector_store %arg10[%parallel_loop3A_392, %parallel_loop3A_393], %parallel_loop3A_396 {strides = array<i32>} : memref<128x128xf32, #tpu.memory_space<vmem>>, vector<1x16xf32>,
        %parallel_loop3A_397 = arith.index_cast %parallel_loop3A_352 : i32 to index
        %parallel_loop3A_398 = arith.constant 64 : index
        %parallel_loop3A_399 = tpu.vector_load %arg10[%parallel_loop3A_397, %parallel_loop3A_398] {strides = array<i32>} : memref<128x128xf32, #tpu.memory_space<vmem>>, vector<1x16xf32>,
        %parallel_loop3A_400 = vector.shape_cast %parallel_loop3A_399 : vector<1x16xf32> to vector<16xf32>
        %parallel_loop3A_401 = vector.broadcast %parallel_loop3A_350 : f32 to vector<16xf32>
        %parallel_loop3A_402 = arith.mulf %parallel_loop3A_400, %parallel_loop3A_401 : vector<16xf32>
        %parallel_loop3A_403 = arith.index_cast %parallel_loop3A_352 : i32 to index
        %parallel_loop3A_404 = arith.constant 64 : index
        %parallel_loop3A_405 = tpu.vector_load %arg10[%parallel_loop3A_403, %parallel_loop3A_404] {strides = array<i32>} : memref<128x128xf32, #tpu.memory_space<vmem>>, vector<1x16xf32>,
        %parallel_loop3A_406 = vector.shape_cast %parallel_loop3A_405 : vector<1x16xf32> to vector<16xf32>
        %parallel_loop3A_407 = vector.shape_cast %parallel_loop3A_402 : vector<16xf32> to vector<1x16xf32>
        tpu.vector_store %arg10[%parallel_loop3A_403, %parallel_loop3A_404], %parallel_loop3A_407 {strides = array<i32>} : memref<128x128xf32, #tpu.memory_space<vmem>>, vector<1x16xf32>,
        %parallel_loop3A_408 = arith.index_cast %parallel_loop3A_352 : i32 to index
        %parallel_loop3A_409 = arith.constant 80 : index
        %parallel_loop3A_410 = tpu.vector_load %arg10[%parallel_loop3A_408, %parallel_loop3A_409] {strides = array<i32>} : memref<128x128xf32, #tpu.memory_space<vmem>>, vector<1x16xf32>,
        %parallel_loop3A_411 = vector.shape_cast %parallel_loop3A_410 : vector<1x16xf32> to vector<16xf32>
        %parallel_loop3A_412 = vector.broadcast %parallel_loop3A_350 : f32 to vector<16xf32>
        %parallel_loop3A_413 = arith.mulf %parallel_loop3A_411, %parallel_loop3A_412 : vector<16xf32>
        %parallel_loop3A_414 = arith.index_cast %parallel_loop3A_352 : i32 to index
        %parallel_loop3A_415 = arith.constant 80 : index
        %parallel_loop3A_416 = tpu.vector_load %arg10[%parallel_loop3A_414, %parallel_loop3A_415] {strides = array<i32>} : memref<128x128xf32, #tpu.memory_space<vmem>>, vector<1x16xf32>,
        %parallel_loop3A_417 = vector.shape_cast %parallel_loop3A_416 : vector<1x16xf32> to vector<16xf32>
        %parallel_loop3A_418 = vector.shape_cast %parallel_loop3A_413 : vector<16xf32> to vector<1x16xf32>
        tpu.vector_store %arg10[%parallel_loop3A_414, %parallel_loop3A_415], %parallel_loop3A_418 {strides = array<i32>} : memref<128x128xf32, #tpu.memory_space<vmem>>, vector<1x16xf32>,
        %parallel_loop3A_419 = arith.index_cast %parallel_loop3A_352 : i32 to index
        %parallel_loop3A_420 = arith.constant 96 : index
        %parallel_loop3A_421 = tpu.vector_load %arg10[%parallel_loop3A_419, %parallel_loop3A_420] {strides = array<i32>} : memref<128x128xf32, #tpu.memory_space<vmem>>, vector<1x16xf32>,
        %parallel_loop3A_422 = vector.shape_cast %parallel_loop3A_421 : vector<1x16xf32> to vector<16xf32>
        %parallel_loop3A_423 = vector.broadcast %parallel_loop3A_350 : f32 to vector<16xf32>
        %parallel_loop3A_424 = arith.mulf %parallel_loop3A_422, %parallel_loop3A_423 : vector<16xf32>
        %parallel_loop3A_425 = arith.index_cast %parallel_loop3A_352 : i32 to index
        %parallel_loop3A_426 = arith.constant 96 : index
        %parallel_loop3A_427 = tpu.vector_load %arg10[%parallel_loop3A_425, %parallel_loop3A_426] {strides = array<i32>} : memref<128x128xf32, #tpu.memory_space<vmem>>, vector<1x16xf32>,
        %parallel_loop3A_428 = vector.shape_cast %parallel_loop3A_427 : vector<1x16xf32> to vector<16xf32>
        %parallel_loop3A_429 = vector.shape_cast %parallel_loop3A_424 : vector<16xf32> to vector<1x16xf32>
        tpu.vector_store %arg10[%parallel_loop3A_425, %parallel_loop3A_426], %parallel_loop3A_429 {strides = array<i32>} : memref<128x128xf32, #tpu.memory_space<vmem>>, vector<1x16xf32>,
        %parallel_loop3A_430 = arith.index_cast %parallel_loop3A_352 : i32 to index
        %parallel_loop3A_431 = arith.constant 112 : index
        %parallel_loop3A_432 = tpu.vector_load %arg10[%parallel_loop3A_430, %parallel_loop3A_431] {strides = array<i32>} : memref<128x128xf32, #tpu.memory_space<vmem>>, vector<1x16xf32>,
        %parallel_loop3A_433 = vector.shape_cast %parallel_loop3A_432 : vector<1x16xf32> to vector<16xf32>
        %parallel_loop3A_434 = vector.broadcast %parallel_loop3A_350 : f32 to vector<16xf32>
        %parallel_loop3A_435 = arith.mulf %parallel_loop3A_433, %parallel_loop3A_434 : vector<16xf32>
        %parallel_loop3A_436 = arith.index_cast %parallel_loop3A_352 : i32 to index
        %parallel_loop3A_437 = arith.constant 112 : index
        %parallel_loop3A_438 = tpu.vector_load %arg10[%parallel_loop3A_436, %parallel_loop3A_437] {strides = array<i32>} : memref<128x128xf32, #tpu.memory_space<vmem>>, vector<1x16xf32>,
        %parallel_loop3A_439 = vector.shape_cast %parallel_loop3A_438 : vector<1x16xf32> to vector<16xf32>
        %parallel_loop3A_440 = vector.shape_cast %parallel_loop3A_435 : vector<16xf32> to vector<1x16xf32>
        tpu.vector_store %arg10[%parallel_loop3A_436, %parallel_loop3A_437], %parallel_loop3A_440 {strides = array<i32>} : memref<128x128xf32, #tpu.memory_space<vmem>>, vector<1x16xf32>,
        %parallel_loop3A_441 = vector.extract_strided_slice %parallel_loop3A_256 {offsets = [2], sizes = [1], strides = [1]} : vector<16xf32> to vector<1xf32>
        %parallel_loop3A_442 = vector.extract %parallel_loop3A_441[0] : f32 from vector<1xf32>
        %parallel_loop3A_443 = arith.constant 2 : i32
        %parallel_loop3A_444 = arith.addi %parallel_loop3A_251, %parallel_loop3A_443 : i32
        %parallel_loop3A_445 = arith.index_cast %parallel_loop3A_444 : i32 to index
        %parallel_loop3A_446 = arith.constant 0 : index
        %parallel_loop3A_447 = tpu.vector_load %arg10[%parallel_loop3A_445, %parallel_loop3A_446] {strides = array<i32>} : memref<128x128xf32, #tpu.memory_space<vmem>>, vector<1x16xf32>,
        %parallel_loop3A_448 = vector.shape_cast %parallel_loop3A_447 : vector<1x16xf32> to vector<16xf32>
        %parallel_loop3A_449 = vector.broadcast %parallel_loop3A_442 : f32 to vector<16xf32>
        %parallel_loop3A_450 = arith.mulf %parallel_loop3A_448, %parallel_loop3A_449 : vector<16xf32>
        %parallel_loop3A_451 = arith.index_cast %parallel_loop3A_444 : i32 to index
        %parallel_loop3A_452 = arith.constant 0 : index
        %parallel_loop3A_453 = tpu.vector_load %arg10[%parallel_loop3A_451, %parallel_loop3A_452] {strides = array<i32>} : memref<128x128xf32, #tpu.memory_space<vmem>>, vector<1x16xf32>,
        %parallel_loop3A_454 = vector.shape_cast %parallel_loop3A_453 : vector<1x16xf32> to vector<16xf32>
        %parallel_loop3A_455 = vector.shape_cast %parallel_loop3A_450 : vector<16xf32> to vector<1x16xf32>
        tpu.vector_store %arg10[%parallel_loop3A_451, %parallel_loop3A_452], %parallel_loop3A_455 {strides = array<i32>} : memref<128x128xf32, #tpu.memory_space<vmem>>, vector<1x16xf32>,
        %parallel_loop3A_456 = arith.index_cast %parallel_loop3A_444 : i32 to index
        %parallel_loop3A_457 = arith.constant 16 : index
        %parallel_loop3A_458 = tpu.vector_load %arg10[%parallel_loop3A_456, %parallel_loop3A_457] {strides = array<i32>} : memref<128x128xf32, #tpu.memory_space<vmem>>, vector<1x16xf32>,
        %parallel_loop3A_459 = vector.shape_cast %parallel_loop3A_458 : vector<1x16xf32> to vector<16xf32>
        %parallel_loop3A_460 = vector.broadcast %parallel_loop3A_442 : f32 to vector<16xf32>
        %parallel_loop3A_461 = arith.mulf %parallel_loop3A_459, %parallel_loop3A_460 : vector<16xf32>
        %parallel_loop3A_462 = arith.index_cast %parallel_loop3A_444 : i32 to index
        %parallel_loop3A_463 = arith.constant 16 : index
        %parallel_loop3A_464 = tpu.vector_load %arg10[%parallel_loop3A_462, %parallel_loop3A_463] {strides = array<i32>} : memref<128x128xf32, #tpu.memory_space<vmem>>, vector<1x16xf32>,
        %parallel_loop3A_465 = vector.shape_cast %parallel_loop3A_464 : vector<1x16xf32> to vector<16xf32>
        %parallel_loop3A_466 = vector.shape_cast %parallel_loop3A_461 : vector<16xf32> to vector<1x16xf32>
        tpu.vector_store %arg10[%parallel_loop3A_462, %parallel_loop3A_463], %parallel_loop3A_466 {strides = array<i32>} : memref<128x128xf32, #tpu.memory_space<vmem>>, vector<1x16xf32>,
        %parallel_loop3A_467 = arith.index_cast %parallel_loop3A_444 : i32 to index
        %parallel_loop3A_468 = arith.constant 32 : index
        %parallel_loop3A_469 = tpu.vector_load %arg10[%parallel_loop3A_467, %parallel_loop3A_468] {strides = array<i32>} : memref<128x128xf32, #tpu.memory_space<vmem>>, vector<1x16xf32>,
        %parallel_loop3A_470 = vector.shape_cast %parallel_loop3A_469 : vector<1x16xf32> to vector<16xf32>
        %parallel_loop3A_471 = vector.broadcast %parallel_loop3A_442 : f32 to vector<16xf32>
        %parallel_loop3A_472 = arith.mulf %parallel_loop3A_470, %parallel_loop3A_471 : vector<16xf32>
        %parallel_loop3A_473 = arith.index_cast %parallel_loop3A_444 : i32 to index
        %parallel_loop3A_474 = arith.constant 32 : index
        %parallel_loop3A_475 = tpu.vector_load %arg10[%parallel_loop3A_473, %parallel_loop3A_474] {strides = array<i32>} : memref<128x128xf32, #tpu.memory_space<vmem>>, vector<1x16xf32>,
        %parallel_loop3A_476 = vector.shape_cast %parallel_loop3A_475 : vector<1x16xf32> to vector<16xf32>
        %parallel_loop3A_477 = vector.shape_cast %parallel_loop3A_472 : vector<16xf32> to vector<1x16xf32>
        tpu.vector_store %arg10[%parallel_loop3A_473, %parallel_loop3A_474], %parallel_loop3A_477 {strides = array<i32>} : memref<128x128xf32, #tpu.memory_space<vmem>>, vector<1x16xf32>,
        %parallel_loop3A_478 = arith.index_cast %parallel_loop3A_444 : i32 to index
        %parallel_loop3A_479 = arith.constant 48 : index
        %parallel_loop3A_480 = tpu.vector_load %arg10[%parallel_loop3A_478, %parallel_loop3A_479] {strides = array<i32>} : memref<128x128xf32, #tpu.memory_space<vmem>>, vector<1x16xf32>,
        %parallel_loop3A_481 = vector.shape_cast %parallel_loop3A_480 : vector<1x16xf32> to vector<16xf32>
        %parallel_loop3A_482 = vector.broadcast %parallel_loop3A_442 : f32 to vector<16xf32>
        %parallel_loop3A_483 = arith.mulf %parallel_loop3A_481, %parallel_loop3A_482 : vector<16xf32>
        %parallel_loop3A_484 = arith.index_cast %parallel_loop3A_444 : i32 to index
        %parallel_loop3A_485 = arith.constant 48 : index
        %parallel_loop3A_486 = tpu.vector_load %arg10[%parallel_loop3A_484, %parallel_loop3A_485] {strides = array<i32>} : memref<128x128xf32, #tpu.memory_space<vmem>>, vector<1x16xf32>,
        %parallel_loop3A_487 = vector.shape_cast %parallel_loop3A_486 : vector<1x16xf32> to vector<16xf32>
        %parallel_loop3A_488 = vector.shape_cast %parallel_loop3A_483 : vector<16xf32> to vector<1x16xf32>
        tpu.vector_store %arg10[%parallel_loop3A_484, %parallel_loop3A_485], %parallel_loop3A_488 {strides = array<i32>} : memref<128x128xf32, #tpu.memory_space<vmem>>, vector<1x16xf32>,
        %parallel_loop3A_489 = arith.index_cast %parallel_loop3A_444 : i32 to index
        %parallel_loop3A_490 = arith.constant 64 : index
        %parallel_loop3A_491 = tpu.vector_load %arg10[%parallel_loop3A_489, %parallel_loop3A_490] {strides = array<i32>} : memref<128x128xf32, #tpu.memory_space<vmem>>, vector<1x16xf32>,
        %parallel_loop3A_492 = vector.shape_cast %parallel_loop3A_491 : vector<1x16xf32> to vector<16xf32>
        %parallel_loop3A_493 = vector.broadcast %parallel_loop3A_442 : f32 to vector<16xf32>
        %parallel_loop3A_494 = arith.mulf %parallel_loop3A_492, %parallel_loop3A_493 : vector<16xf32>
        %parallel_loop3A_495 = arith.index_cast %parallel_loop3A_444 : i32 to index
        %parallel_loop3A_496 = arith.constant 64 : index
        %parallel_loop3A_497 = tpu.vector_load %arg10[%parallel_loop3A_495, %parallel_loop3A_496] {strides = array<i32>} : memref<128x128xf32, #tpu.memory_space<vmem>>, vector<1x16xf32>,
        %parallel_loop3A_498 = vector.shape_cast %parallel_loop3A_497 : vector<1x16xf32> to vector<16xf32>
        %parallel_loop3A_499 = vector.shape_cast %parallel_loop3A_494 : vector<16xf32> to vector<1x16xf32>
        tpu.vector_store %arg10[%parallel_loop3A_495, %parallel_loop3A_496], %parallel_loop3A_499 {strides = array<i32>} : memref<128x128xf32, #tpu.memory_space<vmem>>, vector<1x16xf32>,
        %parallel_loop3A_500 = arith.index_cast %parallel_loop3A_444 : i32 to index
        %parallel_loop3A_501 = arith.constant 80 : index
        %parallel_loop3A_502 = tpu.vector_load %arg10[%parallel_loop3A_500, %parallel_loop3A_501] {strides = array<i32>} : memref<128x128xf32, #tpu.memory_space<vmem>>, vector<1x16xf32>,
        %parallel_loop3A_503 = vector.shape_cast %parallel_loop3A_502 : vector<1x16xf32> to vector<16xf32>
        %parallel_loop3A_504 = vector.broadcast %parallel_loop3A_442 : f32 to vector<16xf32>
        %parallel_loop3A_505 = arith.mulf %parallel_loop3A_503, %parallel_loop3A_504 : vector<16xf32>
        %parallel_loop3A_506 = arith.index_cast %parallel_loop3A_444 : i32 to index
        %parallel_loop3A_507 = arith.constant 80 : index
        %parallel_loop3A_508 = tpu.vector_load %arg10[%parallel_loop3A_506, %parallel_loop3A_507] {strides = array<i32>} : memref<128x128xf32, #tpu.memory_space<vmem>>, vector<1x16xf32>,
        %parallel_loop3A_509 = vector.shape_cast %parallel_loop3A_508 : vector<1x16xf32> to vector<16xf32>
        %parallel_loop3A_510 = vector.shape_cast %parallel_loop3A_505 : vector<16xf32> to vector<1x16xf32>
        tpu.vector_store %arg10[%parallel_loop3A_506, %parallel_loop3A_507], %parallel_loop3A_510 {strides = array<i32>} : memref<128x128xf32, #tpu.memory_space<vmem>>, vector<1x16xf32>,
        %parallel_loop3A_511 = arith.index_cast %parallel_loop3A_444 : i32 to index
        %parallel_loop3A_512 = arith.constant 96 : index
        %parallel_loop3A_513 = tpu.vector_load %arg10[%parallel_loop3A_511, %parallel_loop3A_512] {strides = array<i32>} : memref<128x128xf32, #tpu.memory_space<vmem>>, vector<1x16xf32>,
        %parallel_loop3A_514 = vector.shape_cast %parallel_loop3A_513 : vector<1x16xf32> to vector<16xf32>
        %parallel_loop3A_515 = vector.broadcast %parallel_loop3A_442 : f32 to vector<16xf32>
        %parallel_loop3A_516 = arith.mulf %parallel_loop3A_514, %parallel_loop3A_515 : vector<16xf32>
        %parallel_loop3A_517 = arith.index_cast %parallel_loop3A_444 : i32 to index
        %parallel_loop3A_518 = arith.constant 96 : index
        %parallel_loop3A_519 = tpu.vector_load %arg10[%parallel_loop3A_517, %parallel_loop3A_518] {strides = array<i32>} : memref<128x128xf32, #tpu.memory_space<vmem>>, vector<1x16xf32>,
        %parallel_loop3A_520 = vector.shape_cast %parallel_loop3A_519 : vector<1x16xf32> to vector<16xf32>
        %parallel_loop3A_521 = vector.shape_cast %parallel_loop3A_516 : vector<16xf32> to vector<1x16xf32>
        tpu.vector_store %arg10[%parallel_loop3A_517, %parallel_loop3A_518], %parallel_loop3A_521 {strides = array<i32>} : memref<128x128xf32, #tpu.memory_space<vmem>>, vector<1x16xf32>,
        %parallel_loop3A_522 = arith.index_cast %parallel_loop3A_444 : i32 to index
        %parallel_loop3A_523 = arith.constant 112 : index
        %parallel_loop3A_524 = tpu.vector_load %arg10[%parallel_loop3A_522, %parallel_loop3A_523] {strides = array<i32>} : memref<128x128xf32, #tpu.memory_space<vmem>>, vector<1x16xf32>,
        %parallel_loop3A_525 = vector.shape_cast %parallel_loop3A_524 : vector<1x16xf32> to vector<16xf32>
        %parallel_loop3A_526 = vector.broadcast %parallel_loop3A_442 : f32 to vector<16xf32>
        %parallel_loop3A_527 = arith.mulf %parallel_loop3A_525, %parallel_loop3A_526 : vector<16xf32>
        %parallel_loop3A_528 = arith.index_cast %parallel_loop3A_444 : i32 to index
        %parallel_loop3A_529 = arith.constant 112 : index
        %parallel_loop3A_530 = tpu.vector_load %arg10[%parallel_loop3A_528, %parallel_loop3A_529] {strides = array<i32>} : memref<128x128xf32, #tpu.memory_space<vmem>>, vector<1x16xf32>,
        %parallel_loop3A_531 = vector.shape_cast %parallel_loop3A_530 : vector<1x16xf32> to vector<16xf32>
        %parallel_loop3A_532 = vector.shape_cast %parallel_loop3A_527 : vector<16xf32> to vector<1x16xf32>
        tpu.vector_store %arg10[%parallel_loop3A_528, %parallel_loop3A_529], %parallel_loop3A_532 {strides = array<i32>} : memref<128x128xf32, #tpu.memory_space<vmem>>, vector<1x16xf32>,
        %parallel_loop3A_533 = vector.extract_strided_slice %parallel_loop3A_256 {offsets = [3], sizes = [1], strides = [1]} : vector<16xf32> to vector<1xf32>
        %parallel_loop3A_534 = vector.extract %parallel_loop3A_533[0] : f32 from vector<1xf32>
        %parallel_loop3A_535 = arith.constant 3 : i32
        %parallel_loop3A_536 = arith.addi %parallel_loop3A_251, %parallel_loop3A_535 : i32
        %parallel_loop3A_537 = arith.index_cast %parallel_loop3A_536 : i32 to index
        %parallel_loop3A_538 = arith.constant 0 : index
        %parallel_loop3A_539 = tpu.vector_load %arg10[%parallel_loop3A_537, %parallel_loop3A_538] {strides = array<i32>} : memref<128x128xf32, #tpu.memory_space<vmem>>, vector<1x16xf32>,
        %parallel_loop3A_540 = vector.shape_cast %parallel_loop3A_539 : vector<1x16xf32> to vector<16xf32>
        %parallel_loop3A_541 = vector.broadcast %parallel_loop3A_534 : f32 to vector<16xf32>
        %parallel_loop3A_542 = arith.mulf %parallel_loop3A_540, %parallel_loop3A_541 : vector<16xf32>
        %parallel_loop3A_543 = arith.index_cast %parallel_loop3A_536 : i32 to index
        %parallel_loop3A_544 = arith.constant 0 : index
        %parallel_loop3A_545 = tpu.vector_load %arg10[%parallel_loop3A_543, %parallel_loop3A_544] {strides = array<i32>} : memref<128x128xf32, #tpu.memory_space<vmem>>, vector<1x16xf32>,
        %parallel_loop3A_546 = vector.shape_cast %parallel_loop3A_545 : vector<1x16xf32> to vector<16xf32>
        %parallel_loop3A_547 = vector.shape_cast %parallel_loop3A_542 : vector<16xf32> to vector<1x16xf32>
        tpu.vector_store %arg10[%parallel_loop3A_543, %parallel_loop3A_544], %parallel_loop3A_547 {strides = array<i32>} : memref<128x128xf32, #tpu.memory_space<vmem>>, vector<1x16xf32>,
        %parallel_loop3A_548 = arith.index_cast %parallel_loop3A_536 : i32 to index
        %parallel_loop3A_549 = arith.constant 16 : index
        %parallel_loop3A_550 = tpu.vector_load %arg10[%parallel_loop3A_548, %parallel_loop3A_549] {strides = array<i32>} : memref<128x128xf32, #tpu.memory_space<vmem>>, vector<1x16xf32>,
        %parallel_loop3A_551 = vector.shape_cast %parallel_loop3A_550 : vector<1x16xf32> to vector<16xf32>
        %parallel_loop3A_552 = vector.broadcast %parallel_loop3A_534 : f32 to vector<16xf32>
        %parallel_loop3A_553 = arith.mulf %parallel_loop3A_551, %parallel_loop3A_552 : vector<16xf32>
        %parallel_loop3A_554 = arith.index_cast %parallel_loop3A_536 : i32 to index
        %parallel_loop3A_555 = arith.constant 16 : index
        %parallel_loop3A_556 = tpu.vector_load %arg10[%parallel_loop3A_554, %parallel_loop3A_555] {strides = array<i32>} : memref<128x128xf32, #tpu.memory_space<vmem>>, vector<1x16xf32>,
        %parallel_loop3A_557 = vector.shape_cast %parallel_loop3A_556 : vector<1x16xf32> to vector<16xf32>
        %parallel_loop3A_558 = vector.shape_cast %parallel_loop3A_553 : vector<16xf32> to vector<1x16xf32>
        tpu.vector_store %arg10[%parallel_loop3A_554, %parallel_loop3A_555], %parallel_loop3A_558 {strides = array<i32>} : memref<128x128xf32, #tpu.memory_space<vmem>>, vector<1x16xf32>,
        %parallel_loop3A_559 = arith.index_cast %parallel_loop3A_536 : i32 to index
        %parallel_loop3A_560 = arith.constant 32 : index
        %parallel_loop3A_561 = tpu.vector_load %arg10[%parallel_loop3A_559, %parallel_loop3A_560] {strides = array<i32>} : memref<128x128xf32, #tpu.memory_space<vmem>>, vector<1x16xf32>,
        %parallel_loop3A_562 = vector.shape_cast %parallel_loop3A_561 : vector<1x16xf32> to vector<16xf32>
        %parallel_loop3A_563 = vector.broadcast %parallel_loop3A_534 : f32 to vector<16xf32>
        %parallel_loop3A_564 = arith.mulf %parallel_loop3A_562, %parallel_loop3A_563 : vector<16xf32>
        %parallel_loop3A_565 = arith.index_cast %parallel_loop3A_536 : i32 to index
        %parallel_loop3A_566 = arith.constant 32 : index
        %parallel_loop3A_567 = tpu.vector_load %arg10[%parallel_loop3A_565, %parallel_loop3A_566] {strides = array<i32>} : memref<128x128xf32, #tpu.memory_space<vmem>>, vector<1x16xf32>,
        %parallel_loop3A_568 = vector.shape_cast %parallel_loop3A_567 : vector<1x16xf32> to vector<16xf32>
        %parallel_loop3A_569 = vector.shape_cast %parallel_loop3A_564 : vector<16xf32> to vector<1x16xf32>
        tpu.vector_store %arg10[%parallel_loop3A_565, %parallel_loop3A_566], %parallel_loop3A_569 {strides = array<i32>} : memref<128x128xf32, #tpu.memory_space<vmem>>, vector<1x16xf32>,
        %parallel_loop3A_570 = arith.index_cast %parallel_loop3A_536 : i32 to index
        %parallel_loop3A_571 = arith.constant 48 : index
        %parallel_loop3A_572 = tpu.vector_load %arg10[%parallel_loop3A_570, %parallel_loop3A_571] {strides = array<i32>} : memref<128x128xf32, #tpu.memory_space<vmem>>, vector<1x16xf32>,
        %parallel_loop3A_573 = vector.shape_cast %parallel_loop3A_572 : vector<1x16xf32> to vector<16xf32>
        %parallel_loop3A_574 = vector.broadcast %parallel_loop3A_534 : f32 to vector<16xf32>
        %parallel_loop3A_575 = arith.mulf %parallel_loop3A_573, %parallel_loop3A_574 : vector<16xf32>
        %parallel_loop3A_576 = arith.index_cast %parallel_loop3A_536 : i32 to index
        %parallel_loop3A_577 = arith.constant 48 : index
        %parallel_loop3A_578 = tpu.vector_load %arg10[%parallel_loop3A_576, %parallel_loop3A_577] {strides = array<i32>} : memref<128x128xf32, #tpu.memory_space<vmem>>, vector<1x16xf32>,
        %parallel_loop3A_579 = vector.shape_cast %parallel_loop3A_578 : vector<1x16xf32> to vector<16xf32>
        %parallel_loop3A_580 = vector.shape_cast %parallel_loop3A_575 : vector<16xf32> to vector<1x16xf32>
        tpu.vector_store %arg10[%parallel_loop3A_576, %parallel_loop3A_577], %parallel_loop3A_580 {strides = array<i32>} : memref<128x128xf32, #tpu.memory_space<vmem>>, vector<1x16xf32>,
        %parallel_loop3A_581 = arith.index_cast %parallel_loop3A_536 : i32 to index
        %parallel_loop3A_582 = arith.constant 64 : index
        %parallel_loop3A_583 = tpu.vector_load %arg10[%parallel_loop3A_581, %parallel_loop3A_582] {strides = array<i32>} : memref<128x128xf32, #tpu.memory_space<vmem>>, vector<1x16xf32>,
        %parallel_loop3A_584 = vector.shape_cast %parallel_loop3A_583 : vector<1x16xf32> to vector<16xf32>
        %parallel_loop3A_585 = vector.broadcast %parallel_loop3A_534 : f32 to vector<16xf32>
        %parallel_loop3A_586 = arith.mulf %parallel_loop3A_584, %parallel_loop3A_585 : vector<16xf32>
        %parallel_loop3A_587 = arith.index_cast %parallel_loop3A_536 : i32 to index
        %parallel_loop3A_588 = arith.constant 64 : index
        %parallel_loop3A_589 = tpu.vector_load %arg10[%parallel_loop3A_587, %parallel_loop3A_588] {strides = array<i32>} : memref<128x128xf32, #tpu.memory_space<vmem>>, vector<1x16xf32>,
        %parallel_loop3A_590 = vector.shape_cast %parallel_loop3A_589 : vector<1x16xf32> to vector<16xf32>
        %parallel_loop3A_591 = vector.shape_cast %parallel_loop3A_586 : vector<16xf32> to vector<1x16xf32>
        tpu.vector_store %arg10[%parallel_loop3A_587, %parallel_loop3A_588], %parallel_loop3A_591 {strides = array<i32>} : memref<128x128xf32, #tpu.memory_space<vmem>>, vector<1x16xf32>,
        %parallel_loop3A_592 = arith.index_cast %parallel_loop3A_536 : i32 to index
        %parallel_loop3A_593 = arith.constant 80 : index
        %parallel_loop3A_594 = tpu.vector_load %arg10[%parallel_loop3A_592, %parallel_loop3A_593] {strides = array<i32>} : memref<128x128xf32, #tpu.memory_space<vmem>>, vector<1x16xf32>,
        %parallel_loop3A_595 = vector.shape_cast %parallel_loop3A_594 : vector<1x16xf32> to vector<16xf32>
        %parallel_loop3A_596 = vector.broadcast %parallel_loop3A_534 : f32 to vector<16xf32>
        %parallel_loop3A_597 = arith.mulf %parallel_loop3A_595, %parallel_loop3A_596 : vector<16xf32>
        %parallel_loop3A_598 = arith.index_cast %parallel_loop3A_536 : i32 to index
        %parallel_loop3A_599 = arith.constant 80 : index
        %parallel_loop3A_600 = tpu.vector_load %arg10[%parallel_loop3A_598, %parallel_loop3A_599] {strides = array<i32>} : memref<128x128xf32, #tpu.memory_space<vmem>>, vector<1x16xf32>,
        %parallel_loop3A_601 = vector.shape_cast %parallel_loop3A_600 : vector<1x16xf32> to vector<16xf32>
        %parallel_loop3A_602 = vector.shape_cast %parallel_loop3A_597 : vector<16xf32> to vector<1x16xf32>
        tpu.vector_store %arg10[%parallel_loop3A_598, %parallel_loop3A_599], %parallel_loop3A_602 {strides = array<i32>} : memref<128x128xf32, #tpu.memory_space<vmem>>, vector<1x16xf32>,
        %parallel_loop3A_603 = arith.index_cast %parallel_loop3A_536 : i32 to index
        %parallel_loop3A_604 = arith.constant 96 : index
        %parallel_loop3A_605 = tpu.vector_load %arg10[%parallel_loop3A_603, %parallel_loop3A_604] {strides = array<i32>} : memref<128x128xf32, #tpu.memory_space<vmem>>, vector<1x16xf32>,
        %parallel_loop3A_606 = vector.shape_cast %parallel_loop3A_605 : vector<1x16xf32> to vector<16xf32>
        %parallel_loop3A_607 = vector.broadcast %parallel_loop3A_534 : f32 to vector<16xf32>
        %parallel_loop3A_608 = arith.mulf %parallel_loop3A_606, %parallel_loop3A_607 : vector<16xf32>
        %parallel_loop3A_609 = arith.index_cast %parallel_loop3A_536 : i32 to index
        %parallel_loop3A_610 = arith.constant 96 : index
        %parallel_loop3A_611 = tpu.vector_load %arg10[%parallel_loop3A_609, %parallel_loop3A_610] {strides = array<i32>} : memref<128x128xf32, #tpu.memory_space<vmem>>, vector<1x16xf32>,
        %parallel_loop3A_612 = vector.shape_cast %parallel_loop3A_611 : vector<1x16xf32> to vector<16xf32>
        %parallel_loop3A_613 = vector.shape_cast %parallel_loop3A_608 : vector<16xf32> to vector<1x16xf32>
        tpu.vector_store %arg10[%parallel_loop3A_609, %parallel_loop3A_610], %parallel_loop3A_613 {strides = array<i32>} : memref<128x128xf32, #tpu.memory_space<vmem>>, vector<1x16xf32>,
        %parallel_loop3A_614 = arith.index_cast %parallel_loop3A_536 : i32 to index
        %parallel_loop3A_615 = arith.constant 112 : index
        %parallel_loop3A_616 = tpu.vector_load %arg10[%parallel_loop3A_614, %parallel_loop3A_615] {strides = array<i32>} : memref<128x128xf32, #tpu.memory_space<vmem>>, vector<1x16xf32>,
        %parallel_loop3A_617 = vector.shape_cast %parallel_loop3A_616 : vector<1x16xf32> to vector<16xf32>
        %parallel_loop3A_618 = vector.broadcast %parallel_loop3A_534 : f32 to vector<16xf32>
        %parallel_loop3A_619 = arith.mulf %parallel_loop3A_617, %parallel_loop3A_618 : vector<16xf32>
        %parallel_loop3A_620 = arith.index_cast %parallel_loop3A_536 : i32 to index
        %parallel_loop3A_621 = arith.constant 112 : index
        %parallel_loop3A_622 = tpu.vector_load %arg10[%parallel_loop3A_620, %parallel_loop3A_621] {strides = array<i32>} : memref<128x128xf32, #tpu.memory_space<vmem>>, vector<1x16xf32>,
        %parallel_loop3A_623 = vector.shape_cast %parallel_loop3A_622 : vector<1x16xf32> to vector<16xf32>
        %parallel_loop3A_624 = vector.shape_cast %parallel_loop3A_619 : vector<16xf32> to vector<1x16xf32>
        tpu.vector_store %arg10[%parallel_loop3A_620, %parallel_loop3A_621], %parallel_loop3A_624 {strides = array<i32>} : memref<128x128xf32, #tpu.memory_space<vmem>>, vector<1x16xf32>,
        %parallel_loop3A_625 = vector.extract_strided_slice %parallel_loop3A_256 {offsets = [4], sizes = [1], strides = [1]} : vector<16xf32> to vector<1xf32>
        %parallel_loop3A_626 = vector.extract %parallel_loop3A_625[0] : f32 from vector<1xf32>
        %parallel_loop3A_627 = arith.constant 4 : i32
        %parallel_loop3A_628 = arith.addi %parallel_loop3A_251, %parallel_loop3A_627 : i32
        %parallel_loop3A_629 = arith.index_cast %parallel_loop3A_628 : i32 to index
        %parallel_loop3A_630 = arith.constant 0 : index
        %parallel_loop3A_631 = tpu.vector_load %arg10[%parallel_loop3A_629, %parallel_loop3A_630] {strides = array<i32>} : memref<128x128xf32, #tpu.memory_space<vmem>>, vector<1x16xf32>,
        %parallel_loop3A_632 = vector.shape_cast %parallel_loop3A_631 : vector<1x16xf32> to vector<16xf32>
        %parallel_loop3A_633 = vector.broadcast %parallel_loop3A_626 : f32 to vector<16xf32>
        %parallel_loop3A_634 = arith.mulf %parallel_loop3A_632, %parallel_loop3A_633 : vector<16xf32>
        %parallel_loop3A_635 = arith.index_cast %parallel_loop3A_628 : i32 to index
        %parallel_loop3A_636 = arith.constant 0 : index
        %parallel_loop3A_637 = tpu.vector_load %arg10[%parallel_loop3A_635, %parallel_loop3A_636] {strides = array<i32>} : memref<128x128xf32, #tpu.memory_space<vmem>>, vector<1x16xf32>,
        %parallel_loop3A_638 = vector.shape_cast %parallel_loop3A_637 : vector<1x16xf32> to vector<16xf32>
        %parallel_loop3A_639 = vector.shape_cast %parallel_loop3A_634 : vector<16xf32> to vector<1x16xf32>
        tpu.vector_store %arg10[%parallel_loop3A_635, %parallel_loop3A_636], %parallel_loop3A_639 {strides = array<i32>} : memref<128x128xf32, #tpu.memory_space<vmem>>, vector<1x16xf32>,
        %parallel_loop3A_640 = arith.index_cast %parallel_loop3A_628 : i32 to index
        %parallel_loop3A_641 = arith.constant 16 : index
        %parallel_loop3A_642 = tpu.vector_load %arg10[%parallel_loop3A_640, %parallel_loop3A_641] {strides = array<i32>} : memref<128x128xf32, #tpu.memory_space<vmem>>, vector<1x16xf32>,
        %parallel_loop3A_643 = vector.shape_cast %parallel_loop3A_642 : vector<1x16xf32> to vector<16xf32>
        %parallel_loop3A_644 = vector.broadcast %parallel_loop3A_626 : f32 to vector<16xf32>
        %parallel_loop3A_645 = arith.mulf %parallel_loop3A_643, %parallel_loop3A_644 : vector<16xf32>
        %parallel_loop3A_646 = arith.index_cast %parallel_loop3A_628 : i32 to index
        %parallel_loop3A_647 = arith.constant 16 : index
        %parallel_loop3A_648 = tpu.vector_load %arg10[%parallel_loop3A_646, %parallel_loop3A_647] {strides = array<i32>} : memref<128x128xf32, #tpu.memory_space<vmem>>, vector<1x16xf32>,
        %parallel_loop3A_649 = vector.shape_cast %parallel_loop3A_648 : vector<1x16xf32> to vector<16xf32>
        %parallel_loop3A_650 = vector.shape_cast %parallel_loop3A_645 : vector<16xf32> to vector<1x16xf32>
        tpu.vector_store %arg10[%parallel_loop3A_646, %parallel_loop3A_647], %parallel_loop3A_650 {strides = array<i32>} : memref<128x128xf32, #tpu.memory_space<vmem>>, vector<1x16xf32>,
        %parallel_loop3A_651 = arith.index_cast %parallel_loop3A_628 : i32 to index
        %parallel_loop3A_652 = arith.constant 32 : index
        %parallel_loop3A_653 = tpu.vector_load %arg10[%parallel_loop3A_651, %parallel_loop3A_652] {strides = array<i32>} : memref<128x128xf32, #tpu.memory_space<vmem>>, vector<1x16xf32>,
        %parallel_loop3A_654 = vector.shape_cast %parallel_loop3A_653 : vector<1x16xf32> to vector<16xf32>
        %parallel_loop3A_655 = vector.broadcast %parallel_loop3A_626 : f32 to vector<16xf32>
        %parallel_loop3A_656 = arith.mulf %parallel_loop3A_654, %parallel_loop3A_655 : vector<16xf32>
        %parallel_loop3A_657 = arith.index_cast %parallel_loop3A_628 : i32 to index
        %parallel_loop3A_658 = arith.constant 32 : index
        %parallel_loop3A_659 = tpu.vector_load %arg10[%parallel_loop3A_657, %parallel_loop3A_658] {strides = array<i32>} : memref<128x128xf32, #tpu.memory_space<vmem>>, vector<1x16xf32>,
        %parallel_loop3A_660 = vector.shape_cast %parallel_loop3A_659 : vector<1x16xf32> to vector<16xf32>
        %parallel_loop3A_661 = vector.shape_cast %parallel_loop3A_656 : vector<16xf32> to vector<1x16xf32>
        tpu.vector_store %arg10[%parallel_loop3A_657, %parallel_loop3A_658], %parallel_loop3A_661 {strides = array<i32>} : memref<128x128xf32, #tpu.memory_space<vmem>>, vector<1x16xf32>,
        %parallel_loop3A_662 = arith.index_cast %parallel_loop3A_628 : i32 to index
        %parallel_loop3A_663 = arith.constant 48 : index
        %parallel_loop3A_664 = tpu.vector_load %arg10[%parallel_loop3A_662, %parallel_loop3A_663] {strides = array<i32>} : memref<128x128xf32, #tpu.memory_space<vmem>>, vector<1x16xf32>,
        %parallel_loop3A_665 = vector.shape_cast %parallel_loop3A_664 : vector<1x16xf32> to vector<16xf32>
        %parallel_loop3A_666 = vector.broadcast %parallel_loop3A_626 : f32 to vector<16xf32>
        %parallel_loop3A_667 = arith.mulf %parallel_loop3A_665, %parallel_loop3A_666 : vector<16xf32>
        %parallel_loop3A_668 = arith.index_cast %parallel_loop3A_628 : i32 to index
        %parallel_loop3A_669 = arith.constant 48 : index
        %parallel_loop3A_670 = tpu.vector_load %arg10[%parallel_loop3A_668, %parallel_loop3A_669] {strides = array<i32>} : memref<128x128xf32, #tpu.memory_space<vmem>>, vector<1x16xf32>,
        %parallel_loop3A_671 = vector.shape_cast %parallel_loop3A_670 : vector<1x16xf32> to vector<16xf32>
        %parallel_loop3A_672 = vector.shape_cast %parallel_loop3A_667 : vector<16xf32> to vector<1x16xf32>
        tpu.vector_store %arg10[%parallel_loop3A_668, %parallel_loop3A_669], %parallel_loop3A_672 {strides = array<i32>} : memref<128x128xf32, #tpu.memory_space<vmem>>, vector<1x16xf32>,
        %parallel_loop3A_673 = arith.index_cast %parallel_loop3A_628 : i32 to index
        %parallel_loop3A_674 = arith.constant 64 : index
        %parallel_loop3A_675 = tpu.vector_load %arg10[%parallel_loop3A_673, %parallel_loop3A_674] {strides = array<i32>} : memref<128x128xf32, #tpu.memory_space<vmem>>, vector<1x16xf32>,
        %parallel_loop3A_676 = vector.shape_cast %parallel_loop3A_675 : vector<1x16xf32> to vector<16xf32>
        %parallel_loop3A_677 = vector.broadcast %parallel_loop3A_626 : f32 to vector<16xf32>
        %parallel_loop3A_678 = arith.mulf %parallel_loop3A_676, %parallel_loop3A_677 : vector<16xf32>
        %parallel_loop3A_679 = arith.index_cast %parallel_loop3A_628 : i32 to index
        %parallel_loop3A_680 = arith.constant 64 : index
        %parallel_loop3A_681 = tpu.vector_load %arg10[%parallel_loop3A_679, %parallel_loop3A_680] {strides = array<i32>} : memref<128x128xf32, #tpu.memory_space<vmem>>, vector<1x16xf32>,
        %parallel_loop3A_682 = vector.shape_cast %parallel_loop3A_681 : vector<1x16xf32> to vector<16xf32>
        %parallel_loop3A_683 = vector.shape_cast %parallel_loop3A_678 : vector<16xf32> to vector<1x16xf32>
        tpu.vector_store %arg10[%parallel_loop3A_679, %parallel_loop3A_680], %parallel_loop3A_683 {strides = array<i32>} : memref<128x128xf32, #tpu.memory_space<vmem>>, vector<1x16xf32>,
        %parallel_loop3A_684 = arith.index_cast %parallel_loop3A_628 : i32 to index
        %parallel_loop3A_685 = arith.constant 80 : index
        %parallel_loop3A_686 = tpu.vector_load %arg10[%parallel_loop3A_684, %parallel_loop3A_685] {strides = array<i32>} : memref<128x128xf32, #tpu.memory_space<vmem>>, vector<1x16xf32>,
        %parallel_loop3A_687 = vector.shape_cast %parallel_loop3A_686 : vector<1x16xf32> to vector<16xf32>
        %parallel_loop3A_688 = vector.broadcast %parallel_loop3A_626 : f32 to vector<16xf32>
        %parallel_loop3A_689 = arith.mulf %parallel_loop3A_687, %parallel_loop3A_688 : vector<16xf32>
        %parallel_loop3A_690 = arith.index_cast %parallel_loop3A_628 : i32 to index
        %parallel_loop3A_691 = arith.constant 80 : index
        %parallel_loop3A_692 = tpu.vector_load %arg10[%parallel_loop3A_690, %parallel_loop3A_691] {strides = array<i32>} : memref<128x128xf32, #tpu.memory_space<vmem>>, vector<1x16xf32>,
        %parallel_loop3A_693 = vector.shape_cast %parallel_loop3A_692 : vector<1x16xf32> to vector<16xf32>
        %parallel_loop3A_694 = vector.shape_cast %parallel_loop3A_689 : vector<16xf32> to vector<1x16xf32>
        tpu.vector_store %arg10[%parallel_loop3A_690, %parallel_loop3A_691], %parallel_loop3A_694 {strides = array<i32>} : memref<128x128xf32, #tpu.memory_space<vmem>>, vector<1x16xf32>,
        %parallel_loop3A_695 = arith.index_cast %parallel_loop3A_628 : i32 to index
        %parallel_loop3A_696 = arith.constant 96 : index
        %parallel_loop3A_697 = tpu.vector_load %arg10[%parallel_loop3A_695, %parallel_loop3A_696] {strides = array<i32>} : memref<128x128xf32, #tpu.memory_space<vmem>>, vector<1x16xf32>,
        %parallel_loop3A_698 = vector.shape_cast %parallel_loop3A_697 : vector<1x16xf32> to vector<16xf32>
        %parallel_loop3A_699 = vector.broadcast %parallel_loop3A_626 : f32 to vector<16xf32>
        %parallel_loop3A_700 = arith.mulf %parallel_loop3A_698, %parallel_loop3A_699 : vector<16xf32>
        %parallel_loop3A_701 = arith.index_cast %parallel_loop3A_628 : i32 to index
        %parallel_loop3A_702 = arith.constant 96 : index
        %parallel_loop3A_703 = tpu.vector_load %arg10[%parallel_loop3A_701, %parallel_loop3A_702] {strides = array<i32>} : memref<128x128xf32, #tpu.memory_space<vmem>>, vector<1x16xf32>,
        %parallel_loop3A_704 = vector.shape_cast %parallel_loop3A_703 : vector<1x16xf32> to vector<16xf32>
        %parallel_loop3A_705 = vector.shape_cast %parallel_loop3A_700 : vector<16xf32> to vector<1x16xf32>
        tpu.vector_store %arg10[%parallel_loop3A_701, %parallel_loop3A_702], %parallel_loop3A_705 {strides = array<i32>} : memref<128x128xf32, #tpu.memory_space<vmem>>, vector<1x16xf32>,
        %parallel_loop3A_706 = arith.index_cast %parallel_loop3A_628 : i32 to index
        %parallel_loop3A_707 = arith.constant 112 : index
        %parallel_loop3A_708 = tpu.vector_load %arg10[%parallel_loop3A_706, %parallel_loop3A_707] {strides = array<i32>} : memref<128x128xf32, #tpu.memory_space<vmem>>, vector<1x16xf32>,
        %parallel_loop3A_709 = vector.shape_cast %parallel_loop3A_708 : vector<1x16xf32> to vector<16xf32>
        %parallel_loop3A_710 = vector.broadcast %parallel_loop3A_626 : f32 to vector<16xf32>
        %parallel_loop3A_711 = arith.mulf %parallel_loop3A_709, %parallel_loop3A_710 : vector<16xf32>
        %parallel_loop3A_712 = arith.index_cast %parallel_loop3A_628 : i32 to index
        %parallel_loop3A_713 = arith.constant 112 : index
        %parallel_loop3A_714 = tpu.vector_load %arg10[%parallel_loop3A_712, %parallel_loop3A_713] {strides = array<i32>} : memref<128x128xf32, #tpu.memory_space<vmem>>, vector<1x16xf32>,
        %parallel_loop3A_715 = vector.shape_cast %parallel_loop3A_714 : vector<1x16xf32> to vector<16xf32>
        %parallel_loop3A_716 = vector.shape_cast %parallel_loop3A_711 : vector<16xf32> to vector<1x16xf32>
        tpu.vector_store %arg10[%parallel_loop3A_712, %parallel_loop3A_713], %parallel_loop3A_716 {strides = array<i32>} : memref<128x128xf32, #tpu.memory_space<vmem>>, vector<1x16xf32>,
        %parallel_loop3A_717 = vector.extract_strided_slice %parallel_loop3A_256 {offsets = [5], sizes = [1], strides = [1]} : vector<16xf32> to vector<1xf32>
        %parallel_loop3A_718 = vector.extract %parallel_loop3A_717[0] : f32 from vector<1xf32>
        %parallel_loop3A_719 = arith.constant 5 : i32
        %parallel_loop3A_720 = arith.addi %parallel_loop3A_251, %parallel_loop3A_719 : i32
        %parallel_loop3A_721 = arith.index_cast %parallel_loop3A_720 : i32 to index
        %parallel_loop3A_722 = arith.constant 0 : index
        %parallel_loop3A_723 = tpu.vector_load %arg10[%parallel_loop3A_721, %parallel_loop3A_722] {strides = array<i32>} : memref<128x128xf32, #tpu.memory_space<vmem>>, vector<1x16xf32>,
        %parallel_loop3A_724 = vector.shape_cast %parallel_loop3A_723 : vector<1x16xf32> to vector<16xf32>
        %parallel_loop3A_725 = vector.broadcast %parallel_loop3A_718 : f32 to vector<16xf32>
        %parallel_loop3A_726 = arith.mulf %parallel_loop3A_724, %parallel_loop3A_725 : vector<16xf32>
        %parallel_loop3A_727 = arith.index_cast %parallel_loop3A_720 : i32 to index
        %parallel_loop3A_728 = arith.constant 0 : index
        %parallel_loop3A_729 = tpu.vector_load %arg10[%parallel_loop3A_727, %parallel_loop3A_728] {strides = array<i32>} : memref<128x128xf32, #tpu.memory_space<vmem>>, vector<1x16xf32>,
        %parallel_loop3A_730 = vector.shape_cast %parallel_loop3A_729 : vector<1x16xf32> to vector<16xf32>
        %parallel_loop3A_731 = vector.shape_cast %parallel_loop3A_726 : vector<16xf32> to vector<1x16xf32>
        tpu.vector_store %arg10[%parallel_loop3A_727, %parallel_loop3A_728], %parallel_loop3A_731 {strides = array<i32>} : memref<128x128xf32, #tpu.memory_space<vmem>>, vector<1x16xf32>,
        %parallel_loop3A_732 = arith.index_cast %parallel_loop3A_720 : i32 to index
        %parallel_loop3A_733 = arith.constant 16 : index
        %parallel_loop3A_734 = tpu.vector_load %arg10[%parallel_loop3A_732, %parallel_loop3A_733] {strides = array<i32>} : memref<128x128xf32, #tpu.memory_space<vmem>>, vector<1x16xf32>,
        %parallel_loop3A_735 = vector.shape_cast %parallel_loop3A_734 : vector<1x16xf32> to vector<16xf32>
        %parallel_loop3A_736 = vector.broadcast %parallel_loop3A_718 : f32 to vector<16xf32>
        %parallel_loop3A_737 = arith.mulf %parallel_loop3A_735, %parallel_loop3A_736 : vector<16xf32>
        %parallel_loop3A_738 = arith.index_cast %parallel_loop3A_720 : i32 to index
        %parallel_loop3A_739 = arith.constant 16 : index
        %parallel_loop3A_740 = tpu.vector_load %arg10[%parallel_loop3A_738, %parallel_loop3A_739] {strides = array<i32>} : memref<128x128xf32, #tpu.memory_space<vmem>>, vector<1x16xf32>,
        %parallel_loop3A_741 = vector.shape_cast %parallel_loop3A_740 : vector<1x16xf32> to vector<16xf32>
        %parallel_loop3A_742 = vector.shape_cast %parallel_loop3A_737 : vector<16xf32> to vector<1x16xf32>
        tpu.vector_store %arg10[%parallel_loop3A_738, %parallel_loop3A_739], %parallel_loop3A_742 {strides = array<i32>} : memref<128x128xf32, #tpu.memory_space<vmem>>, vector<1x16xf32>,
        %parallel_loop3A_743 = arith.index_cast %parallel_loop3A_720 : i32 to index
        %parallel_loop3A_744 = arith.constant 32 : index
        %parallel_loop3A_745 = tpu.vector_load %arg10[%parallel_loop3A_743, %parallel_loop3A_744] {strides = array<i32>} : memref<128x128xf32, #tpu.memory_space<vmem>>, vector<1x16xf32>,
        %parallel_loop3A_746 = vector.shape_cast %parallel_loop3A_745 : vector<1x16xf32> to vector<16xf32>
        %parallel_loop3A_747 = vector.broadcast %parallel_loop3A_718 : f32 to vector<16xf32>
        %parallel_loop3A_748 = arith.mulf %parallel_loop3A_746, %parallel_loop3A_747 : vector<16xf32>
        %parallel_loop3A_749 = arith.index_cast %parallel_loop3A_720 : i32 to index
        %parallel_loop3A_750 = arith.constant 32 : index
        %parallel_loop3A_751 = tpu.vector_load %arg10[%parallel_loop3A_749, %parallel_loop3A_750] {strides = array<i32>} : memref<128x128xf32, #tpu.memory_space<vmem>>, vector<1x16xf32>,
        %parallel_loop3A_752 = vector.shape_cast %parallel_loop3A_751 : vector<1x16xf32> to vector<16xf32>
        %parallel_loop3A_753 = vector.shape_cast %parallel_loop3A_748 : vector<16xf32> to vector<1x16xf32>
        tpu.vector_store %arg10[%parallel_loop3A_749, %parallel_loop3A_750], %parallel_loop3A_753 {strides = array<i32>} : memref<128x128xf32, #tpu.memory_space<vmem>>, vector<1x16xf32>,
        %parallel_loop3A_754 = arith.index_cast %parallel_loop3A_720 : i32 to index
        %parallel_loop3A_755 = arith.constant 48 : index
        %parallel_loop3A_756 = tpu.vector_load %arg10[%parallel_loop3A_754, %parallel_loop3A_755] {strides = array<i32>} : memref<128x128xf32, #tpu.memory_space<vmem>>, vector<1x16xf32>,
        %parallel_loop3A_757 = vector.shape_cast %parallel_loop3A_756 : vector<1x16xf32> to vector<16xf32>
        %parallel_loop3A_758 = vector.broadcast %parallel_loop3A_718 : f32 to vector<16xf32>
        %parallel_loop3A_759 = arith.mulf %parallel_loop3A_757, %parallel_loop3A_758 : vector<16xf32>
        %parallel_loop3A_760 = arith.index_cast %parallel_loop3A_720 : i32 to index
        %parallel_loop3A_761 = arith.constant 48 : index
        %parallel_loop3A_762 = tpu.vector_load %arg10[%parallel_loop3A_760, %parallel_loop3A_761] {strides = array<i32>} : memref<128x128xf32, #tpu.memory_space<vmem>>, vector<1x16xf32>,
        %parallel_loop3A_763 = vector.shape_cast %parallel_loop3A_762 : vector<1x16xf32> to vector<16xf32>
        %parallel_loop3A_764 = vector.shape_cast %parallel_loop3A_759 : vector<16xf32> to vector<1x16xf32>
        tpu.vector_store %arg10[%parallel_loop3A_760, %parallel_loop3A_761], %parallel_loop3A_764 {strides = array<i32>} : memref<128x128xf32, #tpu.memory_space<vmem>>, vector<1x16xf32>,
        %parallel_loop3A_765 = arith.index_cast %parallel_loop3A_720 : i32 to index
        %parallel_loop3A_766 = arith.constant 64 : index
        %parallel_loop3A_767 = tpu.vector_load %arg10[%parallel_loop3A_765, %parallel_loop3A_766] {strides = array<i32>} : memref<128x128xf32, #tpu.memory_space<vmem>>, vector<1x16xf32>,
        %parallel_loop3A_768 = vector.shape_cast %parallel_loop3A_767 : vector<1x16xf32> to vector<16xf32>
        %parallel_loop3A_769 = vector.broadcast %parallel_loop3A_718 : f32 to vector<16xf32>
        %parallel_loop3A_770 = arith.mulf %parallel_loop3A_768, %parallel_loop3A_769 : vector<16xf32>
        %parallel_loop3A_771 = arith.index_cast %parallel_loop3A_720 : i32 to index
        %parallel_loop3A_772 = arith.constant 64 : index
        %parallel_loop3A_773 = tpu.vector_load %arg10[%parallel_loop3A_771, %parallel_loop3A_772] {strides = array<i32>} : memref<128x128xf32, #tpu.memory_space<vmem>>, vector<1x16xf32>,
        %parallel_loop3A_774 = vector.shape_cast %parallel_loop3A_773 : vector<1x16xf32> to vector<16xf32>
        %parallel_loop3A_775 = vector.shape_cast %parallel_loop3A_770 : vector<16xf32> to vector<1x16xf32>
        tpu.vector_store %arg10[%parallel_loop3A_771, %parallel_loop3A_772], %parallel_loop3A_775 {strides = array<i32>} : memref<128x128xf32, #tpu.memory_space<vmem>>, vector<1x16xf32>,
        %parallel_loop3A_776 = arith.index_cast %parallel_loop3A_720 : i32 to index
        %parallel_loop3A_777 = arith.constant 80 : index
        %parallel_loop3A_778 = tpu.vector_load %arg10[%parallel_loop3A_776, %parallel_loop3A_777] {strides = array<i32>} : memref<128x128xf32, #tpu.memory_space<vmem>>, vector<1x16xf32>,
        %parallel_loop3A_779 = vector.shape_cast %parallel_loop3A_778 : vector<1x16xf32> to vector<16xf32>
        %parallel_loop3A_780 = vector.broadcast %parallel_loop3A_718 : f32 to vector<16xf32>
        %parallel_loop3A_781 = arith.mulf %parallel_loop3A_779, %parallel_loop3A_780 : vector<16xf32>
        %parallel_loop3A_782 = arith.index_cast %parallel_loop3A_720 : i32 to index
        %parallel_loop3A_783 = arith.constant 80 : index
        %parallel_loop3A_784 = tpu.vector_load %arg10[%parallel_loop3A_782, %parallel_loop3A_783] {strides = array<i32>} : memref<128x128xf32, #tpu.memory_space<vmem>>, vector<1x16xf32>,
        %parallel_loop3A_785 = vector.shape_cast %parallel_loop3A_784 : vector<1x16xf32> to vector<16xf32>
        %parallel_loop3A_786 = vector.shape_cast %parallel_loop3A_781 : vector<16xf32> to vector<1x16xf32>
        tpu.vector_store %arg10[%parallel_loop3A_782, %parallel_loop3A_783], %parallel_loop3A_786 {strides = array<i32>} : memref<128x128xf32, #tpu.memory_space<vmem>>, vector<1x16xf32>,
        %parallel_loop3A_787 = arith.index_cast %parallel_loop3A_720 : i32 to index
        %parallel_loop3A_788 = arith.constant 96 : index
        %parallel_loop3A_789 = tpu.vector_load %arg10[%parallel_loop3A_787, %parallel_loop3A_788] {strides = array<i32>} : memref<128x128xf32, #tpu.memory_space<vmem>>, vector<1x16xf32>,
        %parallel_loop3A_790 = vector.shape_cast %parallel_loop3A_789 : vector<1x16xf32> to vector<16xf32>
        %parallel_loop3A_791 = vector.broadcast %parallel_loop3A_718 : f32 to vector<16xf32>
        %parallel_loop3A_792 = arith.mulf %parallel_loop3A_790, %parallel_loop3A_791 : vector<16xf32>
        %parallel_loop3A_793 = arith.index_cast %parallel_loop3A_720 : i32 to index
        %parallel_loop3A_794 = arith.constant 96 : index
        %parallel_loop3A_795 = tpu.vector_load %arg10[%parallel_loop3A_793, %parallel_loop3A_794] {strides = array<i32>} : memref<128x128xf32, #tpu.memory_space<vmem>>, vector<1x16xf32>,
        %parallel_loop3A_796 = vector.shape_cast %parallel_loop3A_795 : vector<1x16xf32> to vector<16xf32>
        %parallel_loop3A_797 = vector.shape_cast %parallel_loop3A_792 : vector<16xf32> to vector<1x16xf32>
        tpu.vector_store %arg10[%parallel_loop3A_793, %parallel_loop3A_794], %parallel_loop3A_797 {strides = array<i32>} : memref<128x128xf32, #tpu.memory_space<vmem>>, vector<1x16xf32>,
        %parallel_loop3A_798 = arith.index_cast %parallel_loop3A_720 : i32 to index
        %parallel_loop3A_799 = arith.constant 112 : index
        %parallel_loop3A_800 = tpu.vector_load %arg10[%parallel_loop3A_798, %parallel_loop3A_799] {strides = array<i32>} : memref<128x128xf32, #tpu.memory_space<vmem>>, vector<1x16xf32>,
        %parallel_loop3A_801 = vector.shape_cast %parallel_loop3A_800 : vector<1x16xf32> to vector<16xf32>
        %parallel_loop3A_802 = vector.broadcast %parallel_loop3A_718 : f32 to vector<16xf32>
        %parallel_loop3A_803 = arith.mulf %parallel_loop3A_801, %parallel_loop3A_802 : vector<16xf32>
        %parallel_loop3A_804 = arith.index_cast %parallel_loop3A_720 : i32 to index
        %parallel_loop3A_805 = arith.constant 112 : index
        %parallel_loop3A_806 = tpu.vector_load %arg10[%parallel_loop3A_804, %parallel_loop3A_805] {strides = array<i32>} : memref<128x128xf32, #tpu.memory_space<vmem>>, vector<1x16xf32>,
        %parallel_loop3A_807 = vector.shape_cast %parallel_loop3A_806 : vector<1x16xf32> to vector<16xf32>
        %parallel_loop3A_808 = vector.shape_cast %parallel_loop3A_803 : vector<16xf32> to vector<1x16xf32>
        tpu.vector_store %arg10[%parallel_loop3A_804, %parallel_loop3A_805], %parallel_loop3A_808 {strides = array<i32>} : memref<128x128xf32, #tpu.memory_space<vmem>>, vector<1x16xf32>,
        %parallel_loop3A_809 = vector.extract_strided_slice %parallel_loop3A_256 {offsets = [6], sizes = [1], strides = [1]} : vector<16xf32> to vector<1xf32>
        %parallel_loop3A_810 = vector.extract %parallel_loop3A_809[0] : f32 from vector<1xf32>
        %parallel_loop3A_811 = arith.constant 6 : i32
        %parallel_loop3A_812 = arith.addi %parallel_loop3A_251, %parallel_loop3A_811 : i32
        %parallel_loop3A_813 = arith.index_cast %parallel_loop3A_812 : i32 to index
        %parallel_loop3A_814 = arith.constant 0 : index
        %parallel_loop3A_815 = tpu.vector_load %arg10[%parallel_loop3A_813, %parallel_loop3A_814] {strides = array<i32>} : memref<128x128xf32, #tpu.memory_space<vmem>>, vector<1x16xf32>,
        %parallel_loop3A_816 = vector.shape_cast %parallel_loop3A_815 : vector<1x16xf32> to vector<16xf32>
        %parallel_loop3A_817 = vector.broadcast %parallel_loop3A_810 : f32 to vector<16xf32>
        %parallel_loop3A_818 = arith.mulf %parallel_loop3A_816, %parallel_loop3A_817 : vector<16xf32>
        %parallel_loop3A_819 = arith.index_cast %parallel_loop3A_812 : i32 to index
        %parallel_loop3A_820 = arith.constant 0 : index
        %parallel_loop3A_821 = tpu.vector_load %arg10[%parallel_loop3A_819, %parallel_loop3A_820] {strides = array<i32>} : memref<128x128xf32, #tpu.memory_space<vmem>>, vector<1x16xf32>,
        %parallel_loop3A_822 = vector.shape_cast %parallel_loop3A_821 : vector<1x16xf32> to vector<16xf32>
        %parallel_loop3A_823 = vector.shape_cast %parallel_loop3A_818 : vector<16xf32> to vector<1x16xf32>
        tpu.vector_store %arg10[%parallel_loop3A_819, %parallel_loop3A_820], %parallel_loop3A_823 {strides = array<i32>} : memref<128x128xf32, #tpu.memory_space<vmem>>, vector<1x16xf32>,
        %parallel_loop3A_824 = arith.index_cast %parallel_loop3A_812 : i32 to index
        %parallel_loop3A_825 = arith.constant 16 : index
        %parallel_loop3A_826 = tpu.vector_load %arg10[%parallel_loop3A_824, %parallel_loop3A_825] {strides = array<i32>} : memref<128x128xf32, #tpu.memory_space<vmem>>, vector<1x16xf32>,
        %parallel_loop3A_827 = vector.shape_cast %parallel_loop3A_826 : vector<1x16xf32> to vector<16xf32>
        %parallel_loop3A_828 = vector.broadcast %parallel_loop3A_810 : f32 to vector<16xf32>
        %parallel_loop3A_829 = arith.mulf %parallel_loop3A_827, %parallel_loop3A_828 : vector<16xf32>
        %parallel_loop3A_830 = arith.index_cast %parallel_loop3A_812 : i32 to index
        %parallel_loop3A_831 = arith.constant 16 : index
        %parallel_loop3A_832 = tpu.vector_load %arg10[%parallel_loop3A_830, %parallel_loop3A_831] {strides = array<i32>} : memref<128x128xf32, #tpu.memory_space<vmem>>, vector<1x16xf32>,
        %parallel_loop3A_833 = vector.shape_cast %parallel_loop3A_832 : vector<1x16xf32> to vector<16xf32>
        %parallel_loop3A_834 = vector.shape_cast %parallel_loop3A_829 : vector<16xf32> to vector<1x16xf32>
        tpu.vector_store %arg10[%parallel_loop3A_830, %parallel_loop3A_831], %parallel_loop3A_834 {strides = array<i32>} : memref<128x128xf32, #tpu.memory_space<vmem>>, vector<1x16xf32>,
        %parallel_loop3A_835 = arith.index_cast %parallel_loop3A_812 : i32 to index
        %parallel_loop3A_836 = arith.constant 32 : index
        %parallel_loop3A_837 = tpu.vector_load %arg10[%parallel_loop3A_835, %parallel_loop3A_836] {strides = array<i32>} : memref<128x128xf32, #tpu.memory_space<vmem>>, vector<1x16xf32>,
        %parallel_loop3A_838 = vector.shape_cast %parallel_loop3A_837 : vector<1x16xf32> to vector<16xf32>
        %parallel_loop3A_839 = vector.broadcast %parallel_loop3A_810 : f32 to vector<16xf32>
        %parallel_loop3A_840 = arith.mulf %parallel_loop3A_838, %parallel_loop3A_839 : vector<16xf32>
        %parallel_loop3A_841 = arith.index_cast %parallel_loop3A_812 : i32 to index
        %parallel_loop3A_842 = arith.constant 32 : index
        %parallel_loop3A_843 = tpu.vector_load %arg10[%parallel_loop3A_841, %parallel_loop3A_842] {strides = array<i32>} : memref<128x128xf32, #tpu.memory_space<vmem>>, vector<1x16xf32>,
        %parallel_loop3A_844 = vector.shape_cast %parallel_loop3A_843 : vector<1x16xf32> to vector<16xf32>
        %parallel_loop3A_845 = vector.shape_cast %parallel_loop3A_840 : vector<16xf32> to vector<1x16xf32>
        tpu.vector_store %arg10[%parallel_loop3A_841, %parallel_loop3A_842], %parallel_loop3A_845 {strides = array<i32>} : memref<128x128xf32, #tpu.memory_space<vmem>>, vector<1x16xf32>,
        %parallel_loop3A_846 = arith.index_cast %parallel_loop3A_812 : i32 to index
        %parallel_loop3A_847 = arith.constant 48 : index
        %parallel_loop3A_848 = tpu.vector_load %arg10[%parallel_loop3A_846, %parallel_loop3A_847] {strides = array<i32>} : memref<128x128xf32, #tpu.memory_space<vmem>>, vector<1x16xf32>,
        %parallel_loop3A_849 = vector.shape_cast %parallel_loop3A_848 : vector<1x16xf32> to vector<16xf32>
        %parallel_loop3A_850 = vector.broadcast %parallel_loop3A_810 : f32 to vector<16xf32>
        %parallel_loop3A_851 = arith.mulf %parallel_loop3A_849, %parallel_loop3A_850 : vector<16xf32>
        %parallel_loop3A_852 = arith.index_cast %parallel_loop3A_812 : i32 to index
        %parallel_loop3A_853 = arith.constant 48 : index
        %parallel_loop3A_854 = tpu.vector_load %arg10[%parallel_loop3A_852, %parallel_loop3A_853] {strides = array<i32>} : memref<128x128xf32, #tpu.memory_space<vmem>>, vector<1x16xf32>,
        %parallel_loop3A_855 = vector.shape_cast %parallel_loop3A_854 : vector<1x16xf32> to vector<16xf32>
        %parallel_loop3A_856 = vector.shape_cast %parallel_loop3A_851 : vector<16xf32> to vector<1x16xf32>
        tpu.vector_store %arg10[%parallel_loop3A_852, %parallel_loop3A_853], %parallel_loop3A_856 {strides = array<i32>} : memref<128x128xf32, #tpu.memory_space<vmem>>, vector<1x16xf32>,
        %parallel_loop3A_857 = arith.index_cast %parallel_loop3A_812 : i32 to index
        %parallel_loop3A_858 = arith.constant 64 : index
        %parallel_loop3A_859 = tpu.vector_load %arg10[%parallel_loop3A_857, %parallel_loop3A_858] {strides = array<i32>} : memref<128x128xf32, #tpu.memory_space<vmem>>, vector<1x16xf32>,
        %parallel_loop3A_860 = vector.shape_cast %parallel_loop3A_859 : vector<1x16xf32> to vector<16xf32>
        %parallel_loop3A_861 = vector.broadcast %parallel_loop3A_810 : f32 to vector<16xf32>
        %parallel_loop3A_862 = arith.mulf %parallel_loop3A_860, %parallel_loop3A_861 : vector<16xf32>
        %parallel_loop3A_863 = arith.index_cast %parallel_loop3A_812 : i32 to index
        %parallel_loop3A_864 = arith.constant 64 : index
        %parallel_loop3A_865 = tpu.vector_load %arg10[%parallel_loop3A_863, %parallel_loop3A_864] {strides = array<i32>} : memref<128x128xf32, #tpu.memory_space<vmem>>, vector<1x16xf32>,
        %parallel_loop3A_866 = vector.shape_cast %parallel_loop3A_865 : vector<1x16xf32> to vector<16xf32>
        %parallel_loop3A_867 = vector.shape_cast %parallel_loop3A_862 : vector<16xf32> to vector<1x16xf32>
        tpu.vector_store %arg10[%parallel_loop3A_863, %parallel_loop3A_864], %parallel_loop3A_867 {strides = array<i32>} : memref<128x128xf32, #tpu.memory_space<vmem>>, vector<1x16xf32>,
        %parallel_loop3A_868 = arith.index_cast %parallel_loop3A_812 : i32 to index
        %parallel_loop3A_869 = arith.constant 80 : index
        %parallel_loop3A_870 = tpu.vector_load %arg10[%parallel_loop3A_868, %parallel_loop3A_869] {strides = array<i32>} : memref<128x128xf32, #tpu.memory_space<vmem>>, vector<1x16xf32>,
        %parallel_loop3A_871 = vector.shape_cast %parallel_loop3A_870 : vector<1x16xf32> to vector<16xf32>
        %parallel_loop3A_872 = vector.broadcast %parallel_loop3A_810 : f32 to vector<16xf32>
        %parallel_loop3A_873 = arith.mulf %parallel_loop3A_871, %parallel_loop3A_872 : vector<16xf32>
        %parallel_loop3A_874 = arith.index_cast %parallel_loop3A_812 : i32 to index
        %parallel_loop3A_875 = arith.constant 80 : index
        %parallel_loop3A_876 = tpu.vector_load %arg10[%parallel_loop3A_874, %parallel_loop3A_875] {strides = array<i32>} : memref<128x128xf32, #tpu.memory_space<vmem>>, vector<1x16xf32>,
        %parallel_loop3A_877 = vector.shape_cast %parallel_loop3A_876 : vector<1x16xf32> to vector<16xf32>
        %parallel_loop3A_878 = vector.shape_cast %parallel_loop3A_873 : vector<16xf32> to vector<1x16xf32>
        tpu.vector_store %arg10[%parallel_loop3A_874, %parallel_loop3A_875], %parallel_loop3A_878 {strides = array<i32>} : memref<128x128xf32, #tpu.memory_space<vmem>>, vector<1x16xf32>,
        %parallel_loop3A_879 = arith.index_cast %parallel_loop3A_812 : i32 to index
        %parallel_loop3A_880 = arith.constant 96 : index
        %parallel_loop3A_881 = tpu.vector_load %arg10[%parallel_loop3A_879, %parallel_loop3A_880] {strides = array<i32>} : memref<128x128xf32, #tpu.memory_space<vmem>>, vector<1x16xf32>,
        %parallel_loop3A_882 = vector.shape_cast %parallel_loop3A_881 : vector<1x16xf32> to vector<16xf32>
        %parallel_loop3A_883 = vector.broadcast %parallel_loop3A_810 : f32 to vector<16xf32>
        %parallel_loop3A_884 = arith.mulf %parallel_loop3A_882, %parallel_loop3A_883 : vector<16xf32>
        %parallel_loop3A_885 = arith.index_cast %parallel_loop3A_812 : i32 to index
        %parallel_loop3A_886 = arith.constant 96 : index
        %parallel_loop3A_887 = tpu.vector_load %arg10[%parallel_loop3A_885, %parallel_loop3A_886] {strides = array<i32>} : memref<128x128xf32, #tpu.memory_space<vmem>>, vector<1x16xf32>,
        %parallel_loop3A_888 = vector.shape_cast %parallel_loop3A_887 : vector<1x16xf32> to vector<16xf32>
        %parallel_loop3A_889 = vector.shape_cast %parallel_loop3A_884 : vector<16xf32> to vector<1x16xf32>
        tpu.vector_store %arg10[%parallel_loop3A_885, %parallel_loop3A_886], %parallel_loop3A_889 {strides = array<i32>} : memref<128x128xf32, #tpu.memory_space<vmem>>, vector<1x16xf32>,
        %parallel_loop3A_890 = arith.index_cast %parallel_loop3A_812 : i32 to index
        %parallel_loop3A_891 = arith.constant 112 : index
        %parallel_loop3A_892 = tpu.vector_load %arg10[%parallel_loop3A_890, %parallel_loop3A_891] {strides = array<i32>} : memref<128x128xf32, #tpu.memory_space<vmem>>, vector<1x16xf32>,
        %parallel_loop3A_893 = vector.shape_cast %parallel_loop3A_892 : vector<1x16xf32> to vector<16xf32>
        %parallel_loop3A_894 = vector.broadcast %parallel_loop3A_810 : f32 to vector<16xf32>
        %parallel_loop3A_895 = arith.mulf %parallel_loop3A_893, %parallel_loop3A_894 : vector<16xf32>
        %parallel_loop3A_896 = arith.index_cast %parallel_loop3A_812 : i32 to index
        %parallel_loop3A_897 = arith.constant 112 : index
        %parallel_loop3A_898 = tpu.vector_load %arg10[%parallel_loop3A_896, %parallel_loop3A_897] {strides = array<i32>} : memref<128x128xf32, #tpu.memory_space<vmem>>, vector<1x16xf32>,
        %parallel_loop3A_899 = vector.shape_cast %parallel_loop3A_898 : vector<1x16xf32> to vector<16xf32>
        %parallel_loop3A_900 = vector.shape_cast %parallel_loop3A_895 : vector<16xf32> to vector<1x16xf32>
        tpu.vector_store %arg10[%parallel_loop3A_896, %parallel_loop3A_897], %parallel_loop3A_900 {strides = array<i32>} : memref<128x128xf32, #tpu.memory_space<vmem>>, vector<1x16xf32>,
        %parallel_loop3A_901 = vector.extract_strided_slice %parallel_loop3A_256 {offsets = [7], sizes = [1], strides = [1]} : vector<16xf32> to vector<1xf32>
        %parallel_loop3A_902 = vector.extract %parallel_loop3A_901[0] : f32 from vector<1xf32>
        %parallel_loop3A_903 = arith.constant 7 : i32
        %parallel_loop3A_904 = arith.addi %parallel_loop3A_251, %parallel_loop3A_903 : i32
        %parallel_loop3A_905 = arith.index_cast %parallel_loop3A_904 : i32 to index
        %parallel_loop3A_906 = arith.constant 0 : index
        %parallel_loop3A_907 = tpu.vector_load %arg10[%parallel_loop3A_905, %parallel_loop3A_906] {strides = array<i32>} : memref<128x128xf32, #tpu.memory_space<vmem>>, vector<1x16xf32>,
        %parallel_loop3A_908 = vector.shape_cast %parallel_loop3A_907 : vector<1x16xf32> to vector<16xf32>
        %parallel_loop3A_909 = vector.broadcast %parallel_loop3A_902 : f32 to vector<16xf32>
        %parallel_loop3A_910 = arith.mulf %parallel_loop3A_908, %parallel_loop3A_909 : vector<16xf32>
        %parallel_loop3A_911 = arith.index_cast %parallel_loop3A_904 : i32 to index
        %parallel_loop3A_912 = arith.constant 0 : index
        %parallel_loop3A_913 = tpu.vector_load %arg10[%parallel_loop3A_911, %parallel_loop3A_912] {strides = array<i32>} : memref<128x128xf32, #tpu.memory_space<vmem>>, vector<1x16xf32>,
        %parallel_loop3A_914 = vector.shape_cast %parallel_loop3A_913 : vector<1x16xf32> to vector<16xf32>
        %parallel_loop3A_915 = vector.shape_cast %parallel_loop3A_910 : vector<16xf32> to vector<1x16xf32>
        tpu.vector_store %arg10[%parallel_loop3A_911, %parallel_loop3A_912], %parallel_loop3A_915 {strides = array<i32>} : memref<128x128xf32, #tpu.memory_space<vmem>>, vector<1x16xf32>,
        %parallel_loop3A_916 = arith.index_cast %parallel_loop3A_904 : i32 to index
        %parallel_loop3A_917 = arith.constant 16 : index
        %parallel_loop3A_918 = tpu.vector_load %arg10[%parallel_loop3A_916, %parallel_loop3A_917] {strides = array<i32>} : memref<128x128xf32, #tpu.memory_space<vmem>>, vector<1x16xf32>,
        %parallel_loop3A_919 = vector.shape_cast %parallel_loop3A_918 : vector<1x16xf32> to vector<16xf32>
        %parallel_loop3A_920 = vector.broadcast %parallel_loop3A_902 : f32 to vector<16xf32>
        %parallel_loop3A_921 = arith.mulf %parallel_loop3A_919, %parallel_loop3A_920 : vector<16xf32>
        %parallel_loop3A_922 = arith.index_cast %parallel_loop3A_904 : i32 to index
        %parallel_loop3A_923 = arith.constant 16 : index
        %parallel_loop3A_924 = tpu.vector_load %arg10[%parallel_loop3A_922, %parallel_loop3A_923] {strides = array<i32>} : memref<128x128xf32, #tpu.memory_space<vmem>>, vector<1x16xf32>,
        %parallel_loop3A_925 = vector.shape_cast %parallel_loop3A_924 : vector<1x16xf32> to vector<16xf32>
        %parallel_loop3A_926 = vector.shape_cast %parallel_loop3A_921 : vector<16xf32> to vector<1x16xf32>
        tpu.vector_store %arg10[%parallel_loop3A_922, %parallel_loop3A_923], %parallel_loop3A_926 {strides = array<i32>} : memref<128x128xf32, #tpu.memory_space<vmem>>, vector<1x16xf32>,
        %parallel_loop3A_927 = arith.index_cast %parallel_loop3A_904 : i32 to index
        %parallel_loop3A_928 = arith.constant 32 : index
        %parallel_loop3A_929 = tpu.vector_load %arg10[%parallel_loop3A_927, %parallel_loop3A_928] {strides = array<i32>} : memref<128x128xf32, #tpu.memory_space<vmem>>, vector<1x16xf32>,
        %parallel_loop3A_930 = vector.shape_cast %parallel_loop3A_929 : vector<1x16xf32> to vector<16xf32>
        %parallel_loop3A_931 = vector.broadcast %parallel_loop3A_902 : f32 to vector<16xf32>
        %parallel_loop3A_932 = arith.mulf %parallel_loop3A_930, %parallel_loop3A_931 : vector<16xf32>
        %parallel_loop3A_933 = arith.index_cast %parallel_loop3A_904 : i32 to index
        %parallel_loop3A_934 = arith.constant 32 : index
        %parallel_loop3A_935 = tpu.vector_load %arg10[%parallel_loop3A_933, %parallel_loop3A_934] {strides = array<i32>} : memref<128x128xf32, #tpu.memory_space<vmem>>, vector<1x16xf32>,
        %parallel_loop3A_936 = vector.shape_cast %parallel_loop3A_935 : vector<1x16xf32> to vector<16xf32>
        %parallel_loop3A_937 = vector.shape_cast %parallel_loop3A_932 : vector<16xf32> to vector<1x16xf32>
        tpu.vector_store %arg10[%parallel_loop3A_933, %parallel_loop3A_934], %parallel_loop3A_937 {strides = array<i32>} : memref<128x128xf32, #tpu.memory_space<vmem>>, vector<1x16xf32>,
        %parallel_loop3A_938 = arith.index_cast %parallel_loop3A_904 : i32 to index
        %parallel_loop3A_939 = arith.constant 48 : index
        %parallel_loop3A_940 = tpu.vector_load %arg10[%parallel_loop3A_938, %parallel_loop3A_939] {strides = array<i32>} : memref<128x128xf32, #tpu.memory_space<vmem>>, vector<1x16xf32>,
        %parallel_loop3A_941 = vector.shape_cast %parallel_loop3A_940 : vector<1x16xf32> to vector<16xf32>
        %parallel_loop3A_942 = vector.broadcast %parallel_loop3A_902 : f32 to vector<16xf32>
        %parallel_loop3A_943 = arith.mulf %parallel_loop3A_941, %parallel_loop3A_942 : vector<16xf32>
        %parallel_loop3A_944 = arith.index_cast %parallel_loop3A_904 : i32 to index
        %parallel_loop3A_945 = arith.constant 48 : index
        %parallel_loop3A_946 = tpu.vector_load %arg10[%parallel_loop3A_944, %parallel_loop3A_945] {strides = array<i32>} : memref<128x128xf32, #tpu.memory_space<vmem>>, vector<1x16xf32>,
        %parallel_loop3A_947 = vector.shape_cast %parallel_loop3A_946 : vector<1x16xf32> to vector<16xf32>
        %parallel_loop3A_948 = vector.shape_cast %parallel_loop3A_943 : vector<16xf32> to vector<1x16xf32>
        tpu.vector_store %arg10[%parallel_loop3A_944, %parallel_loop3A_945], %parallel_loop3A_948 {strides = array<i32>} : memref<128x128xf32, #tpu.memory_space<vmem>>, vector<1x16xf32>,
        %parallel_loop3A_949 = arith.index_cast %parallel_loop3A_904 : i32 to index
        %parallel_loop3A_950 = arith.constant 64 : index
        %parallel_loop3A_951 = tpu.vector_load %arg10[%parallel_loop3A_949, %parallel_loop3A_950] {strides = array<i32>} : memref<128x128xf32, #tpu.memory_space<vmem>>, vector<1x16xf32>,
        %parallel_loop3A_952 = vector.shape_cast %parallel_loop3A_951 : vector<1x16xf32> to vector<16xf32>
        %parallel_loop3A_953 = vector.broadcast %parallel_loop3A_902 : f32 to vector<16xf32>
        %parallel_loop3A_954 = arith.mulf %parallel_loop3A_952, %parallel_loop3A_953 : vector<16xf32>
        %parallel_loop3A_955 = arith.index_cast %parallel_loop3A_904 : i32 to index
        %parallel_loop3A_956 = arith.constant 64 : index
        %parallel_loop3A_957 = tpu.vector_load %arg10[%parallel_loop3A_955, %parallel_loop3A_956] {strides = array<i32>} : memref<128x128xf32, #tpu.memory_space<vmem>>, vector<1x16xf32>,
        %parallel_loop3A_958 = vector.shape_cast %parallel_loop3A_957 : vector<1x16xf32> to vector<16xf32>
        %parallel_loop3A_959 = vector.shape_cast %parallel_loop3A_954 : vector<16xf32> to vector<1x16xf32>
        tpu.vector_store %arg10[%parallel_loop3A_955, %parallel_loop3A_956], %parallel_loop3A_959 {strides = array<i32>} : memref<128x128xf32, #tpu.memory_space<vmem>>, vector<1x16xf32>,
        %parallel_loop3A_960 = arith.index_cast %parallel_loop3A_904 : i32 to index
        %parallel_loop3A_961 = arith.constant 80 : index
        %parallel_loop3A_962 = tpu.vector_load %arg10[%parallel_loop3A_960, %parallel_loop3A_961] {strides = array<i32>} : memref<128x128xf32, #tpu.memory_space<vmem>>, vector<1x16xf32>,
        %parallel_loop3A_963 = vector.shape_cast %parallel_loop3A_962 : vector<1x16xf32> to vector<16xf32>
        %parallel_loop3A_964 = vector.broadcast %parallel_loop3A_902 : f32 to vector<16xf32>
        %parallel_loop3A_965 = arith.mulf %parallel_loop3A_963, %parallel_loop3A_964 : vector<16xf32>
        %parallel_loop3A_966 = arith.index_cast %parallel_loop3A_904 : i32 to index
        %parallel_loop3A_967 = arith.constant 80 : index
        %parallel_loop3A_968 = tpu.vector_load %arg10[%parallel_loop3A_966, %parallel_loop3A_967] {strides = array<i32>} : memref<128x128xf32, #tpu.memory_space<vmem>>, vector<1x16xf32>,
        %parallel_loop3A_969 = vector.shape_cast %parallel_loop3A_968 : vector<1x16xf32> to vector<16xf32>
        %parallel_loop3A_970 = vector.shape_cast %parallel_loop3A_965 : vector<16xf32> to vector<1x16xf32>
        tpu.vector_store %arg10[%parallel_loop3A_966, %parallel_loop3A_967], %parallel_loop3A_970 {strides = array<i32>} : memref<128x128xf32, #tpu.memory_space<vmem>>, vector<1x16xf32>,
        %parallel_loop3A_971 = arith.index_cast %parallel_loop3A_904 : i32 to index
        %parallel_loop3A_972 = arith.constant 96 : index
        %parallel_loop3A_973 = tpu.vector_load %arg10[%parallel_loop3A_971, %parallel_loop3A_972] {strides = array<i32>} : memref<128x128xf32, #tpu.memory_space<vmem>>, vector<1x16xf32>,
        %parallel_loop3A_974 = vector.shape_cast %parallel_loop3A_973 : vector<1x16xf32> to vector<16xf32>
        %parallel_loop3A_975 = vector.broadcast %parallel_loop3A_902 : f32 to vector<16xf32>
        %parallel_loop3A_976 = arith.mulf %parallel_loop3A_974, %parallel_loop3A_975 : vector<16xf32>
        %parallel_loop3A_977 = arith.index_cast %parallel_loop3A_904 : i32 to index
        %parallel_loop3A_978 = arith.constant 96 : index
        %parallel_loop3A_979 = tpu.vector_load %arg10[%parallel_loop3A_977, %parallel_loop3A_978] {strides = array<i32>} : memref<128x128xf32, #tpu.memory_space<vmem>>, vector<1x16xf32>,
        %parallel_loop3A_980 = vector.shape_cast %parallel_loop3A_979 : vector<1x16xf32> to vector<16xf32>
        %parallel_loop3A_981 = vector.shape_cast %parallel_loop3A_976 : vector<16xf32> to vector<1x16xf32>
        tpu.vector_store %arg10[%parallel_loop3A_977, %parallel_loop3A_978], %parallel_loop3A_981 {strides = array<i32>} : memref<128x128xf32, #tpu.memory_space<vmem>>, vector<1x16xf32>,
        %parallel_loop3A_982 = arith.index_cast %parallel_loop3A_904 : i32 to index
        %parallel_loop3A_983 = arith.constant 112 : index
        %parallel_loop3A_984 = tpu.vector_load %arg10[%parallel_loop3A_982, %parallel_loop3A_983] {strides = array<i32>} : memref<128x128xf32, #tpu.memory_space<vmem>>, vector<1x16xf32>,
        %parallel_loop3A_985 = vector.shape_cast %parallel_loop3A_984 : vector<1x16xf32> to vector<16xf32>
        %parallel_loop3A_986 = vector.broadcast %parallel_loop3A_902 : f32 to vector<16xf32>
        %parallel_loop3A_987 = arith.mulf %parallel_loop3A_985, %parallel_loop3A_986 : vector<16xf32>
        %parallel_loop3A_988 = arith.index_cast %parallel_loop3A_904 : i32 to index
        %parallel_loop3A_989 = arith.constant 112 : index
        %parallel_loop3A_990 = tpu.vector_load %arg10[%parallel_loop3A_988, %parallel_loop3A_989] {strides = array<i32>} : memref<128x128xf32, #tpu.memory_space<vmem>>, vector<1x16xf32>,
        %parallel_loop3A_991 = vector.shape_cast %parallel_loop3A_990 : vector<1x16xf32> to vector<16xf32>
        %parallel_loop3A_992 = vector.shape_cast %parallel_loop3A_987 : vector<16xf32> to vector<1x16xf32>
        tpu.vector_store %arg10[%parallel_loop3A_988, %parallel_loop3A_989], %parallel_loop3A_992 {strides = array<i32>} : memref<128x128xf32, #tpu.memory_space<vmem>>, vector<1x16xf32>,
        %parallel_loop3A_993 = vector.extract_strided_slice %parallel_loop3A_256 {offsets = [8], sizes = [1], strides = [1]} : vector<16xf32> to vector<1xf32>
        %parallel_loop3A_994 = vector.extract %parallel_loop3A_993[0] : f32 from vector<1xf32>
        %parallel_loop3A_995 = arith.constant 8 : i32
        %parallel_loop3A_996 = arith.addi %parallel_loop3A_251, %parallel_loop3A_995 : i32
        %parallel_loop3A_997 = arith.index_cast %parallel_loop3A_996 : i32 to index
        %parallel_loop3A_998 = arith.constant 0 : index
        %parallel_loop3A_999 = tpu.vector_load %arg10[%parallel_loop3A_997, %parallel_loop3A_998] {strides = array<i32>} : memref<128x128xf32, #tpu.memory_space<vmem>>, vector<1x16xf32>,
        %parallel_loop3A_1000 = vector.shape_cast %parallel_loop3A_999 : vector<1x16xf32> to vector<16xf32>
        %parallel_loop3A_1001 = vector.broadcast %parallel_loop3A_994 : f32 to vector<16xf32>
        %parallel_loop3A_1002 = arith.mulf %parallel_loop3A_1000, %parallel_loop3A_1001 : vector<16xf32>
        %parallel_loop3A_1003 = arith.index_cast %parallel_loop3A_996 : i32 to index
        %parallel_loop3A_1004 = arith.constant 0 : index
        %parallel_loop3A_1005 = tpu.vector_load %arg10[%parallel_loop3A_1003, %parallel_loop3A_1004] {strides = array<i32>} : memref<128x128xf32, #tpu.memory_space<vmem>>, vector<1x16xf32>,
        %parallel_loop3A_1006 = vector.shape_cast %parallel_loop3A_1005 : vector<1x16xf32> to vector<16xf32>
        %parallel_loop3A_1007 = vector.shape_cast %parallel_loop3A_1002 : vector<16xf32> to vector<1x16xf32>
        tpu.vector_store %arg10[%parallel_loop3A_1003, %parallel_loop3A_1004], %parallel_loop3A_1007 {strides = array<i32>} : memref<128x128xf32, #tpu.memory_space<vmem>>, vector<1x16xf32>,
        %parallel_loop3A_1008 = arith.index_cast %parallel_loop3A_996 : i32 to index
        %parallel_loop3A_1009 = arith.constant 16 : index
        %parallel_loop3A_1010 = tpu.vector_load %arg10[%parallel_loop3A_1008, %parallel_loop3A_1009] {strides = array<i32>} : memref<128x128xf32, #tpu.memory_space<vmem>>, vector<1x16xf32>,
        %parallel_loop3A_1011 = vector.shape_cast %parallel_loop3A_1010 : vector<1x16xf32> to vector<16xf32>
        %parallel_loop3A_1012 = vector.broadcast %parallel_loop3A_994 : f32 to vector<16xf32>
        %parallel_loop3A_1013 = arith.mulf %parallel_loop3A_1011, %parallel_loop3A_1012 : vector<16xf32>
        %parallel_loop3A_1014 = arith.index_cast %parallel_loop3A_996 : i32 to index
        %parallel_loop3A_1015 = arith.constant 16 : index
        %parallel_loop3A_1016 = tpu.vector_load %arg10[%parallel_loop3A_1014, %parallel_loop3A_1015] {strides = array<i32>} : memref<128x128xf32, #tpu.memory_space<vmem>>, vector<1x16xf32>,
        %parallel_loop3A_1017 = vector.shape_cast %parallel_loop3A_1016 : vector<1x16xf32> to vector<16xf32>
        %parallel_loop3A_1018 = vector.shape_cast %parallel_loop3A_1013 : vector<16xf32> to vector<1x16xf32>
        tpu.vector_store %arg10[%parallel_loop3A_1014, %parallel_loop3A_1015], %parallel_loop3A_1018 {strides = array<i32>} : memref<128x128xf32, #tpu.memory_space<vmem>>, vector<1x16xf32>,
        %parallel_loop3A_1019 = arith.index_cast %parallel_loop3A_996 : i32 to index
        %parallel_loop3A_1020 = arith.constant 32 : index
        %parallel_loop3A_1021 = tpu.vector_load %arg10[%parallel_loop3A_1019, %parallel_loop3A_1020] {strides = array<i32>} : memref<128x128xf32, #tpu.memory_space<vmem>>, vector<1x16xf32>,
        %parallel_loop3A_1022 = vector.shape_cast %parallel_loop3A_1021 : vector<1x16xf32> to vector<16xf32>
        %parallel_loop3A_1023 = vector.broadcast %parallel_loop3A_994 : f32 to vector<16xf32>
        %parallel_loop3A_1024 = arith.mulf %parallel_loop3A_1022, %parallel_loop3A_1023 : vector<16xf32>
        %parallel_loop3A_1025 = arith.index_cast %parallel_loop3A_996 : i32 to index
        %parallel_loop3A_1026 = arith.constant 32 : index
        %parallel_loop3A_1027 = tpu.vector_load %arg10[%parallel_loop3A_1025, %parallel_loop3A_1026] {strides = array<i32>} : memref<128x128xf32, #tpu.memory_space<vmem>>, vector<1x16xf32>,
        %parallel_loop3A_1028 = vector.shape_cast %parallel_loop3A_1027 : vector<1x16xf32> to vector<16xf32>
        %parallel_loop3A_1029 = vector.shape_cast %parallel_loop3A_1024 : vector<16xf32> to vector<1x16xf32>
        tpu.vector_store %arg10[%parallel_loop3A_1025, %parallel_loop3A_1026], %parallel_loop3A_1029 {strides = array<i32>} : memref<128x128xf32, #tpu.memory_space<vmem>>, vector<1x16xf32>,
        %parallel_loop3A_1030 = arith.index_cast %parallel_loop3A_996 : i32 to index
        %parallel_loop3A_1031 = arith.constant 48 : index
        %parallel_loop3A_1032 = tpu.vector_load %arg10[%parallel_loop3A_1030, %parallel_loop3A_1031] {strides = array<i32>} : memref<128x128xf32, #tpu.memory_space<vmem>>, vector<1x16xf32>,
        %parallel_loop3A_1033 = vector.shape_cast %parallel_loop3A_1032 : vector<1x16xf32> to vector<16xf32>
        %parallel_loop3A_1034 = vector.broadcast %parallel_loop3A_994 : f32 to vector<16xf32>
        %parallel_loop3A_1035 = arith.mulf %parallel_loop3A_1033, %parallel_loop3A_1034 : vector<16xf32>
        %parallel_loop3A_1036 = arith.index_cast %parallel_loop3A_996 : i32 to index
        %parallel_loop3A_1037 = arith.constant 48 : index
        %parallel_loop3A_1038 = tpu.vector_load %arg10[%parallel_loop3A_1036, %parallel_loop3A_1037] {strides = array<i32>} : memref<128x128xf32, #tpu.memory_space<vmem>>, vector<1x16xf32>,
        %parallel_loop3A_1039 = vector.shape_cast %parallel_loop3A_1038 : vector<1x16xf32> to vector<16xf32>
        %parallel_loop3A_1040 = vector.shape_cast %parallel_loop3A_1035 : vector<16xf32> to vector<1x16xf32>
        tpu.vector_store %arg10[%parallel_loop3A_1036, %parallel_loop3A_1037], %parallel_loop3A_1040 {strides = array<i32>} : memref<128x128xf32, #tpu.memory_space<vmem>>, vector<1x16xf32>,
        %parallel_loop3A_1041 = arith.index_cast %parallel_loop3A_996 : i32 to index
        %parallel_loop3A_1042 = arith.constant 64 : index
        %parallel_loop3A_1043 = tpu.vector_load %arg10[%parallel_loop3A_1041, %parallel_loop3A_1042] {strides = array<i32>} : memref<128x128xf32, #tpu.memory_space<vmem>>, vector<1x16xf32>,
        %parallel_loop3A_1044 = vector.shape_cast %parallel_loop3A_1043 : vector<1x16xf32> to vector<16xf32>
        %parallel_loop3A_1045 = vector.broadcast %parallel_loop3A_994 : f32 to vector<16xf32>
        %parallel_loop3A_1046 = arith.mulf %parallel_loop3A_1044, %parallel_loop3A_1045 : vector<16xf32>
        %parallel_loop3A_1047 = arith.index_cast %parallel_loop3A_996 : i32 to index
        %parallel_loop3A_1048 = arith.constant 64 : index
        %parallel_loop3A_1049 = tpu.vector_load %arg10[%parallel_loop3A_1047, %parallel_loop3A_1048] {strides = array<i32>} : memref<128x128xf32, #tpu.memory_space<vmem>>, vector<1x16xf32>,
        %parallel_loop3A_1050 = vector.shape_cast %parallel_loop3A_1049 : vector<1x16xf32> to vector<16xf32>
        %parallel_loop3A_1051 = vector.shape_cast %parallel_loop3A_1046 : vector<16xf32> to vector<1x16xf32>
        tpu.vector_store %arg10[%parallel_loop3A_1047, %parallel_loop3A_1048], %parallel_loop3A_1051 {strides = array<i32>} : memref<128x128xf32, #tpu.memory_space<vmem>>, vector<1x16xf32>,
        %parallel_loop3A_1052 = arith.index_cast %parallel_loop3A_996 : i32 to index
        %parallel_loop3A_1053 = arith.constant 80 : index
        %parallel_loop3A_1054 = tpu.vector_load %arg10[%parallel_loop3A_1052, %parallel_loop3A_1053] {strides = array<i32>} : memref<128x128xf32, #tpu.memory_space<vmem>>, vector<1x16xf32>,
        %parallel_loop3A_1055 = vector.shape_cast %parallel_loop3A_1054 : vector<1x16xf32> to vector<16xf32>
        %parallel_loop3A_1056 = vector.broadcast %parallel_loop3A_994 : f32 to vector<16xf32>
        %parallel_loop3A_1057 = arith.mulf %parallel_loop3A_1055, %parallel_loop3A_1056 : vector<16xf32>
        %parallel_loop3A_1058 = arith.index_cast %parallel_loop3A_996 : i32 to index
        %parallel_loop3A_1059 = arith.constant 80 : index
        %parallel_loop3A_1060 = tpu.vector_load %arg10[%parallel_loop3A_1058, %parallel_loop3A_1059] {strides = array<i32>} : memref<128x128xf32, #tpu.memory_space<vmem>>, vector<1x16xf32>,
        %parallel_loop3A_1061 = vector.shape_cast %parallel_loop3A_1060 : vector<1x16xf32> to vector<16xf32>
        %parallel_loop3A_1062 = vector.shape_cast %parallel_loop3A_1057 : vector<16xf32> to vector<1x16xf32>
        tpu.vector_store %arg10[%parallel_loop3A_1058, %parallel_loop3A_1059], %parallel_loop3A_1062 {strides = array<i32>} : memref<128x128xf32, #tpu.memory_space<vmem>>, vector<1x16xf32>,
        %parallel_loop3A_1063 = arith.index_cast %parallel_loop3A_996 : i32 to index
        %parallel_loop3A_1064 = arith.constant 96 : index
        %parallel_loop3A_1065 = tpu.vector_load %arg10[%parallel_loop3A_1063, %parallel_loop3A_1064] {strides = array<i32>} : memref<128x128xf32, #tpu.memory_space<vmem>>, vector<1x16xf32>,
        %parallel_loop3A_1066 = vector.shape_cast %parallel_loop3A_1065 : vector<1x16xf32> to vector<16xf32>
        %parallel_loop3A_1067 = vector.broadcast %parallel_loop3A_994 : f32 to vector<16xf32>
        %parallel_loop3A_1068 = arith.mulf %parallel_loop3A_1066, %parallel_loop3A_1067 : vector<16xf32>
        %parallel_loop3A_1069 = arith.index_cast %parallel_loop3A_996 : i32 to index
        %parallel_loop3A_1070 = arith.constant 96 : index
        %parallel_loop3A_1071 = tpu.vector_load %arg10[%parallel_loop3A_1069, %parallel_loop3A_1070] {strides = array<i32>} : memref<128x128xf32, #tpu.memory_space<vmem>>, vector<1x16xf32>,
        %parallel_loop3A_1072 = vector.shape_cast %parallel_loop3A_1071 : vector<1x16xf32> to vector<16xf32>
        %parallel_loop3A_1073 = vector.shape_cast %parallel_loop3A_1068 : vector<16xf32> to vector<1x16xf32>
        tpu.vector_store %arg10[%parallel_loop3A_1069, %parallel_loop3A_1070], %parallel_loop3A_1073 {strides = array<i32>} : memref<128x128xf32, #tpu.memory_space<vmem>>, vector<1x16xf32>,
        %parallel_loop3A_1074 = arith.index_cast %parallel_loop3A_996 : i32 to index
        %parallel_loop3A_1075 = arith.constant 112 : index
        %parallel_loop3A_1076 = tpu.vector_load %arg10[%parallel_loop3A_1074, %parallel_loop3A_1075] {strides = array<i32>} : memref<128x128xf32, #tpu.memory_space<vmem>>, vector<1x16xf32>,
        %parallel_loop3A_1077 = vector.shape_cast %parallel_loop3A_1076 : vector<1x16xf32> to vector<16xf32>
        %parallel_loop3A_1078 = vector.broadcast %parallel_loop3A_994 : f32 to vector<16xf32>
        %parallel_loop3A_1079 = arith.mulf %parallel_loop3A_1077, %parallel_loop3A_1078 : vector<16xf32>
        %parallel_loop3A_1080 = arith.index_cast %parallel_loop3A_996 : i32 to index
        %parallel_loop3A_1081 = arith.constant 112 : index
        %parallel_loop3A_1082 = tpu.vector_load %arg10[%parallel_loop3A_1080, %parallel_loop3A_1081] {strides = array<i32>} : memref<128x128xf32, #tpu.memory_space<vmem>>, vector<1x16xf32>,
        %parallel_loop3A_1083 = vector.shape_cast %parallel_loop3A_1082 : vector<1x16xf32> to vector<16xf32>
        %parallel_loop3A_1084 = vector.shape_cast %parallel_loop3A_1079 : vector<16xf32> to vector<1x16xf32>
        tpu.vector_store %arg10[%parallel_loop3A_1080, %parallel_loop3A_1081], %parallel_loop3A_1084 {strides = array<i32>} : memref<128x128xf32, #tpu.memory_space<vmem>>, vector<1x16xf32>,
        %parallel_loop3A_1085 = vector.extract_strided_slice %parallel_loop3A_256 {offsets = [9], sizes = [1], strides = [1]} : vector<16xf32> to vector<1xf32>
        %parallel_loop3A_1086 = vector.extract %parallel_loop3A_1085[0] : f32 from vector<1xf32>
        %parallel_loop3A_1087 = arith.constant 9 : i32
        %parallel_loop3A_1088 = arith.addi %parallel_loop3A_251, %parallel_loop3A_1087 : i32
        %parallel_loop3A_1089 = arith.index_cast %parallel_loop3A_1088 : i32 to index
        %parallel_loop3A_1090 = arith.constant 0 : index
        %parallel_loop3A_1091 = tpu.vector_load %arg10[%parallel_loop3A_1089, %parallel_loop3A_1090] {strides = array<i32>} : memref<128x128xf32, #tpu.memory_space<vmem>>, vector<1x16xf32>,
        %parallel_loop3A_1092 = vector.shape_cast %parallel_loop3A_1091 : vector<1x16xf32> to vector<16xf32>
        %parallel_loop3A_1093 = vector.broadcast %parallel_loop3A_1086 : f32 to vector<16xf32>
        %parallel_loop3A_1094 = arith.mulf %parallel_loop3A_1092, %parallel_loop3A_1093 : vector<16xf32>
        %parallel_loop3A_1095 = arith.index_cast %parallel_loop3A_1088 : i32 to index
        %parallel_loop3A_1096 = arith.constant 0 : index
        %parallel_loop3A_1097 = tpu.vector_load %arg10[%parallel_loop3A_1095, %parallel_loop3A_1096] {strides = array<i32>} : memref<128x128xf32, #tpu.memory_space<vmem>>, vector<1x16xf32>,
        %parallel_loop3A_1098 = vector.shape_cast %parallel_loop3A_1097 : vector<1x16xf32> to vector<16xf32>
        %parallel_loop3A_1099 = vector.shape_cast %parallel_loop3A_1094 : vector<16xf32> to vector<1x16xf32>
        tpu.vector_store %arg10[%parallel_loop3A_1095, %parallel_loop3A_1096], %parallel_loop3A_1099 {strides = array<i32>} : memref<128x128xf32, #tpu.memory_space<vmem>>, vector<1x16xf32>,
        %parallel_loop3A_1100 = arith.index_cast %parallel_loop3A_1088 : i32 to index
        %parallel_loop3A_1101 = arith.constant 16 : index
        %parallel_loop3A_1102 = tpu.vector_load %arg10[%parallel_loop3A_1100, %parallel_loop3A_1101] {strides = array<i32>} : memref<128x128xf32, #tpu.memory_space<vmem>>, vector<1x16xf32>,
        %parallel_loop3A_1103 = vector.shape_cast %parallel_loop3A_1102 : vector<1x16xf32> to vector<16xf32>
        %parallel_loop3A_1104 = vector.broadcast %parallel_loop3A_1086 : f32 to vector<16xf32>
        %parallel_loop3A_1105 = arith.mulf %parallel_loop3A_1103, %parallel_loop3A_1104 : vector<16xf32>
        %parallel_loop3A_1106 = arith.index_cast %parallel_loop3A_1088 : i32 to index
        %parallel_loop3A_1107 = arith.constant 16 : index
        %parallel_loop3A_1108 = tpu.vector_load %arg10[%parallel_loop3A_1106, %parallel_loop3A_1107] {strides = array<i32>} : memref<128x128xf32, #tpu.memory_space<vmem>>, vector<1x16xf32>,
        %parallel_loop3A_1109 = vector.shape_cast %parallel_loop3A_1108 : vector<1x16xf32> to vector<16xf32>
        %parallel_loop3A_1110 = vector.shape_cast %parallel_loop3A_1105 : vector<16xf32> to vector<1x16xf32>
        tpu.vector_store %arg10[%parallel_loop3A_1106, %parallel_loop3A_1107], %parallel_loop3A_1110 {strides = array<i32>} : memref<128x128xf32, #tpu.memory_space<vmem>>, vector<1x16xf32>,
        %parallel_loop3A_1111 = arith.index_cast %parallel_loop3A_1088 : i32 to index
        %parallel_loop3A_1112 = arith.constant 32 : index
        %parallel_loop3A_1113 = tpu.vector_load %arg10[%parallel_loop3A_1111, %parallel_loop3A_1112] {strides = array<i32>} : memref<128x128xf32, #tpu.memory_space<vmem>>, vector<1x16xf32>,
        %parallel_loop3A_1114 = vector.shape_cast %parallel_loop3A_1113 : vector<1x16xf32> to vector<16xf32>
        %parallel_loop3A_1115 = vector.broadcast %parallel_loop3A_1086 : f32 to vector<16xf32>
        %parallel_loop3A_1116 = arith.mulf %parallel_loop3A_1114, %parallel_loop3A_1115 : vector<16xf32>
        %parallel_loop3A_1117 = arith.index_cast %parallel_loop3A_1088 : i32 to index
        %parallel_loop3A_1118 = arith.constant 32 : index
        %parallel_loop3A_1119 = tpu.vector_load %arg10[%parallel_loop3A_1117, %parallel_loop3A_1118] {strides = array<i32>} : memref<128x128xf32, #tpu.memory_space<vmem>>, vector<1x16xf32>,
        %parallel_loop3A_1120 = vector.shape_cast %parallel_loop3A_1119 : vector<1x16xf32> to vector<16xf32>
        %parallel_loop3A_1121 = vector.shape_cast %parallel_loop3A_1116 : vector<16xf32> to vector<1x16xf32>
        tpu.vector_store %arg10[%parallel_loop3A_1117, %parallel_loop3A_1118], %parallel_loop3A_1121 {strides = array<i32>} : memref<128x128xf32, #tpu.memory_space<vmem>>, vector<1x16xf32>,
        %parallel_loop3A_1122 = arith.index_cast %parallel_loop3A_1088 : i32 to index
        %parallel_loop3A_1123 = arith.constant 48 : index
        %parallel_loop3A_1124 = tpu.vector_load %arg10[%parallel_loop3A_1122, %parallel_loop3A_1123] {strides = array<i32>} : memref<128x128xf32, #tpu.memory_space<vmem>>, vector<1x16xf32>,
        %parallel_loop3A_1125 = vector.shape_cast %parallel_loop3A_1124 : vector<1x16xf32> to vector<16xf32>
        %parallel_loop3A_1126 = vector.broadcast %parallel_loop3A_1086 : f32 to vector<16xf32>
        %parallel_loop3A_1127 = arith.mulf %parallel_loop3A_1125, %parallel_loop3A_1126 : vector<16xf32>
        %parallel_loop3A_1128 = arith.index_cast %parallel_loop3A_1088 : i32 to index
        %parallel_loop3A_1129 = arith.constant 48 : index
        %parallel_loop3A_1130 = tpu.vector_load %arg10[%parallel_loop3A_1128, %parallel_loop3A_1129] {strides = array<i32>} : memref<128x128xf32, #tpu.memory_space<vmem>>, vector<1x16xf32>,
        %parallel_loop3A_1131 = vector.shape_cast %parallel_loop3A_1130 : vector<1x16xf32> to vector<16xf32>
        %parallel_loop3A_1132 = vector.shape_cast %parallel_loop3A_1127 : vector<16xf32> to vector<1x16xf32>
        tpu.vector_store %arg10[%parallel_loop3A_1128, %parallel_loop3A_1129], %parallel_loop3A_1132 {strides = array<i32>} : memref<128x128xf32, #tpu.memory_space<vmem>>, vector<1x16xf32>,
        %parallel_loop3A_1133 = arith.index_cast %parallel_loop3A_1088 : i32 to index
        %parallel_loop3A_1134 = arith.constant 64 : index
        %parallel_loop3A_1135 = tpu.vector_load %arg10[%parallel_loop3A_1133, %parallel_loop3A_1134] {strides = array<i32>} : memref<128x128xf32, #tpu.memory_space<vmem>>, vector<1x16xf32>,
        %parallel_loop3A_1136 = vector.shape_cast %parallel_loop3A_1135 : vector<1x16xf32> to vector<16xf32>
        %parallel_loop3A_1137 = vector.broadcast %parallel_loop3A_1086 : f32 to vector<16xf32>
        %parallel_loop3A_1138 = arith.mulf %parallel_loop3A_1136, %parallel_loop3A_1137 : vector<16xf32>
        %parallel_loop3A_1139 = arith.index_cast %parallel_loop3A_1088 : i32 to index
        %parallel_loop3A_1140 = arith.constant 64 : index
        %parallel_loop3A_1141 = tpu.vector_load %arg10[%parallel_loop3A_1139, %parallel_loop3A_1140] {strides = array<i32>} : memref<128x128xf32, #tpu.memory_space<vmem>>, vector<1x16xf32>,
        %parallel_loop3A_1142 = vector.shape_cast %parallel_loop3A_1141 : vector<1x16xf32> to vector<16xf32>
        %parallel_loop3A_1143 = vector.shape_cast %parallel_loop3A_1138 : vector<16xf32> to vector<1x16xf32>
        tpu.vector_store %arg10[%parallel_loop3A_1139, %parallel_loop3A_1140], %parallel_loop3A_1143 {strides = array<i32>} : memref<128x128xf32, #tpu.memory_space<vmem>>, vector<1x16xf32>,
        %parallel_loop3A_1144 = arith.index_cast %parallel_loop3A_1088 : i32 to index
        %parallel_loop3A_1145 = arith.constant 80 : index
        %parallel_loop3A_1146 = tpu.vector_load %arg10[%parallel_loop3A_1144, %parallel_loop3A_1145] {strides = array<i32>} : memref<128x128xf32, #tpu.memory_space<vmem>>, vector<1x16xf32>,
        %parallel_loop3A_1147 = vector.shape_cast %parallel_loop3A_1146 : vector<1x16xf32> to vector<16xf32>
        %parallel_loop3A_1148 = vector.broadcast %parallel_loop3A_1086 : f32 to vector<16xf32>
        %parallel_loop3A_1149 = arith.mulf %parallel_loop3A_1147, %parallel_loop3A_1148 : vector<16xf32>
        %parallel_loop3A_1150 = arith.index_cast %parallel_loop3A_1088 : i32 to index
        %parallel_loop3A_1151 = arith.constant 80 : index
        %parallel_loop3A_1152 = tpu.vector_load %arg10[%parallel_loop3A_1150, %parallel_loop3A_1151] {strides = array<i32>} : memref<128x128xf32, #tpu.memory_space<vmem>>, vector<1x16xf32>,
        %parallel_loop3A_1153 = vector.shape_cast %parallel_loop3A_1152 : vector<1x16xf32> to vector<16xf32>
        %parallel_loop3A_1154 = vector.shape_cast %parallel_loop3A_1149 : vector<16xf32> to vector<1x16xf32>
        tpu.vector_store %arg10[%parallel_loop3A_1150, %parallel_loop3A_1151], %parallel_loop3A_1154 {strides = array<i32>} : memref<128x128xf32, #tpu.memory_space<vmem>>, vector<1x16xf32>,
        %parallel_loop3A_1155 = arith.index_cast %parallel_loop3A_1088 : i32 to index
        %parallel_loop3A_1156 = arith.constant 96 : index
        %parallel_loop3A_1157 = tpu.vector_load %arg10[%parallel_loop3A_1155, %parallel_loop3A_1156] {strides = array<i32>} : memref<128x128xf32, #tpu.memory_space<vmem>>, vector<1x16xf32>,
        %parallel_loop3A_1158 = vector.shape_cast %parallel_loop3A_1157 : vector<1x16xf32> to vector<16xf32>
        %parallel_loop3A_1159 = vector.broadcast %parallel_loop3A_1086 : f32 to vector<16xf32>
        %parallel_loop3A_1160 = arith.mulf %parallel_loop3A_1158, %parallel_loop3A_1159 : vector<16xf32>
        %parallel_loop3A_1161 = arith.index_cast %parallel_loop3A_1088 : i32 to index
        %parallel_loop3A_1162 = arith.constant 96 : index
        %parallel_loop3A_1163 = tpu.vector_load %arg10[%parallel_loop3A_1161, %parallel_loop3A_1162] {strides = array<i32>} : memref<128x128xf32, #tpu.memory_space<vmem>>, vector<1x16xf32>,
        %parallel_loop3A_1164 = vector.shape_cast %parallel_loop3A_1163 : vector<1x16xf32> to vector<16xf32>
        %parallel_loop3A_1165 = vector.shape_cast %parallel_loop3A_1160 : vector<16xf32> to vector<1x16xf32>
        tpu.vector_store %arg10[%parallel_loop3A_1161, %parallel_loop3A_1162], %parallel_loop3A_1165 {strides = array<i32>} : memref<128x128xf32, #tpu.memory_space<vmem>>, vector<1x16xf32>,
        %parallel_loop3A_1166 = arith.index_cast %parallel_loop3A_1088 : i32 to index
        %parallel_loop3A_1167 = arith.constant 112 : index
        %parallel_loop3A_1168 = tpu.vector_load %arg10[%parallel_loop3A_1166, %parallel_loop3A_1167] {strides = array<i32>} : memref<128x128xf32, #tpu.memory_space<vmem>>, vector<1x16xf32>,
        %parallel_loop3A_1169 = vector.shape_cast %parallel_loop3A_1168 : vector<1x16xf32> to vector<16xf32>
        %parallel_loop3A_1170 = vector.broadcast %parallel_loop3A_1086 : f32 to vector<16xf32>
        %parallel_loop3A_1171 = arith.mulf %parallel_loop3A_1169, %parallel_loop3A_1170 : vector<16xf32>
        %parallel_loop3A_1172 = arith.index_cast %parallel_loop3A_1088 : i32 to index
        %parallel_loop3A_1173 = arith.constant 112 : index
        %parallel_loop3A_1174 = tpu.vector_load %arg10[%parallel_loop3A_1172, %parallel_loop3A_1173] {strides = array<i32>} : memref<128x128xf32, #tpu.memory_space<vmem>>, vector<1x16xf32>,
        %parallel_loop3A_1175 = vector.shape_cast %parallel_loop3A_1174 : vector<1x16xf32> to vector<16xf32>
        %parallel_loop3A_1176 = vector.shape_cast %parallel_loop3A_1171 : vector<16xf32> to vector<1x16xf32>
        tpu.vector_store %arg10[%parallel_loop3A_1172, %parallel_loop3A_1173], %parallel_loop3A_1176 {strides = array<i32>} : memref<128x128xf32, #tpu.memory_space<vmem>>, vector<1x16xf32>,
        %parallel_loop3A_1177 = vector.extract_strided_slice %parallel_loop3A_256 {offsets = [10], sizes = [1], strides = [1]} : vector<16xf32> to vector<1xf32>
        %parallel_loop3A_1178 = vector.extract %parallel_loop3A_1177[0] : f32 from vector<1xf32>
        %parallel_loop3A_1179 = arith.constant 10 : i32
        %parallel_loop3A_1180 = arith.addi %parallel_loop3A_251, %parallel_loop3A_1179 : i32
        %parallel_loop3A_1181 = arith.index_cast %parallel_loop3A_1180 : i32 to index
        %parallel_loop3A_1182 = arith.constant 0 : index
        %parallel_loop3A_1183 = tpu.vector_load %arg10[%parallel_loop3A_1181, %parallel_loop3A_1182] {strides = array<i32>} : memref<128x128xf32, #tpu.memory_space<vmem>>, vector<1x16xf32>,
        %parallel_loop3A_1184 = vector.shape_cast %parallel_loop3A_1183 : vector<1x16xf32> to vector<16xf32>
        %parallel_loop3A_1185 = vector.broadcast %parallel_loop3A_1178 : f32 to vector<16xf32>
        %parallel_loop3A_1186 = arith.mulf %parallel_loop3A_1184, %parallel_loop3A_1185 : vector<16xf32>
        %parallel_loop3A_1187 = arith.index_cast %parallel_loop3A_1180 : i32 to index
        %parallel_loop3A_1188 = arith.constant 0 : index
        %parallel_loop3A_1189 = tpu.vector_load %arg10[%parallel_loop3A_1187, %parallel_loop3A_1188] {strides = array<i32>} : memref<128x128xf32, #tpu.memory_space<vmem>>, vector<1x16xf32>,
        %parallel_loop3A_1190 = vector.shape_cast %parallel_loop3A_1189 : vector<1x16xf32> to vector<16xf32>
        %parallel_loop3A_1191 = vector.shape_cast %parallel_loop3A_1186 : vector<16xf32> to vector<1x16xf32>
        tpu.vector_store %arg10[%parallel_loop3A_1187, %parallel_loop3A_1188], %parallel_loop3A_1191 {strides = array<i32>} : memref<128x128xf32, #tpu.memory_space<vmem>>, vector<1x16xf32>,
        %parallel_loop3A_1192 = arith.index_cast %parallel_loop3A_1180 : i32 to index
        %parallel_loop3A_1193 = arith.constant 16 : index
        %parallel_loop3A_1194 = tpu.vector_load %arg10[%parallel_loop3A_1192, %parallel_loop3A_1193] {strides = array<i32>} : memref<128x128xf32, #tpu.memory_space<vmem>>, vector<1x16xf32>,
        %parallel_loop3A_1195 = vector.shape_cast %parallel_loop3A_1194 : vector<1x16xf32> to vector<16xf32>
        %parallel_loop3A_1196 = vector.broadcast %parallel_loop3A_1178 : f32 to vector<16xf32>
        %parallel_loop3A_1197 = arith.mulf %parallel_loop3A_1195, %parallel_loop3A_1196 : vector<16xf32>
        %parallel_loop3A_1198 = arith.index_cast %parallel_loop3A_1180 : i32 to index
        %parallel_loop3A_1199 = arith.constant 16 : index
        %parallel_loop3A_1200 = tpu.vector_load %arg10[%parallel_loop3A_1198, %parallel_loop3A_1199] {strides = array<i32>} : memref<128x128xf32, #tpu.memory_space<vmem>>, vector<1x16xf32>,
        %parallel_loop3A_1201 = vector.shape_cast %parallel_loop3A_1200 : vector<1x16xf32> to vector<16xf32>
        %parallel_loop3A_1202 = vector.shape_cast %parallel_loop3A_1197 : vector<16xf32> to vector<1x16xf32>
        tpu.vector_store %arg10[%parallel_loop3A_1198, %parallel_loop3A_1199], %parallel_loop3A_1202 {strides = array<i32>} : memref<128x128xf32, #tpu.memory_space<vmem>>, vector<1x16xf32>,
        %parallel_loop3A_1203 = arith.index_cast %parallel_loop3A_1180 : i32 to index
        %parallel_loop3A_1204 = arith.constant 32 : index
        %parallel_loop3A_1205 = tpu.vector_load %arg10[%parallel_loop3A_1203, %parallel_loop3A_1204] {strides = array<i32>} : memref<128x128xf32, #tpu.memory_space<vmem>>, vector<1x16xf32>,
        %parallel_loop3A_1206 = vector.shape_cast %parallel_loop3A_1205 : vector<1x16xf32> to vector<16xf32>
        %parallel_loop3A_1207 = vector.broadcast %parallel_loop3A_1178 : f32 to vector<16xf32>
        %parallel_loop3A_1208 = arith.mulf %parallel_loop3A_1206, %parallel_loop3A_1207 : vector<16xf32>
        %parallel_loop3A_1209 = arith.index_cast %parallel_loop3A_1180 : i32 to index
        %parallel_loop3A_1210 = arith.constant 32 : index
        %parallel_loop3A_1211 = tpu.vector_load %arg10[%parallel_loop3A_1209, %parallel_loop3A_1210] {strides = array<i32>} : memref<128x128xf32, #tpu.memory_space<vmem>>, vector<1x16xf32>,
        %parallel_loop3A_1212 = vector.shape_cast %parallel_loop3A_1211 : vector<1x16xf32> to vector<16xf32>
        %parallel_loop3A_1213 = vector.shape_cast %parallel_loop3A_1208 : vector<16xf32> to vector<1x16xf32>
        tpu.vector_store %arg10[%parallel_loop3A_1209, %parallel_loop3A_1210], %parallel_loop3A_1213 {strides = array<i32>} : memref<128x128xf32, #tpu.memory_space<vmem>>, vector<1x16xf32>,
        %parallel_loop3A_1214 = arith.index_cast %parallel_loop3A_1180 : i32 to index
        %parallel_loop3A_1215 = arith.constant 48 : index
        %parallel_loop3A_1216 = tpu.vector_load %arg10[%parallel_loop3A_1214, %parallel_loop3A_1215] {strides = array<i32>} : memref<128x128xf32, #tpu.memory_space<vmem>>, vector<1x16xf32>,
        %parallel_loop3A_1217 = vector.shape_cast %parallel_loop3A_1216 : vector<1x16xf32> to vector<16xf32>
        %parallel_loop3A_1218 = vector.broadcast %parallel_loop3A_1178 : f32 to vector<16xf32>
        %parallel_loop3A_1219 = arith.mulf %parallel_loop3A_1217, %parallel_loop3A_1218 : vector<16xf32>
        %parallel_loop3A_1220 = arith.index_cast %parallel_loop3A_1180 : i32 to index
        %parallel_loop3A_1221 = arith.constant 48 : index
        %parallel_loop3A_1222 = tpu.vector_load %arg10[%parallel_loop3A_1220, %parallel_loop3A_1221] {strides = array<i32>} : memref<128x128xf32, #tpu.memory_space<vmem>>, vector<1x16xf32>,
        %parallel_loop3A_1223 = vector.shape_cast %parallel_loop3A_1222 : vector<1x16xf32> to vector<16xf32>
        %parallel_loop3A_1224 = vector.shape_cast %parallel_loop3A_1219 : vector<16xf32> to vector<1x16xf32>
        tpu.vector_store %arg10[%parallel_loop3A_1220, %parallel_loop3A_1221], %parallel_loop3A_1224 {strides = array<i32>} : memref<128x128xf32, #tpu.memory_space<vmem>>, vector<1x16xf32>,
        %parallel_loop3A_1225 = arith.index_cast %parallel_loop3A_1180 : i32 to index
        %parallel_loop3A_1226 = arith.constant 64 : index
        %parallel_loop3A_1227 = tpu.vector_load %arg10[%parallel_loop3A_1225, %parallel_loop3A_1226] {strides = array<i32>} : memref<128x128xf32, #tpu.memory_space<vmem>>, vector<1x16xf32>,
        %parallel_loop3A_1228 = vector.shape_cast %parallel_loop3A_1227 : vector<1x16xf32> to vector<16xf32>
        %parallel_loop3A_1229 = vector.broadcast %parallel_loop3A_1178 : f32 to vector<16xf32>
        %parallel_loop3A_1230 = arith.mulf %parallel_loop3A_1228, %parallel_loop3A_1229 : vector<16xf32>
        %parallel_loop3A_1231 = arith.index_cast %parallel_loop3A_1180 : i32 to index
        %parallel_loop3A_1232 = arith.constant 64 : index
        %parallel_loop3A_1233 = tpu.vector_load %arg10[%parallel_loop3A_1231, %parallel_loop3A_1232] {strides = array<i32>} : memref<128x128xf32, #tpu.memory_space<vmem>>, vector<1x16xf32>,
        %parallel_loop3A_1234 = vector.shape_cast %parallel_loop3A_1233 : vector<1x16xf32> to vector<16xf32>
        %parallel_loop3A_1235 = vector.shape_cast %parallel_loop3A_1230 : vector<16xf32> to vector<1x16xf32>
        tpu.vector_store %arg10[%parallel_loop3A_1231, %parallel_loop3A_1232], %parallel_loop3A_1235 {strides = array<i32>} : memref<128x128xf32, #tpu.memory_space<vmem>>, vector<1x16xf32>,
        %parallel_loop3A_1236 = arith.index_cast %parallel_loop3A_1180 : i32 to index
        %parallel_loop3A_1237 = arith.constant 80 : index
        %parallel_loop3A_1238 = tpu.vector_load %arg10[%parallel_loop3A_1236, %parallel_loop3A_1237] {strides = array<i32>} : memref<128x128xf32, #tpu.memory_space<vmem>>, vector<1x16xf32>,
        %parallel_loop3A_1239 = vector.shape_cast %parallel_loop3A_1238 : vector<1x16xf32> to vector<16xf32>
        %parallel_loop3A_1240 = vector.broadcast %parallel_loop3A_1178 : f32 to vector<16xf32>
        %parallel_loop3A_1241 = arith.mulf %parallel_loop3A_1239, %parallel_loop3A_1240 : vector<16xf32>
        %parallel_loop3A_1242 = arith.index_cast %parallel_loop3A_1180 : i32 to index
        %parallel_loop3A_1243 = arith.constant 80 : index
        %parallel_loop3A_1244 = tpu.vector_load %arg10[%parallel_loop3A_1242, %parallel_loop3A_1243] {strides = array<i32>} : memref<128x128xf32, #tpu.memory_space<vmem>>, vector<1x16xf32>,
        %parallel_loop3A_1245 = vector.shape_cast %parallel_loop3A_1244 : vector<1x16xf32> to vector<16xf32>
        %parallel_loop3A_1246 = vector.shape_cast %parallel_loop3A_1241 : vector<16xf32> to vector<1x16xf32>
        tpu.vector_store %arg10[%parallel_loop3A_1242, %parallel_loop3A_1243], %parallel_loop3A_1246 {strides = array<i32>} : memref<128x128xf32, #tpu.memory_space<vmem>>, vector<1x16xf32>,
        %parallel_loop3A_1247 = arith.index_cast %parallel_loop3A_1180 : i32 to index
        %parallel_loop3A_1248 = arith.constant 96 : index
        %parallel_loop3A_1249 = tpu.vector_load %arg10[%parallel_loop3A_1247, %parallel_loop3A_1248] {strides = array<i32>} : memref<128x128xf32, #tpu.memory_space<vmem>>, vector<1x16xf32>,
        %parallel_loop3A_1250 = vector.shape_cast %parallel_loop3A_1249 : vector<1x16xf32> to vector<16xf32>
        %parallel_loop3A_1251 = vector.broadcast %parallel_loop3A_1178 : f32 to vector<16xf32>
        %parallel_loop3A_1252 = arith.mulf %parallel_loop3A_1250, %parallel_loop3A_1251 : vector<16xf32>
        %parallel_loop3A_1253 = arith.index_cast %parallel_loop3A_1180 : i32 to index
        %parallel_loop3A_1254 = arith.constant 96 : index
        %parallel_loop3A_1255 = tpu.vector_load %arg10[%parallel_loop3A_1253, %parallel_loop3A_1254] {strides = array<i32>} : memref<128x128xf32, #tpu.memory_space<vmem>>, vector<1x16xf32>,
        %parallel_loop3A_1256 = vector.shape_cast %parallel_loop3A_1255 : vector<1x16xf32> to vector<16xf32>
        %parallel_loop3A_1257 = vector.shape_cast %parallel_loop3A_1252 : vector<16xf32> to vector<1x16xf32>
        tpu.vector_store %arg10[%parallel_loop3A_1253, %parallel_loop3A_1254], %parallel_loop3A_1257 {strides = array<i32>} : memref<128x128xf32, #tpu.memory_space<vmem>>, vector<1x16xf32>,
        %parallel_loop3A_1258 = arith.index_cast %parallel_loop3A_1180 : i32 to index
        %parallel_loop3A_1259 = arith.constant 112 : index
        %parallel_loop3A_1260 = tpu.vector_load %arg10[%parallel_loop3A_1258, %parallel_loop3A_1259] {strides = array<i32>} : memref<128x128xf32, #tpu.memory_space<vmem>>, vector<1x16xf32>,
        %parallel_loop3A_1261 = vector.shape_cast %parallel_loop3A_1260 : vector<1x16xf32> to vector<16xf32>
        %parallel_loop3A_1262 = vector.broadcast %parallel_loop3A_1178 : f32 to vector<16xf32>
        %parallel_loop3A_1263 = arith.mulf %parallel_loop3A_1261, %parallel_loop3A_1262 : vector<16xf32>
        %parallel_loop3A_1264 = arith.index_cast %parallel_loop3A_1180 : i32 to index
        %parallel_loop3A_1265 = arith.constant 112 : index
        %parallel_loop3A_1266 = tpu.vector_load %arg10[%parallel_loop3A_1264, %parallel_loop3A_1265] {strides = array<i32>} : memref<128x128xf32, #tpu.memory_space<vmem>>, vector<1x16xf32>,
        %parallel_loop3A_1267 = vector.shape_cast %parallel_loop3A_1266 : vector<1x16xf32> to vector<16xf32>
        %parallel_loop3A_1268 = vector.shape_cast %parallel_loop3A_1263 : vector<16xf32> to vector<1x16xf32>
        tpu.vector_store %arg10[%parallel_loop3A_1264, %parallel_loop3A_1265], %parallel_loop3A_1268 {strides = array<i32>} : memref<128x128xf32, #tpu.memory_space<vmem>>, vector<1x16xf32>,
        %parallel_loop3A_1269 = vector.extract_strided_slice %parallel_loop3A_256 {offsets = [11], sizes = [1], strides = [1]} : vector<16xf32> to vector<1xf32>
        %parallel_loop3A_1270 = vector.extract %parallel_loop3A_1269[0] : f32 from vector<1xf32>
        %parallel_loop3A_1271 = arith.constant 11 : i32
        %parallel_loop3A_1272 = arith.addi %parallel_loop3A_251, %parallel_loop3A_1271 : i32
        %parallel_loop3A_1273 = arith.index_cast %parallel_loop3A_1272 : i32 to index
        %parallel_loop3A_1274 = arith.constant 0 : index
        %parallel_loop3A_1275 = tpu.vector_load %arg10[%parallel_loop3A_1273, %parallel_loop3A_1274] {strides = array<i32>} : memref<128x128xf32, #tpu.memory_space<vmem>>, vector<1x16xf32>,
        %parallel_loop3A_1276 = vector.shape_cast %parallel_loop3A_1275 : vector<1x16xf32> to vector<16xf32>
        %parallel_loop3A_1277 = vector.broadcast %parallel_loop3A_1270 : f32 to vector<16xf32>
        %parallel_loop3A_1278 = arith.mulf %parallel_loop3A_1276, %parallel_loop3A_1277 : vector<16xf32>
        %parallel_loop3A_1279 = arith.index_cast %parallel_loop3A_1272 : i32 to index
        %parallel_loop3A_1280 = arith.constant 0 : index
        %parallel_loop3A_1281 = tpu.vector_load %arg10[%parallel_loop3A_1279, %parallel_loop3A_1280] {strides = array<i32>} : memref<128x128xf32, #tpu.memory_space<vmem>>, vector<1x16xf32>,
        %parallel_loop3A_1282 = vector.shape_cast %parallel_loop3A_1281 : vector<1x16xf32> to vector<16xf32>
        %parallel_loop3A_1283 = vector.shape_cast %parallel_loop3A_1278 : vector<16xf32> to vector<1x16xf32>
        tpu.vector_store %arg10[%parallel_loop3A_1279, %parallel_loop3A_1280], %parallel_loop3A_1283 {strides = array<i32>} : memref<128x128xf32, #tpu.memory_space<vmem>>, vector<1x16xf32>,
        %parallel_loop3A_1284 = arith.index_cast %parallel_loop3A_1272 : i32 to index
        %parallel_loop3A_1285 = arith.constant 16 : index
        %parallel_loop3A_1286 = tpu.vector_load %arg10[%parallel_loop3A_1284, %parallel_loop3A_1285] {strides = array<i32>} : memref<128x128xf32, #tpu.memory_space<vmem>>, vector<1x16xf32>,
        %parallel_loop3A_1287 = vector.shape_cast %parallel_loop3A_1286 : vector<1x16xf32> to vector<16xf32>
        %parallel_loop3A_1288 = vector.broadcast %parallel_loop3A_1270 : f32 to vector<16xf32>
        %parallel_loop3A_1289 = arith.mulf %parallel_loop3A_1287, %parallel_loop3A_1288 : vector<16xf32>
        %parallel_loop3A_1290 = arith.index_cast %parallel_loop3A_1272 : i32 to index
        %parallel_loop3A_1291 = arith.constant 16 : index
        %parallel_loop3A_1292 = tpu.vector_load %arg10[%parallel_loop3A_1290, %parallel_loop3A_1291] {strides = array<i32>} : memref<128x128xf32, #tpu.memory_space<vmem>>, vector<1x16xf32>,
        %parallel_loop3A_1293 = vector.shape_cast %parallel_loop3A_1292 : vector<1x16xf32> to vector<16xf32>
        %parallel_loop3A_1294 = vector.shape_cast %parallel_loop3A_1289 : vector<16xf32> to vector<1x16xf32>
        tpu.vector_store %arg10[%parallel_loop3A_1290, %parallel_loop3A_1291], %parallel_loop3A_1294 {strides = array<i32>} : memref<128x128xf32, #tpu.memory_space<vmem>>, vector<1x16xf32>,
        %parallel_loop3A_1295 = arith.index_cast %parallel_loop3A_1272 : i32 to index
        %parallel_loop3A_1296 = arith.constant 32 : index
        %parallel_loop3A_1297 = tpu.vector_load %arg10[%parallel_loop3A_1295, %parallel_loop3A_1296] {strides = array<i32>} : memref<128x128xf32, #tpu.memory_space<vmem>>, vector<1x16xf32>,
        %parallel_loop3A_1298 = vector.shape_cast %parallel_loop3A_1297 : vector<1x16xf32> to vector<16xf32>
        %parallel_loop3A_1299 = vector.broadcast %parallel_loop3A_1270 : f32 to vector<16xf32>
        %parallel_loop3A_1300 = arith.mulf %parallel_loop3A_1298, %parallel_loop3A_1299 : vector<16xf32>
        %parallel_loop3A_1301 = arith.index_cast %parallel_loop3A_1272 : i32 to index
        %parallel_loop3A_1302 = arith.constant 32 : index
        %parallel_loop3A_1303 = tpu.vector_load %arg10[%parallel_loop3A_1301, %parallel_loop3A_1302] {strides = array<i32>} : memref<128x128xf32, #tpu.memory_space<vmem>>, vector<1x16xf32>,
        %parallel_loop3A_1304 = vector.shape_cast %parallel_loop3A_1303 : vector<1x16xf32> to vector<16xf32>
        %parallel_loop3A_1305 = vector.shape_cast %parallel_loop3A_1300 : vector<16xf32> to vector<1x16xf32>
        tpu.vector_store %arg10[%parallel_loop3A_1301, %parallel_loop3A_1302], %parallel_loop3A_1305 {strides = array<i32>} : memref<128x128xf32, #tpu.memory_space<vmem>>, vector<1x16xf32>,
        %parallel_loop3A_1306 = arith.index_cast %parallel_loop3A_1272 : i32 to index
        %parallel_loop3A_1307 = arith.constant 48 : index
        %parallel_loop3A_1308 = tpu.vector_load %arg10[%parallel_loop3A_1306, %parallel_loop3A_1307] {strides = array<i32>} : memref<128x128xf32, #tpu.memory_space<vmem>>, vector<1x16xf32>,
        %parallel_loop3A_1309 = vector.shape_cast %parallel_loop3A_1308 : vector<1x16xf32> to vector<16xf32>
        %parallel_loop3A_1310 = vector.broadcast %parallel_loop3A_1270 : f32 to vector<16xf32>
        %parallel_loop3A_1311 = arith.mulf %parallel_loop3A_1309, %parallel_loop3A_1310 : vector<16xf32>
        %parallel_loop3A_1312 = arith.index_cast %parallel_loop3A_1272 : i32 to index
        %parallel_loop3A_1313 = arith.constant 48 : index
        %parallel_loop3A_1314 = tpu.vector_load %arg10[%parallel_loop3A_1312, %parallel_loop3A_1313] {strides = array<i32>} : memref<128x128xf32, #tpu.memory_space<vmem>>, vector<1x16xf32>,
        %parallel_loop3A_1315 = vector.shape_cast %parallel_loop3A_1314 : vector<1x16xf32> to vector<16xf32>
        %parallel_loop3A_1316 = vector.shape_cast %parallel_loop3A_1311 : vector<16xf32> to vector<1x16xf32>
        tpu.vector_store %arg10[%parallel_loop3A_1312, %parallel_loop3A_1313], %parallel_loop3A_1316 {strides = array<i32>} : memref<128x128xf32, #tpu.memory_space<vmem>>, vector<1x16xf32>,
        %parallel_loop3A_1317 = arith.index_cast %parallel_loop3A_1272 : i32 to index
        %parallel_loop3A_1318 = arith.constant 64 : index
        %parallel_loop3A_1319 = tpu.vector_load %arg10[%parallel_loop3A_1317, %parallel_loop3A_1318] {strides = array<i32>} : memref<128x128xf32, #tpu.memory_space<vmem>>, vector<1x16xf32>,
        %parallel_loop3A_1320 = vector.shape_cast %parallel_loop3A_1319 : vector<1x16xf32> to vector<16xf32>
        %parallel_loop3A_1321 = vector.broadcast %parallel_loop3A_1270 : f32 to vector<16xf32>
        %parallel_loop3A_1322 = arith.mulf %parallel_loop3A_1320, %parallel_loop3A_1321 : vector<16xf32>
        %parallel_loop3A_1323 = arith.index_cast %parallel_loop3A_1272 : i32 to index
        %parallel_loop3A_1324 = arith.constant 64 : index
        %parallel_loop3A_1325 = tpu.vector_load %arg10[%parallel_loop3A_1323, %parallel_loop3A_1324] {strides = array<i32>} : memref<128x128xf32, #tpu.memory_space<vmem>>, vector<1x16xf32>,
        %parallel_loop3A_1326 = vector.shape_cast %parallel_loop3A_1325 : vector<1x16xf32> to vector<16xf32>
        %parallel_loop3A_1327 = vector.shape_cast %parallel_loop3A_1322 : vector<16xf32> to vector<1x16xf32>
        tpu.vector_store %arg10[%parallel_loop3A_1323, %parallel_loop3A_1324], %parallel_loop3A_1327 {strides = array<i32>} : memref<128x128xf32, #tpu.memory_space<vmem>>, vector<1x16xf32>,
        %parallel_loop3A_1328 = arith.index_cast %parallel_loop3A_1272 : i32 to index
        %parallel_loop3A_1329 = arith.constant 80 : index
        %parallel_loop3A_1330 = tpu.vector_load %arg10[%parallel_loop3A_1328, %parallel_loop3A_1329] {strides = array<i32>} : memref<128x128xf32, #tpu.memory_space<vmem>>, vector<1x16xf32>,
        %parallel_loop3A_1331 = vector.shape_cast %parallel_loop3A_1330 : vector<1x16xf32> to vector<16xf32>
        %parallel_loop3A_1332 = vector.broadcast %parallel_loop3A_1270 : f32 to vector<16xf32>
        %parallel_loop3A_1333 = arith.mulf %parallel_loop3A_1331, %parallel_loop3A_1332 : vector<16xf32>
        %parallel_loop3A_1334 = arith.index_cast %parallel_loop3A_1272 : i32 to index
        %parallel_loop3A_1335 = arith.constant 80 : index
        %parallel_loop3A_1336 = tpu.vector_load %arg10[%parallel_loop3A_1334, %parallel_loop3A_1335] {strides = array<i32>} : memref<128x128xf32, #tpu.memory_space<vmem>>, vector<1x16xf32>,
        %parallel_loop3A_1337 = vector.shape_cast %parallel_loop3A_1336 : vector<1x16xf32> to vector<16xf32>
        %parallel_loop3A_1338 = vector.shape_cast %parallel_loop3A_1333 : vector<16xf32> to vector<1x16xf32>
        tpu.vector_store %arg10[%parallel_loop3A_1334, %parallel_loop3A_1335], %parallel_loop3A_1338 {strides = array<i32>} : memref<128x128xf32, #tpu.memory_space<vmem>>, vector<1x16xf32>,
        %parallel_loop3A_1339 = arith.index_cast %parallel_loop3A_1272 : i32 to index
        %parallel_loop3A_1340 = arith.constant 96 : index
        %parallel_loop3A_1341 = tpu.vector_load %arg10[%parallel_loop3A_1339, %parallel_loop3A_1340] {strides = array<i32>} : memref<128x128xf32, #tpu.memory_space<vmem>>, vector<1x16xf32>,
        %parallel_loop3A_1342 = vector.shape_cast %parallel_loop3A_1341 : vector<1x16xf32> to vector<16xf32>
        %parallel_loop3A_1343 = vector.broadcast %parallel_loop3A_1270 : f32 to vector<16xf32>
        %parallel_loop3A_1344 = arith.mulf %parallel_loop3A_1342, %parallel_loop3A_1343 : vector<16xf32>
        %parallel_loop3A_1345 = arith.index_cast %parallel_loop3A_1272 : i32 to index
        %parallel_loop3A_1346 = arith.constant 96 : index
        %parallel_loop3A_1347 = tpu.vector_load %arg10[%parallel_loop3A_1345, %parallel_loop3A_1346] {strides = array<i32>} : memref<128x128xf32, #tpu.memory_space<vmem>>, vector<1x16xf32>,
        %parallel_loop3A_1348 = vector.shape_cast %parallel_loop3A_1347 : vector<1x16xf32> to vector<16xf32>
        %parallel_loop3A_1349 = vector.shape_cast %parallel_loop3A_1344 : vector<16xf32> to vector<1x16xf32>
        tpu.vector_store %arg10[%parallel_loop3A_1345, %parallel_loop3A_1346], %parallel_loop3A_1349 {strides = array<i32>} : memref<128x128xf32, #tpu.memory_space<vmem>>, vector<1x16xf32>,
        %parallel_loop3A_1350 = arith.index_cast %parallel_loop3A_1272 : i32 to index
        %parallel_loop3A_1351 = arith.constant 112 : index
        %parallel_loop3A_1352 = tpu.vector_load %arg10[%parallel_loop3A_1350, %parallel_loop3A_1351] {strides = array<i32>} : memref<128x128xf32, #tpu.memory_space<vmem>>, vector<1x16xf32>,
        %parallel_loop3A_1353 = vector.shape_cast %parallel_loop3A_1352 : vector<1x16xf32> to vector<16xf32>
        %parallel_loop3A_1354 = vector.broadcast %parallel_loop3A_1270 : f32 to vector<16xf32>
        %parallel_loop3A_1355 = arith.mulf %parallel_loop3A_1353, %parallel_loop3A_1354 : vector<16xf32>
        %parallel_loop3A_1356 = arith.index_cast %parallel_loop3A_1272 : i32 to index
        %parallel_loop3A_1357 = arith.constant 112 : index
        %parallel_loop3A_1358 = tpu.vector_load %arg10[%parallel_loop3A_1356, %parallel_loop3A_1357] {strides = array<i32>} : memref<128x128xf32, #tpu.memory_space<vmem>>, vector<1x16xf32>,
        %parallel_loop3A_1359 = vector.shape_cast %parallel_loop3A_1358 : vector<1x16xf32> to vector<16xf32>
        %parallel_loop3A_1360 = vector.shape_cast %parallel_loop3A_1355 : vector<16xf32> to vector<1x16xf32>
        tpu.vector_store %arg10[%parallel_loop3A_1356, %parallel_loop3A_1357], %parallel_loop3A_1360 {strides = array<i32>} : memref<128x128xf32, #tpu.memory_space<vmem>>, vector<1x16xf32>,
        %parallel_loop3A_1361 = vector.extract_strided_slice %parallel_loop3A_256 {offsets = [12], sizes = [1], strides = [1]} : vector<16xf32> to vector<1xf32>
        %parallel_loop3A_1362 = vector.extract %parallel_loop3A_1361[0] : f32 from vector<1xf32>
        %parallel_loop3A_1363 = arith.constant 12 : i32
        %parallel_loop3A_1364 = arith.addi %parallel_loop3A_251, %parallel_loop3A_1363 : i32
        %parallel_loop3A_1365 = arith.index_cast %parallel_loop3A_1364 : i32 to index
        %parallel_loop3A_1366 = arith.constant 0 : index
        %parallel_loop3A_1367 = tpu.vector_load %arg10[%parallel_loop3A_1365, %parallel_loop3A_1366] {strides = array<i32>} : memref<128x128xf32, #tpu.memory_space<vmem>>, vector<1x16xf32>,
        %parallel_loop3A_1368 = vector.shape_cast %parallel_loop3A_1367 : vector<1x16xf32> to vector<16xf32>
        %parallel_loop3A_1369 = vector.broadcast %parallel_loop3A_1362 : f32 to vector<16xf32>
        %parallel_loop3A_1370 = arith.mulf %parallel_loop3A_1368, %parallel_loop3A_1369 : vector<16xf32>
        %parallel_loop3A_1371 = arith.index_cast %parallel_loop3A_1364 : i32 to index
        %parallel_loop3A_1372 = arith.constant 0 : index
        %parallel_loop3A_1373 = tpu.vector_load %arg10[%parallel_loop3A_1371, %parallel_loop3A_1372] {strides = array<i32>} : memref<128x128xf32, #tpu.memory_space<vmem>>, vector<1x16xf32>,
        %parallel_loop3A_1374 = vector.shape_cast %parallel_loop3A_1373 : vector<1x16xf32> to vector<16xf32>
        %parallel_loop3A_1375 = vector.shape_cast %parallel_loop3A_1370 : vector<16xf32> to vector<1x16xf32>
        tpu.vector_store %arg10[%parallel_loop3A_1371, %parallel_loop3A_1372], %parallel_loop3A_1375 {strides = array<i32>} : memref<128x128xf32, #tpu.memory_space<vmem>>, vector<1x16xf32>,
        %parallel_loop3A_1376 = arith.index_cast %parallel_loop3A_1364 : i32 to index
        %parallel_loop3A_1377 = arith.constant 16 : index
        %parallel_loop3A_1378 = tpu.vector_load %arg10[%parallel_loop3A_1376, %parallel_loop3A_1377] {strides = array<i32>} : memref<128x128xf32, #tpu.memory_space<vmem>>, vector<1x16xf32>,
        %parallel_loop3A_1379 = vector.shape_cast %parallel_loop3A_1378 : vector<1x16xf32> to vector<16xf32>
        %parallel_loop3A_1380 = vector.broadcast %parallel_loop3A_1362 : f32 to vector<16xf32>
        %parallel_loop3A_1381 = arith.mulf %parallel_loop3A_1379, %parallel_loop3A_1380 : vector<16xf32>
        %parallel_loop3A_1382 = arith.index_cast %parallel_loop3A_1364 : i32 to index
        %parallel_loop3A_1383 = arith.constant 16 : index
        %parallel_loop3A_1384 = tpu.vector_load %arg10[%parallel_loop3A_1382, %parallel_loop3A_1383] {strides = array<i32>} : memref<128x128xf32, #tpu.memory_space<vmem>>, vector<1x16xf32>,
        %parallel_loop3A_1385 = vector.shape_cast %parallel_loop3A_1384 : vector<1x16xf32> to vector<16xf32>
        %parallel_loop3A_1386 = vector.shape_cast %parallel_loop3A_1381 : vector<16xf32> to vector<1x16xf32>
        tpu.vector_store %arg10[%parallel_loop3A_1382, %parallel_loop3A_1383], %parallel_loop3A_1386 {strides = array<i32>} : memref<128x128xf32, #tpu.memory_space<vmem>>, vector<1x16xf32>,
        %parallel_loop3A_1387 = arith.index_cast %parallel_loop3A_1364 : i32 to index
        %parallel_loop3A_1388 = arith.constant 32 : index
        %parallel_loop3A_1389 = tpu.vector_load %arg10[%parallel_loop3A_1387, %parallel_loop3A_1388] {strides = array<i32>} : memref<128x128xf32, #tpu.memory_space<vmem>>, vector<1x16xf32>,
        %parallel_loop3A_1390 = vector.shape_cast %parallel_loop3A_1389 : vector<1x16xf32> to vector<16xf32>
        %parallel_loop3A_1391 = vector.broadcast %parallel_loop3A_1362 : f32 to vector<16xf32>
        %parallel_loop3A_1392 = arith.mulf %parallel_loop3A_1390, %parallel_loop3A_1391 : vector<16xf32>
        %parallel_loop3A_1393 = arith.index_cast %parallel_loop3A_1364 : i32 to index
        %parallel_loop3A_1394 = arith.constant 32 : index
        %parallel_loop3A_1395 = tpu.vector_load %arg10[%parallel_loop3A_1393, %parallel_loop3A_1394] {strides = array<i32>} : memref<128x128xf32, #tpu.memory_space<vmem>>, vector<1x16xf32>,
        %parallel_loop3A_1396 = vector.shape_cast %parallel_loop3A_1395 : vector<1x16xf32> to vector<16xf32>
        %parallel_loop3A_1397 = vector.shape_cast %parallel_loop3A_1392 : vector<16xf32> to vector<1x16xf32>
        tpu.vector_store %arg10[%parallel_loop3A_1393, %parallel_loop3A_1394], %parallel_loop3A_1397 {strides = array<i32>} : memref<128x128xf32, #tpu.memory_space<vmem>>, vector<1x16xf32>,
        %parallel_loop3A_1398 = arith.index_cast %parallel_loop3A_1364 : i32 to index
        %parallel_loop3A_1399 = arith.constant 48 : index
        %parallel_loop3A_1400 = tpu.vector_load %arg10[%parallel_loop3A_1398, %parallel_loop3A_1399] {strides = array<i32>} : memref<128x128xf32, #tpu.memory_space<vmem>>, vector<1x16xf32>,
        %parallel_loop3A_1401 = vector.shape_cast %parallel_loop3A_1400 : vector<1x16xf32> to vector<16xf32>
        %parallel_loop3A_1402 = vector.broadcast %parallel_loop3A_1362 : f32 to vector<16xf32>
        %parallel_loop3A_1403 = arith.mulf %parallel_loop3A_1401, %parallel_loop3A_1402 : vector<16xf32>
        %parallel_loop3A_1404 = arith.index_cast %parallel_loop3A_1364 : i32 to index
        %parallel_loop3A_1405 = arith.constant 48 : index
        %parallel_loop3A_1406 = tpu.vector_load %arg10[%parallel_loop3A_1404, %parallel_loop3A_1405] {strides = array<i32>} : memref<128x128xf32, #tpu.memory_space<vmem>>, vector<1x16xf32>,
        %parallel_loop3A_1407 = vector.shape_cast %parallel_loop3A_1406 : vector<1x16xf32> to vector<16xf32>
        %parallel_loop3A_1408 = vector.shape_cast %parallel_loop3A_1403 : vector<16xf32> to vector<1x16xf32>
        tpu.vector_store %arg10[%parallel_loop3A_1404, %parallel_loop3A_1405], %parallel_loop3A_1408 {strides = array<i32>} : memref<128x128xf32, #tpu.memory_space<vmem>>, vector<1x16xf32>,
        %parallel_loop3A_1409 = arith.index_cast %parallel_loop3A_1364 : i32 to index
        %parallel_loop3A_1410 = arith.constant 64 : index
        %parallel_loop3A_1411 = tpu.vector_load %arg10[%parallel_loop3A_1409, %parallel_loop3A_1410] {strides = array<i32>} : memref<128x128xf32, #tpu.memory_space<vmem>>, vector<1x16xf32>,
        %parallel_loop3A_1412 = vector.shape_cast %parallel_loop3A_1411 : vector<1x16xf32> to vector<16xf32>
        %parallel_loop3A_1413 = vector.broadcast %parallel_loop3A_1362 : f32 to vector<16xf32>
        %parallel_loop3A_1414 = arith.mulf %parallel_loop3A_1412, %parallel_loop3A_1413 : vector<16xf32>
        %parallel_loop3A_1415 = arith.index_cast %parallel_loop3A_1364 : i32 to index
        %parallel_loop3A_1416 = arith.constant 64 : index
        %parallel_loop3A_1417 = tpu.vector_load %arg10[%parallel_loop3A_1415, %parallel_loop3A_1416] {strides = array<i32>} : memref<128x128xf32, #tpu.memory_space<vmem>>, vector<1x16xf32>,
        %parallel_loop3A_1418 = vector.shape_cast %parallel_loop3A_1417 : vector<1x16xf32> to vector<16xf32>
        %parallel_loop3A_1419 = vector.shape_cast %parallel_loop3A_1414 : vector<16xf32> to vector<1x16xf32>
        tpu.vector_store %arg10[%parallel_loop3A_1415, %parallel_loop3A_1416], %parallel_loop3A_1419 {strides = array<i32>} : memref<128x128xf32, #tpu.memory_space<vmem>>, vector<1x16xf32>,
        %parallel_loop3A_1420 = arith.index_cast %parallel_loop3A_1364 : i32 to index
        %parallel_loop3A_1421 = arith.constant 80 : index
        %parallel_loop3A_1422 = tpu.vector_load %arg10[%parallel_loop3A_1420, %parallel_loop3A_1421] {strides = array<i32>} : memref<128x128xf32, #tpu.memory_space<vmem>>, vector<1x16xf32>,
        %parallel_loop3A_1423 = vector.shape_cast %parallel_loop3A_1422 : vector<1x16xf32> to vector<16xf32>
        %parallel_loop3A_1424 = vector.broadcast %parallel_loop3A_1362 : f32 to vector<16xf32>
        %parallel_loop3A_1425 = arith.mulf %parallel_loop3A_1423, %parallel_loop3A_1424 : vector<16xf32>
        %parallel_loop3A_1426 = arith.index_cast %parallel_loop3A_1364 : i32 to index
        %parallel_loop3A_1427 = arith.constant 80 : index
        %parallel_loop3A_1428 = tpu.vector_load %arg10[%parallel_loop3A_1426, %parallel_loop3A_1427] {strides = array<i32>} : memref<128x128xf32, #tpu.memory_space<vmem>>, vector<1x16xf32>,
        %parallel_loop3A_1429 = vector.shape_cast %parallel_loop3A_1428 : vector<1x16xf32> to vector<16xf32>
        %parallel_loop3A_1430 = vector.shape_cast %parallel_loop3A_1425 : vector<16xf32> to vector<1x16xf32>
        tpu.vector_store %arg10[%parallel_loop3A_1426, %parallel_loop3A_1427], %parallel_loop3A_1430 {strides = array<i32>} : memref<128x128xf32, #tpu.memory_space<vmem>>, vector<1x16xf32>,
        %parallel_loop3A_1431 = arith.index_cast %parallel_loop3A_1364 : i32 to index
        %parallel_loop3A_1432 = arith.constant 96 : index
        %parallel_loop3A_1433 = tpu.vector_load %arg10[%parallel_loop3A_1431, %parallel_loop3A_1432] {strides = array<i32>} : memref<128x128xf32, #tpu.memory_space<vmem>>, vector<1x16xf32>,
        %parallel_loop3A_1434 = vector.shape_cast %parallel_loop3A_1433 : vector<1x16xf32> to vector<16xf32>
        %parallel_loop3A_1435 = vector.broadcast %parallel_loop3A_1362 : f32 to vector<16xf32>
        %parallel_loop3A_1436 = arith.mulf %parallel_loop3A_1434, %parallel_loop3A_1435 : vector<16xf32>
        %parallel_loop3A_1437 = arith.index_cast %parallel_loop3A_1364 : i32 to index
        %parallel_loop3A_1438 = arith.constant 96 : index
        %parallel_loop3A_1439 = tpu.vector_load %arg10[%parallel_loop3A_1437, %parallel_loop3A_1438] {strides = array<i32>} : memref<128x128xf32, #tpu.memory_space<vmem>>, vector<1x16xf32>,
        %parallel_loop3A_1440 = vector.shape_cast %parallel_loop3A_1439 : vector<1x16xf32> to vector<16xf32>
        %parallel_loop3A_1441 = vector.shape_cast %parallel_loop3A_1436 : vector<16xf32> to vector<1x16xf32>
        tpu.vector_store %arg10[%parallel_loop3A_1437, %parallel_loop3A_1438], %parallel_loop3A_1441 {strides = array<i32>} : memref<128x128xf32, #tpu.memory_space<vmem>>, vector<1x16xf32>,
        %parallel_loop3A_1442 = arith.index_cast %parallel_loop3A_1364 : i32 to index
        %parallel_loop3A_1443 = arith.constant 112 : index
        %parallel_loop3A_1444 = tpu.vector_load %arg10[%parallel_loop3A_1442, %parallel_loop3A_1443] {strides = array<i32>} : memref<128x128xf32, #tpu.memory_space<vmem>>, vector<1x16xf32>,
        %parallel_loop3A_1445 = vector.shape_cast %parallel_loop3A_1444 : vector<1x16xf32> to vector<16xf32>
        %parallel_loop3A_1446 = vector.broadcast %parallel_loop3A_1362 : f32 to vector<16xf32>
        %parallel_loop3A_1447 = arith.mulf %parallel_loop3A_1445, %parallel_loop3A_1446 : vector<16xf32>
        %parallel_loop3A_1448 = arith.index_cast %parallel_loop3A_1364 : i32 to index
        %parallel_loop3A_1449 = arith.constant 112 : index
        %parallel_loop3A_1450 = tpu.vector_load %arg10[%parallel_loop3A_1448, %parallel_loop3A_1449] {strides = array<i32>} : memref<128x128xf32, #tpu.memory_space<vmem>>, vector<1x16xf32>,
        %parallel_loop3A_1451 = vector.shape_cast %parallel_loop3A_1450 : vector<1x16xf32> to vector<16xf32>
        %parallel_loop3A_1452 = vector.shape_cast %parallel_loop3A_1447 : vector<16xf32> to vector<1x16xf32>
        tpu.vector_store %arg10[%parallel_loop3A_1448, %parallel_loop3A_1449], %parallel_loop3A_1452 {strides = array<i32>} : memref<128x128xf32, #tpu.memory_space<vmem>>, vector<1x16xf32>,
        %parallel_loop3A_1453 = vector.extract_strided_slice %parallel_loop3A_256 {offsets = [13], sizes = [1], strides = [1]} : vector<16xf32> to vector<1xf32>
        %parallel_loop3A_1454 = vector.extract %parallel_loop3A_1453[0] : f32 from vector<1xf32>
        %parallel_loop3A_1455 = arith.constant 13 : i32
        %parallel_loop3A_1456 = arith.addi %parallel_loop3A_251, %parallel_loop3A_1455 : i32
        %parallel_loop3A_1457 = arith.index_cast %parallel_loop3A_1456 : i32 to index
        %parallel_loop3A_1458 = arith.constant 0 : index
        %parallel_loop3A_1459 = tpu.vector_load %arg10[%parallel_loop3A_1457, %parallel_loop3A_1458] {strides = array<i32>} : memref<128x128xf32, #tpu.memory_space<vmem>>, vector<1x16xf32>,
        %parallel_loop3A_1460 = vector.shape_cast %parallel_loop3A_1459 : vector<1x16xf32> to vector<16xf32>
        %parallel_loop3A_1461 = vector.broadcast %parallel_loop3A_1454 : f32 to vector<16xf32>
        %parallel_loop3A_1462 = arith.mulf %parallel_loop3A_1460, %parallel_loop3A_1461 : vector<16xf32>
        %parallel_loop3A_1463 = arith.index_cast %parallel_loop3A_1456 : i32 to index
        %parallel_loop3A_1464 = arith.constant 0 : index
        %parallel_loop3A_1465 = tpu.vector_load %arg10[%parallel_loop3A_1463, %parallel_loop3A_1464] {strides = array<i32>} : memref<128x128xf32, #tpu.memory_space<vmem>>, vector<1x16xf32>,
        %parallel_loop3A_1466 = vector.shape_cast %parallel_loop3A_1465 : vector<1x16xf32> to vector<16xf32>
        %parallel_loop3A_1467 = vector.shape_cast %parallel_loop3A_1462 : vector<16xf32> to vector<1x16xf32>
        tpu.vector_store %arg10[%parallel_loop3A_1463, %parallel_loop3A_1464], %parallel_loop3A_1467 {strides = array<i32>} : memref<128x128xf32, #tpu.memory_space<vmem>>, vector<1x16xf32>,
        %parallel_loop3A_1468 = arith.index_cast %parallel_loop3A_1456 : i32 to index
        %parallel_loop3A_1469 = arith.constant 16 : index
        %parallel_loop3A_1470 = tpu.vector_load %arg10[%parallel_loop3A_1468, %parallel_loop3A_1469] {strides = array<i32>} : memref<128x128xf32, #tpu.memory_space<vmem>>, vector<1x16xf32>,
        %parallel_loop3A_1471 = vector.shape_cast %parallel_loop3A_1470 : vector<1x16xf32> to vector<16xf32>
        %parallel_loop3A_1472 = vector.broadcast %parallel_loop3A_1454 : f32 to vector<16xf32>
        %parallel_loop3A_1473 = arith.mulf %parallel_loop3A_1471, %parallel_loop3A_1472 : vector<16xf32>
        %parallel_loop3A_1474 = arith.index_cast %parallel_loop3A_1456 : i32 to index
        %parallel_loop3A_1475 = arith.constant 16 : index
        %parallel_loop3A_1476 = tpu.vector_load %arg10[%parallel_loop3A_1474, %parallel_loop3A_1475] {strides = array<i32>} : memref<128x128xf32, #tpu.memory_space<vmem>>, vector<1x16xf32>,
        %parallel_loop3A_1477 = vector.shape_cast %parallel_loop3A_1476 : vector<1x16xf32> to vector<16xf32>
        %parallel_loop3A_1478 = vector.shape_cast %parallel_loop3A_1473 : vector<16xf32> to vector<1x16xf32>
        tpu.vector_store %arg10[%parallel_loop3A_1474, %parallel_loop3A_1475], %parallel_loop3A_1478 {strides = array<i32>} : memref<128x128xf32, #tpu.memory_space<vmem>>, vector<1x16xf32>,
        %parallel_loop3A_1479 = arith.index_cast %parallel_loop3A_1456 : i32 to index
        %parallel_loop3A_1480 = arith.constant 32 : index
        %parallel_loop3A_1481 = tpu.vector_load %arg10[%parallel_loop3A_1479, %parallel_loop3A_1480] {strides = array<i32>} : memref<128x128xf32, #tpu.memory_space<vmem>>, vector<1x16xf32>,
        %parallel_loop3A_1482 = vector.shape_cast %parallel_loop3A_1481 : vector<1x16xf32> to vector<16xf32>
        %parallel_loop3A_1483 = vector.broadcast %parallel_loop3A_1454 : f32 to vector<16xf32>
        %parallel_loop3A_1484 = arith.mulf %parallel_loop3A_1482, %parallel_loop3A_1483 : vector<16xf32>
        %parallel_loop3A_1485 = arith.index_cast %parallel_loop3A_1456 : i32 to index
        %parallel_loop3A_1486 = arith.constant 32 : index
        %parallel_loop3A_1487 = tpu.vector_load %arg10[%parallel_loop3A_1485, %parallel_loop3A_1486] {strides = array<i32>} : memref<128x128xf32, #tpu.memory_space<vmem>>, vector<1x16xf32>,
        %parallel_loop3A_1488 = vector.shape_cast %parallel_loop3A_1487 : vector<1x16xf32> to vector<16xf32>
        %parallel_loop3A_1489 = vector.shape_cast %parallel_loop3A_1484 : vector<16xf32> to vector<1x16xf32>
        tpu.vector_store %arg10[%parallel_loop3A_1485, %parallel_loop3A_1486], %parallel_loop3A_1489 {strides = array<i32>} : memref<128x128xf32, #tpu.memory_space<vmem>>, vector<1x16xf32>,
        %parallel_loop3A_1490 = arith.index_cast %parallel_loop3A_1456 : i32 to index
        %parallel_loop3A_1491 = arith.constant 48 : index
        %parallel_loop3A_1492 = tpu.vector_load %arg10[%parallel_loop3A_1490, %parallel_loop3A_1491] {strides = array<i32>} : memref<128x128xf32, #tpu.memory_space<vmem>>, vector<1x16xf32>,
        %parallel_loop3A_1493 = vector.shape_cast %parallel_loop3A_1492 : vector<1x16xf32> to vector<16xf32>
        %parallel_loop3A_1494 = vector.broadcast %parallel_loop3A_1454 : f32 to vector<16xf32>
        %parallel_loop3A_1495 = arith.mulf %parallel_loop3A_1493, %parallel_loop3A_1494 : vector<16xf32>
        %parallel_loop3A_1496 = arith.index_cast %parallel_loop3A_1456 : i32 to index
        %parallel_loop3A_1497 = arith.constant 48 : index
        %parallel_loop3A_1498 = tpu.vector_load %arg10[%parallel_loop3A_1496, %parallel_loop3A_1497] {strides = array<i32>} : memref<128x128xf32, #tpu.memory_space<vmem>>, vector<1x16xf32>,
        %parallel_loop3A_1499 = vector.shape_cast %parallel_loop3A_1498 : vector<1x16xf32> to vector<16xf32>
        %parallel_loop3A_1500 = vector.shape_cast %parallel_loop3A_1495 : vector<16xf32> to vector<1x16xf32>
        tpu.vector_store %arg10[%parallel_loop3A_1496, %parallel_loop3A_1497], %parallel_loop3A_1500 {strides = array<i32>} : memref<128x128xf32, #tpu.memory_space<vmem>>, vector<1x16xf32>,
        %parallel_loop3A_1501 = arith.index_cast %parallel_loop3A_1456 : i32 to index
        %parallel_loop3A_1502 = arith.constant 64 : index
        %parallel_loop3A_1503 = tpu.vector_load %arg10[%parallel_loop3A_1501, %parallel_loop3A_1502] {strides = array<i32>} : memref<128x128xf32, #tpu.memory_space<vmem>>, vector<1x16xf32>,
        %parallel_loop3A_1504 = vector.shape_cast %parallel_loop3A_1503 : vector<1x16xf32> to vector<16xf32>
        %parallel_loop3A_1505 = vector.broadcast %parallel_loop3A_1454 : f32 to vector<16xf32>
        %parallel_loop3A_1506 = arith.mulf %parallel_loop3A_1504, %parallel_loop3A_1505 : vector<16xf32>
        %parallel_loop3A_1507 = arith.index_cast %parallel_loop3A_1456 : i32 to index
        %parallel_loop3A_1508 = arith.constant 64 : index
        %parallel_loop3A_1509 = tpu.vector_load %arg10[%parallel_loop3A_1507, %parallel_loop3A_1508] {strides = array<i32>} : memref<128x128xf32, #tpu.memory_space<vmem>>, vector<1x16xf32>,
        %parallel_loop3A_1510 = vector.shape_cast %parallel_loop3A_1509 : vector<1x16xf32> to vector<16xf32>
        %parallel_loop3A_1511 = vector.shape_cast %parallel_loop3A_1506 : vector<16xf32> to vector<1x16xf32>
        tpu.vector_store %arg10[%parallel_loop3A_1507, %parallel_loop3A_1508], %parallel_loop3A_1511 {strides = array<i32>} : memref<128x128xf32, #tpu.memory_space<vmem>>, vector<1x16xf32>,
        %parallel_loop3A_1512 = arith.index_cast %parallel_loop3A_1456 : i32 to index
        %parallel_loop3A_1513 = arith.constant 80 : index
        %parallel_loop3A_1514 = tpu.vector_load %arg10[%parallel_loop3A_1512, %parallel_loop3A_1513] {strides = array<i32>} : memref<128x128xf32, #tpu.memory_space<vmem>>, vector<1x16xf32>,
        %parallel_loop3A_1515 = vector.shape_cast %parallel_loop3A_1514 : vector<1x16xf32> to vector<16xf32>
        %parallel_loop3A_1516 = vector.broadcast %parallel_loop3A_1454 : f32 to vector<16xf32>
        %parallel_loop3A_1517 = arith.mulf %parallel_loop3A_1515, %parallel_loop3A_1516 : vector<16xf32>
        %parallel_loop3A_1518 = arith.index_cast %parallel_loop3A_1456 : i32 to index
        %parallel_loop3A_1519 = arith.constant 80 : index
        %parallel_loop3A_1520 = tpu.vector_load %arg10[%parallel_loop3A_1518, %parallel_loop3A_1519] {strides = array<i32>} : memref<128x128xf32, #tpu.memory_space<vmem>>, vector<1x16xf32>,
        %parallel_loop3A_1521 = vector.shape_cast %parallel_loop3A_1520 : vector<1x16xf32> to vector<16xf32>
        %parallel_loop3A_1522 = vector.shape_cast %parallel_loop3A_1517 : vector<16xf32> to vector<1x16xf32>
        tpu.vector_store %arg10[%parallel_loop3A_1518, %parallel_loop3A_1519], %parallel_loop3A_1522 {strides = array<i32>} : memref<128x128xf32, #tpu.memory_space<vmem>>, vector<1x16xf32>,
        %parallel_loop3A_1523 = arith.index_cast %parallel_loop3A_1456 : i32 to index
        %parallel_loop3A_1524 = arith.constant 96 : index
        %parallel_loop3A_1525 = tpu.vector_load %arg10[%parallel_loop3A_1523, %parallel_loop3A_1524] {strides = array<i32>} : memref<128x128xf32, #tpu.memory_space<vmem>>, vector<1x16xf32>,
        %parallel_loop3A_1526 = vector.shape_cast %parallel_loop3A_1525 : vector<1x16xf32> to vector<16xf32>
        %parallel_loop3A_1527 = vector.broadcast %parallel_loop3A_1454 : f32 to vector<16xf32>
        %parallel_loop3A_1528 = arith.mulf %parallel_loop3A_1526, %parallel_loop3A_1527 : vector<16xf32>
        %parallel_loop3A_1529 = arith.index_cast %parallel_loop3A_1456 : i32 to index
        %parallel_loop3A_1530 = arith.constant 96 : index
        %parallel_loop3A_1531 = tpu.vector_load %arg10[%parallel_loop3A_1529, %parallel_loop3A_1530] {strides = array<i32>} : memref<128x128xf32, #tpu.memory_space<vmem>>, vector<1x16xf32>,
        %parallel_loop3A_1532 = vector.shape_cast %parallel_loop3A_1531 : vector<1x16xf32> to vector<16xf32>
        %parallel_loop3A_1533 = vector.shape_cast %parallel_loop3A_1528 : vector<16xf32> to vector<1x16xf32>
        tpu.vector_store %arg10[%parallel_loop3A_1529, %parallel_loop3A_1530], %parallel_loop3A_1533 {strides = array<i32>} : memref<128x128xf32, #tpu.memory_space<vmem>>, vector<1x16xf32>,
        %parallel_loop3A_1534 = arith.index_cast %parallel_loop3A_1456 : i32 to index
        %parallel_loop3A_1535 = arith.constant 112 : index
        %parallel_loop3A_1536 = tpu.vector_load %arg10[%parallel_loop3A_1534, %parallel_loop3A_1535] {strides = array<i32>} : memref<128x128xf32, #tpu.memory_space<vmem>>, vector<1x16xf32>,
        %parallel_loop3A_1537 = vector.shape_cast %parallel_loop3A_1536 : vector<1x16xf32> to vector<16xf32>
        %parallel_loop3A_1538 = vector.broadcast %parallel_loop3A_1454 : f32 to vector<16xf32>
        %parallel_loop3A_1539 = arith.mulf %parallel_loop3A_1537, %parallel_loop3A_1538 : vector<16xf32>
        %parallel_loop3A_1540 = arith.index_cast %parallel_loop3A_1456 : i32 to index
        %parallel_loop3A_1541 = arith.constant 112 : index
        %parallel_loop3A_1542 = tpu.vector_load %arg10[%parallel_loop3A_1540, %parallel_loop3A_1541] {strides = array<i32>} : memref<128x128xf32, #tpu.memory_space<vmem>>, vector<1x16xf32>,
        %parallel_loop3A_1543 = vector.shape_cast %parallel_loop3A_1542 : vector<1x16xf32> to vector<16xf32>
        %parallel_loop3A_1544 = vector.shape_cast %parallel_loop3A_1539 : vector<16xf32> to vector<1x16xf32>
        tpu.vector_store %arg10[%parallel_loop3A_1540, %parallel_loop3A_1541], %parallel_loop3A_1544 {strides = array<i32>} : memref<128x128xf32, #tpu.memory_space<vmem>>, vector<1x16xf32>,
        %parallel_loop3A_1545 = vector.extract_strided_slice %parallel_loop3A_256 {offsets = [14], sizes = [1], strides = [1]} : vector<16xf32> to vector<1xf32>
        %parallel_loop3A_1546 = vector.extract %parallel_loop3A_1545[0] : f32 from vector<1xf32>
        %parallel_loop3A_1547 = arith.constant 14 : i32
        %parallel_loop3A_1548 = arith.addi %parallel_loop3A_251, %parallel_loop3A_1547 : i32
        %parallel_loop3A_1549 = arith.index_cast %parallel_loop3A_1548 : i32 to index
        %parallel_loop3A_1550 = arith.constant 0 : index
        %parallel_loop3A_1551 = tpu.vector_load %arg10[%parallel_loop3A_1549, %parallel_loop3A_1550] {strides = array<i32>} : memref<128x128xf32, #tpu.memory_space<vmem>>, vector<1x16xf32>,
        %parallel_loop3A_1552 = vector.shape_cast %parallel_loop3A_1551 : vector<1x16xf32> to vector<16xf32>
        %parallel_loop3A_1553 = vector.broadcast %parallel_loop3A_1546 : f32 to vector<16xf32>
        %parallel_loop3A_1554 = arith.mulf %parallel_loop3A_1552, %parallel_loop3A_1553 : vector<16xf32>
        %parallel_loop3A_1555 = arith.index_cast %parallel_loop3A_1548 : i32 to index
        %parallel_loop3A_1556 = arith.constant 0 : index
        %parallel_loop3A_1557 = tpu.vector_load %arg10[%parallel_loop3A_1555, %parallel_loop3A_1556] {strides = array<i32>} : memref<128x128xf32, #tpu.memory_space<vmem>>, vector<1x16xf32>,
        %parallel_loop3A_1558 = vector.shape_cast %parallel_loop3A_1557 : vector<1x16xf32> to vector<16xf32>
        %parallel_loop3A_1559 = vector.shape_cast %parallel_loop3A_1554 : vector<16xf32> to vector<1x16xf32>
        tpu.vector_store %arg10[%parallel_loop3A_1555, %parallel_loop3A_1556], %parallel_loop3A_1559 {strides = array<i32>} : memref<128x128xf32, #tpu.memory_space<vmem>>, vector<1x16xf32>,
        %parallel_loop3A_1560 = arith.index_cast %parallel_loop3A_1548 : i32 to index
        %parallel_loop3A_1561 = arith.constant 16 : index
        %parallel_loop3A_1562 = tpu.vector_load %arg10[%parallel_loop3A_1560, %parallel_loop3A_1561] {strides = array<i32>} : memref<128x128xf32, #tpu.memory_space<vmem>>, vector<1x16xf32>,
        %parallel_loop3A_1563 = vector.shape_cast %parallel_loop3A_1562 : vector<1x16xf32> to vector<16xf32>
        %parallel_loop3A_1564 = vector.broadcast %parallel_loop3A_1546 : f32 to vector<16xf32>
        %parallel_loop3A_1565 = arith.mulf %parallel_loop3A_1563, %parallel_loop3A_1564 : vector<16xf32>
        %parallel_loop3A_1566 = arith.index_cast %parallel_loop3A_1548 : i32 to index
        %parallel_loop3A_1567 = arith.constant 16 : index
        %parallel_loop3A_1568 = tpu.vector_load %arg10[%parallel_loop3A_1566, %parallel_loop3A_1567] {strides = array<i32>} : memref<128x128xf32, #tpu.memory_space<vmem>>, vector<1x16xf32>,
        %parallel_loop3A_1569 = vector.shape_cast %parallel_loop3A_1568 : vector<1x16xf32> to vector<16xf32>
        %parallel_loop3A_1570 = vector.shape_cast %parallel_loop3A_1565 : vector<16xf32> to vector<1x16xf32>
        tpu.vector_store %arg10[%parallel_loop3A_1566, %parallel_loop3A_1567], %parallel_loop3A_1570 {strides = array<i32>} : memref<128x128xf32, #tpu.memory_space<vmem>>, vector<1x16xf32>,
        %parallel_loop3A_1571 = arith.index_cast %parallel_loop3A_1548 : i32 to index
        %parallel_loop3A_1572 = arith.constant 32 : index
        %parallel_loop3A_1573 = tpu.vector_load %arg10[%parallel_loop3A_1571, %parallel_loop3A_1572] {strides = array<i32>} : memref<128x128xf32, #tpu.memory_space<vmem>>, vector<1x16xf32>,
        %parallel_loop3A_1574 = vector.shape_cast %parallel_loop3A_1573 : vector<1x16xf32> to vector<16xf32>
        %parallel_loop3A_1575 = vector.broadcast %parallel_loop3A_1546 : f32 to vector<16xf32>
        %parallel_loop3A_1576 = arith.mulf %parallel_loop3A_1574, %parallel_loop3A_1575 : vector<16xf32>
        %parallel_loop3A_1577 = arith.index_cast %parallel_loop3A_1548 : i32 to index
        %parallel_loop3A_1578 = arith.constant 32 : index
        %parallel_loop3A_1579 = tpu.vector_load %arg10[%parallel_loop3A_1577, %parallel_loop3A_1578] {strides = array<i32>} : memref<128x128xf32, #tpu.memory_space<vmem>>, vector<1x16xf32>,
        %parallel_loop3A_1580 = vector.shape_cast %parallel_loop3A_1579 : vector<1x16xf32> to vector<16xf32>
        %parallel_loop3A_1581 = vector.shape_cast %parallel_loop3A_1576 : vector<16xf32> to vector<1x16xf32>
        tpu.vector_store %arg10[%parallel_loop3A_1577, %parallel_loop3A_1578], %parallel_loop3A_1581 {strides = array<i32>} : memref<128x128xf32, #tpu.memory_space<vmem>>, vector<1x16xf32>,
        %parallel_loop3A_1582 = arith.index_cast %parallel_loop3A_1548 : i32 to index
        %parallel_loop3A_1583 = arith.constant 48 : index
        %parallel_loop3A_1584 = tpu.vector_load %arg10[%parallel_loop3A_1582, %parallel_loop3A_1583] {strides = array<i32>} : memref<128x128xf32, #tpu.memory_space<vmem>>, vector<1x16xf32>,
        %parallel_loop3A_1585 = vector.shape_cast %parallel_loop3A_1584 : vector<1x16xf32> to vector<16xf32>
        %parallel_loop3A_1586 = vector.broadcast %parallel_loop3A_1546 : f32 to vector<16xf32>
        %parallel_loop3A_1587 = arith.mulf %parallel_loop3A_1585, %parallel_loop3A_1586 : vector<16xf32>
        %parallel_loop3A_1588 = arith.index_cast %parallel_loop3A_1548 : i32 to index
        %parallel_loop3A_1589 = arith.constant 48 : index
        %parallel_loop3A_1590 = tpu.vector_load %arg10[%parallel_loop3A_1588, %parallel_loop3A_1589] {strides = array<i32>} : memref<128x128xf32, #tpu.memory_space<vmem>>, vector<1x16xf32>,
        %parallel_loop3A_1591 = vector.shape_cast %parallel_loop3A_1590 : vector<1x16xf32> to vector<16xf32>
        %parallel_loop3A_1592 = vector.shape_cast %parallel_loop3A_1587 : vector<16xf32> to vector<1x16xf32>
        tpu.vector_store %arg10[%parallel_loop3A_1588, %parallel_loop3A_1589], %parallel_loop3A_1592 {strides = array<i32>} : memref<128x128xf32, #tpu.memory_space<vmem>>, vector<1x16xf32>,
        %parallel_loop3A_1593 = arith.index_cast %parallel_loop3A_1548 : i32 to index
        %parallel_loop3A_1594 = arith.constant 64 : index
        %parallel_loop3A_1595 = tpu.vector_load %arg10[%parallel_loop3A_1593, %parallel_loop3A_1594] {strides = array<i32>} : memref<128x128xf32, #tpu.memory_space<vmem>>, vector<1x16xf32>,
        %parallel_loop3A_1596 = vector.shape_cast %parallel_loop3A_1595 : vector<1x16xf32> to vector<16xf32>
        %parallel_loop3A_1597 = vector.broadcast %parallel_loop3A_1546 : f32 to vector<16xf32>
        %parallel_loop3A_1598 = arith.mulf %parallel_loop3A_1596, %parallel_loop3A_1597 : vector<16xf32>
        %parallel_loop3A_1599 = arith.index_cast %parallel_loop3A_1548 : i32 to index
        %parallel_loop3A_1600 = arith.constant 64 : index
        %parallel_loop3A_1601 = tpu.vector_load %arg10[%parallel_loop3A_1599, %parallel_loop3A_1600] {strides = array<i32>} : memref<128x128xf32, #tpu.memory_space<vmem>>, vector<1x16xf32>,
        %parallel_loop3A_1602 = vector.shape_cast %parallel_loop3A_1601 : vector<1x16xf32> to vector<16xf32>
        %parallel_loop3A_1603 = vector.shape_cast %parallel_loop3A_1598 : vector<16xf32> to vector<1x16xf32>
        tpu.vector_store %arg10[%parallel_loop3A_1599, %parallel_loop3A_1600], %parallel_loop3A_1603 {strides = array<i32>} : memref<128x128xf32, #tpu.memory_space<vmem>>, vector<1x16xf32>,
        %parallel_loop3A_1604 = arith.index_cast %parallel_loop3A_1548 : i32 to index
        %parallel_loop3A_1605 = arith.constant 80 : index
        %parallel_loop3A_1606 = tpu.vector_load %arg10[%parallel_loop3A_1604, %parallel_loop3A_1605] {strides = array<i32>} : memref<128x128xf32, #tpu.memory_space<vmem>>, vector<1x16xf32>,
        %parallel_loop3A_1607 = vector.shape_cast %parallel_loop3A_1606 : vector<1x16xf32> to vector<16xf32>
        %parallel_loop3A_1608 = vector.broadcast %parallel_loop3A_1546 : f32 to vector<16xf32>
        %parallel_loop3A_1609 = arith.mulf %parallel_loop3A_1607, %parallel_loop3A_1608 : vector<16xf32>
        %parallel_loop3A_1610 = arith.index_cast %parallel_loop3A_1548 : i32 to index
        %parallel_loop3A_1611 = arith.constant 80 : index
        %parallel_loop3A_1612 = tpu.vector_load %arg10[%parallel_loop3A_1610, %parallel_loop3A_1611] {strides = array<i32>} : memref<128x128xf32, #tpu.memory_space<vmem>>, vector<1x16xf32>,
        %parallel_loop3A_1613 = vector.shape_cast %parallel_loop3A_1612 : vector<1x16xf32> to vector<16xf32>
        %parallel_loop3A_1614 = vector.shape_cast %parallel_loop3A_1609 : vector<16xf32> to vector<1x16xf32>
        tpu.vector_store %arg10[%parallel_loop3A_1610, %parallel_loop3A_1611], %parallel_loop3A_1614 {strides = array<i32>} : memref<128x128xf32, #tpu.memory_space<vmem>>, vector<1x16xf32>,
        %parallel_loop3A_1615 = arith.index_cast %parallel_loop3A_1548 : i32 to index
        %parallel_loop3A_1616 = arith.constant 96 : index
        %parallel_loop3A_1617 = tpu.vector_load %arg10[%parallel_loop3A_1615, %parallel_loop3A_1616] {strides = array<i32>} : memref<128x128xf32, #tpu.memory_space<vmem>>, vector<1x16xf32>,
        %parallel_loop3A_1618 = vector.shape_cast %parallel_loop3A_1617 : vector<1x16xf32> to vector<16xf32>
        %parallel_loop3A_1619 = vector.broadcast %parallel_loop3A_1546 : f32 to vector<16xf32>
        %parallel_loop3A_1620 = arith.mulf %parallel_loop3A_1618, %parallel_loop3A_1619 : vector<16xf32>
        %parallel_loop3A_1621 = arith.index_cast %parallel_loop3A_1548 : i32 to index
        %parallel_loop3A_1622 = arith.constant 96 : index
        %parallel_loop3A_1623 = tpu.vector_load %arg10[%parallel_loop3A_1621, %parallel_loop3A_1622] {strides = array<i32>} : memref<128x128xf32, #tpu.memory_space<vmem>>, vector<1x16xf32>,
        %parallel_loop3A_1624 = vector.shape_cast %parallel_loop3A_1623 : vector<1x16xf32> to vector<16xf32>
        %parallel_loop3A_1625 = vector.shape_cast %parallel_loop3A_1620 : vector<16xf32> to vector<1x16xf32>
        tpu.vector_store %arg10[%parallel_loop3A_1621, %parallel_loop3A_1622], %parallel_loop3A_1625 {strides = array<i32>} : memref<128x128xf32, #tpu.memory_space<vmem>>, vector<1x16xf32>,
        %parallel_loop3A_1626 = arith.index_cast %parallel_loop3A_1548 : i32 to index
        %parallel_loop3A_1627 = arith.constant 112 : index
        %parallel_loop3A_1628 = tpu.vector_load %arg10[%parallel_loop3A_1626, %parallel_loop3A_1627] {strides = array<i32>} : memref<128x128xf32, #tpu.memory_space<vmem>>, vector<1x16xf32>,
        %parallel_loop3A_1629 = vector.shape_cast %parallel_loop3A_1628 : vector<1x16xf32> to vector<16xf32>
        %parallel_loop3A_1630 = vector.broadcast %parallel_loop3A_1546 : f32 to vector<16xf32>
        %parallel_loop3A_1631 = arith.mulf %parallel_loop3A_1629, %parallel_loop3A_1630 : vector<16xf32>
        %parallel_loop3A_1632 = arith.index_cast %parallel_loop3A_1548 : i32 to index
        %parallel_loop3A_1633 = arith.constant 112 : index
        %parallel_loop3A_1634 = tpu.vector_load %arg10[%parallel_loop3A_1632, %parallel_loop3A_1633] {strides = array<i32>} : memref<128x128xf32, #tpu.memory_space<vmem>>, vector<1x16xf32>,
        %parallel_loop3A_1635 = vector.shape_cast %parallel_loop3A_1634 : vector<1x16xf32> to vector<16xf32>
        %parallel_loop3A_1636 = vector.shape_cast %parallel_loop3A_1631 : vector<16xf32> to vector<1x16xf32>
        tpu.vector_store %arg10[%parallel_loop3A_1632, %parallel_loop3A_1633], %parallel_loop3A_1636 {strides = array<i32>} : memref<128x128xf32, #tpu.memory_space<vmem>>, vector<1x16xf32>,
        %parallel_loop3A_1637 = vector.extract_strided_slice %parallel_loop3A_256 {offsets = [15], sizes = [1], strides = [1]} : vector<16xf32> to vector<1xf32>
        %parallel_loop3A_1638 = vector.extract %parallel_loop3A_1637[0] : f32 from vector<1xf32>
        %parallel_loop3A_1639 = arith.constant 15 : i32
        %parallel_loop3A_1640 = arith.addi %parallel_loop3A_251, %parallel_loop3A_1639 : i32
        %parallel_loop3A_1641 = arith.index_cast %parallel_loop3A_1640 : i32 to index
        %parallel_loop3A_1642 = arith.constant 0 : index
        %parallel_loop3A_1643 = tpu.vector_load %arg10[%parallel_loop3A_1641, %parallel_loop3A_1642] {strides = array<i32>} : memref<128x128xf32, #tpu.memory_space<vmem>>, vector<1x16xf32>,
        %parallel_loop3A_1644 = vector.shape_cast %parallel_loop3A_1643 : vector<1x16xf32> to vector<16xf32>
        %parallel_loop3A_1645 = vector.broadcast %parallel_loop3A_1638 : f32 to vector<16xf32>
        %parallel_loop3A_1646 = arith.mulf %parallel_loop3A_1644, %parallel_loop3A_1645 : vector<16xf32>
        %parallel_loop3A_1647 = arith.index_cast %parallel_loop3A_1640 : i32 to index
        %parallel_loop3A_1648 = arith.constant 0 : index
        %parallel_loop3A_1649 = tpu.vector_load %arg10[%parallel_loop3A_1647, %parallel_loop3A_1648] {strides = array<i32>} : memref<128x128xf32, #tpu.memory_space<vmem>>, vector<1x16xf32>,
        %parallel_loop3A_1650 = vector.shape_cast %parallel_loop3A_1649 : vector<1x16xf32> to vector<16xf32>
        %parallel_loop3A_1651 = vector.shape_cast %parallel_loop3A_1646 : vector<16xf32> to vector<1x16xf32>
        tpu.vector_store %arg10[%parallel_loop3A_1647, %parallel_loop3A_1648], %parallel_loop3A_1651 {strides = array<i32>} : memref<128x128xf32, #tpu.memory_space<vmem>>, vector<1x16xf32>,
        %parallel_loop3A_1652 = arith.index_cast %parallel_loop3A_1640 : i32 to index
        %parallel_loop3A_1653 = arith.constant 16 : index
        %parallel_loop3A_1654 = tpu.vector_load %arg10[%parallel_loop3A_1652, %parallel_loop3A_1653] {strides = array<i32>} : memref<128x128xf32, #tpu.memory_space<vmem>>, vector<1x16xf32>,
        %parallel_loop3A_1655 = vector.shape_cast %parallel_loop3A_1654 : vector<1x16xf32> to vector<16xf32>
        %parallel_loop3A_1656 = vector.broadcast %parallel_loop3A_1638 : f32 to vector<16xf32>
        %parallel_loop3A_1657 = arith.mulf %parallel_loop3A_1655, %parallel_loop3A_1656 : vector<16xf32>
        %parallel_loop3A_1658 = arith.index_cast %parallel_loop3A_1640 : i32 to index
        %parallel_loop3A_1659 = arith.constant 16 : index
        %parallel_loop3A_1660 = tpu.vector_load %arg10[%parallel_loop3A_1658, %parallel_loop3A_1659] {strides = array<i32>} : memref<128x128xf32, #tpu.memory_space<vmem>>, vector<1x16xf32>,
        %parallel_loop3A_1661 = vector.shape_cast %parallel_loop3A_1660 : vector<1x16xf32> to vector<16xf32>
        %parallel_loop3A_1662 = vector.shape_cast %parallel_loop3A_1657 : vector<16xf32> to vector<1x16xf32>
        tpu.vector_store %arg10[%parallel_loop3A_1658, %parallel_loop3A_1659], %parallel_loop3A_1662 {strides = array<i32>} : memref<128x128xf32, #tpu.memory_space<vmem>>, vector<1x16xf32>,
        %parallel_loop3A_1663 = arith.index_cast %parallel_loop3A_1640 : i32 to index
        %parallel_loop3A_1664 = arith.constant 32 : index
        %parallel_loop3A_1665 = tpu.vector_load %arg10[%parallel_loop3A_1663, %parallel_loop3A_1664] {strides = array<i32>} : memref<128x128xf32, #tpu.memory_space<vmem>>, vector<1x16xf32>,
        %parallel_loop3A_1666 = vector.shape_cast %parallel_loop3A_1665 : vector<1x16xf32> to vector<16xf32>
        %parallel_loop3A_1667 = vector.broadcast %parallel_loop3A_1638 : f32 to vector<16xf32>
        %parallel_loop3A_1668 = arith.mulf %parallel_loop3A_1666, %parallel_loop3A_1667 : vector<16xf32>
        %parallel_loop3A_1669 = arith.index_cast %parallel_loop3A_1640 : i32 to index
        %parallel_loop3A_1670 = arith.constant 32 : index
        %parallel_loop3A_1671 = tpu.vector_load %arg10[%parallel_loop3A_1669, %parallel_loop3A_1670] {strides = array<i32>} : memref<128x128xf32, #tpu.memory_space<vmem>>, vector<1x16xf32>,
        %parallel_loop3A_1672 = vector.shape_cast %parallel_loop3A_1671 : vector<1x16xf32> to vector<16xf32>
        %parallel_loop3A_1673 = vector.shape_cast %parallel_loop3A_1668 : vector<16xf32> to vector<1x16xf32>
        tpu.vector_store %arg10[%parallel_loop3A_1669, %parallel_loop3A_1670], %parallel_loop3A_1673 {strides = array<i32>} : memref<128x128xf32, #tpu.memory_space<vmem>>, vector<1x16xf32>,
        %parallel_loop3A_1674 = arith.index_cast %parallel_loop3A_1640 : i32 to index
        %parallel_loop3A_1675 = arith.constant 48 : index
        %parallel_loop3A_1676 = tpu.vector_load %arg10[%parallel_loop3A_1674, %parallel_loop3A_1675] {strides = array<i32>} : memref<128x128xf32, #tpu.memory_space<vmem>>, vector<1x16xf32>,
        %parallel_loop3A_1677 = vector.shape_cast %parallel_loop3A_1676 : vector<1x16xf32> to vector<16xf32>
        %parallel_loop3A_1678 = vector.broadcast %parallel_loop3A_1638 : f32 to vector<16xf32>
        %parallel_loop3A_1679 = arith.mulf %parallel_loop3A_1677, %parallel_loop3A_1678 : vector<16xf32>
        %parallel_loop3A_1680 = arith.index_cast %parallel_loop3A_1640 : i32 to index
        %parallel_loop3A_1681 = arith.constant 48 : index
        %parallel_loop3A_1682 = tpu.vector_load %arg10[%parallel_loop3A_1680, %parallel_loop3A_1681] {strides = array<i32>} : memref<128x128xf32, #tpu.memory_space<vmem>>, vector<1x16xf32>,
        %parallel_loop3A_1683 = vector.shape_cast %parallel_loop3A_1682 : vector<1x16xf32> to vector<16xf32>
        %parallel_loop3A_1684 = vector.shape_cast %parallel_loop3A_1679 : vector<16xf32> to vector<1x16xf32>
        tpu.vector_store %arg10[%parallel_loop3A_1680, %parallel_loop3A_1681], %parallel_loop3A_1684 {strides = array<i32>} : memref<128x128xf32, #tpu.memory_space<vmem>>, vector<1x16xf32>,
        %parallel_loop3A_1685 = arith.index_cast %parallel_loop3A_1640 : i32 to index
        %parallel_loop3A_1686 = arith.constant 64 : index
        %parallel_loop3A_1687 = tpu.vector_load %arg10[%parallel_loop3A_1685, %parallel_loop3A_1686] {strides = array<i32>} : memref<128x128xf32, #tpu.memory_space<vmem>>, vector<1x16xf32>,
        %parallel_loop3A_1688 = vector.shape_cast %parallel_loop3A_1687 : vector<1x16xf32> to vector<16xf32>
        %parallel_loop3A_1689 = vector.broadcast %parallel_loop3A_1638 : f32 to vector<16xf32>
        %parallel_loop3A_1690 = arith.mulf %parallel_loop3A_1688, %parallel_loop3A_1689 : vector<16xf32>
        %parallel_loop3A_1691 = arith.index_cast %parallel_loop3A_1640 : i32 to index
        %parallel_loop3A_1692 = arith.constant 64 : index
        %parallel_loop3A_1693 = tpu.vector_load %arg10[%parallel_loop3A_1691, %parallel_loop3A_1692] {strides = array<i32>} : memref<128x128xf32, #tpu.memory_space<vmem>>, vector<1x16xf32>,
        %parallel_loop3A_1694 = vector.shape_cast %parallel_loop3A_1693 : vector<1x16xf32> to vector<16xf32>
        %parallel_loop3A_1695 = vector.shape_cast %parallel_loop3A_1690 : vector<16xf32> to vector<1x16xf32>
        tpu.vector_store %arg10[%parallel_loop3A_1691, %parallel_loop3A_1692], %parallel_loop3A_1695 {strides = array<i32>} : memref<128x128xf32, #tpu.memory_space<vmem>>, vector<1x16xf32>,
        %parallel_loop3A_1696 = arith.index_cast %parallel_loop3A_1640 : i32 to index
        %parallel_loop3A_1697 = arith.constant 80 : index
        %parallel_loop3A_1698 = tpu.vector_load %arg10[%parallel_loop3A_1696, %parallel_loop3A_1697] {strides = array<i32>} : memref<128x128xf32, #tpu.memory_space<vmem>>, vector<1x16xf32>,
        %parallel_loop3A_1699 = vector.shape_cast %parallel_loop3A_1698 : vector<1x16xf32> to vector<16xf32>
        %parallel_loop3A_1700 = vector.broadcast %parallel_loop3A_1638 : f32 to vector<16xf32>
        %parallel_loop3A_1701 = arith.mulf %parallel_loop3A_1699, %parallel_loop3A_1700 : vector<16xf32>
        %parallel_loop3A_1702 = arith.index_cast %parallel_loop3A_1640 : i32 to index
        %parallel_loop3A_1703 = arith.constant 80 : index
        %parallel_loop3A_1704 = tpu.vector_load %arg10[%parallel_loop3A_1702, %parallel_loop3A_1703] {strides = array<i32>} : memref<128x128xf32, #tpu.memory_space<vmem>>, vector<1x16xf32>,
        %parallel_loop3A_1705 = vector.shape_cast %parallel_loop3A_1704 : vector<1x16xf32> to vector<16xf32>
        %parallel_loop3A_1706 = vector.shape_cast %parallel_loop3A_1701 : vector<16xf32> to vector<1x16xf32>
        tpu.vector_store %arg10[%parallel_loop3A_1702, %parallel_loop3A_1703], %parallel_loop3A_1706 {strides = array<i32>} : memref<128x128xf32, #tpu.memory_space<vmem>>, vector<1x16xf32>,
        %parallel_loop3A_1707 = arith.index_cast %parallel_loop3A_1640 : i32 to index
        %parallel_loop3A_1708 = arith.constant 96 : index
        %parallel_loop3A_1709 = tpu.vector_load %arg10[%parallel_loop3A_1707, %parallel_loop3A_1708] {strides = array<i32>} : memref<128x128xf32, #tpu.memory_space<vmem>>, vector<1x16xf32>,
        %parallel_loop3A_1710 = vector.shape_cast %parallel_loop3A_1709 : vector<1x16xf32> to vector<16xf32>
        %parallel_loop3A_1711 = vector.broadcast %parallel_loop3A_1638 : f32 to vector<16xf32>
        %parallel_loop3A_1712 = arith.mulf %parallel_loop3A_1710, %parallel_loop3A_1711 : vector<16xf32>
        %parallel_loop3A_1713 = arith.index_cast %parallel_loop3A_1640 : i32 to index
        %parallel_loop3A_1714 = arith.constant 96 : index
        %parallel_loop3A_1715 = tpu.vector_load %arg10[%parallel_loop3A_1713, %parallel_loop3A_1714] {strides = array<i32>} : memref<128x128xf32, #tpu.memory_space<vmem>>, vector<1x16xf32>,
        %parallel_loop3A_1716 = vector.shape_cast %parallel_loop3A_1715 : vector<1x16xf32> to vector<16xf32>
        %parallel_loop3A_1717 = vector.shape_cast %parallel_loop3A_1712 : vector<16xf32> to vector<1x16xf32>
        tpu.vector_store %arg10[%parallel_loop3A_1713, %parallel_loop3A_1714], %parallel_loop3A_1717 {strides = array<i32>} : memref<128x128xf32, #tpu.memory_space<vmem>>, vector<1x16xf32>,
        %parallel_loop3A_1718 = arith.index_cast %parallel_loop3A_1640 : i32 to index
        %parallel_loop3A_1719 = arith.constant 112 : index
        %parallel_loop3A_1720 = tpu.vector_load %arg10[%parallel_loop3A_1718, %parallel_loop3A_1719] {strides = array<i32>} : memref<128x128xf32, #tpu.memory_space<vmem>>, vector<1x16xf32>,
        %parallel_loop3A_1721 = vector.shape_cast %parallel_loop3A_1720 : vector<1x16xf32> to vector<16xf32>
        %parallel_loop3A_1722 = vector.broadcast %parallel_loop3A_1638 : f32 to vector<16xf32>
        %parallel_loop3A_1723 = arith.mulf %parallel_loop3A_1721, %parallel_loop3A_1722 : vector<16xf32>
        %parallel_loop3A_1724 = arith.index_cast %parallel_loop3A_1640 : i32 to index
        %parallel_loop3A_1725 = arith.constant 112 : index
        %parallel_loop3A_1726 = tpu.vector_load %arg10[%parallel_loop3A_1724, %parallel_loop3A_1725] {strides = array<i32>} : memref<128x128xf32, #tpu.memory_space<vmem>>, vector<1x16xf32>,
        %parallel_loop3A_1727 = vector.shape_cast %parallel_loop3A_1726 : vector<1x16xf32> to vector<16xf32>
        %parallel_loop3A_1728 = vector.shape_cast %parallel_loop3A_1723 : vector<16xf32> to vector<1x16xf32>
        tpu.vector_store %arg10[%parallel_loop3A_1724, %parallel_loop3A_1725], %parallel_loop3A_1728 {strides = array<i32>} : memref<128x128xf32, #tpu.memory_space<vmem>>, vector<1x16xf32>,
      } {sc.loop_unroll_factor = 2 : i64, sc.parallel_access}
      %dma_start3A_183 = arith.constant 0 : i32
      %dma_start3A_184 = tpu.memref_slice %arg8[%rem3A_142, %rem3A_144, %dma_start3A_183] : memref<2x8x128xi32, #tpu.memory_space<vmem>> -> memref<1x1x128xi32, #tpu.memory_space<vmem>>
      %dma_start3A_185 = tpu.memref_squeeze %dma_start3A_184 : memref<1x1x128xi32, #tpu.memory_space<vmem>> -> memref<128xi32, #tpu.memory_space<vmem>>
      %dma_start3A_186 = arith.constant 0 : i32
      %dma_start3A_187 = arith.constant 0 : i32
      %dma_start3A_188 = tpu.memref_slice %arg12[%dma_start3A_186, %dma_start3A_187] : memref<10112x128xf32, #tpu.memory_space<vmem_shared>> -> memref<10112x128xf32, #tpu.memory_space<vmem_shared>>
      tpu.enqueue_indirect_dma source(%arg10 : memref<128x128xf32, #tpu.memory_space<vmem>>) target(%dma_start3A_188 : memref<10112x128xf32, #tpu.memory_space<vmem_shared>>) offsets(%dma_start3A_185 : memref<128xi32, #tpu.memory_space<vmem>>) semaphore(%arg15 : memref<!tpu.dma_semaphore, #tpu.memory_space<semaphore_mem>>) {add = true}
      %mul3A_189 = arith.constant 2 : i32
      %mul3A_190 = arith.muli %mul3A_189, %scan3A_136 : i32
      %add3A_191 = arith.constant 1 : i32
      %add3A_192 = arith.addi %mul3A_190, %add3A_191 : i32
      %div3A_193 = arith.constant 8 : i32
      %div3A_194 = arith.divsi %add3A_192, %div3A_193 : i32
      %rem3A_195 = arith.constant 2 : i32
      %rem3A_196 = arith.remsi %div3A_194, %rem3A_195 : i32
      %rem3A_197 = arith.constant 8 : i32
      %rem3A_198 = arith.remsi %add3A_192, %rem3A_197 : i32
      %div3A_199 = arith.constant 8 : i32
      %div3A_200 = arith.divsi %add3A_192, %div3A_199 : i32
      %eq3A_201 = arith.constant 0 : i32
      %eq3A_202 = arith.cmpi eq, %rem3A_198, %eq3A_201 : i32
      %add3A_203 = arith.constant 1 : i32
      %add3A_204 = arith.addi %div3A_200, %add3A_203 : i32
      %lt3A_205 = arith.constant 10 : i32
      %lt3A_206 = arith.cmpi slt, %add3A_204, %lt3A_205 : i32
      %and3A_207 = arith.andi %eq3A_202, %lt3A_206 : i1
      %convert_element_type3A_208 = arith.extui %and3A_207 : i1 to i32
      %cond3A_209 = arith.constant 0 : i32
      %cond3A_210 = arith.cmpi ne, %convert_element_type3A_208, %cond3A_209 : i32
      scf.if %cond3A_210 {
        %add3A_249 = arith.constant 1 : i32
        %add3A_250 = arith.addi %div3A_200, %add3A_249 : i32
        %add3A_251 = arith.constant 1 : i32
        %add3A_252 = arith.addi %div3A_200, %add3A_251 : i32
        %rem3A_253 = arith.constant 2 : i32
        %rem3A_254 = arith.remsi %add3A_252, %rem3A_253 : i32
        %mul3A_255 = arith.constant 8 : i32
        %mul3A_256 = arith.muli %mul3A_255, %add3A_250 : i32
        %add3A_257 = arith.addi %mul3A_2, %mul3A_256 : i32
        %dma_start3A_258 = arith.constant 0 : i32
        %dma_start3A_259 = arith.constant 0 : i32
        %dma_start3A_260 = tpu.memref_slice %arg7[%rem3A_254, %dma_start3A_258, %dma_start3A_259] : memref<2x8x128xi32, #tpu.memory_space<vmem>> -> memref<1x8x128xi32, #tpu.memory_space<vmem>>
        %dma_start3A_261 = tpu.memref_squeeze %dma_start3A_260 : memref<1x8x128xi32, #tpu.memory_space<vmem>> -> memref<8x128xi32, #tpu.memory_space<vmem>>
        %dma_start3A_262 = arith.constant 0 : i32
        %dma_start3A_263 = tpu.memref_slice %arg3[%add3A_257, %dma_start3A_262] : memref<2560x128xi32, #tpu.memory_space<hbm>> -> memref<8x128xi32, #tpu.memory_space<hbm>>
        %dma_start3A_264 = arith.constant 0 : i32
        %dma_start3A_265 = arith.constant 0 : i32
        %dma_start3A_266 = tpu.memref_slice %arg7[%rem3A_254, %dma_start3A_264, %dma_start3A_265] : memref<2x8x128xi32, #tpu.memory_space<vmem>> -> memref<1x8x128xi32, #tpu.memory_space<vmem>>
        %dma_start3A_267 = tpu.memref_squeeze %dma_start3A_266 : memref<1x8x128xi32, #tpu.memory_space<vmem>> -> memref<8x128xi32, #tpu.memory_space<vmem>>
        %dma_start3A_268 = arith.constant 0 : i32
        %dma_start3A_269 = tpu.memref_slice %arg3[%add3A_257, %dma_start3A_268] : memref<2560x128xi32, #tpu.memory_space<hbm>> -> memref<8x128xi32, #tpu.memory_space<hbm>>
        tpu.enqueue_dma source(%dma_start3A_269 : memref<8x128xi32, #tpu.memory_space<hbm>>) target(%dma_start3A_267 : memref<8x128xi32, #tpu.memory_space<vmem>>) target_semaphore(%arg17 : memref<!tpu.dma_semaphore, #tpu.memory_space<semaphore_mem>>)
        %dma_start3A_270 = arith.constant 0 : i32
        %dma_start3A_271 = arith.constant 0 : i32
        %dma_start3A_272 = tpu.memref_slice %arg8[%rem3A_254, %dma_start3A_270, %dma_start3A_271] : memref<2x8x128xi32, #tpu.memory_space<vmem>> -> memref<1x8x128xi32, #tpu.memory_space<vmem>>
        %dma_start3A_273 = tpu.memref_squeeze %dma_start3A_272 : memref<1x8x128xi32, #tpu.memory_space<vmem>> -> memref<8x128xi32, #tpu.memory_space<vmem>>
        %dma_start3A_274 = arith.constant 0 : i32
        %dma_start3A_275 = tpu.memref_slice %arg4[%add3A_257, %dma_start3A_274] : memref<2560x128xi32, #tpu.memory_space<hbm>> -> memref<8x128xi32, #tpu.memory_space<hbm>>
        %dma_start3A_276 = arith.constant 0 : i32
        %dma_start3A_277 = arith.constant 0 : i32
        %dma_start3A_278 = tpu.memref_slice %arg8[%rem3A_254, %dma_start3A_276, %dma_start3A_277] : memref<2x8x128xi32, #tpu.memory_space<vmem>> -> memref<1x8x128xi32, #tpu.memory_space<vmem>>
        %dma_start3A_279 = tpu.memref_squeeze %dma_start3A_278 : memref<1x8x128xi32, #tpu.memory_space<vmem>> -> memref<8x128xi32, #tpu.memory_space<vmem>>
        %dma_start3A_280 = arith.constant 0 : i32
        %dma_start3A_281 = tpu.memref_slice %arg4[%add3A_257, %dma_start3A_280] : memref<2560x128xi32, #tpu.memory_space<hbm>> -> memref<8x128xi32, #tpu.memory_space<hbm>>
        tpu.enqueue_dma source(%dma_start3A_281 : memref<8x128xi32, #tpu.memory_space<hbm>>) target(%dma_start3A_279 : memref<8x128xi32, #tpu.memory_space<vmem>>) target_semaphore(%arg17 : memref<!tpu.dma_semaphore, #tpu.memory_space<semaphore_mem>>)
        %dma_start3A_282 = arith.constant 0 : i32
        %dma_start3A_283 = arith.constant 0 : i32
        %dma_start3A_284 = tpu.memref_slice %arg9[%rem3A_254, %dma_start3A_282, %dma_start3A_283] : memref<2x8x128xf32, #tpu.memory_space<vmem>> -> memref<1x8x128xf32, #tpu.memory_space<vmem>>
        %dma_start3A_285 = tpu.memref_squeeze %dma_start3A_284 : memref<1x8x128xf32, #tpu.memory_space<vmem>> -> memref<8x128xf32, #tpu.memory_space<vmem>>
        %dma_start3A_286 = arith.constant 0 : i32
        %dma_start3A_287 = tpu.memref_slice %arg5[%add3A_257, %dma_start3A_286] : memref<2560x128xf32, #tpu.memory_space<hbm>> -> memref<8x128xf32, #tpu.memory_space<hbm>>
        %dma_start3A_288 = arith.constant 0 : i32
        %dma_start3A_289 = arith.constant 0 : i32
        %dma_start3A_290 = tpu.memref_slice %arg9[%rem3A_254, %dma_start3A_288, %dma_start3A_289] : memref<2x8x128xf32, #tpu.memory_space<vmem>> -> memref<1x8x128xf32, #tpu.memory_space<vmem>>
        %dma_start3A_291 = tpu.memref_squeeze %dma_start3A_290 : memref<1x8x128xf32, #tpu.memory_space<vmem>> -> memref<8x128xf32, #tpu.memory_space<vmem>>
        %dma_start3A_292 = arith.constant 0 : i32
        %dma_start3A_293 = tpu.memref_slice %arg5[%add3A_257, %dma_start3A_292] : memref<2560x128xf32, #tpu.memory_space<hbm>> -> memref<8x128xf32, #tpu.memory_space<hbm>>
        tpu.enqueue_dma source(%dma_start3A_293 : memref<8x128xf32, #tpu.memory_space<hbm>>) target(%dma_start3A_291 : memref<8x128xf32, #tpu.memory_space<vmem>>) target_semaphore(%arg17 : memref<!tpu.dma_semaphore, #tpu.memory_space<semaphore_mem>>)
      } else {
      }
      %eq3A_211 = arith.constant 7 : i32
      %eq3A_212 = arith.cmpi eq, %rem3A_198, %eq3A_211 : i32
      %add3A_213 = arith.constant 1 : i32
      %add3A_214 = arith.addi %div3A_200, %add3A_213 : i32
      %lt3A_215 = arith.constant 10 : i32
      %lt3A_216 = arith.cmpi slt, %add3A_214, %lt3A_215 : i32
      %and3A_217 = arith.andi %eq3A_212, %lt3A_216 : i1
      %convert_element_type3A_218 = arith.extui %and3A_217 : i1 to i32
      %cond3A_219 = arith.constant 0 : i32
      %cond3A_220 = arith.cmpi ne, %convert_element_type3A_218, %cond3A_219 : i32
      scf.if %cond3A_220 {
        %add3A_249 = arith.constant 1 : i32
        %add3A_250 = arith.addi %div3A_200, %add3A_249 : i32
        %add3A_251 = arith.constant 1 : i32
        %add3A_252 = arith.addi %div3A_200, %add3A_251 : i32
        %rem3A_253 = arith.constant 2 : i32
        %rem3A_254 = arith.remsi %add3A_252, %rem3A_253 : i32
        %mul3A_255 = arith.constant 8 : i32
        %mul3A_256 = arith.muli %mul3A_255, %add3A_250 : i32
        %add3A_257 = arith.addi %mul3A_2, %mul3A_256 : i32
        %dma_wait3A_258 = arith.constant 0 : i32
        %dma_wait3A_259 = arith.constant 0 : i32
        %dma_wait3A_260 = tpu.memref_slice %arg7[%rem3A_254, %dma_wait3A_258, %dma_wait3A_259] : memref<2x8x128xi32, #tpu.memory_space<vmem>> -> memref<1x8x128xi32, #tpu.memory_space<vmem>>
        %dma_wait3A_261 = tpu.memref_squeeze %dma_wait3A_260 : memref<1x8x128xi32, #tpu.memory_space<vmem>> -> memref<8x128xi32, #tpu.memory_space<vmem>>
        %dma_wait3A_262 = arith.constant 0 : i32
        %dma_wait3A_263 = tpu.memref_slice %arg3[%add3A_257, %dma_wait3A_262] : memref<2560x128xi32, #tpu.memory_space<hbm>> -> memref<8x128xi32, #tpu.memory_space<hbm>>
        %dma_wait3A_264 = arith.constant 0 : i32
        %dma_wait3A_265 = arith.constant 0 : i32
        %dma_wait3A_266 = tpu.memref_slice %arg7[%rem3A_254, %dma_wait3A_264, %dma_wait3A_265] : memref<2x8x128xi32, #tpu.memory_space<vmem>> -> memref<1x8x128xi32, #tpu.memory_space<vmem>>
        %dma_wait3A_267 = tpu.memref_squeeze %dma_wait3A_266 : memref<1x8x128xi32, #tpu.memory_space<vmem>> -> memref<8x128xi32, #tpu.memory_space<vmem>>
        %dma_wait3A_268 = arith.constant 0 : i32
        %dma_wait3A_269 = tpu.memref_slice %arg3[%add3A_257, %dma_wait3A_268] : memref<2560x128xi32, #tpu.memory_space<hbm>> -> memref<8x128xi32, #tpu.memory_space<hbm>>
        tpu.wait_dma2 semaphore(%arg17 : memref<!tpu.dma_semaphore, #tpu.memory_space<semaphore_mem>>) src(%dma_wait3A_269 : memref<8x128xi32, #tpu.memory_space<hbm>>) dst(%dma_wait3A_267 : memref<8x128xi32, #tpu.memory_space<vmem>>)
        %dma_wait3A_270 = arith.constant 0 : i32
        %dma_wait3A_271 = arith.constant 0 : i32
        %dma_wait3A_272 = tpu.memref_slice %arg8[%rem3A_254, %dma_wait3A_270, %dma_wait3A_271] : memref<2x8x128xi32, #tpu.memory_space<vmem>> -> memref<1x8x128xi32, #tpu.memory_space<vmem>>
        %dma_wait3A_273 = tpu.memref_squeeze %dma_wait3A_272 : memref<1x8x128xi32, #tpu.memory_space<vmem>> -> memref<8x128xi32, #tpu.memory_space<vmem>>
        %dma_wait3A_274 = arith.constant 0 : i32
        %dma_wait3A_275 = tpu.memref_slice %arg4[%add3A_257, %dma_wait3A_274] : memref<2560x128xi32, #tpu.memory_space<hbm>> -> memref<8x128xi32, #tpu.memory_space<hbm>>
        %dma_wait3A_276 = arith.constant 0 : i32
        %dma_wait3A_277 = arith.constant 0 : i32
        %dma_wait3A_278 = tpu.memref_slice %arg8[%rem3A_254, %dma_wait3A_276, %dma_wait3A_277] : memref<2x8x128xi32, #tpu.memory_space<vmem>> -> memref<1x8x128xi32, #tpu.memory_space<vmem>>
        %dma_wait3A_279 = tpu.memref_squeeze %dma_wait3A_278 : memref<1x8x128xi32, #tpu.memory_space<vmem>> -> memref<8x128xi32, #tpu.memory_space<vmem>>
        %dma_wait3A_280 = arith.constant 0 : i32
        %dma_wait3A_281 = tpu.memref_slice %arg4[%add3A_257, %dma_wait3A_280] : memref<2560x128xi32, #tpu.memory_space<hbm>> -> memref<8x128xi32, #tpu.memory_space<hbm>>
        tpu.wait_dma2 semaphore(%arg17 : memref<!tpu.dma_semaphore, #tpu.memory_space<semaphore_mem>>) src(%dma_wait3A_281 : memref<8x128xi32, #tpu.memory_space<hbm>>) dst(%dma_wait3A_279 : memref<8x128xi32, #tpu.memory_space<vmem>>)
        %dma_wait3A_282 = arith.constant 0 : i32
        %dma_wait3A_283 = arith.constant 0 : i32
        %dma_wait3A_284 = tpu.memref_slice %arg9[%rem3A_254, %dma_wait3A_282, %dma_wait3A_283] : memref<2x8x128xf32, #tpu.memory_space<vmem>> -> memref<1x8x128xf32, #tpu.memory_space<vmem>>
        %dma_wait3A_285 = tpu.memref_squeeze %dma_wait3A_284 : memref<1x8x128xf32, #tpu.memory_space<vmem>> -> memref<8x128xf32, #tpu.memory_space<vmem>>
        %dma_wait3A_286 = arith.constant 0 : i32
        %dma_wait3A_287 = tpu.memref_slice %arg5[%add3A_257, %dma_wait3A_286] : memref<2560x128xf32, #tpu.memory_space<hbm>> -> memref<8x128xf32, #tpu.memory_space<hbm>>
        %dma_wait3A_288 = arith.constant 0 : i32
        %dma_wait3A_289 = arith.constant 0 : i32
        %dma_wait3A_290 = tpu.memref_slice %arg9[%rem3A_254, %dma_wait3A_288, %dma_wait3A_289] : memref<2x8x128xf32, #tpu.memory_space<vmem>> -> memref<1x8x128xf32, #tpu.memory_space<vmem>>
        %dma_wait3A_291 = tpu.memref_squeeze %dma_wait3A_290 : memref<1x8x128xf32, #tpu.memory_space<vmem>> -> memref<8x128xf32, #tpu.memory_space<vmem>>
        %dma_wait3A_292 = arith.constant 0 : i32
        %dma_wait3A_293 = tpu.memref_slice %arg5[%add3A_257, %dma_wait3A_292] : memref<2560x128xf32, #tpu.memory_space<hbm>> -> memref<8x128xf32, #tpu.memory_space<hbm>>
        tpu.wait_dma2 semaphore(%arg17 : memref<!tpu.dma_semaphore, #tpu.memory_space<semaphore_mem>>) src(%dma_wait3A_293 : memref<8x128xf32, #tpu.memory_space<hbm>>) dst(%dma_wait3A_291 : memref<8x128xf32, #tpu.memory_space<vmem>>)
      } else {
      }
      %add3A_221 = arith.constant 1 : i32
      %add3A_222 = arith.addi %add3A_192, %add3A_221 : i32
      %lt3A_223 = arith.constant 80 : i32
      %lt3A_224 = arith.cmpi slt, %add3A_222, %lt3A_223 : i32
      %convert_element_type3A_225 = arith.extui %lt3A_224 : i1 to i32
      %cond3A_226 = arith.constant 0 : i32
      %cond3A_227 = arith.cmpi ne, %convert_element_type3A_225, %cond3A_226 : i32
      scf.if %cond3A_227 {
        %ge3A = arith.constant 1 : i32
        %ge3A_249 = arith.cmpi sge, %add3A_192, %ge3A : i32
        %convert_element_type3A_250 = arith.extui %ge3A_249 : i1 to i32
        %cond3A_251 = arith.constant 0 : i32
        %cond3A_252 = arith.cmpi ne, %convert_element_type3A_250, %cond3A_251 : i32
        scf.if %cond3A_252 {
          %dma_wait3A_267 = arith.constant 0 : i32
          %dma_wait3A_268 = tpu.memref_slice %arg8[%rem3A_196, %rem3A_198, %dma_wait3A_267] : memref<2x8x128xi32, #tpu.memory_space<vmem>> -> memref<1x1x128xi32, #tpu.memory_space<vmem>>
          %dma_wait3A_269 = tpu.memref_squeeze %dma_wait3A_268 : memref<1x1x128xi32, #tpu.memory_space<vmem>> -> memref<128xi32, #tpu.memory_space<vmem>>
          %dma_wait3A_270 = arith.constant 0 : i32
          %dma_wait3A_271 = arith.constant 0 : i32
          %dma_wait3A_272 = tpu.memref_slice %arg12[%dma_wait3A_270, %dma_wait3A_271] : memref<10112x128xf32, #tpu.memory_space<vmem_shared>> -> memref<10112x128xf32, #tpu.memory_space<vmem_shared>>
          tpu.wait_indirect_dma semaphore(%arg15 : memref<!tpu.dma_semaphore, #tpu.memory_space<semaphore_mem>>) src(%arg10 : memref<128x128xf32, #tpu.memory_space<vmem>>) dst(%dma_wait3A_272 : memref<10112x128xf32, #tpu.memory_space<vmem_shared>>)
        } else {
        }
        %add3A_253 = arith.constant 1 : i32
        %add3A_254 = arith.addi %add3A_192, %add3A_253 : i32
        %div3A_255 = arith.constant 8 : i32
        %div3A_256 = arith.divsi %add3A_254, %div3A_255 : i32
        %rem3A_257 = arith.constant 2 : i32
        %rem3A_258 = arith.remsi %div3A_256, %rem3A_257 : i32
        %rem3A_259 = arith.constant 8 : i32
        %rem3A_260 = arith.remsi %add3A_254, %rem3A_259 : i32
        %dma_start3A_261 = arith.constant 0 : i32
        %dma_start3A_262 = tpu.memref_slice %arg7[%rem3A_258, %rem3A_260, %dma_start3A_261] : memref<2x8x128xi32, #tpu.memory_space<vmem>> -> memref<1x1x128xi32, #tpu.memory_space<vmem>>
        %dma_start3A_263 = tpu.memref_squeeze %dma_start3A_262 : memref<1x1x128xi32, #tpu.memory_space<vmem>> -> memref<128xi32, #tpu.memory_space<vmem>>
        %dma_start3A_264 = arith.constant 0 : i32
        %dma_start3A_265 = arith.constant 0 : i32
        %dma_start3A_266 = tpu.memref_slice %arg2[%dma_start3A_264, %dma_start3A_265] : memref<10000x128xf32, #tpu.memory_space<hbm>> -> memref<10000x128xf32, #tpu.memory_space<hbm>>
        tpu.enqueue_indirect_dma source(%dma_start3A_266 : memref<10000x128xf32, #tpu.memory_space<hbm>>) target(%arg10 : memref<128x128xf32, #tpu.memory_space<vmem>>) offsets(%dma_start3A_263 : memref<128xi32, #tpu.memory_space<vmem>>) semaphore(%arg13 : memref<!tpu.dma_semaphore, #tpu.memory_space<semaphore_mem>>)
      } else {
      }
      %div3A_228 = arith.constant 8 : i32
      %div3A_229 = arith.divsi %add3A_192, %div3A_228 : i32
      %rem3A_230 = arith.constant 2 : i32
      %rem3A_231 = arith.remsi %div3A_229, %rem3A_230 : i32
      %rem3A_232 = arith.constant 8 : i32
      %rem3A_233 = arith.remsi %add3A_192, %rem3A_232 : i32
      %dma_wait3A_234 = arith.constant 0 : i32
      %dma_wait3A_235 = tpu.memref_slice %arg7[%rem3A_231, %rem3A_233, %dma_wait3A_234] : memref<2x8x128xi32, #tpu.memory_space<vmem>> -> memref<1x1x128xi32, #tpu.memory_space<vmem>>
      %dma_wait3A_236 = tpu.memref_squeeze %dma_wait3A_235 : memref<1x1x128xi32, #tpu.memory_space<vmem>> -> memref<128xi32, #tpu.memory_space<vmem>>
      %dma_wait3A_237 = arith.constant 0 : i32
      %dma_wait3A_238 = arith.constant 0 : i32
      %dma_wait3A_239 = tpu.memref_slice %arg2[%dma_wait3A_237, %dma_wait3A_238] : memref<10000x128xf32, #tpu.memory_space<hbm>> -> memref<10000x128xf32, #tpu.memory_space<hbm>>
      tpu.wait_indirect_dma semaphore(%arg14 : memref<!tpu.dma_semaphore, #tpu.memory_space<semaphore_mem>>) src(%dma_wait3A_239 : memref<10000x128xf32, #tpu.memory_space<hbm>>) dst(%arg11 : memref<128x128xf32, #tpu.memory_space<vmem>>)
      %parallel_loop3A_240 = arith.constant 0 : i32
      %parallel_loop3A_241 = arith.constant 8 : i32
      %parallel_loop3A_242 = arith.constant 1 : i32
      scf.for %parallel_loop3A_249 = %parallel_loop3A_240 to %parallel_loop3A_241 step %parallel_loop3A_242  : i32 {
        %parallel_loop3A_250 = arith.constant 16 : i32
        %parallel_loop3A_251 = arith.muli %parallel_loop3A_250, %parallel_loop3A_249 : i32
        %parallel_loop3A_252 = arith.index_cast %rem3A_196 : i32 to index
        %parallel_loop3A_253 = arith.index_cast %rem3A_198 : i32 to index
        %parallel_loop3A_254 = arith.index_cast %parallel_loop3A_251 : i32 to index
        %parallel_loop3A_255 = tpu.vector_load %arg9[%parallel_loop3A_252, %parallel_loop3A_253, %parallel_loop3A_254] {strides = array<i32>} : memref<2x8x128xf32, #tpu.memory_space<vmem>>, vector<1x1x16xf32>,
        %parallel_loop3A_256 = vector.shape_cast %parallel_loop3A_255 : vector<1x1x16xf32> to vector<16xf32>
        %parallel_loop3A_257 = vector.extract_strided_slice %parallel_loop3A_256 {offsets = [0], sizes = [1], strides = [1]} : vector<16xf32> to vector<1xf32>
        %parallel_loop3A_258 = vector.extract %parallel_loop3A_257[0] : f32 from vector<1xf32>
        %parallel_loop3A_259 = arith.constant 0 : i32
        %parallel_loop3A_260 = arith.addi %parallel_loop3A_251, %parallel_loop3A_259 : i32
        %parallel_loop3A_261 = arith.index_cast %parallel_loop3A_260 : i32 to index
        %parallel_loop3A_262 = arith.constant 0 : index
        %parallel_loop3A_263 = tpu.vector_load %arg11[%parallel_loop3A_261, %parallel_loop3A_262] {strides = array<i32>} : memref<128x128xf32, #tpu.memory_space<vmem>>, vector<1x16xf32>,
        %parallel_loop3A_264 = vector.shape_cast %parallel_loop3A_263 : vector<1x16xf32> to vector<16xf32>
        %parallel_loop3A_265 = vector.broadcast %parallel_loop3A_258 : f32 to vector<16xf32>
        %parallel_loop3A_266 = arith.mulf %parallel_loop3A_264, %parallel_loop3A_265 : vector<16xf32>
        %parallel_loop3A_267 = arith.index_cast %parallel_loop3A_260 : i32 to index
        %parallel_loop3A_268 = arith.constant 0 : index
        %parallel_loop3A_269 = tpu.vector_load %arg11[%parallel_loop3A_267, %parallel_loop3A_268] {strides = array<i32>} : memref<128x128xf32, #tpu.memory_space<vmem>>, vector<1x16xf32>,
        %parallel_loop3A_270 = vector.shape_cast %parallel_loop3A_269 : vector<1x16xf32> to vector<16xf32>
        %parallel_loop3A_271 = vector.shape_cast %parallel_loop3A_266 : vector<16xf32> to vector<1x16xf32>
        tpu.vector_store %arg11[%parallel_loop3A_267, %parallel_loop3A_268], %parallel_loop3A_271 {strides = array<i32>} : memref<128x128xf32, #tpu.memory_space<vmem>>, vector<1x16xf32>,
        %parallel_loop3A_272 = arith.index_cast %parallel_loop3A_260 : i32 to index
        %parallel_loop3A_273 = arith.constant 16 : index
        %parallel_loop3A_274 = tpu.vector_load %arg11[%parallel_loop3A_272, %parallel_loop3A_273] {strides = array<i32>} : memref<128x128xf32, #tpu.memory_space<vmem>>, vector<1x16xf32>,
        %parallel_loop3A_275 = vector.shape_cast %parallel_loop3A_274 : vector<1x16xf32> to vector<16xf32>
        %parallel_loop3A_276 = vector.broadcast %parallel_loop3A_258 : f32 to vector<16xf32>
        %parallel_loop3A_277 = arith.mulf %parallel_loop3A_275, %parallel_loop3A_276 : vector<16xf32>
        %parallel_loop3A_278 = arith.index_cast %parallel_loop3A_260 : i32 to index
        %parallel_loop3A_279 = arith.constant 16 : index
        %parallel_loop3A_280 = tpu.vector_load %arg11[%parallel_loop3A_278, %parallel_loop3A_279] {strides = array<i32>} : memref<128x128xf32, #tpu.memory_space<vmem>>, vector<1x16xf32>,
        %parallel_loop3A_281 = vector.shape_cast %parallel_loop3A_280 : vector<1x16xf32> to vector<16xf32>
        %parallel_loop3A_282 = vector.shape_cast %parallel_loop3A_277 : vector<16xf32> to vector<1x16xf32>
        tpu.vector_store %arg11[%parallel_loop3A_278, %parallel_loop3A_279], %parallel_loop3A_282 {strides = array<i32>} : memref<128x128xf32, #tpu.memory_space<vmem>>, vector<1x16xf32>,
        %parallel_loop3A_283 = arith.index_cast %parallel_loop3A_260 : i32 to index
        %parallel_loop3A_284 = arith.constant 32 : index
        %parallel_loop3A_285 = tpu.vector_load %arg11[%parallel_loop3A_283, %parallel_loop3A_284] {strides = array<i32>} : memref<128x128xf32, #tpu.memory_space<vmem>>, vector<1x16xf32>,
        %parallel_loop3A_286 = vector.shape_cast %parallel_loop3A_285 : vector<1x16xf32> to vector<16xf32>
        %parallel_loop3A_287 = vector.broadcast %parallel_loop3A_258 : f32 to vector<16xf32>
        %parallel_loop3A_288 = arith.mulf %parallel_loop3A_286, %parallel_loop3A_287 : vector<16xf32>
        %parallel_loop3A_289 = arith.index_cast %parallel_loop3A_260 : i32 to index
        %parallel_loop3A_290 = arith.constant 32 : index
        %parallel_loop3A_291 = tpu.vector_load %arg11[%parallel_loop3A_289, %parallel_loop3A_290] {strides = array<i32>} : memref<128x128xf32, #tpu.memory_space<vmem>>, vector<1x16xf32>,
        %parallel_loop3A_292 = vector.shape_cast %parallel_loop3A_291 : vector<1x16xf32> to vector<16xf32>
        %parallel_loop3A_293 = vector.shape_cast %parallel_loop3A_288 : vector<16xf32> to vector<1x16xf32>
        tpu.vector_store %arg11[%parallel_loop3A_289, %parallel_loop3A_290], %parallel_loop3A_293 {strides = array<i32>} : memref<128x128xf32, #tpu.memory_space<vmem>>, vector<1x16xf32>,
        %parallel_loop3A_294 = arith.index_cast %parallel_loop3A_260 : i32 to index
        %parallel_loop3A_295 = arith.constant 48 : index
        %parallel_loop3A_296 = tpu.vector_load %arg11[%parallel_loop3A_294, %parallel_loop3A_295] {strides = array<i32>} : memref<128x128xf32, #tpu.memory_space<vmem>>, vector<1x16xf32>,
        %parallel_loop3A_297 = vector.shape_cast %parallel_loop3A_296 : vector<1x16xf32> to vector<16xf32>
        %parallel_loop3A_298 = vector.broadcast %parallel_loop3A_258 : f32 to vector<16xf32>
        %parallel_loop3A_299 = arith.mulf %parallel_loop3A_297, %parallel_loop3A_298 : vector<16xf32>
        %parallel_loop3A_300 = arith.index_cast %parallel_loop3A_260 : i32 to index
        %parallel_loop3A_301 = arith.constant 48 : index
        %parallel_loop3A_302 = tpu.vector_load %arg11[%parallel_loop3A_300, %parallel_loop3A_301] {strides = array<i32>} : memref<128x128xf32, #tpu.memory_space<vmem>>, vector<1x16xf32>,
        %parallel_loop3A_303 = vector.shape_cast %parallel_loop3A_302 : vector<1x16xf32> to vector<16xf32>
        %parallel_loop3A_304 = vector.shape_cast %parallel_loop3A_299 : vector<16xf32> to vector<1x16xf32>
        tpu.vector_store %arg11[%parallel_loop3A_300, %parallel_loop3A_301], %parallel_loop3A_304 {strides = array<i32>} : memref<128x128xf32, #tpu.memory_space<vmem>>, vector<1x16xf32>,
        %parallel_loop3A_305 = arith.index_cast %parallel_loop3A_260 : i32 to index
        %parallel_loop3A_306 = arith.constant 64 : index
        %parallel_loop3A_307 = tpu.vector_load %arg11[%parallel_loop3A_305, %parallel_loop3A_306] {strides = array<i32>} : memref<128x128xf32, #tpu.memory_space<vmem>>, vector<1x16xf32>,
        %parallel_loop3A_308 = vector.shape_cast %parallel_loop3A_307 : vector<1x16xf32> to vector<16xf32>
        %parallel_loop3A_309 = vector.broadcast %parallel_loop3A_258 : f32 to vector<16xf32>
        %parallel_loop3A_310 = arith.mulf %parallel_loop3A_308, %parallel_loop3A_309 : vector<16xf32>
        %parallel_loop3A_311 = arith.index_cast %parallel_loop3A_260 : i32 to index
        %parallel_loop3A_312 = arith.constant 64 : index
        %parallel_loop3A_313 = tpu.vector_load %arg11[%parallel_loop3A_311, %parallel_loop3A_312] {strides = array<i32>} : memref<128x128xf32, #tpu.memory_space<vmem>>, vector<1x16xf32>,
        %parallel_loop3A_314 = vector.shape_cast %parallel_loop3A_313 : vector<1x16xf32> to vector<16xf32>
        %parallel_loop3A_315 = vector.shape_cast %parallel_loop3A_310 : vector<16xf32> to vector<1x16xf32>
        tpu.vector_store %arg11[%parallel_loop3A_311, %parallel_loop3A_312], %parallel_loop3A_315 {strides = array<i32>} : memref<128x128xf32, #tpu.memory_space<vmem>>, vector<1x16xf32>,
        %parallel_loop3A_316 = arith.index_cast %parallel_loop3A_260 : i32 to index
        %parallel_loop3A_317 = arith.constant 80 : index
        %parallel_loop3A_318 = tpu.vector_load %arg11[%parallel_loop3A_316, %parallel_loop3A_317] {strides = array<i32>} : memref<128x128xf32, #tpu.memory_space<vmem>>, vector<1x16xf32>,
        %parallel_loop3A_319 = vector.shape_cast %parallel_loop3A_318 : vector<1x16xf32> to vector<16xf32>
        %parallel_loop3A_320 = vector.broadcast %parallel_loop3A_258 : f32 to vector<16xf32>
        %parallel_loop3A_321 = arith.mulf %parallel_loop3A_319, %parallel_loop3A_320 : vector<16xf32>
        %parallel_loop3A_322 = arith.index_cast %parallel_loop3A_260 : i32 to index
        %parallel_loop3A_323 = arith.constant 80 : index
        %parallel_loop3A_324 = tpu.vector_load %arg11[%parallel_loop3A_322, %parallel_loop3A_323] {strides = array<i32>} : memref<128x128xf32, #tpu.memory_space<vmem>>, vector<1x16xf32>,
        %parallel_loop3A_325 = vector.shape_cast %parallel_loop3A_324 : vector<1x16xf32> to vector<16xf32>
        %parallel_loop3A_326 = vector.shape_cast %parallel_loop3A_321 : vector<16xf32> to vector<1x16xf32>
        tpu.vector_store %arg11[%parallel_loop3A_322, %parallel_loop3A_323], %parallel_loop3A_326 {strides = array<i32>} : memref<128x128xf32, #tpu.memory_space<vmem>>, vector<1x16xf32>,
        %parallel_loop3A_327 = arith.index_cast %parallel_loop3A_260 : i32 to index
        %parallel_loop3A_328 = arith.constant 96 : index
        %parallel_loop3A_329 = tpu.vector_load %arg11[%parallel_loop3A_327, %parallel_loop3A_328] {strides = array<i32>} : memref<128x128xf32, #tpu.memory_space<vmem>>, vector<1x16xf32>,
        %parallel_loop3A_330 = vector.shape_cast %parallel_loop3A_329 : vector<1x16xf32> to vector<16xf32>
        %parallel_loop3A_331 = vector.broadcast %parallel_loop3A_258 : f32 to vector<16xf32>
        %parallel_loop3A_332 = arith.mulf %parallel_loop3A_330, %parallel_loop3A_331 : vector<16xf32>
        %parallel_loop3A_333 = arith.index_cast %parallel_loop3A_260 : i32 to index
        %parallel_loop3A_334 = arith.constant 96 : index
        %parallel_loop3A_335 = tpu.vector_load %arg11[%parallel_loop3A_333, %parallel_loop3A_334] {strides = array<i32>} : memref<128x128xf32, #tpu.memory_space<vmem>>, vector<1x16xf32>,
        %parallel_loop3A_336 = vector.shape_cast %parallel_loop3A_335 : vector<1x16xf32> to vector<16xf32>
        %parallel_loop3A_337 = vector.shape_cast %parallel_loop3A_332 : vector<16xf32> to vector<1x16xf32>
        tpu.vector_store %arg11[%parallel_loop3A_333, %parallel_loop3A_334], %parallel_loop3A_337 {strides = array<i32>} : memref<128x128xf32, #tpu.memory_space<vmem>>, vector<1x16xf32>,
        %parallel_loop3A_338 = arith.index_cast %parallel_loop3A_260 : i32 to index
        %parallel_loop3A_339 = arith.constant 112 : index
        %parallel_loop3A_340 = tpu.vector_load %arg11[%parallel_loop3A_338, %parallel_loop3A_339] {strides = array<i32>} : memref<128x128xf32, #tpu.memory_space<vmem>>, vector<1x16xf32>,
        %parallel_loop3A_341 = vector.shape_cast %parallel_loop3A_340 : vector<1x16xf32> to vector<16xf32>
        %parallel_loop3A_342 = vector.broadcast %parallel_loop3A_258 : f32 to vector<16xf32>
        %parallel_loop3A_343 = arith.mulf %parallel_loop3A_341, %parallel_loop3A_342 : vector<16xf32>
        %parallel_loop3A_344 = arith.index_cast %parallel_loop3A_260 : i32 to index
        %parallel_loop3A_345 = arith.constant 112 : index
        %parallel_loop3A_346 = tpu.vector_load %arg11[%parallel_loop3A_344, %parallel_loop3A_345] {strides = array<i32>} : memref<128x128xf32, #tpu.memory_space<vmem>>, vector<1x16xf32>,
        %parallel_loop3A_347 = vector.shape_cast %parallel_loop3A_346 : vector<1x16xf32> to vector<16xf32>
        %parallel_loop3A_348 = vector.shape_cast %parallel_loop3A_343 : vector<16xf32> to vector<1x16xf32>
        tpu.vector_store %arg11[%parallel_loop3A_344, %parallel_loop3A_345], %parallel_loop3A_348 {strides = array<i32>} : memref<128x128xf32, #tpu.memory_space<vmem>>, vector<1x16xf32>,
        %parallel_loop3A_349 = vector.extract_strided_slice %parallel_loop3A_256 {offsets = [1], sizes = [1], strides = [1]} : vector<16xf32> to vector<1xf32>
        %parallel_loop3A_350 = vector.extract %parallel_loop3A_349[0] : f32 from vector<1xf32>
        %parallel_loop3A_351 = arith.constant 1 : i32
        %parallel_loop3A_352 = arith.addi %parallel_loop3A_251, %parallel_loop3A_351 : i32
        %parallel_loop3A_353 = arith.index_cast %parallel_loop3A_352 : i32 to index
        %parallel_loop3A_354 = arith.constant 0 : index
        %parallel_loop3A_355 = tpu.vector_load %arg11[%parallel_loop3A_353, %parallel_loop3A_354] {strides = array<i32>} : memref<128x128xf32, #tpu.memory_space<vmem>>, vector<1x16xf32>,
        %parallel_loop3A_356 = vector.shape_cast %parallel_loop3A_355 : vector<1x16xf32> to vector<16xf32>
        %parallel_loop3A_357 = vector.broadcast %parallel_loop3A_350 : f32 to vector<16xf32>
        %parallel_loop3A_358 = arith.mulf %parallel_loop3A_356, %parallel_loop3A_357 : vector<16xf32>
        %parallel_loop3A_359 = arith.index_cast %parallel_loop3A_352 : i32 to index
        %parallel_loop3A_360 = arith.constant 0 : index
        %parallel_loop3A_361 = tpu.vector_load %arg11[%parallel_loop3A_359, %parallel_loop3A_360] {strides = array<i32>} : memref<128x128xf32, #tpu.memory_space<vmem>>, vector<1x16xf32>,
        %parallel_loop3A_362 = vector.shape_cast %parallel_loop3A_361 : vector<1x16xf32> to vector<16xf32>
        %parallel_loop3A_363 = vector.shape_cast %parallel_loop3A_358 : vector<16xf32> to vector<1x16xf32>
        tpu.vector_store %arg11[%parallel_loop3A_359, %parallel_loop3A_360], %parallel_loop3A_363 {strides = array<i32>} : memref<128x128xf32, #tpu.memory_space<vmem>>, vector<1x16xf32>,
        %parallel_loop3A_364 = arith.index_cast %parallel_loop3A_352 : i32 to index
        %parallel_loop3A_365 = arith.constant 16 : index
        %parallel_loop3A_366 = tpu.vector_load %arg11[%parallel_loop3A_364, %parallel_loop3A_365] {strides = array<i32>} : memref<128x128xf32, #tpu.memory_space<vmem>>, vector<1x16xf32>,
        %parallel_loop3A_367 = vector.shape_cast %parallel_loop3A_366 : vector<1x16xf32> to vector<16xf32>
        %parallel_loop3A_368 = vector.broadcast %parallel_loop3A_350 : f32 to vector<16xf32>
        %parallel_loop3A_369 = arith.mulf %parallel_loop3A_367, %parallel_loop3A_368 : vector<16xf32>
        %parallel_loop3A_370 = arith.index_cast %parallel_loop3A_352 : i32 to index
        %parallel_loop3A_371 = arith.constant 16 : index
        %parallel_loop3A_372 = tpu.vector_load %arg11[%parallel_loop3A_370, %parallel_loop3A_371] {strides = array<i32>} : memref<128x128xf32, #tpu.memory_space<vmem>>, vector<1x16xf32>,
        %parallel_loop3A_373 = vector.shape_cast %parallel_loop3A_372 : vector<1x16xf32> to vector<16xf32>
        %parallel_loop3A_374 = vector.shape_cast %parallel_loop3A_369 : vector<16xf32> to vector<1x16xf32>
        tpu.vector_store %arg11[%parallel_loop3A_370, %parallel_loop3A_371], %parallel_loop3A_374 {strides = array<i32>} : memref<128x128xf32, #tpu.memory_space<vmem>>, vector<1x16xf32>,
        %parallel_loop3A_375 = arith.index_cast %parallel_loop3A_352 : i32 to index
        %parallel_loop3A_376 = arith.constant 32 : index
        %parallel_loop3A_377 = tpu.vector_load %arg11[%parallel_loop3A_375, %parallel_loop3A_376] {strides = array<i32>} : memref<128x128xf32, #tpu.memory_space<vmem>>, vector<1x16xf32>,
        %parallel_loop3A_378 = vector.shape_cast %parallel_loop3A_377 : vector<1x16xf32> to vector<16xf32>
        %parallel_loop3A_379 = vector.broadcast %parallel_loop3A_350 : f32 to vector<16xf32>
        %parallel_loop3A_380 = arith.mulf %parallel_loop3A_378, %parallel_loop3A_379 : vector<16xf32>
        %parallel_loop3A_381 = arith.index_cast %parallel_loop3A_352 : i32 to index
        %parallel_loop3A_382 = arith.constant 32 : index
        %parallel_loop3A_383 = tpu.vector_load %arg11[%parallel_loop3A_381, %parallel_loop3A_382] {strides = array<i32>} : memref<128x128xf32, #tpu.memory_space<vmem>>, vector<1x16xf32>,
        %parallel_loop3A_384 = vector.shape_cast %parallel_loop3A_383 : vector<1x16xf32> to vector<16xf32>
        %parallel_loop3A_385 = vector.shape_cast %parallel_loop3A_380 : vector<16xf32> to vector<1x16xf32>
        tpu.vector_store %arg11[%parallel_loop3A_381, %parallel_loop3A_382], %parallel_loop3A_385 {strides = array<i32>} : memref<128x128xf32, #tpu.memory_space<vmem>>, vector<1x16xf32>,
        %parallel_loop3A_386 = arith.index_cast %parallel_loop3A_352 : i32 to index
        %parallel_loop3A_387 = arith.constant 48 : index
        %parallel_loop3A_388 = tpu.vector_load %arg11[%parallel_loop3A_386, %parallel_loop3A_387] {strides = array<i32>} : memref<128x128xf32, #tpu.memory_space<vmem>>, vector<1x16xf32>,
        %parallel_loop3A_389 = vector.shape_cast %parallel_loop3A_388 : vector<1x16xf32> to vector<16xf32>
        %parallel_loop3A_390 = vector.broadcast %parallel_loop3A_350 : f32 to vector<16xf32>
        %parallel_loop3A_391 = arith.mulf %parallel_loop3A_389, %parallel_loop3A_390 : vector<16xf32>
        %parallel_loop3A_392 = arith.index_cast %parallel_loop3A_352 : i32 to index
        %parallel_loop3A_393 = arith.constant 48 : index
        %parallel_loop3A_394 = tpu.vector_load %arg11[%parallel_loop3A_392, %parallel_loop3A_393] {strides = array<i32>} : memref<128x128xf32, #tpu.memory_space<vmem>>, vector<1x16xf32>,
        %parallel_loop3A_395 = vector.shape_cast %parallel_loop3A_394 : vector<1x16xf32> to vector<16xf32>
        %parallel_loop3A_396 = vector.shape_cast %parallel_loop3A_391 : vector<16xf32> to vector<1x16xf32>
        tpu.vector_store %arg11[%parallel_loop3A_392, %parallel_loop3A_393], %parallel_loop3A_396 {strides = array<i32>} : memref<128x128xf32, #tpu.memory_space<vmem>>, vector<1x16xf32>,
        %parallel_loop3A_397 = arith.index_cast %parallel_loop3A_352 : i32 to index
        %parallel_loop3A_398 = arith.constant 64 : index
        %parallel_loop3A_399 = tpu.vector_load %arg11[%parallel_loop3A_397, %parallel_loop3A_398] {strides = array<i32>} : memref<128x128xf32, #tpu.memory_space<vmem>>, vector<1x16xf32>,
        %parallel_loop3A_400 = vector.shape_cast %parallel_loop3A_399 : vector<1x16xf32> to vector<16xf32>
        %parallel_loop3A_401 = vector.broadcast %parallel_loop3A_350 : f32 to vector<16xf32>
        %parallel_loop3A_402 = arith.mulf %parallel_loop3A_400, %parallel_loop3A_401 : vector<16xf32>
        %parallel_loop3A_403 = arith.index_cast %parallel_loop3A_352 : i32 to index
        %parallel_loop3A_404 = arith.constant 64 : index
        %parallel_loop3A_405 = tpu.vector_load %arg11[%parallel_loop3A_403, %parallel_loop3A_404] {strides = array<i32>} : memref<128x128xf32, #tpu.memory_space<vmem>>, vector<1x16xf32>,
        %parallel_loop3A_406 = vector.shape_cast %parallel_loop3A_405 : vector<1x16xf32> to vector<16xf32>
        %parallel_loop3A_407 = vector.shape_cast %parallel_loop3A_402 : vector<16xf32> to vector<1x16xf32>
        tpu.vector_store %arg11[%parallel_loop3A_403, %parallel_loop3A_404], %parallel_loop3A_407 {strides = array<i32>} : memref<128x128xf32, #tpu.memory_space<vmem>>, vector<1x16xf32>,
        %parallel_loop3A_408 = arith.index_cast %parallel_loop3A_352 : i32 to index
        %parallel_loop3A_409 = arith.constant 80 : index
        %parallel_loop3A_410 = tpu.vector_load %arg11[%parallel_loop3A_408, %parallel_loop3A_409] {strides = array<i32>} : memref<128x128xf32, #tpu.memory_space<vmem>>, vector<1x16xf32>,
        %parallel_loop3A_411 = vector.shape_cast %parallel_loop3A_410 : vector<1x16xf32> to vector<16xf32>
        %parallel_loop3A_412 = vector.broadcast %parallel_loop3A_350 : f32 to vector<16xf32>
        %parallel_loop3A_413 = arith.mulf %parallel_loop3A_411, %parallel_loop3A_412 : vector<16xf32>
        %parallel_loop3A_414 = arith.index_cast %parallel_loop3A_352 : i32 to index
        %parallel_loop3A_415 = arith.constant 80 : index
        %parallel_loop3A_416 = tpu.vector_load %arg11[%parallel_loop3A_414, %parallel_loop3A_415] {strides = array<i32>} : memref<128x128xf32, #tpu.memory_space<vmem>>, vector<1x16xf32>,
        %parallel_loop3A_417 = vector.shape_cast %parallel_loop3A_416 : vector<1x16xf32> to vector<16xf32>
        %parallel_loop3A_418 = vector.shape_cast %parallel_loop3A_413 : vector<16xf32> to vector<1x16xf32>
        tpu.vector_store %arg11[%parallel_loop3A_414, %parallel_loop3A_415], %parallel_loop3A_418 {strides = array<i32>} : memref<128x128xf32, #tpu.memory_space<vmem>>, vector<1x16xf32>,
        %parallel_loop3A_419 = arith.index_cast %parallel_loop3A_352 : i32 to index
        %parallel_loop3A_420 = arith.constant 96 : index
        %parallel_loop3A_421 = tpu.vector_load %arg11[%parallel_loop3A_419, %parallel_loop3A_420] {strides = array<i32>} : memref<128x128xf32, #tpu.memory_space<vmem>>, vector<1x16xf32>,
        %parallel_loop3A_422 = vector.shape_cast %parallel_loop3A_421 : vector<1x16xf32> to vector<16xf32>
        %parallel_loop3A_423 = vector.broadcast %parallel_loop3A_350 : f32 to vector<16xf32>
        %parallel_loop3A_424 = arith.mulf %parallel_loop3A_422, %parallel_loop3A_423 : vector<16xf32>
        %parallel_loop3A_425 = arith.index_cast %parallel_loop3A_352 : i32 to index
        %parallel_loop3A_426 = arith.constant 96 : index
        %parallel_loop3A_427 = tpu.vector_load %arg11[%parallel_loop3A_425, %parallel_loop3A_426] {strides = array<i32>} : memref<128x128xf32, #tpu.memory_space<vmem>>, vector<1x16xf32>,
        %parallel_loop3A_428 = vector.shape_cast %parallel_loop3A_427 : vector<1x16xf32> to vector<16xf32>
        %parallel_loop3A_429 = vector.shape_cast %parallel_loop3A_424 : vector<16xf32> to vector<1x16xf32>
        tpu.vector_store %arg11[%parallel_loop3A_425, %parallel_loop3A_426], %parallel_loop3A_429 {strides = array<i32>} : memref<128x128xf32, #tpu.memory_space<vmem>>, vector<1x16xf32>,
        %parallel_loop3A_430 = arith.index_cast %parallel_loop3A_352 : i32 to index
        %parallel_loop3A_431 = arith.constant 112 : index
        %parallel_loop3A_432 = tpu.vector_load %arg11[%parallel_loop3A_430, %parallel_loop3A_431] {strides = array<i32>} : memref<128x128xf32, #tpu.memory_space<vmem>>, vector<1x16xf32>,
        %parallel_loop3A_433 = vector.shape_cast %parallel_loop3A_432 : vector<1x16xf32> to vector<16xf32>
        %parallel_loop3A_434 = vector.broadcast %parallel_loop3A_350 : f32 to vector<16xf32>
        %parallel_loop3A_435 = arith.mulf %parallel_loop3A_433, %parallel_loop3A_434 : vector<16xf32>
        %parallel_loop3A_436 = arith.index_cast %parallel_loop3A_352 : i32 to index
        %parallel_loop3A_437 = arith.constant 112 : index
        %parallel_loop3A_438 = tpu.vector_load %arg11[%parallel_loop3A_436, %parallel_loop3A_437] {strides = array<i32>} : memref<128x128xf32, #tpu.memory_space<vmem>>, vector<1x16xf32>,
        %parallel_loop3A_439 = vector.shape_cast %parallel_loop3A_438 : vector<1x16xf32> to vector<16xf32>
        %parallel_loop3A_440 = vector.shape_cast %parallel_loop3A_435 : vector<16xf32> to vector<1x16xf32>
        tpu.vector_store %arg11[%parallel_loop3A_436, %parallel_loop3A_437], %parallel_loop3A_440 {strides = array<i32>} : memref<128x128xf32, #tpu.memory_space<vmem>>, vector<1x16xf32>,
        %parallel_loop3A_441 = vector.extract_strided_slice %parallel_loop3A_256 {offsets = [2], sizes = [1], strides = [1]} : vector<16xf32> to vector<1xf32>
        %parallel_loop3A_442 = vector.extract %parallel_loop3A_441[0] : f32 from vector<1xf32>
        %parallel_loop3A_443 = arith.constant 2 : i32
        %parallel_loop3A_444 = arith.addi %parallel_loop3A_251, %parallel_loop3A_443 : i32
        %parallel_loop3A_445 = arith.index_cast %parallel_loop3A_444 : i32 to index
        %parallel_loop3A_446 = arith.constant 0 : index
        %parallel_loop3A_447 = tpu.vector_load %arg11[%parallel_loop3A_445, %parallel_loop3A_446] {strides = array<i32>} : memref<128x128xf32, #tpu.memory_space<vmem>>, vector<1x16xf32>,
        %parallel_loop3A_448 = vector.shape_cast %parallel_loop3A_447 : vector<1x16xf32> to vector<16xf32>
        %parallel_loop3A_449 = vector.broadcast %parallel_loop3A_442 : f32 to vector<16xf32>
        %parallel_loop3A_450 = arith.mulf %parallel_loop3A_448, %parallel_loop3A_449 : vector<16xf32>
        %parallel_loop3A_451 = arith.index_cast %parallel_loop3A_444 : i32 to index
        %parallel_loop3A_452 = arith.constant 0 : index
        %parallel_loop3A_453 = tpu.vector_load %arg11[%parallel_loop3A_451, %parallel_loop3A_452] {strides = array<i32>} : memref<128x128xf32, #tpu.memory_space<vmem>>, vector<1x16xf32>,
        %parallel_loop3A_454 = vector.shape_cast %parallel_loop3A_453 : vector<1x16xf32> to vector<16xf32>
        %parallel_loop3A_455 = vector.shape_cast %parallel_loop3A_450 : vector<16xf32> to vector<1x16xf32>
        tpu.vector_store %arg11[%parallel_loop3A_451, %parallel_loop3A_452], %parallel_loop3A_455 {strides = array<i32>} : memref<128x128xf32, #tpu.memory_space<vmem>>, vector<1x16xf32>,
        %parallel_loop3A_456 = arith.index_cast %parallel_loop3A_444 : i32 to index
        %parallel_loop3A_457 = arith.constant 16 : index
        %parallel_loop3A_458 = tpu.vector_load %arg11[%parallel_loop3A_456, %parallel_loop3A_457] {strides = array<i32>} : memref<128x128xf32, #tpu.memory_space<vmem>>, vector<1x16xf32>,
        %parallel_loop3A_459 = vector.shape_cast %parallel_loop3A_458 : vector<1x16xf32> to vector<16xf32>
        %parallel_loop3A_460 = vector.broadcast %parallel_loop3A_442 : f32 to vector<16xf32>
        %parallel_loop3A_461 = arith.mulf %parallel_loop3A_459, %parallel_loop3A_460 : vector<16xf32>
        %parallel_loop3A_462 = arith.index_cast %parallel_loop3A_444 : i32 to index
        %parallel_loop3A_463 = arith.constant 16 : index
        %parallel_loop3A_464 = tpu.vector_load %arg11[%parallel_loop3A_462, %parallel_loop3A_463] {strides = array<i32>} : memref<128x128xf32, #tpu.memory_space<vmem>>, vector<1x16xf32>,
        %parallel_loop3A_465 = vector.shape_cast %parallel_loop3A_464 : vector<1x16xf32> to vector<16xf32>
        %parallel_loop3A_466 = vector.shape_cast %parallel_loop3A_461 : vector<16xf32> to vector<1x16xf32>
        tpu.vector_store %arg11[%parallel_loop3A_462, %parallel_loop3A_463], %parallel_loop3A_466 {strides = array<i32>} : memref<128x128xf32, #tpu.memory_space<vmem>>, vector<1x16xf32>,
        %parallel_loop3A_467 = arith.index_cast %parallel_loop3A_444 : i32 to index
        %parallel_loop3A_468 = arith.constant 32 : index
        %parallel_loop3A_469 = tpu.vector_load %arg11[%parallel_loop3A_467, %parallel_loop3A_468] {strides = array<i32>} : memref<128x128xf32, #tpu.memory_space<vmem>>, vector<1x16xf32>,
        %parallel_loop3A_470 = vector.shape_cast %parallel_loop3A_469 : vector<1x16xf32> to vector<16xf32>
        %parallel_loop3A_471 = vector.broadcast %parallel_loop3A_442 : f32 to vector<16xf32>
        %parallel_loop3A_472 = arith.mulf %parallel_loop3A_470, %parallel_loop3A_471 : vector<16xf32>
        %parallel_loop3A_473 = arith.index_cast %parallel_loop3A_444 : i32 to index
        %parallel_loop3A_474 = arith.constant 32 : index
        %parallel_loop3A_475 = tpu.vector_load %arg11[%parallel_loop3A_473, %parallel_loop3A_474] {strides = array<i32>} : memref<128x128xf32, #tpu.memory_space<vmem>>, vector<1x16xf32>,
        %parallel_loop3A_476 = vector.shape_cast %parallel_loop3A_475 : vector<1x16xf32> to vector<16xf32>
        %parallel_loop3A_477 = vector.shape_cast %parallel_loop3A_472 : vector<16xf32> to vector<1x16xf32>
        tpu.vector_store %arg11[%parallel_loop3A_473, %parallel_loop3A_474], %parallel_loop3A_477 {strides = array<i32>} : memref<128x128xf32, #tpu.memory_space<vmem>>, vector<1x16xf32>,
        %parallel_loop3A_478 = arith.index_cast %parallel_loop3A_444 : i32 to index
        %parallel_loop3A_479 = arith.constant 48 : index
        %parallel_loop3A_480 = tpu.vector_load %arg11[%parallel_loop3A_478, %parallel_loop3A_479] {strides = array<i32>} : memref<128x128xf32, #tpu.memory_space<vmem>>, vector<1x16xf32>,
        %parallel_loop3A_481 = vector.shape_cast %parallel_loop3A_480 : vector<1x16xf32> to vector<16xf32>
        %parallel_loop3A_482 = vector.broadcast %parallel_loop3A_442 : f32 to vector<16xf32>
        %parallel_loop3A_483 = arith.mulf %parallel_loop3A_481, %parallel_loop3A_482 : vector<16xf32>
        %parallel_loop3A_484 = arith.index_cast %parallel_loop3A_444 : i32 to index
        %parallel_loop3A_485 = arith.constant 48 : index
        %parallel_loop3A_486 = tpu.vector_load %arg11[%parallel_loop3A_484, %parallel_loop3A_485] {strides = array<i32>} : memref<128x128xf32, #tpu.memory_space<vmem>>, vector<1x16xf32>,
        %parallel_loop3A_487 = vector.shape_cast %parallel_loop3A_486 : vector<1x16xf32> to vector<16xf32>
        %parallel_loop3A_488 = vector.shape_cast %parallel_loop3A_483 : vector<16xf32> to vector<1x16xf32>
        tpu.vector_store %arg11[%parallel_loop3A_484, %parallel_loop3A_485], %parallel_loop3A_488 {strides = array<i32>} : memref<128x128xf32, #tpu.memory_space<vmem>>, vector<1x16xf32>,
        %parallel_loop3A_489 = arith.index_cast %parallel_loop3A_444 : i32 to index
        %parallel_loop3A_490 = arith.constant 64 : index
        %parallel_loop3A_491 = tpu.vector_load %arg11[%parallel_loop3A_489, %parallel_loop3A_490] {strides = array<i32>} : memref<128x128xf32, #tpu.memory_space<vmem>>, vector<1x16xf32>,
        %parallel_loop3A_492 = vector.shape_cast %parallel_loop3A_491 : vector<1x16xf32> to vector<16xf32>
        %parallel_loop3A_493 = vector.broadcast %parallel_loop3A_442 : f32 to vector<16xf32>
        %parallel_loop3A_494 = arith.mulf %parallel_loop3A_492, %parallel_loop3A_493 : vector<16xf32>
        %parallel_loop3A_495 = arith.index_cast %parallel_loop3A_444 : i32 to index
        %parallel_loop3A_496 = arith.constant 64 : index
        %parallel_loop3A_497 = tpu.vector_load %arg11[%parallel_loop3A_495, %parallel_loop3A_496] {strides = array<i32>} : memref<128x128xf32, #tpu.memory_space<vmem>>, vector<1x16xf32>,
        %parallel_loop3A_498 = vector.shape_cast %parallel_loop3A_497 : vector<1x16xf32> to vector<16xf32>
        %parallel_loop3A_499 = vector.shape_cast %parallel_loop3A_494 : vector<16xf32> to vector<1x16xf32>
        tpu.vector_store %arg11[%parallel_loop3A_495, %parallel_loop3A_496], %parallel_loop3A_499 {strides = array<i32>} : memref<128x128xf32, #tpu.memory_space<vmem>>, vector<1x16xf32>,
        %parallel_loop3A_500 = arith.index_cast %parallel_loop3A_444 : i32 to index
        %parallel_loop3A_501 = arith.constant 80 : index
        %parallel_loop3A_502 = tpu.vector_load %arg11[%parallel_loop3A_500, %parallel_loop3A_501] {strides = array<i32>} : memref<128x128xf32, #tpu.memory_space<vmem>>, vector<1x16xf32>,
        %parallel_loop3A_503 = vector.shape_cast %parallel_loop3A_502 : vector<1x16xf32> to vector<16xf32>
        %parallel_loop3A_504 = vector.broadcast %parallel_loop3A_442 : f32 to vector<16xf32>
        %parallel_loop3A_505 = arith.mulf %parallel_loop3A_503, %parallel_loop3A_504 : vector<16xf32>
        %parallel_loop3A_506 = arith.index_cast %parallel_loop3A_444 : i32 to index
        %parallel_loop3A_507 = arith.constant 80 : index
        %parallel_loop3A_508 = tpu.vector_load %arg11[%parallel_loop3A_506, %parallel_loop3A_507] {strides = array<i32>} : memref<128x128xf32, #tpu.memory_space<vmem>>, vector<1x16xf32>,
        %parallel_loop3A_509 = vector.shape_cast %parallel_loop3A_508 : vector<1x16xf32> to vector<16xf32>
        %parallel_loop3A_510 = vector.shape_cast %parallel_loop3A_505 : vector<16xf32> to vector<1x16xf32>
        tpu.vector_store %arg11[%parallel_loop3A_506, %parallel_loop3A_507], %parallel_loop3A_510 {strides = array<i32>} : memref<128x128xf32, #tpu.memory_space<vmem>>, vector<1x16xf32>,
        %parallel_loop3A_511 = arith.index_cast %parallel_loop3A_444 : i32 to index
        %parallel_loop3A_512 = arith.constant 96 : index
        %parallel_loop3A_513 = tpu.vector_load %arg11[%parallel_loop3A_511, %parallel_loop3A_512] {strides = array<i32>} : memref<128x128xf32, #tpu.memory_space<vmem>>, vector<1x16xf32>,
        %parallel_loop3A_514 = vector.shape_cast %parallel_loop3A_513 : vector<1x16xf32> to vector<16xf32>
        %parallel_loop3A_515 = vector.broadcast %parallel_loop3A_442 : f32 to vector<16xf32>
        %parallel_loop3A_516 = arith.mulf %parallel_loop3A_514, %parallel_loop3A_515 : vector<16xf32>
        %parallel_loop3A_517 = arith.index_cast %parallel_loop3A_444 : i32 to index
        %parallel_loop3A_518 = arith.constant 96 : index
        %parallel_loop3A_519 = tpu.vector_load %arg11[%parallel_loop3A_517, %parallel_loop3A_518] {strides = array<i32>} : memref<128x128xf32, #tpu.memory_space<vmem>>, vector<1x16xf32>,
        %parallel_loop3A_520 = vector.shape_cast %parallel_loop3A_519 : vector<1x16xf32> to vector<16xf32>
        %parallel_loop3A_521 = vector.shape_cast %parallel_loop3A_516 : vector<16xf32> to vector<1x16xf32>
        tpu.vector_store %arg11[%parallel_loop3A_517, %parallel_loop3A_518], %parallel_loop3A_521 {strides = array<i32>} : memref<128x128xf32, #tpu.memory_space<vmem>>, vector<1x16xf32>,
        %parallel_loop3A_522 = arith.index_cast %parallel_loop3A_444 : i32 to index
        %parallel_loop3A_523 = arith.constant 112 : index
        %parallel_loop3A_524 = tpu.vector_load %arg11[%parallel_loop3A_522, %parallel_loop3A_523] {strides = array<i32>} : memref<128x128xf32, #tpu.memory_space<vmem>>, vector<1x16xf32>,
        %parallel_loop3A_525 = vector.shape_cast %parallel_loop3A_524 : vector<1x16xf32> to vector<16xf32>
        %parallel_loop3A_526 = vector.broadcast %parallel_loop3A_442 : f32 to vector<16xf32>
        %parallel_loop3A_527 = arith.mulf %parallel_loop3A_525, %parallel_loop3A_526 : vector<16xf32>
        %parallel_loop3A_528 = arith.index_cast %parallel_loop3A_444 : i32 to index
        %parallel_loop3A_529 = arith.constant 112 : index
        %parallel_loop3A_530 = tpu.vector_load %arg11[%parallel_loop3A_528, %parallel_loop3A_529] {strides = array<i32>} : memref<128x128xf32, #tpu.memory_space<vmem>>, vector<1x16xf32>,
        %parallel_loop3A_531 = vector.shape_cast %parallel_loop3A_530 : vector<1x16xf32> to vector<16xf32>
        %parallel_loop3A_532 = vector.shape_cast %parallel_loop3A_527 : vector<16xf32> to vector<1x16xf32>
        tpu.vector_store %arg11[%parallel_loop3A_528, %parallel_loop3A_529], %parallel_loop3A_532 {strides = array<i32>} : memref<128x128xf32, #tpu.memory_space<vmem>>, vector<1x16xf32>,
        %parallel_loop3A_533 = vector.extract_strided_slice %parallel_loop3A_256 {offsets = [3], sizes = [1], strides = [1]} : vector<16xf32> to vector<1xf32>
        %parallel_loop3A_534 = vector.extract %parallel_loop3A_533[0] : f32 from vector<1xf32>
        %parallel_loop3A_535 = arith.constant 3 : i32
        %parallel_loop3A_536 = arith.addi %parallel_loop3A_251, %parallel_loop3A_535 : i32
        %parallel_loop3A_537 = arith.index_cast %parallel_loop3A_536 : i32 to index
        %parallel_loop3A_538 = arith.constant 0 : index
        %parallel_loop3A_539 = tpu.vector_load %arg11[%parallel_loop3A_537, %parallel_loop3A_538] {strides = array<i32>} : memref<128x128xf32, #tpu.memory_space<vmem>>, vector<1x16xf32>,
        %parallel_loop3A_540 = vector.shape_cast %parallel_loop3A_539 : vector<1x16xf32> to vector<16xf32>
        %parallel_loop3A_541 = vector.broadcast %parallel_loop3A_534 : f32 to vector<16xf32>
        %parallel_loop3A_542 = arith.mulf %parallel_loop3A_540, %parallel_loop3A_541 : vector<16xf32>
        %parallel_loop3A_543 = arith.index_cast %parallel_loop3A_536 : i32 to index
        %parallel_loop3A_544 = arith.constant 0 : index
        %parallel_loop3A_545 = tpu.vector_load %arg11[%parallel_loop3A_543, %parallel_loop3A_544] {strides = array<i32>} : memref<128x128xf32, #tpu.memory_space<vmem>>, vector<1x16xf32>,
        %parallel_loop3A_546 = vector.shape_cast %parallel_loop3A_545 : vector<1x16xf32> to vector<16xf32>
        %parallel_loop3A_547 = vector.shape_cast %parallel_loop3A_542 : vector<16xf32> to vector<1x16xf32>
        tpu.vector_store %arg11[%parallel_loop3A_543, %parallel_loop3A_544], %parallel_loop3A_547 {strides = array<i32>} : memref<128x128xf32, #tpu.memory_space<vmem>>, vector<1x16xf32>,
        %parallel_loop3A_548 = arith.index_cast %parallel_loop3A_536 : i32 to index
        %parallel_loop3A_549 = arith.constant 16 : index
        %parallel_loop3A_550 = tpu.vector_load %arg11[%parallel_loop3A_548, %parallel_loop3A_549] {strides = array<i32>} : memref<128x128xf32, #tpu.memory_space<vmem>>, vector<1x16xf32>,
        %parallel_loop3A_551 = vector.shape_cast %parallel_loop3A_550 : vector<1x16xf32> to vector<16xf32>
        %parallel_loop3A_552 = vector.broadcast %parallel_loop3A_534 : f32 to vector<16xf32>
        %parallel_loop3A_553 = arith.mulf %parallel_loop3A_551, %parallel_loop3A_552 : vector<16xf32>
        %parallel_loop3A_554 = arith.index_cast %parallel_loop3A_536 : i32 to index
        %parallel_loop3A_555 = arith.constant 16 : index
        %parallel_loop3A_556 = tpu.vector_load %arg11[%parallel_loop3A_554, %parallel_loop3A_555] {strides = array<i32>} : memref<128x128xf32, #tpu.memory_space<vmem>>, vector<1x16xf32>,
        %parallel_loop3A_557 = vector.shape_cast %parallel_loop3A_556 : vector<1x16xf32> to vector<16xf32>
        %parallel_loop3A_558 = vector.shape_cast %parallel_loop3A_553 : vector<16xf32> to vector<1x16xf32>
        tpu.vector_store %arg11[%parallel_loop3A_554, %parallel_loop3A_555], %parallel_loop3A_558 {strides = array<i32>} : memref<128x128xf32, #tpu.memory_space<vmem>>, vector<1x16xf32>,
        %parallel_loop3A_559 = arith.index_cast %parallel_loop3A_536 : i32 to index
        %parallel_loop3A_560 = arith.constant 32 : index
        %parallel_loop3A_561 = tpu.vector_load %arg11[%parallel_loop3A_559, %parallel_loop3A_560] {strides = array<i32>} : memref<128x128xf32, #tpu.memory_space<vmem>>, vector<1x16xf32>,
        %parallel_loop3A_562 = vector.shape_cast %parallel_loop3A_561 : vector<1x16xf32> to vector<16xf32>
        %parallel_loop3A_563 = vector.broadcast %parallel_loop3A_534 : f32 to vector<16xf32>
        %parallel_loop3A_564 = arith.mulf %parallel_loop3A_562, %parallel_loop3A_563 : vector<16xf32>
        %parallel_loop3A_565 = arith.index_cast %parallel_loop3A_536 : i32 to index
        %parallel_loop3A_566 = arith.constant 32 : index
        %parallel_loop3A_567 = tpu.vector_load %arg11[%parallel_loop3A_565, %parallel_loop3A_566] {strides = array<i32>} : memref<128x128xf32, #tpu.memory_space<vmem>>, vector<1x16xf32>,
        %parallel_loop3A_568 = vector.shape_cast %parallel_loop3A_567 : vector<1x16xf32> to vector<16xf32>
        %parallel_loop3A_569 = vector.shape_cast %parallel_loop3A_564 : vector<16xf32> to vector<1x16xf32>
        tpu.vector_store %arg11[%parallel_loop3A_565, %parallel_loop3A_566], %parallel_loop3A_569 {strides = array<i32>} : memref<128x128xf32, #tpu.memory_space<vmem>>, vector<1x16xf32>,
        %parallel_loop3A_570 = arith.index_cast %parallel_loop3A_536 : i32 to index
        %parallel_loop3A_571 = arith.constant 48 : index
        %parallel_loop3A_572 = tpu.vector_load %arg11[%parallel_loop3A_570, %parallel_loop3A_571] {strides = array<i32>} : memref<128x128xf32, #tpu.memory_space<vmem>>, vector<1x16xf32>,
        %parallel_loop3A_573 = vector.shape_cast %parallel_loop3A_572 : vector<1x16xf32> to vector<16xf32>
        %parallel_loop3A_574 = vector.broadcast %parallel_loop3A_534 : f32 to vector<16xf32>
        %parallel_loop3A_575 = arith.mulf %parallel_loop3A_573, %parallel_loop3A_574 : vector<16xf32>
        %parallel_loop3A_576 = arith.index_cast %parallel_loop3A_536 : i32 to index
        %parallel_loop3A_577 = arith.constant 48 : index
        %parallel_loop3A_578 = tpu.vector_load %arg11[%parallel_loop3A_576, %parallel_loop3A_577] {strides = array<i32>} : memref<128x128xf32, #tpu.memory_space<vmem>>, vector<1x16xf32>,
        %parallel_loop3A_579 = vector.shape_cast %parallel_loop3A_578 : vector<1x16xf32> to vector<16xf32>
        %parallel_loop3A_580 = vector.shape_cast %parallel_loop3A_575 : vector<16xf32> to vector<1x16xf32>
        tpu.vector_store %arg11[%parallel_loop3A_576, %parallel_loop3A_577], %parallel_loop3A_580 {strides = array<i32>} : memref<128x128xf32, #tpu.memory_space<vmem>>, vector<1x16xf32>,
        %parallel_loop3A_581 = arith.index_cast %parallel_loop3A_536 : i32 to index
        %parallel_loop3A_582 = arith.constant 64 : index
        %parallel_loop3A_583 = tpu.vector_load %arg11[%parallel_loop3A_581, %parallel_loop3A_582] {strides = array<i32>} : memref<128x128xf32, #tpu.memory_space<vmem>>, vector<1x16xf32>,
        %parallel_loop3A_584 = vector.shape_cast %parallel_loop3A_583 : vector<1x16xf32> to vector<16xf32>
        %parallel_loop3A_585 = vector.broadcast %parallel_loop3A_534 : f32 to vector<16xf32>
        %parallel_loop3A_586 = arith.mulf %parallel_loop3A_584, %parallel_loop3A_585 : vector<16xf32>
        %parallel_loop3A_587 = arith.index_cast %parallel_loop3A_536 : i32 to index
        %parallel_loop3A_588 = arith.constant 64 : index
        %parallel_loop3A_589 = tpu.vector_load %arg11[%parallel_loop3A_587, %parallel_loop3A_588] {strides = array<i32>} : memref<128x128xf32, #tpu.memory_space<vmem>>, vector<1x16xf32>,
        %parallel_loop3A_590 = vector.shape_cast %parallel_loop3A_589 : vector<1x16xf32> to vector<16xf32>
        %parallel_loop3A_591 = vector.shape_cast %parallel_loop3A_586 : vector<16xf32> to vector<1x16xf32>
        tpu.vector_store %arg11[%parallel_loop3A_587, %parallel_loop3A_588], %parallel_loop3A_591 {strides = array<i32>} : memref<128x128xf32, #tpu.memory_space<vmem>>, vector<1x16xf32>,
        %parallel_loop3A_592 = arith.index_cast %parallel_loop3A_536 : i32 to index
        %parallel_loop3A_593 = arith.constant 80 : index
        %parallel_loop3A_594 = tpu.vector_load %arg11[%parallel_loop3A_592, %parallel_loop3A_593] {strides = array<i32>} : memref<128x128xf32, #tpu.memory_space<vmem>>, vector<1x16xf32>,
        %parallel_loop3A_595 = vector.shape_cast %parallel_loop3A_594 : vector<1x16xf32> to vector<16xf32>
        %parallel_loop3A_596 = vector.broadcast %parallel_loop3A_534 : f32 to vector<16xf32>
        %parallel_loop3A_597 = arith.mulf %parallel_loop3A_595, %parallel_loop3A_596 : vector<16xf32>
        %parallel_loop3A_598 = arith.index_cast %parallel_loop3A_536 : i32 to index
        %parallel_loop3A_599 = arith.constant 80 : index
        %parallel_loop3A_600 = tpu.vector_load %arg11[%parallel_loop3A_598, %parallel_loop3A_599] {strides = array<i32>} : memref<128x128xf32, #tpu.memory_space<vmem>>, vector<1x16xf32>,
        %parallel_loop3A_601 = vector.shape_cast %parallel_loop3A_600 : vector<1x16xf32> to vector<16xf32>
        %parallel_loop3A_602 = vector.shape_cast %parallel_loop3A_597 : vector<16xf32> to vector<1x16xf32>
        tpu.vector_store %arg11[%parallel_loop3A_598, %parallel_loop3A_599], %parallel_loop3A_602 {strides = array<i32>} : memref<128x128xf32, #tpu.memory_space<vmem>>, vector<1x16xf32>,
        %parallel_loop3A_603 = arith.index_cast %parallel_loop3A_536 : i32 to index
        %parallel_loop3A_604 = arith.constant 96 : index
        %parallel_loop3A_605 = tpu.vector_load %arg11[%parallel_loop3A_603, %parallel_loop3A_604] {strides = array<i32>} : memref<128x128xf32, #tpu.memory_space<vmem>>, vector<1x16xf32>,
        %parallel_loop3A_606 = vector.shape_cast %parallel_loop3A_605 : vector<1x16xf32> to vector<16xf32>
        %parallel_loop3A_607 = vector.broadcast %parallel_loop3A_534 : f32 to vector<16xf32>
        %parallel_loop3A_608 = arith.mulf %parallel_loop3A_606, %parallel_loop3A_607 : vector<16xf32>
        %parallel_loop3A_609 = arith.index_cast %parallel_loop3A_536 : i32 to index
        %parallel_loop3A_610 = arith.constant 96 : index
        %parallel_loop3A_611 = tpu.vector_load %arg11[%parallel_loop3A_609, %parallel_loop3A_610] {strides = array<i32>} : memref<128x128xf32, #tpu.memory_space<vmem>>, vector<1x16xf32>,
        %parallel_loop3A_612 = vector.shape_cast %parallel_loop3A_611 : vector<1x16xf32> to vector<16xf32>
        %parallel_loop3A_613 = vector.shape_cast %parallel_loop3A_608 : vector<16xf32> to vector<1x16xf32>
        tpu.vector_store %arg11[%parallel_loop3A_609, %parallel_loop3A_610], %parallel_loop3A_613 {strides = array<i32>} : memref<128x128xf32, #tpu.memory_space<vmem>>, vector<1x16xf32>,
        %parallel_loop3A_614 = arith.index_cast %parallel_loop3A_536 : i32 to index
        %parallel_loop3A_615 = arith.constant 112 : index
        %parallel_loop3A_616 = tpu.vector_load %arg11[%parallel_loop3A_614, %parallel_loop3A_615] {strides = array<i32>} : memref<128x128xf32, #tpu.memory_space<vmem>>, vector<1x16xf32>,
        %parallel_loop3A_617 = vector.shape_cast %parallel_loop3A_616 : vector<1x16xf32> to vector<16xf32>
        %parallel_loop3A_618 = vector.broadcast %parallel_loop3A_534 : f32 to vector<16xf32>
        %parallel_loop3A_619 = arith.mulf %parallel_loop3A_617, %parallel_loop3A_618 : vector<16xf32>
        %parallel_loop3A_620 = arith.index_cast %parallel_loop3A_536 : i32 to index
        %parallel_loop3A_621 = arith.constant 112 : index
        %parallel_loop3A_622 = tpu.vector_load %arg11[%parallel_loop3A_620, %parallel_loop3A_621] {strides = array<i32>} : memref<128x128xf32, #tpu.memory_space<vmem>>, vector<1x16xf32>,
        %parallel_loop3A_623 = vector.shape_cast %parallel_loop3A_622 : vector<1x16xf32> to vector<16xf32>
        %parallel_loop3A_624 = vector.shape_cast %parallel_loop3A_619 : vector<16xf32> to vector<1x16xf32>
        tpu.vector_store %arg11[%parallel_loop3A_620, %parallel_loop3A_621], %parallel_loop3A_624 {strides = array<i32>} : memref<128x128xf32, #tpu.memory_space<vmem>>, vector<1x16xf32>,
        %parallel_loop3A_625 = vector.extract_strided_slice %parallel_loop3A_256 {offsets = [4], sizes = [1], strides = [1]} : vector<16xf32> to vector<1xf32>
        %parallel_loop3A_626 = vector.extract %parallel_loop3A_625[0] : f32 from vector<1xf32>
        %parallel_loop3A_627 = arith.constant 4 : i32
        %parallel_loop3A_628 = arith.addi %parallel_loop3A_251, %parallel_loop3A_627 : i32
        %parallel_loop3A_629 = arith.index_cast %parallel_loop3A_628 : i32 to index
        %parallel_loop3A_630 = arith.constant 0 : index
        %parallel_loop3A_631 = tpu.vector_load %arg11[%parallel_loop3A_629, %parallel_loop3A_630] {strides = array<i32>} : memref<128x128xf32, #tpu.memory_space<vmem>>, vector<1x16xf32>,
        %parallel_loop3A_632 = vector.shape_cast %parallel_loop3A_631 : vector<1x16xf32> to vector<16xf32>
        %parallel_loop3A_633 = vector.broadcast %parallel_loop3A_626 : f32 to vector<16xf32>
        %parallel_loop3A_634 = arith.mulf %parallel_loop3A_632, %parallel_loop3A_633 : vector<16xf32>
        %parallel_loop3A_635 = arith.index_cast %parallel_loop3A_628 : i32 to index
        %parallel_loop3A_636 = arith.constant 0 : index
        %parallel_loop3A_637 = tpu.vector_load %arg11[%parallel_loop3A_635, %parallel_loop3A_636] {strides = array<i32>} : memref<128x128xf32, #tpu.memory_space<vmem>>, vector<1x16xf32>,
        %parallel_loop3A_638 = vector.shape_cast %parallel_loop3A_637 : vector<1x16xf32> to vector<16xf32>
        %parallel_loop3A_639 = vector.shape_cast %parallel_loop3A_634 : vector<16xf32> to vector<1x16xf32>
        tpu.vector_store %arg11[%parallel_loop3A_635, %parallel_loop3A_636], %parallel_loop3A_639 {strides = array<i32>} : memref<128x128xf32, #tpu.memory_space<vmem>>, vector<1x16xf32>,
        %parallel_loop3A_640 = arith.index_cast %parallel_loop3A_628 : i32 to index
        %parallel_loop3A_641 = arith.constant 16 : index
        %parallel_loop3A_642 = tpu.vector_load %arg11[%parallel_loop3A_640, %parallel_loop3A_641] {strides = array<i32>} : memref<128x128xf32, #tpu.memory_space<vmem>>, vector<1x16xf32>,
        %parallel_loop3A_643 = vector.shape_cast %parallel_loop3A_642 : vector<1x16xf32> to vector<16xf32>
        %parallel_loop3A_644 = vector.broadcast %parallel_loop3A_626 : f32 to vector<16xf32>
        %parallel_loop3A_645 = arith.mulf %parallel_loop3A_643, %parallel_loop3A_644 : vector<16xf32>
        %parallel_loop3A_646 = arith.index_cast %parallel_loop3A_628 : i32 to index
        %parallel_loop3A_647 = arith.constant 16 : index
        %parallel_loop3A_648 = tpu.vector_load %arg11[%parallel_loop3A_646, %parallel_loop3A_647] {strides = array<i32>} : memref<128x128xf32, #tpu.memory_space<vmem>>, vector<1x16xf32>,
        %parallel_loop3A_649 = vector.shape_cast %parallel_loop3A_648 : vector<1x16xf32> to vector<16xf32>
        %parallel_loop3A_650 = vector.shape_cast %parallel_loop3A_645 : vector<16xf32> to vector<1x16xf32>
        tpu.vector_store %arg11[%parallel_loop3A_646, %parallel_loop3A_647], %parallel_loop3A_650 {strides = array<i32>} : memref<128x128xf32, #tpu.memory_space<vmem>>, vector<1x16xf32>,
        %parallel_loop3A_651 = arith.index_cast %parallel_loop3A_628 : i32 to index
        %parallel_loop3A_652 = arith.constant 32 : index
        %parallel_loop3A_653 = tpu.vector_load %arg11[%parallel_loop3A_651, %parallel_loop3A_652] {strides = array<i32>} : memref<128x128xf32, #tpu.memory_space<vmem>>, vector<1x16xf32>,
        %parallel_loop3A_654 = vector.shape_cast %parallel_loop3A_653 : vector<1x16xf32> to vector<16xf32>
        %parallel_loop3A_655 = vector.broadcast %parallel_loop3A_626 : f32 to vector<16xf32>
        %parallel_loop3A_656 = arith.mulf %parallel_loop3A_654, %parallel_loop3A_655 : vector<16xf32>
        %parallel_loop3A_657 = arith.index_cast %parallel_loop3A_628 : i32 to index
        %parallel_loop3A_658 = arith.constant 32 : index
        %parallel_loop3A_659 = tpu.vector_load %arg11[%parallel_loop3A_657, %parallel_loop3A_658] {strides = array<i32>} : memref<128x128xf32, #tpu.memory_space<vmem>>, vector<1x16xf32>,
        %parallel_loop3A_660 = vector.shape_cast %parallel_loop3A_659 : vector<1x16xf32> to vector<16xf32>
        %parallel_loop3A_661 = vector.shape_cast %parallel_loop3A_656 : vector<16xf32> to vector<1x16xf32>
        tpu.vector_store %arg11[%parallel_loop3A_657, %parallel_loop3A_658], %parallel_loop3A_661 {strides = array<i32>} : memref<128x128xf32, #tpu.memory_space<vmem>>, vector<1x16xf32>,
        %parallel_loop3A_662 = arith.index_cast %parallel_loop3A_628 : i32 to index
        %parallel_loop3A_663 = arith.constant 48 : index
        %parallel_loop3A_664 = tpu.vector_load %arg11[%parallel_loop3A_662, %parallel_loop3A_663] {strides = array<i32>} : memref<128x128xf32, #tpu.memory_space<vmem>>, vector<1x16xf32>,
        %parallel_loop3A_665 = vector.shape_cast %parallel_loop3A_664 : vector<1x16xf32> to vector<16xf32>
        %parallel_loop3A_666 = vector.broadcast %parallel_loop3A_626 : f32 to vector<16xf32>
        %parallel_loop3A_667 = arith.mulf %parallel_loop3A_665, %parallel_loop3A_666 : vector<16xf32>
        %parallel_loop3A_668 = arith.index_cast %parallel_loop3A_628 : i32 to index
        %parallel_loop3A_669 = arith.constant 48 : index
        %parallel_loop3A_670 = tpu.vector_load %arg11[%parallel_loop3A_668, %parallel_loop3A_669] {strides = array<i32>} : memref<128x128xf32, #tpu.memory_space<vmem>>, vector<1x16xf32>,
        %parallel_loop3A_671 = vector.shape_cast %parallel_loop3A_670 : vector<1x16xf32> to vector<16xf32>
        %parallel_loop3A_672 = vector.shape_cast %parallel_loop3A_667 : vector<16xf32> to vector<1x16xf32>
        tpu.vector_store %arg11[%parallel_loop3A_668, %parallel_loop3A_669], %parallel_loop3A_672 {strides = array<i32>} : memref<128x128xf32, #tpu.memory_space<vmem>>, vector<1x16xf32>,
        %parallel_loop3A_673 = arith.index_cast %parallel_loop3A_628 : i32 to index
        %parallel_loop3A_674 = arith.constant 64 : index
        %parallel_loop3A_675 = tpu.vector_load %arg11[%parallel_loop3A_673, %parallel_loop3A_674] {strides = array<i32>} : memref<128x128xf32, #tpu.memory_space<vmem>>, vector<1x16xf32>,
        %parallel_loop3A_676 = vector.shape_cast %parallel_loop3A_675 : vector<1x16xf32> to vector<16xf32>
        %parallel_loop3A_677 = vector.broadcast %parallel_loop3A_626 : f32 to vector<16xf32>
        %parallel_loop3A_678 = arith.mulf %parallel_loop3A_676, %parallel_loop3A_677 : vector<16xf32>
        %parallel_loop3A_679 = arith.index_cast %parallel_loop3A_628 : i32 to index
        %parallel_loop3A_680 = arith.constant 64 : index
        %parallel_loop3A_681 = tpu.vector_load %arg11[%parallel_loop3A_679, %parallel_loop3A_680] {strides = array<i32>} : memref<128x128xf32, #tpu.memory_space<vmem>>, vector<1x16xf32>,
        %parallel_loop3A_682 = vector.shape_cast %parallel_loop3A_681 : vector<1x16xf32> to vector<16xf32>
        %parallel_loop3A_683 = vector.shape_cast %parallel_loop3A_678 : vector<16xf32> to vector<1x16xf32>
        tpu.vector_store %arg11[%parallel_loop3A_679, %parallel_loop3A_680], %parallel_loop3A_683 {strides = array<i32>} : memref<128x128xf32, #tpu.memory_space<vmem>>, vector<1x16xf32>,
        %parallel_loop3A_684 = arith.index_cast %parallel_loop3A_628 : i32 to index
        %parallel_loop3A_685 = arith.constant 80 : index
        %parallel_loop3A_686 = tpu.vector_load %arg11[%parallel_loop3A_684, %parallel_loop3A_685] {strides = array<i32>} : memref<128x128xf32, #tpu.memory_space<vmem>>, vector<1x16xf32>,
        %parallel_loop3A_687 = vector.shape_cast %parallel_loop3A_686 : vector<1x16xf32> to vector<16xf32>
        %parallel_loop3A_688 = vector.broadcast %parallel_loop3A_626 : f32 to vector<16xf32>
        %parallel_loop3A_689 = arith.mulf %parallel_loop3A_687, %parallel_loop3A_688 : vector<16xf32>
        %parallel_loop3A_690 = arith.index_cast %parallel_loop3A_628 : i32 to index
        %parallel_loop3A_691 = arith.constant 80 : index
        %parallel_loop3A_692 = tpu.vector_load %arg11[%parallel_loop3A_690, %parallel_loop3A_691] {strides = array<i32>} : memref<128x128xf32, #tpu.memory_space<vmem>>, vector<1x16xf32>,
        %parallel_loop3A_693 = vector.shape_cast %parallel_loop3A_692 : vector<1x16xf32> to vector<16xf32>
        %parallel_loop3A_694 = vector.shape_cast %parallel_loop3A_689 : vector<16xf32> to vector<1x16xf32>
        tpu.vector_store %arg11[%parallel_loop3A_690, %parallel_loop3A_691], %parallel_loop3A_694 {strides = array<i32>} : memref<128x128xf32, #tpu.memory_space<vmem>>, vector<1x16xf32>,
        %parallel_loop3A_695 = arith.index_cast %parallel_loop3A_628 : i32 to index
        %parallel_loop3A_696 = arith.constant 96 : index
        %parallel_loop3A_697 = tpu.vector_load %arg11[%parallel_loop3A_695, %parallel_loop3A_696] {strides = array<i32>} : memref<128x128xf32, #tpu.memory_space<vmem>>, vector<1x16xf32>,
        %parallel_loop3A_698 = vector.shape_cast %parallel_loop3A_697 : vector<1x16xf32> to vector<16xf32>
        %parallel_loop3A_699 = vector.broadcast %parallel_loop3A_626 : f32 to vector<16xf32>
        %parallel_loop3A_700 = arith.mulf %parallel_loop3A_698, %parallel_loop3A_699 : vector<16xf32>
        %parallel_loop3A_701 = arith.index_cast %parallel_loop3A_628 : i32 to index
        %parallel_loop3A_702 = arith.constant 96 : index
        %parallel_loop3A_703 = tpu.vector_load %arg11[%parallel_loop3A_701, %parallel_loop3A_702] {strides = array<i32>} : memref<128x128xf32, #tpu.memory_space<vmem>>, vector<1x16xf32>,
        %parallel_loop3A_704 = vector.shape_cast %parallel_loop3A_703 : vector<1x16xf32> to vector<16xf32>
        %parallel_loop3A_705 = vector.shape_cast %parallel_loop3A_700 : vector<16xf32> to vector<1x16xf32>
        tpu.vector_store %arg11[%parallel_loop3A_701, %parallel_loop3A_702], %parallel_loop3A_705 {strides = array<i32>} : memref<128x128xf32, #tpu.memory_space<vmem>>, vector<1x16xf32>,
        %parallel_loop3A_706 = arith.index_cast %parallel_loop3A_628 : i32 to index
        %parallel_loop3A_707 = arith.constant 112 : index
        %parallel_loop3A_708 = tpu.vector_load %arg11[%parallel_loop3A_706, %parallel_loop3A_707] {strides = array<i32>} : memref<128x128xf32, #tpu.memory_space<vmem>>, vector<1x16xf32>,
        %parallel_loop3A_709 = vector.shape_cast %parallel_loop3A_708 : vector<1x16xf32> to vector<16xf32>
        %parallel_loop3A_710 = vector.broadcast %parallel_loop3A_626 : f32 to vector<16xf32>
        %parallel_loop3A_711 = arith.mulf %parallel_loop3A_709, %parallel_loop3A_710 : vector<16xf32>
        %parallel_loop3A_712 = arith.index_cast %parallel_loop3A_628 : i32 to index
        %parallel_loop3A_713 = arith.constant 112 : index
        %parallel_loop3A_714 = tpu.vector_load %arg11[%parallel_loop3A_712, %parallel_loop3A_713] {strides = array<i32>} : memref<128x128xf32, #tpu.memory_space<vmem>>, vector<1x16xf32>,
        %parallel_loop3A_715 = vector.shape_cast %parallel_loop3A_714 : vector<1x16xf32> to vector<16xf32>
        %parallel_loop3A_716 = vector.shape_cast %parallel_loop3A_711 : vector<16xf32> to vector<1x16xf32>
        tpu.vector_store %arg11[%parallel_loop3A_712, %parallel_loop3A_713], %parallel_loop3A_716 {strides = array<i32>} : memref<128x128xf32, #tpu.memory_space<vmem>>, vector<1x16xf32>,
        %parallel_loop3A_717 = vector.extract_strided_slice %parallel_loop3A_256 {offsets = [5], sizes = [1], strides = [1]} : vector<16xf32> to vector<1xf32>
        %parallel_loop3A_718 = vector.extract %parallel_loop3A_717[0] : f32 from vector<1xf32>
        %parallel_loop3A_719 = arith.constant 5 : i32
        %parallel_loop3A_720 = arith.addi %parallel_loop3A_251, %parallel_loop3A_719 : i32
        %parallel_loop3A_721 = arith.index_cast %parallel_loop3A_720 : i32 to index
        %parallel_loop3A_722 = arith.constant 0 : index
        %parallel_loop3A_723 = tpu.vector_load %arg11[%parallel_loop3A_721, %parallel_loop3A_722] {strides = array<i32>} : memref<128x128xf32, #tpu.memory_space<vmem>>, vector<1x16xf32>,
        %parallel_loop3A_724 = vector.shape_cast %parallel_loop3A_723 : vector<1x16xf32> to vector<16xf32>
        %parallel_loop3A_725 = vector.broadcast %parallel_loop3A_718 : f32 to vector<16xf32>
        %parallel_loop3A_726 = arith.mulf %parallel_loop3A_724, %parallel_loop3A_725 : vector<16xf32>
        %parallel_loop3A_727 = arith.index_cast %parallel_loop3A_720 : i32 to index
        %parallel_loop3A_728 = arith.constant 0 : index
        %parallel_loop3A_729 = tpu.vector_load %arg11[%parallel_loop3A_727, %parallel_loop3A_728] {strides = array<i32>} : memref<128x128xf32, #tpu.memory_space<vmem>>, vector<1x16xf32>,
        %parallel_loop3A_730 = vector.shape_cast %parallel_loop3A_729 : vector<1x16xf32> to vector<16xf32>
        %parallel_loop3A_731 = vector.shape_cast %parallel_loop3A_726 : vector<16xf32> to vector<1x16xf32>
        tpu.vector_store %arg11[%parallel_loop3A_727, %parallel_loop3A_728], %parallel_loop3A_731 {strides = array<i32>} : memref<128x128xf32, #tpu.memory_space<vmem>>, vector<1x16xf32>,
        %parallel_loop3A_732 = arith.index_cast %parallel_loop3A_720 : i32 to index
        %parallel_loop3A_733 = arith.constant 16 : index
        %parallel_loop3A_734 = tpu.vector_load %arg11[%parallel_loop3A_732, %parallel_loop3A_733] {strides = array<i32>} : memref<128x128xf32, #tpu.memory_space<vmem>>, vector<1x16xf32>,
        %parallel_loop3A_735 = vector.shape_cast %parallel_loop3A_734 : vector<1x16xf32> to vector<16xf32>
        %parallel_loop3A_736 = vector.broadcast %parallel_loop3A_718 : f32 to vector<16xf32>
        %parallel_loop3A_737 = arith.mulf %parallel_loop3A_735, %parallel_loop3A_736 : vector<16xf32>
        %parallel_loop3A_738 = arith.index_cast %parallel_loop3A_720 : i32 to index
        %parallel_loop3A_739 = arith.constant 16 : index
        %parallel_loop3A_740 = tpu.vector_load %arg11[%parallel_loop3A_738, %parallel_loop3A_739] {strides = array<i32>} : memref<128x128xf32, #tpu.memory_space<vmem>>, vector<1x16xf32>,
        %parallel_loop3A_741 = vector.shape_cast %parallel_loop3A_740 : vector<1x16xf32> to vector<16xf32>
        %parallel_loop3A_742 = vector.shape_cast %parallel_loop3A_737 : vector<16xf32> to vector<1x16xf32>
        tpu.vector_store %arg11[%parallel_loop3A_738, %parallel_loop3A_739], %parallel_loop3A_742 {strides = array<i32>} : memref<128x128xf32, #tpu.memory_space<vmem>>, vector<1x16xf32>,
        %parallel_loop3A_743 = arith.index_cast %parallel_loop3A_720 : i32 to index
        %parallel_loop3A_744 = arith.constant 32 : index
        %parallel_loop3A_745 = tpu.vector_load %arg11[%parallel_loop3A_743, %parallel_loop3A_744] {strides = array<i32>} : memref<128x128xf32, #tpu.memory_space<vmem>>, vector<1x16xf32>,
        %parallel_loop3A_746 = vector.shape_cast %parallel_loop3A_745 : vector<1x16xf32> to vector<16xf32>
        %parallel_loop3A_747 = vector.broadcast %parallel_loop3A_718 : f32 to vector<16xf32>
        %parallel_loop3A_748 = arith.mulf %parallel_loop3A_746, %parallel_loop3A_747 : vector<16xf32>
        %parallel_loop3A_749 = arith.index_cast %parallel_loop3A_720 : i32 to index
        %parallel_loop3A_750 = arith.constant 32 : index
        %parallel_loop3A_751 = tpu.vector_load %arg11[%parallel_loop3A_749, %parallel_loop3A_750] {strides = array<i32>} : memref<128x128xf32, #tpu.memory_space<vmem>>, vector<1x16xf32>,
        %parallel_loop3A_752 = vector.shape_cast %parallel_loop3A_751 : vector<1x16xf32> to vector<16xf32>
        %parallel_loop3A_753 = vector.shape_cast %parallel_loop3A_748 : vector<16xf32> to vector<1x16xf32>
        tpu.vector_store %arg11[%parallel_loop3A_749, %parallel_loop3A_750], %parallel_loop3A_753 {strides = array<i32>} : memref<128x128xf32, #tpu.memory_space<vmem>>, vector<1x16xf32>,
        %parallel_loop3A_754 = arith.index_cast %parallel_loop3A_720 : i32 to index
        %parallel_loop3A_755 = arith.constant 48 : index
        %parallel_loop3A_756 = tpu.vector_load %arg11[%parallel_loop3A_754, %parallel_loop3A_755] {strides = array<i32>} : memref<128x128xf32, #tpu.memory_space<vmem>>, vector<1x16xf32>,
        %parallel_loop3A_757 = vector.shape_cast %parallel_loop3A_756 : vector<1x16xf32> to vector<16xf32>
        %parallel_loop3A_758 = vector.broadcast %parallel_loop3A_718 : f32 to vector<16xf32>
        %parallel_loop3A_759 = arith.mulf %parallel_loop3A_757, %parallel_loop3A_758 : vector<16xf32>
        %parallel_loop3A_760 = arith.index_cast %parallel_loop3A_720 : i32 to index
        %parallel_loop3A_761 = arith.constant 48 : index
        %parallel_loop3A_762 = tpu.vector_load %arg11[%parallel_loop3A_760, %parallel_loop3A_761] {strides = array<i32>} : memref<128x128xf32, #tpu.memory_space<vmem>>, vector<1x16xf32>,
        %parallel_loop3A_763 = vector.shape_cast %parallel_loop3A_762 : vector<1x16xf32> to vector<16xf32>
        %parallel_loop3A_764 = vector.shape_cast %parallel_loop3A_759 : vector<16xf32> to vector<1x16xf32>
        tpu.vector_store %arg11[%parallel_loop3A_760, %parallel_loop3A_761], %parallel_loop3A_764 {strides = array<i32>} : memref<128x128xf32, #tpu.memory_space<vmem>>, vector<1x16xf32>,
        %parallel_loop3A_765 = arith.index_cast %parallel_loop3A_720 : i32 to index
        %parallel_loop3A_766 = arith.constant 64 : index
        %parallel_loop3A_767 = tpu.vector_load %arg11[%parallel_loop3A_765, %parallel_loop3A_766] {strides = array<i32>} : memref<128x128xf32, #tpu.memory_space<vmem>>, vector<1x16xf32>,
        %parallel_loop3A_768 = vector.shape_cast %parallel_loop3A_767 : vector<1x16xf32> to vector<16xf32>
        %parallel_loop3A_769 = vector.broadcast %parallel_loop3A_718 : f32 to vector<16xf32>
        %parallel_loop3A_770 = arith.mulf %parallel_loop3A_768, %parallel_loop3A_769 : vector<16xf32>
        %parallel_loop3A_771 = arith.index_cast %parallel_loop3A_720 : i32 to index
        %parallel_loop3A_772 = arith.constant 64 : index
        %parallel_loop3A_773 = tpu.vector_load %arg11[%parallel_loop3A_771, %parallel_loop3A_772] {strides = array<i32>} : memref<128x128xf32, #tpu.memory_space<vmem>>, vector<1x16xf32>,
        %parallel_loop3A_774 = vector.shape_cast %parallel_loop3A_773 : vector<1x16xf32> to vector<16xf32>
        %parallel_loop3A_775 = vector.shape_cast %parallel_loop3A_770 : vector<16xf32> to vector<1x16xf32>
        tpu.vector_store %arg11[%parallel_loop3A_771, %parallel_loop3A_772], %parallel_loop3A_775 {strides = array<i32>} : memref<128x128xf32, #tpu.memory_space<vmem>>, vector<1x16xf32>,
        %parallel_loop3A_776 = arith.index_cast %parallel_loop3A_720 : i32 to index
        %parallel_loop3A_777 = arith.constant 80 : index
        %parallel_loop3A_778 = tpu.vector_load %arg11[%parallel_loop3A_776, %parallel_loop3A_777] {strides = array<i32>} : memref<128x128xf32, #tpu.memory_space<vmem>>, vector<1x16xf32>,
        %parallel_loop3A_779 = vector.shape_cast %parallel_loop3A_778 : vector<1x16xf32> to vector<16xf32>
        %parallel_loop3A_780 = vector.broadcast %parallel_loop3A_718 : f32 to vector<16xf32>
        %parallel_loop3A_781 = arith.mulf %parallel_loop3A_779, %parallel_loop3A_780 : vector<16xf32>
        %parallel_loop3A_782 = arith.index_cast %parallel_loop3A_720 : i32 to index
        %parallel_loop3A_783 = arith.constant 80 : index
        %parallel_loop3A_784 = tpu.vector_load %arg11[%parallel_loop3A_782, %parallel_loop3A_783] {strides = array<i32>} : memref<128x128xf32, #tpu.memory_space<vmem>>, vector<1x16xf32>,
        %parallel_loop3A_785 = vector.shape_cast %parallel_loop3A_784 : vector<1x16xf32> to vector<16xf32>
        %parallel_loop3A_786 = vector.shape_cast %parallel_loop3A_781 : vector<16xf32> to vector<1x16xf32>
        tpu.vector_store %arg11[%parallel_loop3A_782, %parallel_loop3A_783], %parallel_loop3A_786 {strides = array<i32>} : memref<128x128xf32, #tpu.memory_space<vmem>>, vector<1x16xf32>,
        %parallel_loop3A_787 = arith.index_cast %parallel_loop3A_720 : i32 to index
        %parallel_loop3A_788 = arith.constant 96 : index
        %parallel_loop3A_789 = tpu.vector_load %arg11[%parallel_loop3A_787, %parallel_loop3A_788] {strides = array<i32>} : memref<128x128xf32, #tpu.memory_space<vmem>>, vector<1x16xf32>,
        %parallel_loop3A_790 = vector.shape_cast %parallel_loop3A_789 : vector<1x16xf32> to vector<16xf32>
        %parallel_loop3A_791 = vector.broadcast %parallel_loop3A_718 : f32 to vector<16xf32>
        %parallel_loop3A_792 = arith.mulf %parallel_loop3A_790, %parallel_loop3A_791 : vector<16xf32>
        %parallel_loop3A_793 = arith.index_cast %parallel_loop3A_720 : i32 to index
        %parallel_loop3A_794 = arith.constant 96 : index
        %parallel_loop3A_795 = tpu.vector_load %arg11[%parallel_loop3A_793, %parallel_loop3A_794] {strides = array<i32>} : memref<128x128xf32, #tpu.memory_space<vmem>>, vector<1x16xf32>,
        %parallel_loop3A_796 = vector.shape_cast %parallel_loop3A_795 : vector<1x16xf32> to vector<16xf32>
        %parallel_loop3A_797 = vector.shape_cast %parallel_loop3A_792 : vector<16xf32> to vector<1x16xf32>
        tpu.vector_store %arg11[%parallel_loop3A_793, %parallel_loop3A_794], %parallel_loop3A_797 {strides = array<i32>} : memref<128x128xf32, #tpu.memory_space<vmem>>, vector<1x16xf32>,
        %parallel_loop3A_798 = arith.index_cast %parallel_loop3A_720 : i32 to index
        %parallel_loop3A_799 = arith.constant 112 : index
        %parallel_loop3A_800 = tpu.vector_load %arg11[%parallel_loop3A_798, %parallel_loop3A_799] {strides = array<i32>} : memref<128x128xf32, #tpu.memory_space<vmem>>, vector<1x16xf32>,
        %parallel_loop3A_801 = vector.shape_cast %parallel_loop3A_800 : vector<1x16xf32> to vector<16xf32>
        %parallel_loop3A_802 = vector.broadcast %parallel_loop3A_718 : f32 to vector<16xf32>
        %parallel_loop3A_803 = arith.mulf %parallel_loop3A_801, %parallel_loop3A_802 : vector<16xf32>
        %parallel_loop3A_804 = arith.index_cast %parallel_loop3A_720 : i32 to index
        %parallel_loop3A_805 = arith.constant 112 : index
        %parallel_loop3A_806 = tpu.vector_load %arg11[%parallel_loop3A_804, %parallel_loop3A_805] {strides = array<i32>} : memref<128x128xf32, #tpu.memory_space<vmem>>, vector<1x16xf32>,
        %parallel_loop3A_807 = vector.shape_cast %parallel_loop3A_806 : vector<1x16xf32> to vector<16xf32>
        %parallel_loop3A_808 = vector.shape_cast %parallel_loop3A_803 : vector<16xf32> to vector<1x16xf32>
        tpu.vector_store %arg11[%parallel_loop3A_804, %parallel_loop3A_805], %parallel_loop3A_808 {strides = array<i32>} : memref<128x128xf32, #tpu.memory_space<vmem>>, vector<1x16xf32>,
        %parallel_loop3A_809 = vector.extract_strided_slice %parallel_loop3A_256 {offsets = [6], sizes = [1], strides = [1]} : vector<16xf32> to vector<1xf32>
        %parallel_loop3A_810 = vector.extract %parallel_loop3A_809[0] : f32 from vector<1xf32>
        %parallel_loop3A_811 = arith.constant 6 : i32
        %parallel_loop3A_812 = arith.addi %parallel_loop3A_251, %parallel_loop3A_811 : i32
        %parallel_loop3A_813 = arith.index_cast %parallel_loop3A_812 : i32 to index
        %parallel_loop3A_814 = arith.constant 0 : index
        %parallel_loop3A_815 = tpu.vector_load %arg11[%parallel_loop3A_813, %parallel_loop3A_814] {strides = array<i32>} : memref<128x128xf32, #tpu.memory_space<vmem>>, vector<1x16xf32>,
        %parallel_loop3A_816 = vector.shape_cast %parallel_loop3A_815 : vector<1x16xf32> to vector<16xf32>
        %parallel_loop3A_817 = vector.broadcast %parallel_loop3A_810 : f32 to vector<16xf32>
        %parallel_loop3A_818 = arith.mulf %parallel_loop3A_816, %parallel_loop3A_817 : vector<16xf32>
        %parallel_loop3A_819 = arith.index_cast %parallel_loop3A_812 : i32 to index
        %parallel_loop3A_820 = arith.constant 0 : index
        %parallel_loop3A_821 = tpu.vector_load %arg11[%parallel_loop3A_819, %parallel_loop3A_820] {strides = array<i32>} : memref<128x128xf32, #tpu.memory_space<vmem>>, vector<1x16xf32>,
        %parallel_loop3A_822 = vector.shape_cast %parallel_loop3A_821 : vector<1x16xf32> to vector<16xf32>
        %parallel_loop3A_823 = vector.shape_cast %parallel_loop3A_818 : vector<16xf32> to vector<1x16xf32>
        tpu.vector_store %arg11[%parallel_loop3A_819, %parallel_loop3A_820], %parallel_loop3A_823 {strides = array<i32>} : memref<128x128xf32, #tpu.memory_space<vmem>>, vector<1x16xf32>,
        %parallel_loop3A_824 = arith.index_cast %parallel_loop3A_812 : i32 to index
        %parallel_loop3A_825 = arith.constant 16 : index
        %parallel_loop3A_826 = tpu.vector_load %arg11[%parallel_loop3A_824, %parallel_loop3A_825] {strides = array<i32>} : memref<128x128xf32, #tpu.memory_space<vmem>>, vector<1x16xf32>,
        %parallel_loop3A_827 = vector.shape_cast %parallel_loop3A_826 : vector<1x16xf32> to vector<16xf32>
        %parallel_loop3A_828 = vector.broadcast %parallel_loop3A_810 : f32 to vector<16xf32>
        %parallel_loop3A_829 = arith.mulf %parallel_loop3A_827, %parallel_loop3A_828 : vector<16xf32>
        %parallel_loop3A_830 = arith.index_cast %parallel_loop3A_812 : i32 to index
        %parallel_loop3A_831 = arith.constant 16 : index
        %parallel_loop3A_832 = tpu.vector_load %arg11[%parallel_loop3A_830, %parallel_loop3A_831] {strides = array<i32>} : memref<128x128xf32, #tpu.memory_space<vmem>>, vector<1x16xf32>,
        %parallel_loop3A_833 = vector.shape_cast %parallel_loop3A_832 : vector<1x16xf32> to vector<16xf32>
        %parallel_loop3A_834 = vector.shape_cast %parallel_loop3A_829 : vector<16xf32> to vector<1x16xf32>
        tpu.vector_store %arg11[%parallel_loop3A_830, %parallel_loop3A_831], %parallel_loop3A_834 {strides = array<i32>} : memref<128x128xf32, #tpu.memory_space<vmem>>, vector<1x16xf32>,
        %parallel_loop3A_835 = arith.index_cast %parallel_loop3A_812 : i32 to index
        %parallel_loop3A_836 = arith.constant 32 : index
        %parallel_loop3A_837 = tpu.vector_load %arg11[%parallel_loop3A_835, %parallel_loop3A_836] {strides = array<i32>} : memref<128x128xf32, #tpu.memory_space<vmem>>, vector<1x16xf32>,
        %parallel_loop3A_838 = vector.shape_cast %parallel_loop3A_837 : vector<1x16xf32> to vector<16xf32>
        %parallel_loop3A_839 = vector.broadcast %parallel_loop3A_810 : f32 to vector<16xf32>
        %parallel_loop3A_840 = arith.mulf %parallel_loop3A_838, %parallel_loop3A_839 : vector<16xf32>
        %parallel_loop3A_841 = arith.index_cast %parallel_loop3A_812 : i32 to index
        %parallel_loop3A_842 = arith.constant 32 : index
        %parallel_loop3A_843 = tpu.vector_load %arg11[%parallel_loop3A_841, %parallel_loop3A_842] {strides = array<i32>} : memref<128x128xf32, #tpu.memory_space<vmem>>, vector<1x16xf32>,
        %parallel_loop3A_844 = vector.shape_cast %parallel_loop3A_843 : vector<1x16xf32> to vector<16xf32>
        %parallel_loop3A_845 = vector.shape_cast %parallel_loop3A_840 : vector<16xf32> to vector<1x16xf32>
        tpu.vector_store %arg11[%parallel_loop3A_841, %parallel_loop3A_842], %parallel_loop3A_845 {strides = array<i32>} : memref<128x128xf32, #tpu.memory_space<vmem>>, vector<1x16xf32>,
        %parallel_loop3A_846 = arith.index_cast %parallel_loop3A_812 : i32 to index
        %parallel_loop3A_847 = arith.constant 48 : index
        %parallel_loop3A_848 = tpu.vector_load %arg11[%parallel_loop3A_846, %parallel_loop3A_847] {strides = array<i32>} : memref<128x128xf32, #tpu.memory_space<vmem>>, vector<1x16xf32>,
        %parallel_loop3A_849 = vector.shape_cast %parallel_loop3A_848 : vector<1x16xf32> to vector<16xf32>
        %parallel_loop3A_850 = vector.broadcast %parallel_loop3A_810 : f32 to vector<16xf32>
        %parallel_loop3A_851 = arith.mulf %parallel_loop3A_849, %parallel_loop3A_850 : vector<16xf32>
        %parallel_loop3A_852 = arith.index_cast %parallel_loop3A_812 : i32 to index
        %parallel_loop3A_853 = arith.constant 48 : index
        %parallel_loop3A_854 = tpu.vector_load %arg11[%parallel_loop3A_852, %parallel_loop3A_853] {strides = array<i32>} : memref<128x128xf32, #tpu.memory_space<vmem>>, vector<1x16xf32>,
        %parallel_loop3A_855 = vector.shape_cast %parallel_loop3A_854 : vector<1x16xf32> to vector<16xf32>
        %parallel_loop3A_856 = vector.shape_cast %parallel_loop3A_851 : vector<16xf32> to vector<1x16xf32>
        tpu.vector_store %arg11[%parallel_loop3A_852, %parallel_loop3A_853], %parallel_loop3A_856 {strides = array<i32>} : memref<128x128xf32, #tpu.memory_space<vmem>>, vector<1x16xf32>,
        %parallel_loop3A_857 = arith.index_cast %parallel_loop3A_812 : i32 to index
        %parallel_loop3A_858 = arith.constant 64 : index
        %parallel_loop3A_859 = tpu.vector_load %arg11[%parallel_loop3A_857, %parallel_loop3A_858] {strides = array<i32>} : memref<128x128xf32, #tpu.memory_space<vmem>>, vector<1x16xf32>,
        %parallel_loop3A_860 = vector.shape_cast %parallel_loop3A_859 : vector<1x16xf32> to vector<16xf32>
        %parallel_loop3A_861 = vector.broadcast %parallel_loop3A_810 : f32 to vector<16xf32>
        %parallel_loop3A_862 = arith.mulf %parallel_loop3A_860, %parallel_loop3A_861 : vector<16xf32>
        %parallel_loop3A_863 = arith.index_cast %parallel_loop3A_812 : i32 to index
        %parallel_loop3A_864 = arith.constant 64 : index
        %parallel_loop3A_865 = tpu.vector_load %arg11[%parallel_loop3A_863, %parallel_loop3A_864] {strides = array<i32>} : memref<128x128xf32, #tpu.memory_space<vmem>>, vector<1x16xf32>,
        %parallel_loop3A_866 = vector.shape_cast %parallel_loop3A_865 : vector<1x16xf32> to vector<16xf32>
        %parallel_loop3A_867 = vector.shape_cast %parallel_loop3A_862 : vector<16xf32> to vector<1x16xf32>
        tpu.vector_store %arg11[%parallel_loop3A_863, %parallel_loop3A_864], %parallel_loop3A_867 {strides = array<i32>} : memref<128x128xf32, #tpu.memory_space<vmem>>, vector<1x16xf32>,
        %parallel_loop3A_868 = arith.index_cast %parallel_loop3A_812 : i32 to index
        %parallel_loop3A_869 = arith.constant 80 : index
        %parallel_loop3A_870 = tpu.vector_load %arg11[%parallel_loop3A_868, %parallel_loop3A_869] {strides = array<i32>} : memref<128x128xf32, #tpu.memory_space<vmem>>, vector<1x16xf32>,
        %parallel_loop3A_871 = vector.shape_cast %parallel_loop3A_870 : vector<1x16xf32> to vector<16xf32>
        %parallel_loop3A_872 = vector.broadcast %parallel_loop3A_810 : f32 to vector<16xf32>
        %parallel_loop3A_873 = arith.mulf %parallel_loop3A_871, %parallel_loop3A_872 : vector<16xf32>
        %parallel_loop3A_874 = arith.index_cast %parallel_loop3A_812 : i32 to index
        %parallel_loop3A_875 = arith.constant 80 : index
        %parallel_loop3A_876 = tpu.vector_load %arg11[%parallel_loop3A_874, %parallel_loop3A_875] {strides = array<i32>} : memref<128x128xf32, #tpu.memory_space<vmem>>, vector<1x16xf32>,
        %parallel_loop3A_877 = vector.shape_cast %parallel_loop3A_876 : vector<1x16xf32> to vector<16xf32>
        %parallel_loop3A_878 = vector.shape_cast %parallel_loop3A_873 : vector<16xf32> to vector<1x16xf32>
        tpu.vector_store %arg11[%parallel_loop3A_874, %parallel_loop3A_875], %parallel_loop3A_878 {strides = array<i32>} : memref<128x128xf32, #tpu.memory_space<vmem>>, vector<1x16xf32>,
        %parallel_loop3A_879 = arith.index_cast %parallel_loop3A_812 : i32 to index
        %parallel_loop3A_880 = arith.constant 96 : index
        %parallel_loop3A_881 = tpu.vector_load %arg11[%parallel_loop3A_879, %parallel_loop3A_880] {strides = array<i32>} : memref<128x128xf32, #tpu.memory_space<vmem>>, vector<1x16xf32>,
        %parallel_loop3A_882 = vector.shape_cast %parallel_loop3A_881 : vector<1x16xf32> to vector<16xf32>
        %parallel_loop3A_883 = vector.broadcast %parallel_loop3A_810 : f32 to vector<16xf32>
        %parallel_loop3A_884 = arith.mulf %parallel_loop3A_882, %parallel_loop3A_883 : vector<16xf32>
        %parallel_loop3A_885 = arith.index_cast %parallel_loop3A_812 : i32 to index
        %parallel_loop3A_886 = arith.constant 96 : index
        %parallel_loop3A_887 = tpu.vector_load %arg11[%parallel_loop3A_885, %parallel_loop3A_886] {strides = array<i32>} : memref<128x128xf32, #tpu.memory_space<vmem>>, vector<1x16xf32>,
        %parallel_loop3A_888 = vector.shape_cast %parallel_loop3A_887 : vector<1x16xf32> to vector<16xf32>
        %parallel_loop3A_889 = vector.shape_cast %parallel_loop3A_884 : vector<16xf32> to vector<1x16xf32>
        tpu.vector_store %arg11[%parallel_loop3A_885, %parallel_loop3A_886], %parallel_loop3A_889 {strides = array<i32>} : memref<128x128xf32, #tpu.memory_space<vmem>>, vector<1x16xf32>,
        %parallel_loop3A_890 = arith.index_cast %parallel_loop3A_812 : i32 to index
        %parallel_loop3A_891 = arith.constant 112 : index
        %parallel_loop3A_892 = tpu.vector_load %arg11[%parallel_loop3A_890, %parallel_loop3A_891] {strides = array<i32>} : memref<128x128xf32, #tpu.memory_space<vmem>>, vector<1x16xf32>,
        %parallel_loop3A_893 = vector.shape_cast %parallel_loop3A_892 : vector<1x16xf32> to vector<16xf32>
        %parallel_loop3A_894 = vector.broadcast %parallel_loop3A_810 : f32 to vector<16xf32>
        %parallel_loop3A_895 = arith.mulf %parallel_loop3A_893, %parallel_loop3A_894 : vector<16xf32>
        %parallel_loop3A_896 = arith.index_cast %parallel_loop3A_812 : i32 to index
        %parallel_loop3A_897 = arith.constant 112 : index
        %parallel_loop3A_898 = tpu.vector_load %arg11[%parallel_loop3A_896, %parallel_loop3A_897] {strides = array<i32>} : memref<128x128xf32, #tpu.memory_space<vmem>>, vector<1x16xf32>,
        %parallel_loop3A_899 = vector.shape_cast %parallel_loop3A_898 : vector<1x16xf32> to vector<16xf32>
        %parallel_loop3A_900 = vector.shape_cast %parallel_loop3A_895 : vector<16xf32> to vector<1x16xf32>
        tpu.vector_store %arg11[%parallel_loop3A_896, %parallel_loop3A_897], %parallel_loop3A_900 {strides = array<i32>} : memref<128x128xf32, #tpu.memory_space<vmem>>, vector<1x16xf32>,
        %parallel_loop3A_901 = vector.extract_strided_slice %parallel_loop3A_256 {offsets = [7], sizes = [1], strides = [1]} : vector<16xf32> to vector<1xf32>
        %parallel_loop3A_902 = vector.extract %parallel_loop3A_901[0] : f32 from vector<1xf32>
        %parallel_loop3A_903 = arith.constant 7 : i32
        %parallel_loop3A_904 = arith.addi %parallel_loop3A_251, %parallel_loop3A_903 : i32
        %parallel_loop3A_905 = arith.index_cast %parallel_loop3A_904 : i32 to index
        %parallel_loop3A_906 = arith.constant 0 : index
        %parallel_loop3A_907 = tpu.vector_load %arg11[%parallel_loop3A_905, %parallel_loop3A_906] {strides = array<i32>} : memref<128x128xf32, #tpu.memory_space<vmem>>, vector<1x16xf32>,
        %parallel_loop3A_908 = vector.shape_cast %parallel_loop3A_907 : vector<1x16xf32> to vector<16xf32>
        %parallel_loop3A_909 = vector.broadcast %parallel_loop3A_902 : f32 to vector<16xf32>
        %parallel_loop3A_910 = arith.mulf %parallel_loop3A_908, %parallel_loop3A_909 : vector<16xf32>
        %parallel_loop3A_911 = arith.index_cast %parallel_loop3A_904 : i32 to index
        %parallel_loop3A_912 = arith.constant 0 : index
        %parallel_loop3A_913 = tpu.vector_load %arg11[%parallel_loop3A_911, %parallel_loop3A_912] {strides = array<i32>} : memref<128x128xf32, #tpu.memory_space<vmem>>, vector<1x16xf32>,
        %parallel_loop3A_914 = vector.shape_cast %parallel_loop3A_913 : vector<1x16xf32> to vector<16xf32>
        %parallel_loop3A_915 = vector.shape_cast %parallel_loop3A_910 : vector<16xf32> to vector<1x16xf32>
        tpu.vector_store %arg11[%parallel_loop3A_911, %parallel_loop3A_912], %parallel_loop3A_915 {strides = array<i32>} : memref<128x128xf32, #tpu.memory_space<vmem>>, vector<1x16xf32>,
        %parallel_loop3A_916 = arith.index_cast %parallel_loop3A_904 : i32 to index
        %parallel_loop3A_917 = arith.constant 16 : index
        %parallel_loop3A_918 = tpu.vector_load %arg11[%parallel_loop3A_916, %parallel_loop3A_917] {strides = array<i32>} : memref<128x128xf32, #tpu.memory_space<vmem>>, vector<1x16xf32>,
        %parallel_loop3A_919 = vector.shape_cast %parallel_loop3A_918 : vector<1x16xf32> to vector<16xf32>
        %parallel_loop3A_920 = vector.broadcast %parallel_loop3A_902 : f32 to vector<16xf32>
        %parallel_loop3A_921 = arith.mulf %parallel_loop3A_919, %parallel_loop3A_920 : vector<16xf32>
        %parallel_loop3A_922 = arith.index_cast %parallel_loop3A_904 : i32 to index
        %parallel_loop3A_923 = arith.constant 16 : index
        %parallel_loop3A_924 = tpu.vector_load %arg11[%parallel_loop3A_922, %parallel_loop3A_923] {strides = array<i32>} : memref<128x128xf32, #tpu.memory_space<vmem>>, vector<1x16xf32>,
        %parallel_loop3A_925 = vector.shape_cast %parallel_loop3A_924 : vector<1x16xf32> to vector<16xf32>
        %parallel_loop3A_926 = vector.shape_cast %parallel_loop3A_921 : vector<16xf32> to vector<1x16xf32>
        tpu.vector_store %arg11[%parallel_loop3A_922, %parallel_loop3A_923], %parallel_loop3A_926 {strides = array<i32>} : memref<128x128xf32, #tpu.memory_space<vmem>>, vector<1x16xf32>,
        %parallel_loop3A_927 = arith.index_cast %parallel_loop3A_904 : i32 to index
        %parallel_loop3A_928 = arith.constant 32 : index
        %parallel_loop3A_929 = tpu.vector_load %arg11[%parallel_loop3A_927, %parallel_loop3A_928] {strides = array<i32>} : memref<128x128xf32, #tpu.memory_space<vmem>>, vector<1x16xf32>,
        %parallel_loop3A_930 = vector.shape_cast %parallel_loop3A_929 : vector<1x16xf32> to vector<16xf32>
        %parallel_loop3A_931 = vector.broadcast %parallel_loop3A_902 : f32 to vector<16xf32>
        %parallel_loop3A_932 = arith.mulf %parallel_loop3A_930, %parallel_loop3A_931 : vector<16xf32>
        %parallel_loop3A_933 = arith.index_cast %parallel_loop3A_904 : i32 to index
        %parallel_loop3A_934 = arith.constant 32 : index
        %parallel_loop3A_935 = tpu.vector_load %arg11[%parallel_loop3A_933, %parallel_loop3A_934] {strides = array<i32>} : memref<128x128xf32, #tpu.memory_space<vmem>>, vector<1x16xf32>,
        %parallel_loop3A_936 = vector.shape_cast %parallel_loop3A_935 : vector<1x16xf32> to vector<16xf32>
        %parallel_loop3A_937 = vector.shape_cast %parallel_loop3A_932 : vector<16xf32> to vector<1x16xf32>
        tpu.vector_store %arg11[%parallel_loop3A_933, %parallel_loop3A_934], %parallel_loop3A_937 {strides = array<i32>} : memref<128x128xf32, #tpu.memory_space<vmem>>, vector<1x16xf32>,
        %parallel_loop3A_938 = arith.index_cast %parallel_loop3A_904 : i32 to index
        %parallel_loop3A_939 = arith.constant 48 : index
        %parallel_loop3A_940 = tpu.vector_load %arg11[%parallel_loop3A_938, %parallel_loop3A_939] {strides = array<i32>} : memref<128x128xf32, #tpu.memory_space<vmem>>, vector<1x16xf32>,
        %parallel_loop3A_941 = vector.shape_cast %parallel_loop3A_940 : vector<1x16xf32> to vector<16xf32>
        %parallel_loop3A_942 = vector.broadcast %parallel_loop3A_902 : f32 to vector<16xf32>
        %parallel_loop3A_943 = arith.mulf %parallel_loop3A_941, %parallel_loop3A_942 : vector<16xf32>
        %parallel_loop3A_944 = arith.index_cast %parallel_loop3A_904 : i32 to index
        %parallel_loop3A_945 = arith.constant 48 : index
        %parallel_loop3A_946 = tpu.vector_load %arg11[%parallel_loop3A_944, %parallel_loop3A_945] {strides = array<i32>} : memref<128x128xf32, #tpu.memory_space<vmem>>, vector<1x16xf32>,
        %parallel_loop3A_947 = vector.shape_cast %parallel_loop3A_946 : vector<1x16xf32> to vector<16xf32>
        %parallel_loop3A_948 = vector.shape_cast %parallel_loop3A_943 : vector<16xf32> to vector<1x16xf32>
        tpu.vector_store %arg11[%parallel_loop3A_944, %parallel_loop3A_945], %parallel_loop3A_948 {strides = array<i32>} : memref<128x128xf32, #tpu.memory_space<vmem>>, vector<1x16xf32>,
        %parallel_loop3A_949 = arith.index_cast %parallel_loop3A_904 : i32 to index
        %parallel_loop3A_950 = arith.constant 64 : index
        %parallel_loop3A_951 = tpu.vector_load %arg11[%parallel_loop3A_949, %parallel_loop3A_950] {strides = array<i32>} : memref<128x128xf32, #tpu.memory_space<vmem>>, vector<1x16xf32>,
        %parallel_loop3A_952 = vector.shape_cast %parallel_loop3A_951 : vector<1x16xf32> to vector<16xf32>
        %parallel_loop3A_953 = vector.broadcast %parallel_loop3A_902 : f32 to vector<16xf32>
        %parallel_loop3A_954 = arith.mulf %parallel_loop3A_952, %parallel_loop3A_953 : vector<16xf32>
        %parallel_loop3A_955 = arith.index_cast %parallel_loop3A_904 : i32 to index
        %parallel_loop3A_956 = arith.constant 64 : index
        %parallel_loop3A_957 = tpu.vector_load %arg11[%parallel_loop3A_955, %parallel_loop3A_956] {strides = array<i32>} : memref<128x128xf32, #tpu.memory_space<vmem>>, vector<1x16xf32>,
        %parallel_loop3A_958 = vector.shape_cast %parallel_loop3A_957 : vector<1x16xf32> to vector<16xf32>
        %parallel_loop3A_959 = vector.shape_cast %parallel_loop3A_954 : vector<16xf32> to vector<1x16xf32>
        tpu.vector_store %arg11[%parallel_loop3A_955, %parallel_loop3A_956], %parallel_loop3A_959 {strides = array<i32>} : memref<128x128xf32, #tpu.memory_space<vmem>>, vector<1x16xf32>,
        %parallel_loop3A_960 = arith.index_cast %parallel_loop3A_904 : i32 to index
        %parallel_loop3A_961 = arith.constant 80 : index
        %parallel_loop3A_962 = tpu.vector_load %arg11[%parallel_loop3A_960, %parallel_loop3A_961] {strides = array<i32>} : memref<128x128xf32, #tpu.memory_space<vmem>>, vector<1x16xf32>,
        %parallel_loop3A_963 = vector.shape_cast %parallel_loop3A_962 : vector<1x16xf32> to vector<16xf32>
        %parallel_loop3A_964 = vector.broadcast %parallel_loop3A_902 : f32 to vector<16xf32>
        %parallel_loop3A_965 = arith.mulf %parallel_loop3A_963, %parallel_loop3A_964 : vector<16xf32>
        %parallel_loop3A_966 = arith.index_cast %parallel_loop3A_904 : i32 to index
        %parallel_loop3A_967 = arith.constant 80 : index
        %parallel_loop3A_968 = tpu.vector_load %arg11[%parallel_loop3A_966, %parallel_loop3A_967] {strides = array<i32>} : memref<128x128xf32, #tpu.memory_space<vmem>>, vector<1x16xf32>,
        %parallel_loop3A_969 = vector.shape_cast %parallel_loop3A_968 : vector<1x16xf32> to vector<16xf32>
        %parallel_loop3A_970 = vector.shape_cast %parallel_loop3A_965 : vector<16xf32> to vector<1x16xf32>
        tpu.vector_store %arg11[%parallel_loop3A_966, %parallel_loop3A_967], %parallel_loop3A_970 {strides = array<i32>} : memref<128x128xf32, #tpu.memory_space<vmem>>, vector<1x16xf32>,
        %parallel_loop3A_971 = arith.index_cast %parallel_loop3A_904 : i32 to index
        %parallel_loop3A_972 = arith.constant 96 : index
        %parallel_loop3A_973 = tpu.vector_load %arg11[%parallel_loop3A_971, %parallel_loop3A_972] {strides = array<i32>} : memref<128x128xf32, #tpu.memory_space<vmem>>, vector<1x16xf32>,
        %parallel_loop3A_974 = vector.shape_cast %parallel_loop3A_973 : vector<1x16xf32> to vector<16xf32>
        %parallel_loop3A_975 = vector.broadcast %parallel_loop3A_902 : f32 to vector<16xf32>
        %parallel_loop3A_976 = arith.mulf %parallel_loop3A_974, %parallel_loop3A_975 : vector<16xf32>
        %parallel_loop3A_977 = arith.index_cast %parallel_loop3A_904 : i32 to index
        %parallel_loop3A_978 = arith.constant 96 : index
        %parallel_loop3A_979 = tpu.vector_load %arg11[%parallel_loop3A_977, %parallel_loop3A_978] {strides = array<i32>} : memref<128x128xf32, #tpu.memory_space<vmem>>, vector<1x16xf32>,
        %parallel_loop3A_980 = vector.shape_cast %parallel_loop3A_979 : vector<1x16xf32> to vector<16xf32>
        %parallel_loop3A_981 = vector.shape_cast %parallel_loop3A_976 : vector<16xf32> to vector<1x16xf32>
        tpu.vector_store %arg11[%parallel_loop3A_977, %parallel_loop3A_978], %parallel_loop3A_981 {strides = array<i32>} : memref<128x128xf32, #tpu.memory_space<vmem>>, vector<1x16xf32>,
        %parallel_loop3A_982 = arith.index_cast %parallel_loop3A_904 : i32 to index
        %parallel_loop3A_983 = arith.constant 112 : index
        %parallel_loop3A_984 = tpu.vector_load %arg11[%parallel_loop3A_982, %parallel_loop3A_983] {strides = array<i32>} : memref<128x128xf32, #tpu.memory_space<vmem>>, vector<1x16xf32>,
        %parallel_loop3A_985 = vector.shape_cast %parallel_loop3A_984 : vector<1x16xf32> to vector<16xf32>
        %parallel_loop3A_986 = vector.broadcast %parallel_loop3A_902 : f32 to vector<16xf32>
        %parallel_loop3A_987 = arith.mulf %parallel_loop3A_985, %parallel_loop3A_986 : vector<16xf32>
        %parallel_loop3A_988 = arith.index_cast %parallel_loop3A_904 : i32 to index
        %parallel_loop3A_989 = arith.constant 112 : index
        %parallel_loop3A_990 = tpu.vector_load %arg11[%parallel_loop3A_988, %parallel_loop3A_989] {strides = array<i32>} : memref<128x128xf32, #tpu.memory_space<vmem>>, vector<1x16xf32>,
        %parallel_loop3A_991 = vector.shape_cast %parallel_loop3A_990 : vector<1x16xf32> to vector<16xf32>
        %parallel_loop3A_992 = vector.shape_cast %parallel_loop3A_987 : vector<16xf32> to vector<1x16xf32>
        tpu.vector_store %arg11[%parallel_loop3A_988, %parallel_loop3A_989], %parallel_loop3A_992 {strides = array<i32>} : memref<128x128xf32, #tpu.memory_space<vmem>>, vector<1x16xf32>,
        %parallel_loop3A_993 = vector.extract_strided_slice %parallel_loop3A_256 {offsets = [8], sizes = [1], strides = [1]} : vector<16xf32> to vector<1xf32>
        %parallel_loop3A_994 = vector.extract %parallel_loop3A_993[0] : f32 from vector<1xf32>
        %parallel_loop3A_995 = arith.constant 8 : i32
        %parallel_loop3A_996 = arith.addi %parallel_loop3A_251, %parallel_loop3A_995 : i32
        %parallel_loop3A_997 = arith.index_cast %parallel_loop3A_996 : i32 to index
        %parallel_loop3A_998 = arith.constant 0 : index
        %parallel_loop3A_999 = tpu.vector_load %arg11[%parallel_loop3A_997, %parallel_loop3A_998] {strides = array<i32>} : memref<128x128xf32, #tpu.memory_space<vmem>>, vector<1x16xf32>,
        %parallel_loop3A_1000 = vector.shape_cast %parallel_loop3A_999 : vector<1x16xf32> to vector<16xf32>
        %parallel_loop3A_1001 = vector.broadcast %parallel_loop3A_994 : f32 to vector<16xf32>
        %parallel_loop3A_1002 = arith.mulf %parallel_loop3A_1000, %parallel_loop3A_1001 : vector<16xf32>
        %parallel_loop3A_1003 = arith.index_cast %parallel_loop3A_996 : i32 to index
        %parallel_loop3A_1004 = arith.constant 0 : index
        %parallel_loop3A_1005 = tpu.vector_load %arg11[%parallel_loop3A_1003, %parallel_loop3A_1004] {strides = array<i32>} : memref<128x128xf32, #tpu.memory_space<vmem>>, vector<1x16xf32>,
        %parallel_loop3A_1006 = vector.shape_cast %parallel_loop3A_1005 : vector<1x16xf32> to vector<16xf32>
        %parallel_loop3A_1007 = vector.shape_cast %parallel_loop3A_1002 : vector<16xf32> to vector<1x16xf32>
        tpu.vector_store %arg11[%parallel_loop3A_1003, %parallel_loop3A_1004], %parallel_loop3A_1007 {strides = array<i32>} : memref<128x128xf32, #tpu.memory_space<vmem>>, vector<1x16xf32>,
        %parallel_loop3A_1008 = arith.index_cast %parallel_loop3A_996 : i32 to index
        %parallel_loop3A_1009 = arith.constant 16 : index
        %parallel_loop3A_1010 = tpu.vector_load %arg11[%parallel_loop3A_1008, %parallel_loop3A_1009] {strides = array<i32>} : memref<128x128xf32, #tpu.memory_space<vmem>>, vector<1x16xf32>,
        %parallel_loop3A_1011 = vector.shape_cast %parallel_loop3A_1010 : vector<1x16xf32> to vector<16xf32>
        %parallel_loop3A_1012 = vector.broadcast %parallel_loop3A_994 : f32 to vector<16xf32>
        %parallel_loop3A_1013 = arith.mulf %parallel_loop3A_1011, %parallel_loop3A_1012 : vector<16xf32>
        %parallel_loop3A_1014 = arith.index_cast %parallel_loop3A_996 : i32 to index
        %parallel_loop3A_1015 = arith.constant 16 : index
        %parallel_loop3A_1016 = tpu.vector_load %arg11[%parallel_loop3A_1014, %parallel_loop3A_1015] {strides = array<i32>} : memref<128x128xf32, #tpu.memory_space<vmem>>, vector<1x16xf32>,
        %parallel_loop3A_1017 = vector.shape_cast %parallel_loop3A_1016 : vector<1x16xf32> to vector<16xf32>
        %parallel_loop3A_1018 = vector.shape_cast %parallel_loop3A_1013 : vector<16xf32> to vector<1x16xf32>
        tpu.vector_store %arg11[%parallel_loop3A_1014, %parallel_loop3A_1015], %parallel_loop3A_1018 {strides = array<i32>} : memref<128x128xf32, #tpu.memory_space<vmem>>, vector<1x16xf32>,
        %parallel_loop3A_1019 = arith.index_cast %parallel_loop3A_996 : i32 to index
        %parallel_loop3A_1020 = arith.constant 32 : index
        %parallel_loop3A_1021 = tpu.vector_load %arg11[%parallel_loop3A_1019, %parallel_loop3A_1020] {strides = array<i32>} : memref<128x128xf32, #tpu.memory_space<vmem>>, vector<1x16xf32>,
        %parallel_loop3A_1022 = vector.shape_cast %parallel_loop3A_1021 : vector<1x16xf32> to vector<16xf32>
        %parallel_loop3A_1023 = vector.broadcast %parallel_loop3A_994 : f32 to vector<16xf32>
        %parallel_loop3A_1024 = arith.mulf %parallel_loop3A_1022, %parallel_loop3A_1023 : vector<16xf32>
        %parallel_loop3A_1025 = arith.index_cast %parallel_loop3A_996 : i32 to index
        %parallel_loop3A_1026 = arith.constant 32 : index
        %parallel_loop3A_1027 = tpu.vector_load %arg11[%parallel_loop3A_1025, %parallel_loop3A_1026] {strides = array<i32>} : memref<128x128xf32, #tpu.memory_space<vmem>>, vector<1x16xf32>,
        %parallel_loop3A_1028 = vector.shape_cast %parallel_loop3A_1027 : vector<1x16xf32> to vector<16xf32>
        %parallel_loop3A_1029 = vector.shape_cast %parallel_loop3A_1024 : vector<16xf32> to vector<1x16xf32>
        tpu.vector_store %arg11[%parallel_loop3A_1025, %parallel_loop3A_1026], %parallel_loop3A_1029 {strides = array<i32>} : memref<128x128xf32, #tpu.memory_space<vmem>>, vector<1x16xf32>,
        %parallel_loop3A_1030 = arith.index_cast %parallel_loop3A_996 : i32 to index
        %parallel_loop3A_1031 = arith.constant 48 : index
        %parallel_loop3A_1032 = tpu.vector_load %arg11[%parallel_loop3A_1030, %parallel_loop3A_1031] {strides = array<i32>} : memref<128x128xf32, #tpu.memory_space<vmem>>, vector<1x16xf32>,
        %parallel_loop3A_1033 = vector.shape_cast %parallel_loop3A_1032 : vector<1x16xf32> to vector<16xf32>
        %parallel_loop3A_1034 = vector.broadcast %parallel_loop3A_994 : f32 to vector<16xf32>
        %parallel_loop3A_1035 = arith.mulf %parallel_loop3A_1033, %parallel_loop3A_1034 : vector<16xf32>
        %parallel_loop3A_1036 = arith.index_cast %parallel_loop3A_996 : i32 to index
        %parallel_loop3A_1037 = arith.constant 48 : index
        %parallel_loop3A_1038 = tpu.vector_load %arg11[%parallel_loop3A_1036, %parallel_loop3A_1037] {strides = array<i32>} : memref<128x128xf32, #tpu.memory_space<vmem>>, vector<1x16xf32>,
        %parallel_loop3A_1039 = vector.shape_cast %parallel_loop3A_1038 : vector<1x16xf32> to vector<16xf32>
        %parallel_loop3A_1040 = vector.shape_cast %parallel_loop3A_1035 : vector<16xf32> to vector<1x16xf32>
        tpu.vector_store %arg11[%parallel_loop3A_1036, %parallel_loop3A_1037], %parallel_loop3A_1040 {strides = array<i32>} : memref<128x128xf32, #tpu.memory_space<vmem>>, vector<1x16xf32>,
        %parallel_loop3A_1041 = arith.index_cast %parallel_loop3A_996 : i32 to index
        %parallel_loop3A_1042 = arith.constant 64 : index
        %parallel_loop3A_1043 = tpu.vector_load %arg11[%parallel_loop3A_1041, %parallel_loop3A_1042] {strides = array<i32>} : memref<128x128xf32, #tpu.memory_space<vmem>>, vector<1x16xf32>,
        %parallel_loop3A_1044 = vector.shape_cast %parallel_loop3A_1043 : vector<1x16xf32> to vector<16xf32>
        %parallel_loop3A_1045 = vector.broadcast %parallel_loop3A_994 : f32 to vector<16xf32>
        %parallel_loop3A_1046 = arith.mulf %parallel_loop3A_1044, %parallel_loop3A_1045 : vector<16xf32>
        %parallel_loop3A_1047 = arith.index_cast %parallel_loop3A_996 : i32 to index
        %parallel_loop3A_1048 = arith.constant 64 : index
        %parallel_loop3A_1049 = tpu.vector_load %arg11[%parallel_loop3A_1047, %parallel_loop3A_1048] {strides = array<i32>} : memref<128x128xf32, #tpu.memory_space<vmem>>, vector<1x16xf32>,
        %parallel_loop3A_1050 = vector.shape_cast %parallel_loop3A_1049 : vector<1x16xf32> to vector<16xf32>
        %parallel_loop3A_1051 = vector.shape_cast %parallel_loop3A_1046 : vector<16xf32> to vector<1x16xf32>
        tpu.vector_store %arg11[%parallel_loop3A_1047, %parallel_loop3A_1048], %parallel_loop3A_1051 {strides = array<i32>} : memref<128x128xf32, #tpu.memory_space<vmem>>, vector<1x16xf32>,
        %parallel_loop3A_1052 = arith.index_cast %parallel_loop3A_996 : i32 to index
        %parallel_loop3A_1053 = arith.constant 80 : index
        %parallel_loop3A_1054 = tpu.vector_load %arg11[%parallel_loop3A_1052, %parallel_loop3A_1053] {strides = array<i32>} : memref<128x128xf32, #tpu.memory_space<vmem>>, vector<1x16xf32>,
        %parallel_loop3A_1055 = vector.shape_cast %parallel_loop3A_1054 : vector<1x16xf32> to vector<16xf32>
        %parallel_loop3A_1056 = vector.broadcast %parallel_loop3A_994 : f32 to vector<16xf32>
        %parallel_loop3A_1057 = arith.mulf %parallel_loop3A_1055, %parallel_loop3A_1056 : vector<16xf32>
        %parallel_loop3A_1058 = arith.index_cast %parallel_loop3A_996 : i32 to index
        %parallel_loop3A_1059 = arith.constant 80 : index
        %parallel_loop3A_1060 = tpu.vector_load %arg11[%parallel_loop3A_1058, %parallel_loop3A_1059] {strides = array<i32>} : memref<128x128xf32, #tpu.memory_space<vmem>>, vector<1x16xf32>,
        %parallel_loop3A_1061 = vector.shape_cast %parallel_loop3A_1060 : vector<1x16xf32> to vector<16xf32>
        %parallel_loop3A_1062 = vector.shape_cast %parallel_loop3A_1057 : vector<16xf32> to vector<1x16xf32>
        tpu.vector_store %arg11[%parallel_loop3A_1058, %parallel_loop3A_1059], %parallel_loop3A_1062 {strides = array<i32>} : memref<128x128xf32, #tpu.memory_space<vmem>>, vector<1x16xf32>,
        %parallel_loop3A_1063 = arith.index_cast %parallel_loop3A_996 : i32 to index
        %parallel_loop3A_1064 = arith.constant 96 : index
        %parallel_loop3A_1065 = tpu.vector_load %arg11[%parallel_loop3A_1063, %parallel_loop3A_1064] {strides = array<i32>} : memref<128x128xf32, #tpu.memory_space<vmem>>, vector<1x16xf32>,
        %parallel_loop3A_1066 = vector.shape_cast %parallel_loop3A_1065 : vector<1x16xf32> to vector<16xf32>
        %parallel_loop3A_1067 = vector.broadcast %parallel_loop3A_994 : f32 to vector<16xf32>
        %parallel_loop3A_1068 = arith.mulf %parallel_loop3A_1066, %parallel_loop3A_1067 : vector<16xf32>
        %parallel_loop3A_1069 = arith.index_cast %parallel_loop3A_996 : i32 to index
        %parallel_loop3A_1070 = arith.constant 96 : index
        %parallel_loop3A_1071 = tpu.vector_load %arg11[%parallel_loop3A_1069, %parallel_loop3A_1070] {strides = array<i32>} : memref<128x128xf32, #tpu.memory_space<vmem>>, vector<1x16xf32>,
        %parallel_loop3A_1072 = vector.shape_cast %parallel_loop3A_1071 : vector<1x16xf32> to vector<16xf32>
        %parallel_loop3A_1073 = vector.shape_cast %parallel_loop3A_1068 : vector<16xf32> to vector<1x16xf32>
        tpu.vector_store %arg11[%parallel_loop3A_1069, %parallel_loop3A_1070], %parallel_loop3A_1073 {strides = array<i32>} : memref<128x128xf32, #tpu.memory_space<vmem>>, vector<1x16xf32>,
        %parallel_loop3A_1074 = arith.index_cast %parallel_loop3A_996 : i32 to index
        %parallel_loop3A_1075 = arith.constant 112 : index
        %parallel_loop3A_1076 = tpu.vector_load %arg11[%parallel_loop3A_1074, %parallel_loop3A_1075] {strides = array<i32>} : memref<128x128xf32, #tpu.memory_space<vmem>>, vector<1x16xf32>,
        %parallel_loop3A_1077 = vector.shape_cast %parallel_loop3A_1076 : vector<1x16xf32> to vector<16xf32>
        %parallel_loop3A_1078 = vector.broadcast %parallel_loop3A_994 : f32 to vector<16xf32>
        %parallel_loop3A_1079 = arith.mulf %parallel_loop3A_1077, %parallel_loop3A_1078 : vector<16xf32>
        %parallel_loop3A_1080 = arith.index_cast %parallel_loop3A_996 : i32 to index
        %parallel_loop3A_1081 = arith.constant 112 : index
        %parallel_loop3A_1082 = tpu.vector_load %arg11[%parallel_loop3A_1080, %parallel_loop3A_1081] {strides = array<i32>} : memref<128x128xf32, #tpu.memory_space<vmem>>, vector<1x16xf32>,
        %parallel_loop3A_1083 = vector.shape_cast %parallel_loop3A_1082 : vector<1x16xf32> to vector<16xf32>
        %parallel_loop3A_1084 = vector.shape_cast %parallel_loop3A_1079 : vector<16xf32> to vector<1x16xf32>
        tpu.vector_store %arg11[%parallel_loop3A_1080, %parallel_loop3A_1081], %parallel_loop3A_1084 {strides = array<i32>} : memref<128x128xf32, #tpu.memory_space<vmem>>, vector<1x16xf32>,
        %parallel_loop3A_1085 = vector.extract_strided_slice %parallel_loop3A_256 {offsets = [9], sizes = [1], strides = [1]} : vector<16xf32> to vector<1xf32>
        %parallel_loop3A_1086 = vector.extract %parallel_loop3A_1085[0] : f32 from vector<1xf32>
        %parallel_loop3A_1087 = arith.constant 9 : i32
        %parallel_loop3A_1088 = arith.addi %parallel_loop3A_251, %parallel_loop3A_1087 : i32
        %parallel_loop3A_1089 = arith.index_cast %parallel_loop3A_1088 : i32 to index
        %parallel_loop3A_1090 = arith.constant 0 : index
        %parallel_loop3A_1091 = tpu.vector_load %arg11[%parallel_loop3A_1089, %parallel_loop3A_1090] {strides = array<i32>} : memref<128x128xf32, #tpu.memory_space<vmem>>, vector<1x16xf32>,
        %parallel_loop3A_1092 = vector.shape_cast %parallel_loop3A_1091 : vector<1x16xf32> to vector<16xf32>
        %parallel_loop3A_1093 = vector.broadcast %parallel_loop3A_1086 : f32 to vector<16xf32>
        %parallel_loop3A_1094 = arith.mulf %parallel_loop3A_1092, %parallel_loop3A_1093 : vector<16xf32>
        %parallel_loop3A_1095 = arith.index_cast %parallel_loop3A_1088 : i32 to index
        %parallel_loop3A_1096 = arith.constant 0 : index
        %parallel_loop3A_1097 = tpu.vector_load %arg11[%parallel_loop3A_1095, %parallel_loop3A_1096] {strides = array<i32>} : memref<128x128xf32, #tpu.memory_space<vmem>>, vector<1x16xf32>,
        %parallel_loop3A_1098 = vector.shape_cast %parallel_loop3A_1097 : vector<1x16xf32> to vector<16xf32>
        %parallel_loop3A_1099 = vector.shape_cast %parallel_loop3A_1094 : vector<16xf32> to vector<1x16xf32>
        tpu.vector_store %arg11[%parallel_loop3A_1095, %parallel_loop3A_1096], %parallel_loop3A_1099 {strides = array<i32>} : memref<128x128xf32, #tpu.memory_space<vmem>>, vector<1x16xf32>,
        %parallel_loop3A_1100 = arith.index_cast %parallel_loop3A_1088 : i32 to index
        %parallel_loop3A_1101 = arith.constant 16 : index
        %parallel_loop3A_1102 = tpu.vector_load %arg11[%parallel_loop3A_1100, %parallel_loop3A_1101] {strides = array<i32>} : memref<128x128xf32, #tpu.memory_space<vmem>>, vector<1x16xf32>,
        %parallel_loop3A_1103 = vector.shape_cast %parallel_loop3A_1102 : vector<1x16xf32> to vector<16xf32>
        %parallel_loop3A_1104 = vector.broadcast %parallel_loop3A_1086 : f32 to vector<16xf32>
        %parallel_loop3A_1105 = arith.mulf %parallel_loop3A_1103, %parallel_loop3A_1104 : vector<16xf32>
        %parallel_loop3A_1106 = arith.index_cast %parallel_loop3A_1088 : i32 to index
        %parallel_loop3A_1107 = arith.constant 16 : index
        %parallel_loop3A_1108 = tpu.vector_load %arg11[%parallel_loop3A_1106, %parallel_loop3A_1107] {strides = array<i32>} : memref<128x128xf32, #tpu.memory_space<vmem>>, vector<1x16xf32>,
        %parallel_loop3A_1109 = vector.shape_cast %parallel_loop3A_1108 : vector<1x16xf32> to vector<16xf32>
        %parallel_loop3A_1110 = vector.shape_cast %parallel_loop3A_1105 : vector<16xf32> to vector<1x16xf32>
        tpu.vector_store %arg11[%parallel_loop3A_1106, %parallel_loop3A_1107], %parallel_loop3A_1110 {strides = array<i32>} : memref<128x128xf32, #tpu.memory_space<vmem>>, vector<1x16xf32>,
        %parallel_loop3A_1111 = arith.index_cast %parallel_loop3A_1088 : i32 to index
        %parallel_loop3A_1112 = arith.constant 32 : index
        %parallel_loop3A_1113 = tpu.vector_load %arg11[%parallel_loop3A_1111, %parallel_loop3A_1112] {strides = array<i32>} : memref<128x128xf32, #tpu.memory_space<vmem>>, vector<1x16xf32>,
        %parallel_loop3A_1114 = vector.shape_cast %parallel_loop3A_1113 : vector<1x16xf32> to vector<16xf32>
        %parallel_loop3A_1115 = vector.broadcast %parallel_loop3A_1086 : f32 to vector<16xf32>
        %parallel_loop3A_1116 = arith.mulf %parallel_loop3A_1114, %parallel_loop3A_1115 : vector<16xf32>
        %parallel_loop3A_1117 = arith.index_cast %parallel_loop3A_1088 : i32 to index
        %parallel_loop3A_1118 = arith.constant 32 : index
        %parallel_loop3A_1119 = tpu.vector_load %arg11[%parallel_loop3A_1117, %parallel_loop3A_1118] {strides = array<i32>} : memref<128x128xf32, #tpu.memory_space<vmem>>, vector<1x16xf32>,
        %parallel_loop3A_1120 = vector.shape_cast %parallel_loop3A_1119 : vector<1x16xf32> to vector<16xf32>
        %parallel_loop3A_1121 = vector.shape_cast %parallel_loop3A_1116 : vector<16xf32> to vector<1x16xf32>
        tpu.vector_store %arg11[%parallel_loop3A_1117, %parallel_loop3A_1118], %parallel_loop3A_1121 {strides = array<i32>} : memref<128x128xf32, #tpu.memory_space<vmem>>, vector<1x16xf32>,
        %parallel_loop3A_1122 = arith.index_cast %parallel_loop3A_1088 : i32 to index
        %parallel_loop3A_1123 = arith.constant 48 : index
        %parallel_loop3A_1124 = tpu.vector_load %arg11[%parallel_loop3A_1122, %parallel_loop3A_1123] {strides = array<i32>} : memref<128x128xf32, #tpu.memory_space<vmem>>, vector<1x16xf32>,
        %parallel_loop3A_1125 = vector.shape_cast %parallel_loop3A_1124 : vector<1x16xf32> to vector<16xf32>
        %parallel_loop3A_1126 = vector.broadcast %parallel_loop3A_1086 : f32 to vector<16xf32>
        %parallel_loop3A_1127 = arith.mulf %parallel_loop3A_1125, %parallel_loop3A_1126 : vector<16xf32>
        %parallel_loop3A_1128 = arith.index_cast %parallel_loop3A_1088 : i32 to index
        %parallel_loop3A_1129 = arith.constant 48 : index
        %parallel_loop3A_1130 = tpu.vector_load %arg11[%parallel_loop3A_1128, %parallel_loop3A_1129] {strides = array<i32>} : memref<128x128xf32, #tpu.memory_space<vmem>>, vector<1x16xf32>,
        %parallel_loop3A_1131 = vector.shape_cast %parallel_loop3A_1130 : vector<1x16xf32> to vector<16xf32>
        %parallel_loop3A_1132 = vector.shape_cast %parallel_loop3A_1127 : vector<16xf32> to vector<1x16xf32>
        tpu.vector_store %arg11[%parallel_loop3A_1128, %parallel_loop3A_1129], %parallel_loop3A_1132 {strides = array<i32>} : memref<128x128xf32, #tpu.memory_space<vmem>>, vector<1x16xf32>,
        %parallel_loop3A_1133 = arith.index_cast %parallel_loop3A_1088 : i32 to index
        %parallel_loop3A_1134 = arith.constant 64 : index
        %parallel_loop3A_1135 = tpu.vector_load %arg11[%parallel_loop3A_1133, %parallel_loop3A_1134] {strides = array<i32>} : memref<128x128xf32, #tpu.memory_space<vmem>>, vector<1x16xf32>,
        %parallel_loop3A_1136 = vector.shape_cast %parallel_loop3A_1135 : vector<1x16xf32> to vector<16xf32>
        %parallel_loop3A_1137 = vector.broadcast %parallel_loop3A_1086 : f32 to vector<16xf32>
        %parallel_loop3A_1138 = arith.mulf %parallel_loop3A_1136, %parallel_loop3A_1137 : vector<16xf32>
        %parallel_loop3A_1139 = arith.index_cast %parallel_loop3A_1088 : i32 to index
        %parallel_loop3A_1140 = arith.constant 64 : index
        %parallel_loop3A_1141 = tpu.vector_load %arg11[%parallel_loop3A_1139, %parallel_loop3A_1140] {strides = array<i32>} : memref<128x128xf32, #tpu.memory_space<vmem>>, vector<1x16xf32>,
        %parallel_loop3A_1142 = vector.shape_cast %parallel_loop3A_1141 : vector<1x16xf32> to vector<16xf32>
        %parallel_loop3A_1143 = vector.shape_cast %parallel_loop3A_1138 : vector<16xf32> to vector<1x16xf32>
        tpu.vector_store %arg11[%parallel_loop3A_1139, %parallel_loop3A_1140], %parallel_loop3A_1143 {strides = array<i32>} : memref<128x128xf32, #tpu.memory_space<vmem>>, vector<1x16xf32>,
        %parallel_loop3A_1144 = arith.index_cast %parallel_loop3A_1088 : i32 to index
        %parallel_loop3A_1145 = arith.constant 80 : index
        %parallel_loop3A_1146 = tpu.vector_load %arg11[%parallel_loop3A_1144, %parallel_loop3A_1145] {strides = array<i32>} : memref<128x128xf32, #tpu.memory_space<vmem>>, vector<1x16xf32>,
        %parallel_loop3A_1147 = vector.shape_cast %parallel_loop3A_1146 : vector<1x16xf32> to vector<16xf32>
        %parallel_loop3A_1148 = vector.broadcast %parallel_loop3A_1086 : f32 to vector<16xf32>
        %parallel_loop3A_1149 = arith.mulf %parallel_loop3A_1147, %parallel_loop3A_1148 : vector<16xf32>
        %parallel_loop3A_1150 = arith.index_cast %parallel_loop3A_1088 : i32 to index
        %parallel_loop3A_1151 = arith.constant 80 : index
        %parallel_loop3A_1152 = tpu.vector_load %arg11[%parallel_loop3A_1150, %parallel_loop3A_1151] {strides = array<i32>} : memref<128x128xf32, #tpu.memory_space<vmem>>, vector<1x16xf32>,
        %parallel_loop3A_1153 = vector.shape_cast %parallel_loop3A_1152 : vector<1x16xf32> to vector<16xf32>
        %parallel_loop3A_1154 = vector.shape_cast %parallel_loop3A_1149 : vector<16xf32> to vector<1x16xf32>
        tpu.vector_store %arg11[%parallel_loop3A_1150, %parallel_loop3A_1151], %parallel_loop3A_1154 {strides = array<i32>} : memref<128x128xf32, #tpu.memory_space<vmem>>, vector<1x16xf32>,
        %parallel_loop3A_1155 = arith.index_cast %parallel_loop3A_1088 : i32 to index
        %parallel_loop3A_1156 = arith.constant 96 : index
        %parallel_loop3A_1157 = tpu.vector_load %arg11[%parallel_loop3A_1155, %parallel_loop3A_1156] {strides = array<i32>} : memref<128x128xf32, #tpu.memory_space<vmem>>, vector<1x16xf32>,
        %parallel_loop3A_1158 = vector.shape_cast %parallel_loop3A_1157 : vector<1x16xf32> to vector<16xf32>
        %parallel_loop3A_1159 = vector.broadcast %parallel_loop3A_1086 : f32 to vector<16xf32>
        %parallel_loop3A_1160 = arith.mulf %parallel_loop3A_1158, %parallel_loop3A_1159 : vector<16xf32>
        %parallel_loop3A_1161 = arith.index_cast %parallel_loop3A_1088 : i32 to index
        %parallel_loop3A_1162 = arith.constant 96 : index
        %parallel_loop3A_1163 = tpu.vector_load %arg11[%parallel_loop3A_1161, %parallel_loop3A_1162] {strides = array<i32>} : memref<128x128xf32, #tpu.memory_space<vmem>>, vector<1x16xf32>,
        %parallel_loop3A_1164 = vector.shape_cast %parallel_loop3A_1163 : vector<1x16xf32> to vector<16xf32>
        %parallel_loop3A_1165 = vector.shape_cast %parallel_loop3A_1160 : vector<16xf32> to vector<1x16xf32>
        tpu.vector_store %arg11[%parallel_loop3A_1161, %parallel_loop3A_1162], %parallel_loop3A_1165 {strides = array<i32>} : memref<128x128xf32, #tpu.memory_space<vmem>>, vector<1x16xf32>,
        %parallel_loop3A_1166 = arith.index_cast %parallel_loop3A_1088 : i32 to index
        %parallel_loop3A_1167 = arith.constant 112 : index
        %parallel_loop3A_1168 = tpu.vector_load %arg11[%parallel_loop3A_1166, %parallel_loop3A_1167] {strides = array<i32>} : memref<128x128xf32, #tpu.memory_space<vmem>>, vector<1x16xf32>,
        %parallel_loop3A_1169 = vector.shape_cast %parallel_loop3A_1168 : vector<1x16xf32> to vector<16xf32>
        %parallel_loop3A_1170 = vector.broadcast %parallel_loop3A_1086 : f32 to vector<16xf32>
        %parallel_loop3A_1171 = arith.mulf %parallel_loop3A_1169, %parallel_loop3A_1170 : vector<16xf32>
        %parallel_loop3A_1172 = arith.index_cast %parallel_loop3A_1088 : i32 to index
        %parallel_loop3A_1173 = arith.constant 112 : index
        %parallel_loop3A_1174 = tpu.vector_load %arg11[%parallel_loop3A_1172, %parallel_loop3A_1173] {strides = array<i32>} : memref<128x128xf32, #tpu.memory_space<vmem>>, vector<1x16xf32>,
        %parallel_loop3A_1175 = vector.shape_cast %parallel_loop3A_1174 : vector<1x16xf32> to vector<16xf32>
        %parallel_loop3A_1176 = vector.shape_cast %parallel_loop3A_1171 : vector<16xf32> to vector<1x16xf32>
        tpu.vector_store %arg11[%parallel_loop3A_1172, %parallel_loop3A_1173], %parallel_loop3A_1176 {strides = array<i32>} : memref<128x128xf32, #tpu.memory_space<vmem>>, vector<1x16xf32>,
        %parallel_loop3A_1177 = vector.extract_strided_slice %parallel_loop3A_256 {offsets = [10], sizes = [1], strides = [1]} : vector<16xf32> to vector<1xf32>
        %parallel_loop3A_1178 = vector.extract %parallel_loop3A_1177[0] : f32 from vector<1xf32>
        %parallel_loop3A_1179 = arith.constant 10 : i32
        %parallel_loop3A_1180 = arith.addi %parallel_loop3A_251, %parallel_loop3A_1179 : i32
        %parallel_loop3A_1181 = arith.index_cast %parallel_loop3A_1180 : i32 to index
        %parallel_loop3A_1182 = arith.constant 0 : index
        %parallel_loop3A_1183 = tpu.vector_load %arg11[%parallel_loop3A_1181, %parallel_loop3A_1182] {strides = array<i32>} : memref<128x128xf32, #tpu.memory_space<vmem>>, vector<1x16xf32>,
        %parallel_loop3A_1184 = vector.shape_cast %parallel_loop3A_1183 : vector<1x16xf32> to vector<16xf32>
        %parallel_loop3A_1185 = vector.broadcast %parallel_loop3A_1178 : f32 to vector<16xf32>
        %parallel_loop3A_1186 = arith.mulf %parallel_loop3A_1184, %parallel_loop3A_1185 : vector<16xf32>
        %parallel_loop3A_1187 = arith.index_cast %parallel_loop3A_1180 : i32 to index
        %parallel_loop3A_1188 = arith.constant 0 : index
        %parallel_loop3A_1189 = tpu.vector_load %arg11[%parallel_loop3A_1187, %parallel_loop3A_1188] {strides = array<i32>} : memref<128x128xf32, #tpu.memory_space<vmem>>, vector<1x16xf32>,
        %parallel_loop3A_1190 = vector.shape_cast %parallel_loop3A_1189 : vector<1x16xf32> to vector<16xf32>
        %parallel_loop3A_1191 = vector.shape_cast %parallel_loop3A_1186 : vector<16xf32> to vector<1x16xf32>
        tpu.vector_store %arg11[%parallel_loop3A_1187, %parallel_loop3A_1188], %parallel_loop3A_1191 {strides = array<i32>} : memref<128x128xf32, #tpu.memory_space<vmem>>, vector<1x16xf32>,
        %parallel_loop3A_1192 = arith.index_cast %parallel_loop3A_1180 : i32 to index
        %parallel_loop3A_1193 = arith.constant 16 : index
        %parallel_loop3A_1194 = tpu.vector_load %arg11[%parallel_loop3A_1192, %parallel_loop3A_1193] {strides = array<i32>} : memref<128x128xf32, #tpu.memory_space<vmem>>, vector<1x16xf32>,
        %parallel_loop3A_1195 = vector.shape_cast %parallel_loop3A_1194 : vector<1x16xf32> to vector<16xf32>
        %parallel_loop3A_1196 = vector.broadcast %parallel_loop3A_1178 : f32 to vector<16xf32>
        %parallel_loop3A_1197 = arith.mulf %parallel_loop3A_1195, %parallel_loop3A_1196 : vector<16xf32>
        %parallel_loop3A_1198 = arith.index_cast %parallel_loop3A_1180 : i32 to index
        %parallel_loop3A_1199 = arith.constant 16 : index
        %parallel_loop3A_1200 = tpu.vector_load %arg11[%parallel_loop3A_1198, %parallel_loop3A_1199] {strides = array<i32>} : memref<128x128xf32, #tpu.memory_space<vmem>>, vector<1x16xf32>,
        %parallel_loop3A_1201 = vector.shape_cast %parallel_loop3A_1200 : vector<1x16xf32> to vector<16xf32>
        %parallel_loop3A_1202 = vector.shape_cast %parallel_loop3A_1197 : vector<16xf32> to vector<1x16xf32>
        tpu.vector_store %arg11[%parallel_loop3A_1198, %parallel_loop3A_1199], %parallel_loop3A_1202 {strides = array<i32>} : memref<128x128xf32, #tpu.memory_space<vmem>>, vector<1x16xf32>,
        %parallel_loop3A_1203 = arith.index_cast %parallel_loop3A_1180 : i32 to index
        %parallel_loop3A_1204 = arith.constant 32 : index
        %parallel_loop3A_1205 = tpu.vector_load %arg11[%parallel_loop3A_1203, %parallel_loop3A_1204] {strides = array<i32>} : memref<128x128xf32, #tpu.memory_space<vmem>>, vector<1x16xf32>,
        %parallel_loop3A_1206 = vector.shape_cast %parallel_loop3A_1205 : vector<1x16xf32> to vector<16xf32>
        %parallel_loop3A_1207 = vector.broadcast %parallel_loop3A_1178 : f32 to vector<16xf32>
        %parallel_loop3A_1208 = arith.mulf %parallel_loop3A_1206, %parallel_loop3A_1207 : vector<16xf32>
        %parallel_loop3A_1209 = arith.index_cast %parallel_loop3A_1180 : i32 to index
        %parallel_loop3A_1210 = arith.constant 32 : index
        %parallel_loop3A_1211 = tpu.vector_load %arg11[%parallel_loop3A_1209, %parallel_loop3A_1210] {strides = array<i32>} : memref<128x128xf32, #tpu.memory_space<vmem>>, vector<1x16xf32>,
        %parallel_loop3A_1212 = vector.shape_cast %parallel_loop3A_1211 : vector<1x16xf32> to vector<16xf32>
        %parallel_loop3A_1213 = vector.shape_cast %parallel_loop3A_1208 : vector<16xf32> to vector<1x16xf32>
        tpu.vector_store %arg11[%parallel_loop3A_1209, %parallel_loop3A_1210], %parallel_loop3A_1213 {strides = array<i32>} : memref<128x128xf32, #tpu.memory_space<vmem>>, vector<1x16xf32>,
        %parallel_loop3A_1214 = arith.index_cast %parallel_loop3A_1180 : i32 to index
        %parallel_loop3A_1215 = arith.constant 48 : index
        %parallel_loop3A_1216 = tpu.vector_load %arg11[%parallel_loop3A_1214, %parallel_loop3A_1215] {strides = array<i32>} : memref<128x128xf32, #tpu.memory_space<vmem>>, vector<1x16xf32>,
        %parallel_loop3A_1217 = vector.shape_cast %parallel_loop3A_1216 : vector<1x16xf32> to vector<16xf32>
        %parallel_loop3A_1218 = vector.broadcast %parallel_loop3A_1178 : f32 to vector<16xf32>
        %parallel_loop3A_1219 = arith.mulf %parallel_loop3A_1217, %parallel_loop3A_1218 : vector<16xf32>
        %parallel_loop3A_1220 = arith.index_cast %parallel_loop3A_1180 : i32 to index
        %parallel_loop3A_1221 = arith.constant 48 : index
        %parallel_loop3A_1222 = tpu.vector_load %arg11[%parallel_loop3A_1220, %parallel_loop3A_1221] {strides = array<i32>} : memref<128x128xf32, #tpu.memory_space<vmem>>, vector<1x16xf32>,
        %parallel_loop3A_1223 = vector.shape_cast %parallel_loop3A_1222 : vector<1x16xf32> to vector<16xf32>
        %parallel_loop3A_1224 = vector.shape_cast %parallel_loop3A_1219 : vector<16xf32> to vector<1x16xf32>
        tpu.vector_store %arg11[%parallel_loop3A_1220, %parallel_loop3A_1221], %parallel_loop3A_1224 {strides = array<i32>} : memref<128x128xf32, #tpu.memory_space<vmem>>, vector<1x16xf32>,
        %parallel_loop3A_1225 = arith.index_cast %parallel_loop3A_1180 : i32 to index
        %parallel_loop3A_1226 = arith.constant 64 : index
        %parallel_loop3A_1227 = tpu.vector_load %arg11[%parallel_loop3A_1225, %parallel_loop3A_1226] {strides = array<i32>} : memref<128x128xf32, #tpu.memory_space<vmem>>, vector<1x16xf32>,
        %parallel_loop3A_1228 = vector.shape_cast %parallel_loop3A_1227 : vector<1x16xf32> to vector<16xf32>
        %parallel_loop3A_1229 = vector.broadcast %parallel_loop3A_1178 : f32 to vector<16xf32>
        %parallel_loop3A_1230 = arith.mulf %parallel_loop3A_1228, %parallel_loop3A_1229 : vector<16xf32>
        %parallel_loop3A_1231 = arith.index_cast %parallel_loop3A_1180 : i32 to index
        %parallel_loop3A_1232 = arith.constant 64 : index
        %parallel_loop3A_1233 = tpu.vector_load %arg11[%parallel_loop3A_1231, %parallel_loop3A_1232] {strides = array<i32>} : memref<128x128xf32, #tpu.memory_space<vmem>>, vector<1x16xf32>,
        %parallel_loop3A_1234 = vector.shape_cast %parallel_loop3A_1233 : vector<1x16xf32> to vector<16xf32>
        %parallel_loop3A_1235 = vector.shape_cast %parallel_loop3A_1230 : vector<16xf32> to vector<1x16xf32>
        tpu.vector_store %arg11[%parallel_loop3A_1231, %parallel_loop3A_1232], %parallel_loop3A_1235 {strides = array<i32>} : memref<128x128xf32, #tpu.memory_space<vmem>>, vector<1x16xf32>,
        %parallel_loop3A_1236 = arith.index_cast %parallel_loop3A_1180 : i32 to index
        %parallel_loop3A_1237 = arith.constant 80 : index
        %parallel_loop3A_1238 = tpu.vector_load %arg11[%parallel_loop3A_1236, %parallel_loop3A_1237] {strides = array<i32>} : memref<128x128xf32, #tpu.memory_space<vmem>>, vector<1x16xf32>,
        %parallel_loop3A_1239 = vector.shape_cast %parallel_loop3A_1238 : vector<1x16xf32> to vector<16xf32>
        %parallel_loop3A_1240 = vector.broadcast %parallel_loop3A_1178 : f32 to vector<16xf32>
        %parallel_loop3A_1241 = arith.mulf %parallel_loop3A_1239, %parallel_loop3A_1240 : vector<16xf32>
        %parallel_loop3A_1242 = arith.index_cast %parallel_loop3A_1180 : i32 to index
        %parallel_loop3A_1243 = arith.constant 80 : index
        %parallel_loop3A_1244 = tpu.vector_load %arg11[%parallel_loop3A_1242, %parallel_loop3A_1243] {strides = array<i32>} : memref<128x128xf32, #tpu.memory_space<vmem>>, vector<1x16xf32>,
        %parallel_loop3A_1245 = vector.shape_cast %parallel_loop3A_1244 : vector<1x16xf32> to vector<16xf32>
        %parallel_loop3A_1246 = vector.shape_cast %parallel_loop3A_1241 : vector<16xf32> to vector<1x16xf32>
        tpu.vector_store %arg11[%parallel_loop3A_1242, %parallel_loop3A_1243], %parallel_loop3A_1246 {strides = array<i32>} : memref<128x128xf32, #tpu.memory_space<vmem>>, vector<1x16xf32>,
        %parallel_loop3A_1247 = arith.index_cast %parallel_loop3A_1180 : i32 to index
        %parallel_loop3A_1248 = arith.constant 96 : index
        %parallel_loop3A_1249 = tpu.vector_load %arg11[%parallel_loop3A_1247, %parallel_loop3A_1248] {strides = array<i32>} : memref<128x128xf32, #tpu.memory_space<vmem>>, vector<1x16xf32>,
        %parallel_loop3A_1250 = vector.shape_cast %parallel_loop3A_1249 : vector<1x16xf32> to vector<16xf32>
        %parallel_loop3A_1251 = vector.broadcast %parallel_loop3A_1178 : f32 to vector<16xf32>
        %parallel_loop3A_1252 = arith.mulf %parallel_loop3A_1250, %parallel_loop3A_1251 : vector<16xf32>
        %parallel_loop3A_1253 = arith.index_cast %parallel_loop3A_1180 : i32 to index
        %parallel_loop3A_1254 = arith.constant 96 : index
        %parallel_loop3A_1255 = tpu.vector_load %arg11[%parallel_loop3A_1253, %parallel_loop3A_1254] {strides = array<i32>} : memref<128x128xf32, #tpu.memory_space<vmem>>, vector<1x16xf32>,
        %parallel_loop3A_1256 = vector.shape_cast %parallel_loop3A_1255 : vector<1x16xf32> to vector<16xf32>
        %parallel_loop3A_1257 = vector.shape_cast %parallel_loop3A_1252 : vector<16xf32> to vector<1x16xf32>
        tpu.vector_store %arg11[%parallel_loop3A_1253, %parallel_loop3A_1254], %parallel_loop3A_1257 {strides = array<i32>} : memref<128x128xf32, #tpu.memory_space<vmem>>, vector<1x16xf32>,
        %parallel_loop3A_1258 = arith.index_cast %parallel_loop3A_1180 : i32 to index
        %parallel_loop3A_1259 = arith.constant 112 : index
        %parallel_loop3A_1260 = tpu.vector_load %arg11[%parallel_loop3A_1258, %parallel_loop3A_1259] {strides = array<i32>} : memref<128x128xf32, #tpu.memory_space<vmem>>, vector<1x16xf32>,
        %parallel_loop3A_1261 = vector.shape_cast %parallel_loop3A_1260 : vector<1x16xf32> to vector<16xf32>
        %parallel_loop3A_1262 = vector.broadcast %parallel_loop3A_1178 : f32 to vector<16xf32>
        %parallel_loop3A_1263 = arith.mulf %parallel_loop3A_1261, %parallel_loop3A_1262 : vector<16xf32>
        %parallel_loop3A_1264 = arith.index_cast %parallel_loop3A_1180 : i32 to index
        %parallel_loop3A_1265 = arith.constant 112 : index
        %parallel_loop3A_1266 = tpu.vector_load %arg11[%parallel_loop3A_1264, %parallel_loop3A_1265] {strides = array<i32>} : memref<128x128xf32, #tpu.memory_space<vmem>>, vector<1x16xf32>,
        %parallel_loop3A_1267 = vector.shape_cast %parallel_loop3A_1266 : vector<1x16xf32> to vector<16xf32>
        %parallel_loop3A_1268 = vector.shape_cast %parallel_loop3A_1263 : vector<16xf32> to vector<1x16xf32>
        tpu.vector_store %arg11[%parallel_loop3A_1264, %parallel_loop3A_1265], %parallel_loop3A_1268 {strides = array<i32>} : memref<128x128xf32, #tpu.memory_space<vmem>>, vector<1x16xf32>,
        %parallel_loop3A_1269 = vector.extract_strided_slice %parallel_loop3A_256 {offsets = [11], sizes = [1], strides = [1]} : vector<16xf32> to vector<1xf32>
        %parallel_loop3A_1270 = vector.extract %parallel_loop3A_1269[0] : f32 from vector<1xf32>
        %parallel_loop3A_1271 = arith.constant 11 : i32
        %parallel_loop3A_1272 = arith.addi %parallel_loop3A_251, %parallel_loop3A_1271 : i32
        %parallel_loop3A_1273 = arith.index_cast %parallel_loop3A_1272 : i32 to index
        %parallel_loop3A_1274 = arith.constant 0 : index
        %parallel_loop3A_1275 = tpu.vector_load %arg11[%parallel_loop3A_1273, %parallel_loop3A_1274] {strides = array<i32>} : memref<128x128xf32, #tpu.memory_space<vmem>>, vector<1x16xf32>,
        %parallel_loop3A_1276 = vector.shape_cast %parallel_loop3A_1275 : vector<1x16xf32> to vector<16xf32>
        %parallel_loop3A_1277 = vector.broadcast %parallel_loop3A_1270 : f32 to vector<16xf32>
        %parallel_loop3A_1278 = arith.mulf %parallel_loop3A_1276, %parallel_loop3A_1277 : vector<16xf32>
        %parallel_loop3A_1279 = arith.index_cast %parallel_loop3A_1272 : i32 to index
        %parallel_loop3A_1280 = arith.constant 0 : index
        %parallel_loop3A_1281 = tpu.vector_load %arg11[%parallel_loop3A_1279, %parallel_loop3A_1280] {strides = array<i32>} : memref<128x128xf32, #tpu.memory_space<vmem>>, vector<1x16xf32>,
        %parallel_loop3A_1282 = vector.shape_cast %parallel_loop3A_1281 : vector<1x16xf32> to vector<16xf32>
        %parallel_loop3A_1283 = vector.shape_cast %parallel_loop3A_1278 : vector<16xf32> to vector<1x16xf32>
        tpu.vector_store %arg11[%parallel_loop3A_1279, %parallel_loop3A_1280], %parallel_loop3A_1283 {strides = array<i32>} : memref<128x128xf32, #tpu.memory_space<vmem>>, vector<1x16xf32>,
        %parallel_loop3A_1284 = arith.index_cast %parallel_loop3A_1272 : i32 to index
        %parallel_loop3A_1285 = arith.constant 16 : index
        %parallel_loop3A_1286 = tpu.vector_load %arg11[%parallel_loop3A_1284, %parallel_loop3A_1285] {strides = array<i32>} : memref<128x128xf32, #tpu.memory_space<vmem>>, vector<1x16xf32>,
        %parallel_loop3A_1287 = vector.shape_cast %parallel_loop3A_1286 : vector<1x16xf32> to vector<16xf32>
        %parallel_loop3A_1288 = vector.broadcast %parallel_loop3A_1270 : f32 to vector<16xf32>
        %parallel_loop3A_1289 = arith.mulf %parallel_loop3A_1287, %parallel_loop3A_1288 : vector<16xf32>
        %parallel_loop3A_1290 = arith.index_cast %parallel_loop3A_1272 : i32 to index
        %parallel_loop3A_1291 = arith.constant 16 : index
        %parallel_loop3A_1292 = tpu.vector_load %arg11[%parallel_loop3A_1290, %parallel_loop3A_1291] {strides = array<i32>} : memref<128x128xf32, #tpu.memory_space<vmem>>, vector<1x16xf32>,
        %parallel_loop3A_1293 = vector.shape_cast %parallel_loop3A_1292 : vector<1x16xf32> to vector<16xf32>
        %parallel_loop3A_1294 = vector.shape_cast %parallel_loop3A_1289 : vector<16xf32> to vector<1x16xf32>
        tpu.vector_store %arg11[%parallel_loop3A_1290, %parallel_loop3A_1291], %parallel_loop3A_1294 {strides = array<i32>} : memref<128x128xf32, #tpu.memory_space<vmem>>, vector<1x16xf32>,
        %parallel_loop3A_1295 = arith.index_cast %parallel_loop3A_1272 : i32 to index
        %parallel_loop3A_1296 = arith.constant 32 : index
        %parallel_loop3A_1297 = tpu.vector_load %arg11[%parallel_loop3A_1295, %parallel_loop3A_1296] {strides = array<i32>} : memref<128x128xf32, #tpu.memory_space<vmem>>, vector<1x16xf32>,
        %parallel_loop3A_1298 = vector.shape_cast %parallel_loop3A_1297 : vector<1x16xf32> to vector<16xf32>
        %parallel_loop3A_1299 = vector.broadcast %parallel_loop3A_1270 : f32 to vector<16xf32>
        %parallel_loop3A_1300 = arith.mulf %parallel_loop3A_1298, %parallel_loop3A_1299 : vector<16xf32>
        %parallel_loop3A_1301 = arith.index_cast %parallel_loop3A_1272 : i32 to index
        %parallel_loop3A_1302 = arith.constant 32 : index
        %parallel_loop3A_1303 = tpu.vector_load %arg11[%parallel_loop3A_1301, %parallel_loop3A_1302] {strides = array<i32>} : memref<128x128xf32, #tpu.memory_space<vmem>>, vector<1x16xf32>,
        %parallel_loop3A_1304 = vector.shape_cast %parallel_loop3A_1303 : vector<1x16xf32> to vector<16xf32>
        %parallel_loop3A_1305 = vector.shape_cast %parallel_loop3A_1300 : vector<16xf32> to vector<1x16xf32>
        tpu.vector_store %arg11[%parallel_loop3A_1301, %parallel_loop3A_1302], %parallel_loop3A_1305 {strides = array<i32>} : memref<128x128xf32, #tpu.memory_space<vmem>>, vector<1x16xf32>,
        %parallel_loop3A_1306 = arith.index_cast %parallel_loop3A_1272 : i32 to index
        %parallel_loop3A_1307 = arith.constant 48 : index
        %parallel_loop3A_1308 = tpu.vector_load %arg11[%parallel_loop3A_1306, %parallel_loop3A_1307] {strides = array<i32>} : memref<128x128xf32, #tpu.memory_space<vmem>>, vector<1x16xf32>,
        %parallel_loop3A_1309 = vector.shape_cast %parallel_loop3A_1308 : vector<1x16xf32> to vector<16xf32>
        %parallel_loop3A_1310 = vector.broadcast %parallel_loop3A_1270 : f32 to vector<16xf32>
        %parallel_loop3A_1311 = arith.mulf %parallel_loop3A_1309, %parallel_loop3A_1310 : vector<16xf32>
        %parallel_loop3A_1312 = arith.index_cast %parallel_loop3A_1272 : i32 to index
        %parallel_loop3A_1313 = arith.constant 48 : index
        %parallel_loop3A_1314 = tpu.vector_load %arg11[%parallel_loop3A_1312, %parallel_loop3A_1313] {strides = array<i32>} : memref<128x128xf32, #tpu.memory_space<vmem>>, vector<1x16xf32>,
        %parallel_loop3A_1315 = vector.shape_cast %parallel_loop3A_1314 : vector<1x16xf32> to vector<16xf32>
        %parallel_loop3A_1316 = vector.shape_cast %parallel_loop3A_1311 : vector<16xf32> to vector<1x16xf32>
        tpu.vector_store %arg11[%parallel_loop3A_1312, %parallel_loop3A_1313], %parallel_loop3A_1316 {strides = array<i32>} : memref<128x128xf32, #tpu.memory_space<vmem>>, vector<1x16xf32>,
        %parallel_loop3A_1317 = arith.index_cast %parallel_loop3A_1272 : i32 to index
        %parallel_loop3A_1318 = arith.constant 64 : index
        %parallel_loop3A_1319 = tpu.vector_load %arg11[%parallel_loop3A_1317, %parallel_loop3A_1318] {strides = array<i32>} : memref<128x128xf32, #tpu.memory_space<vmem>>, vector<1x16xf32>,
        %parallel_loop3A_1320 = vector.shape_cast %parallel_loop3A_1319 : vector<1x16xf32> to vector<16xf32>
        %parallel_loop3A_1321 = vector.broadcast %parallel_loop3A_1270 : f32 to vector<16xf32>
        %parallel_loop3A_1322 = arith.mulf %parallel_loop3A_1320, %parallel_loop3A_1321 : vector<16xf32>
        %parallel_loop3A_1323 = arith.index_cast %parallel_loop3A_1272 : i32 to index
        %parallel_loop3A_1324 = arith.constant 64 : index
        %parallel_loop3A_1325 = tpu.vector_load %arg11[%parallel_loop3A_1323, %parallel_loop3A_1324] {strides = array<i32>} : memref<128x128xf32, #tpu.memory_space<vmem>>, vector<1x16xf32>,
        %parallel_loop3A_1326 = vector.shape_cast %parallel_loop3A_1325 : vector<1x16xf32> to vector<16xf32>
        %parallel_loop3A_1327 = vector.shape_cast %parallel_loop3A_1322 : vector<16xf32> to vector<1x16xf32>
        tpu.vector_store %arg11[%parallel_loop3A_1323, %parallel_loop3A_1324], %parallel_loop3A_1327 {strides = array<i32>} : memref<128x128xf32, #tpu.memory_space<vmem>>, vector<1x16xf32>,
        %parallel_loop3A_1328 = arith.index_cast %parallel_loop3A_1272 : i32 to index
        %parallel_loop3A_1329 = arith.constant 80 : index
        %parallel_loop3A_1330 = tpu.vector_load %arg11[%parallel_loop3A_1328, %parallel_loop3A_1329] {strides = array<i32>} : memref<128x128xf32, #tpu.memory_space<vmem>>, vector<1x16xf32>,
        %parallel_loop3A_1331 = vector.shape_cast %parallel_loop3A_1330 : vector<1x16xf32> to vector<16xf32>
        %parallel_loop3A_1332 = vector.broadcast %parallel_loop3A_1270 : f32 to vector<16xf32>
        %parallel_loop3A_1333 = arith.mulf %parallel_loop3A_1331, %parallel_loop3A_1332 : vector<16xf32>
        %parallel_loop3A_1334 = arith.index_cast %parallel_loop3A_1272 : i32 to index
        %parallel_loop3A_1335 = arith.constant 80 : index
        %parallel_loop3A_1336 = tpu.vector_load %arg11[%parallel_loop3A_1334, %parallel_loop3A_1335] {strides = array<i32>} : memref<128x128xf32, #tpu.memory_space<vmem>>, vector<1x16xf32>,
        %parallel_loop3A_1337 = vector.shape_cast %parallel_loop3A_1336 : vector<1x16xf32> to vector<16xf32>
        %parallel_loop3A_1338 = vector.shape_cast %parallel_loop3A_1333 : vector<16xf32> to vector<1x16xf32>
        tpu.vector_store %arg11[%parallel_loop3A_1334, %parallel_loop3A_1335], %parallel_loop3A_1338 {strides = array<i32>} : memref<128x128xf32, #tpu.memory_space<vmem>>, vector<1x16xf32>,
        %parallel_loop3A_1339 = arith.index_cast %parallel_loop3A_1272 : i32 to index
        %parallel_loop3A_1340 = arith.constant 96 : index
        %parallel_loop3A_1341 = tpu.vector_load %arg11[%parallel_loop3A_1339, %parallel_loop3A_1340] {strides = array<i32>} : memref<128x128xf32, #tpu.memory_space<vmem>>, vector<1x16xf32>,
        %parallel_loop3A_1342 = vector.shape_cast %parallel_loop3A_1341 : vector<1x16xf32> to vector<16xf32>
        %parallel_loop3A_1343 = vector.broadcast %parallel_loop3A_1270 : f32 to vector<16xf32>
        %parallel_loop3A_1344 = arith.mulf %parallel_loop3A_1342, %parallel_loop3A_1343 : vector<16xf32>
        %parallel_loop3A_1345 = arith.index_cast %parallel_loop3A_1272 : i32 to index
        %parallel_loop3A_1346 = arith.constant 96 : index
        %parallel_loop3A_1347 = tpu.vector_load %arg11[%parallel_loop3A_1345, %parallel_loop3A_1346] {strides = array<i32>} : memref<128x128xf32, #tpu.memory_space<vmem>>, vector<1x16xf32>,
        %parallel_loop3A_1348 = vector.shape_cast %parallel_loop3A_1347 : vector<1x16xf32> to vector<16xf32>
        %parallel_loop3A_1349 = vector.shape_cast %parallel_loop3A_1344 : vector<16xf32> to vector<1x16xf32>
        tpu.vector_store %arg11[%parallel_loop3A_1345, %parallel_loop3A_1346], %parallel_loop3A_1349 {strides = array<i32>} : memref<128x128xf32, #tpu.memory_space<vmem>>, vector<1x16xf32>,
        %parallel_loop3A_1350 = arith.index_cast %parallel_loop3A_1272 : i32 to index
        %parallel_loop3A_1351 = arith.constant 112 : index
        %parallel_loop3A_1352 = tpu.vector_load %arg11[%parallel_loop3A_1350, %parallel_loop3A_1351] {strides = array<i32>} : memref<128x128xf32, #tpu.memory_space<vmem>>, vector<1x16xf32>,
        %parallel_loop3A_1353 = vector.shape_cast %parallel_loop3A_1352 : vector<1x16xf32> to vector<16xf32>
        %parallel_loop3A_1354 = vector.broadcast %parallel_loop3A_1270 : f32 to vector<16xf32>
        %parallel_loop3A_1355 = arith.mulf %parallel_loop3A_1353, %parallel_loop3A_1354 : vector<16xf32>
        %parallel_loop3A_1356 = arith.index_cast %parallel_loop3A_1272 : i32 to index
        %parallel_loop3A_1357 = arith.constant 112 : index
        %parallel_loop3A_1358 = tpu.vector_load %arg11[%parallel_loop3A_1356, %parallel_loop3A_1357] {strides = array<i32>} : memref<128x128xf32, #tpu.memory_space<vmem>>, vector<1x16xf32>,
        %parallel_loop3A_1359 = vector.shape_cast %parallel_loop3A_1358 : vector<1x16xf32> to vector<16xf32>
        %parallel_loop3A_1360 = vector.shape_cast %parallel_loop3A_1355 : vector<16xf32> to vector<1x16xf32>
        tpu.vector_store %arg11[%parallel_loop3A_1356, %parallel_loop3A_1357], %parallel_loop3A_1360 {strides = array<i32>} : memref<128x128xf32, #tpu.memory_space<vmem>>, vector<1x16xf32>,
        %parallel_loop3A_1361 = vector.extract_strided_slice %parallel_loop3A_256 {offsets = [12], sizes = [1], strides = [1]} : vector<16xf32> to vector<1xf32>
        %parallel_loop3A_1362 = vector.extract %parallel_loop3A_1361[0] : f32 from vector<1xf32>
        %parallel_loop3A_1363 = arith.constant 12 : i32
        %parallel_loop3A_1364 = arith.addi %parallel_loop3A_251, %parallel_loop3A_1363 : i32
        %parallel_loop3A_1365 = arith.index_cast %parallel_loop3A_1364 : i32 to index
        %parallel_loop3A_1366 = arith.constant 0 : index
        %parallel_loop3A_1367 = tpu.vector_load %arg11[%parallel_loop3A_1365, %parallel_loop3A_1366] {strides = array<i32>} : memref<128x128xf32, #tpu.memory_space<vmem>>, vector<1x16xf32>,
        %parallel_loop3A_1368 = vector.shape_cast %parallel_loop3A_1367 : vector<1x16xf32> to vector<16xf32>
        %parallel_loop3A_1369 = vector.broadcast %parallel_loop3A_1362 : f32 to vector<16xf32>
        %parallel_loop3A_1370 = arith.mulf %parallel_loop3A_1368, %parallel_loop3A_1369 : vector<16xf32>
        %parallel_loop3A_1371 = arith.index_cast %parallel_loop3A_1364 : i32 to index
        %parallel_loop3A_1372 = arith.constant 0 : index
        %parallel_loop3A_1373 = tpu.vector_load %arg11[%parallel_loop3A_1371, %parallel_loop3A_1372] {strides = array<i32>} : memref<128x128xf32, #tpu.memory_space<vmem>>, vector<1x16xf32>,
        %parallel_loop3A_1374 = vector.shape_cast %parallel_loop3A_1373 : vector<1x16xf32> to vector<16xf32>
        %parallel_loop3A_1375 = vector.shape_cast %parallel_loop3A_1370 : vector<16xf32> to vector<1x16xf32>
        tpu.vector_store %arg11[%parallel_loop3A_1371, %parallel_loop3A_1372], %parallel_loop3A_1375 {strides = array<i32>} : memref<128x128xf32, #tpu.memory_space<vmem>>, vector<1x16xf32>,
        %parallel_loop3A_1376 = arith.index_cast %parallel_loop3A_1364 : i32 to index
        %parallel_loop3A_1377 = arith.constant 16 : index
        %parallel_loop3A_1378 = tpu.vector_load %arg11[%parallel_loop3A_1376, %parallel_loop3A_1377] {strides = array<i32>} : memref<128x128xf32, #tpu.memory_space<vmem>>, vector<1x16xf32>,
        %parallel_loop3A_1379 = vector.shape_cast %parallel_loop3A_1378 : vector<1x16xf32> to vector<16xf32>
        %parallel_loop3A_1380 = vector.broadcast %parallel_loop3A_1362 : f32 to vector<16xf32>
        %parallel_loop3A_1381 = arith.mulf %parallel_loop3A_1379, %parallel_loop3A_1380 : vector<16xf32>
        %parallel_loop3A_1382 = arith.index_cast %parallel_loop3A_1364 : i32 to index
        %parallel_loop3A_1383 = arith.constant 16 : index
        %parallel_loop3A_1384 = tpu.vector_load %arg11[%parallel_loop3A_1382, %parallel_loop3A_1383] {strides = array<i32>} : memref<128x128xf32, #tpu.memory_space<vmem>>, vector<1x16xf32>,
        %parallel_loop3A_1385 = vector.shape_cast %parallel_loop3A_1384 : vector<1x16xf32> to vector<16xf32>
        %parallel_loop3A_1386 = vector.shape_cast %parallel_loop3A_1381 : vector<16xf32> to vector<1x16xf32>
        tpu.vector_store %arg11[%parallel_loop3A_1382, %parallel_loop3A_1383], %parallel_loop3A_1386 {strides = array<i32>} : memref<128x128xf32, #tpu.memory_space<vmem>>, vector<1x16xf32>,
        %parallel_loop3A_1387 = arith.index_cast %parallel_loop3A_1364 : i32 to index
        %parallel_loop3A_1388 = arith.constant 32 : index
        %parallel_loop3A_1389 = tpu.vector_load %arg11[%parallel_loop3A_1387, %parallel_loop3A_1388] {strides = array<i32>} : memref<128x128xf32, #tpu.memory_space<vmem>>, vector<1x16xf32>,
        %parallel_loop3A_1390 = vector.shape_cast %parallel_loop3A_1389 : vector<1x16xf32> to vector<16xf32>
        %parallel_loop3A_1391 = vector.broadcast %parallel_loop3A_1362 : f32 to vector<16xf32>
        %parallel_loop3A_1392 = arith.mulf %parallel_loop3A_1390, %parallel_loop3A_1391 : vector<16xf32>
        %parallel_loop3A_1393 = arith.index_cast %parallel_loop3A_1364 : i32 to index
        %parallel_loop3A_1394 = arith.constant 32 : index
        %parallel_loop3A_1395 = tpu.vector_load %arg11[%parallel_loop3A_1393, %parallel_loop3A_1394] {strides = array<i32>} : memref<128x128xf32, #tpu.memory_space<vmem>>, vector<1x16xf32>,
        %parallel_loop3A_1396 = vector.shape_cast %parallel_loop3A_1395 : vector<1x16xf32> to vector<16xf32>
        %parallel_loop3A_1397 = vector.shape_cast %parallel_loop3A_1392 : vector<16xf32> to vector<1x16xf32>
        tpu.vector_store %arg11[%parallel_loop3A_1393, %parallel_loop3A_1394], %parallel_loop3A_1397 {strides = array<i32>} : memref<128x128xf32, #tpu.memory_space<vmem>>, vector<1x16xf32>,
        %parallel_loop3A_1398 = arith.index_cast %parallel_loop3A_1364 : i32 to index
        %parallel_loop3A_1399 = arith.constant 48 : index
        %parallel_loop3A_1400 = tpu.vector_load %arg11[%parallel_loop3A_1398, %parallel_loop3A_1399] {strides = array<i32>} : memref<128x128xf32, #tpu.memory_space<vmem>>, vector<1x16xf32>,
        %parallel_loop3A_1401 = vector.shape_cast %parallel_loop3A_1400 : vector<1x16xf32> to vector<16xf32>
        %parallel_loop3A_1402 = vector.broadcast %parallel_loop3A_1362 : f32 to vector<16xf32>
        %parallel_loop3A_1403 = arith.mulf %parallel_loop3A_1401, %parallel_loop3A_1402 : vector<16xf32>
        %parallel_loop3A_1404 = arith.index_cast %parallel_loop3A_1364 : i32 to index
        %parallel_loop3A_1405 = arith.constant 48 : index
        %parallel_loop3A_1406 = tpu.vector_load %arg11[%parallel_loop3A_1404, %parallel_loop3A_1405] {strides = array<i32>} : memref<128x128xf32, #tpu.memory_space<vmem>>, vector<1x16xf32>,
        %parallel_loop3A_1407 = vector.shape_cast %parallel_loop3A_1406 : vector<1x16xf32> to vector<16xf32>
        %parallel_loop3A_1408 = vector.shape_cast %parallel_loop3A_1403 : vector<16xf32> to vector<1x16xf32>
        tpu.vector_store %arg11[%parallel_loop3A_1404, %parallel_loop3A_1405], %parallel_loop3A_1408 {strides = array<i32>} : memref<128x128xf32, #tpu.memory_space<vmem>>, vector<1x16xf32>,
        %parallel_loop3A_1409 = arith.index_cast %parallel_loop3A_1364 : i32 to index
        %parallel_loop3A_1410 = arith.constant 64 : index
        %parallel_loop3A_1411 = tpu.vector_load %arg11[%parallel_loop3A_1409, %parallel_loop3A_1410] {strides = array<i32>} : memref<128x128xf32, #tpu.memory_space<vmem>>, vector<1x16xf32>,
        %parallel_loop3A_1412 = vector.shape_cast %parallel_loop3A_1411 : vector<1x16xf32> to vector<16xf32>
        %parallel_loop3A_1413 = vector.broadcast %parallel_loop3A_1362 : f32 to vector<16xf32>
        %parallel_loop3A_1414 = arith.mulf %parallel_loop3A_1412, %parallel_loop3A_1413 : vector<16xf32>
        %parallel_loop3A_1415 = arith.index_cast %parallel_loop3A_1364 : i32 to index
        %parallel_loop3A_1416 = arith.constant 64 : index
        %parallel_loop3A_1417 = tpu.vector_load %arg11[%parallel_loop3A_1415, %parallel_loop3A_1416] {strides = array<i32>} : memref<128x128xf32, #tpu.memory_space<vmem>>, vector<1x16xf32>,
        %parallel_loop3A_1418 = vector.shape_cast %parallel_loop3A_1417 : vector<1x16xf32> to vector<16xf32>
        %parallel_loop3A_1419 = vector.shape_cast %parallel_loop3A_1414 : vector<16xf32> to vector<1x16xf32>
        tpu.vector_store %arg11[%parallel_loop3A_1415, %parallel_loop3A_1416], %parallel_loop3A_1419 {strides = array<i32>} : memref<128x128xf32, #tpu.memory_space<vmem>>, vector<1x16xf32>,
        %parallel_loop3A_1420 = arith.index_cast %parallel_loop3A_1364 : i32 to index
        %parallel_loop3A_1421 = arith.constant 80 : index
        %parallel_loop3A_1422 = tpu.vector_load %arg11[%parallel_loop3A_1420, %parallel_loop3A_1421] {strides = array<i32>} : memref<128x128xf32, #tpu.memory_space<vmem>>, vector<1x16xf32>,
        %parallel_loop3A_1423 = vector.shape_cast %parallel_loop3A_1422 : vector<1x16xf32> to vector<16xf32>
        %parallel_loop3A_1424 = vector.broadcast %parallel_loop3A_1362 : f32 to vector<16xf32>
        %parallel_loop3A_1425 = arith.mulf %parallel_loop3A_1423, %parallel_loop3A_1424 : vector<16xf32>
        %parallel_loop3A_1426 = arith.index_cast %parallel_loop3A_1364 : i32 to index
        %parallel_loop3A_1427 = arith.constant 80 : index
        %parallel_loop3A_1428 = tpu.vector_load %arg11[%parallel_loop3A_1426, %parallel_loop3A_1427] {strides = array<i32>} : memref<128x128xf32, #tpu.memory_space<vmem>>, vector<1x16xf32>,
        %parallel_loop3A_1429 = vector.shape_cast %parallel_loop3A_1428 : vector<1x16xf32> to vector<16xf32>
        %parallel_loop3A_1430 = vector.shape_cast %parallel_loop3A_1425 : vector<16xf32> to vector<1x16xf32>
        tpu.vector_store %arg11[%parallel_loop3A_1426, %parallel_loop3A_1427], %parallel_loop3A_1430 {strides = array<i32>} : memref<128x128xf32, #tpu.memory_space<vmem>>, vector<1x16xf32>,
        %parallel_loop3A_1431 = arith.index_cast %parallel_loop3A_1364 : i32 to index
        %parallel_loop3A_1432 = arith.constant 96 : index
        %parallel_loop3A_1433 = tpu.vector_load %arg11[%parallel_loop3A_1431, %parallel_loop3A_1432] {strides = array<i32>} : memref<128x128xf32, #tpu.memory_space<vmem>>, vector<1x16xf32>,
        %parallel_loop3A_1434 = vector.shape_cast %parallel_loop3A_1433 : vector<1x16xf32> to vector<16xf32>
        %parallel_loop3A_1435 = vector.broadcast %parallel_loop3A_1362 : f32 to vector<16xf32>
        %parallel_loop3A_1436 = arith.mulf %parallel_loop3A_1434, %parallel_loop3A_1435 : vector<16xf32>
        %parallel_loop3A_1437 = arith.index_cast %parallel_loop3A_1364 : i32 to index
        %parallel_loop3A_1438 = arith.constant 96 : index
        %parallel_loop3A_1439 = tpu.vector_load %arg11[%parallel_loop3A_1437, %parallel_loop3A_1438] {strides = array<i32>} : memref<128x128xf32, #tpu.memory_space<vmem>>, vector<1x16xf32>,
        %parallel_loop3A_1440 = vector.shape_cast %parallel_loop3A_1439 : vector<1x16xf32> to vector<16xf32>
        %parallel_loop3A_1441 = vector.shape_cast %parallel_loop3A_1436 : vector<16xf32> to vector<1x16xf32>
        tpu.vector_store %arg11[%parallel_loop3A_1437, %parallel_loop3A_1438], %parallel_loop3A_1441 {strides = array<i32>} : memref<128x128xf32, #tpu.memory_space<vmem>>, vector<1x16xf32>,
        %parallel_loop3A_1442 = arith.index_cast %parallel_loop3A_1364 : i32 to index
        %parallel_loop3A_1443 = arith.constant 112 : index
        %parallel_loop3A_1444 = tpu.vector_load %arg11[%parallel_loop3A_1442, %parallel_loop3A_1443] {strides = array<i32>} : memref<128x128xf32, #tpu.memory_space<vmem>>, vector<1x16xf32>,
        %parallel_loop3A_1445 = vector.shape_cast %parallel_loop3A_1444 : vector<1x16xf32> to vector<16xf32>
        %parallel_loop3A_1446 = vector.broadcast %parallel_loop3A_1362 : f32 to vector<16xf32>
        %parallel_loop3A_1447 = arith.mulf %parallel_loop3A_1445, %parallel_loop3A_1446 : vector<16xf32>
        %parallel_loop3A_1448 = arith.index_cast %parallel_loop3A_1364 : i32 to index
        %parallel_loop3A_1449 = arith.constant 112 : index
        %parallel_loop3A_1450 = tpu.vector_load %arg11[%parallel_loop3A_1448, %parallel_loop3A_1449] {strides = array<i32>} : memref<128x128xf32, #tpu.memory_space<vmem>>, vector<1x16xf32>,
        %parallel_loop3A_1451 = vector.shape_cast %parallel_loop3A_1450 : vector<1x16xf32> to vector<16xf32>
        %parallel_loop3A_1452 = vector.shape_cast %parallel_loop3A_1447 : vector<16xf32> to vector<1x16xf32>
        tpu.vector_store %arg11[%parallel_loop3A_1448, %parallel_loop3A_1449], %parallel_loop3A_1452 {strides = array<i32>} : memref<128x128xf32, #tpu.memory_space<vmem>>, vector<1x16xf32>,
        %parallel_loop3A_1453 = vector.extract_strided_slice %parallel_loop3A_256 {offsets = [13], sizes = [1], strides = [1]} : vector<16xf32> to vector<1xf32>
        %parallel_loop3A_1454 = vector.extract %parallel_loop3A_1453[0] : f32 from vector<1xf32>
        %parallel_loop3A_1455 = arith.constant 13 : i32
        %parallel_loop3A_1456 = arith.addi %parallel_loop3A_251, %parallel_loop3A_1455 : i32
        %parallel_loop3A_1457 = arith.index_cast %parallel_loop3A_1456 : i32 to index
        %parallel_loop3A_1458 = arith.constant 0 : index
        %parallel_loop3A_1459 = tpu.vector_load %arg11[%parallel_loop3A_1457, %parallel_loop3A_1458] {strides = array<i32>} : memref<128x128xf32, #tpu.memory_space<vmem>>, vector<1x16xf32>,
        %parallel_loop3A_1460 = vector.shape_cast %parallel_loop3A_1459 : vector<1x16xf32> to vector<16xf32>
        %parallel_loop3A_1461 = vector.broadcast %parallel_loop3A_1454 : f32 to vector<16xf32>
        %parallel_loop3A_1462 = arith.mulf %parallel_loop3A_1460, %parallel_loop3A_1461 : vector<16xf32>
        %parallel_loop3A_1463 = arith.index_cast %parallel_loop3A_1456 : i32 to index
        %parallel_loop3A_1464 = arith.constant 0 : index
        %parallel_loop3A_1465 = tpu.vector_load %arg11[%parallel_loop3A_1463, %parallel_loop3A_1464] {strides = array<i32>} : memref<128x128xf32, #tpu.memory_space<vmem>>, vector<1x16xf32>,
        %parallel_loop3A_1466 = vector.shape_cast %parallel_loop3A_1465 : vector<1x16xf32> to vector<16xf32>
        %parallel_loop3A_1467 = vector.shape_cast %parallel_loop3A_1462 : vector<16xf32> to vector<1x16xf32>
        tpu.vector_store %arg11[%parallel_loop3A_1463, %parallel_loop3A_1464], %parallel_loop3A_1467 {strides = array<i32>} : memref<128x128xf32, #tpu.memory_space<vmem>>, vector<1x16xf32>,
        %parallel_loop3A_1468 = arith.index_cast %parallel_loop3A_1456 : i32 to index
        %parallel_loop3A_1469 = arith.constant 16 : index
        %parallel_loop3A_1470 = tpu.vector_load %arg11[%parallel_loop3A_1468, %parallel_loop3A_1469] {strides = array<i32>} : memref<128x128xf32, #tpu.memory_space<vmem>>, vector<1x16xf32>,
        %parallel_loop3A_1471 = vector.shape_cast %parallel_loop3A_1470 : vector<1x16xf32> to vector<16xf32>
        %parallel_loop3A_1472 = vector.broadcast %parallel_loop3A_1454 : f32 to vector<16xf32>
        %parallel_loop3A_1473 = arith.mulf %parallel_loop3A_1471, %parallel_loop3A_1472 : vector<16xf32>
        %parallel_loop3A_1474 = arith.index_cast %parallel_loop3A_1456 : i32 to index
        %parallel_loop3A_1475 = arith.constant 16 : index
        %parallel_loop3A_1476 = tpu.vector_load %arg11[%parallel_loop3A_1474, %parallel_loop3A_1475] {strides = array<i32>} : memref<128x128xf32, #tpu.memory_space<vmem>>, vector<1x16xf32>,
        %parallel_loop3A_1477 = vector.shape_cast %parallel_loop3A_1476 : vector<1x16xf32> to vector<16xf32>
        %parallel_loop3A_1478 = vector.shape_cast %parallel_loop3A_1473 : vector<16xf32> to vector<1x16xf32>
        tpu.vector_store %arg11[%parallel_loop3A_1474, %parallel_loop3A_1475], %parallel_loop3A_1478 {strides = array<i32>} : memref<128x128xf32, #tpu.memory_space<vmem>>, vector<1x16xf32>,
        %parallel_loop3A_1479 = arith.index_cast %parallel_loop3A_1456 : i32 to index
        %parallel_loop3A_1480 = arith.constant 32 : index
        %parallel_loop3A_1481 = tpu.vector_load %arg11[%parallel_loop3A_1479, %parallel_loop3A_1480] {strides = array<i32>} : memref<128x128xf32, #tpu.memory_space<vmem>>, vector<1x16xf32>,
        %parallel_loop3A_1482 = vector.shape_cast %parallel_loop3A_1481 : vector<1x16xf32> to vector<16xf32>
        %parallel_loop3A_1483 = vector.broadcast %parallel_loop3A_1454 : f32 to vector<16xf32>
        %parallel_loop3A_1484 = arith.mulf %parallel_loop3A_1482, %parallel_loop3A_1483 : vector<16xf32>
        %parallel_loop3A_1485 = arith.index_cast %parallel_loop3A_1456 : i32 to index
        %parallel_loop3A_1486 = arith.constant 32 : index
        %parallel_loop3A_1487 = tpu.vector_load %arg11[%parallel_loop3A_1485, %parallel_loop3A_1486] {strides = array<i32>} : memref<128x128xf32, #tpu.memory_space<vmem>>, vector<1x16xf32>,
        %parallel_loop3A_1488 = vector.shape_cast %parallel_loop3A_1487 : vector<1x16xf32> to vector<16xf32>
        %parallel_loop3A_1489 = vector.shape_cast %parallel_loop3A_1484 : vector<16xf32> to vector<1x16xf32>
        tpu.vector_store %arg11[%parallel_loop3A_1485, %parallel_loop3A_1486], %parallel_loop3A_1489 {strides = array<i32>} : memref<128x128xf32, #tpu.memory_space<vmem>>, vector<1x16xf32>,
        %parallel_loop3A_1490 = arith.index_cast %parallel_loop3A_1456 : i32 to index
        %parallel_loop3A_1491 = arith.constant 48 : index
        %parallel_loop3A_1492 = tpu.vector_load %arg11[%parallel_loop3A_1490, %parallel_loop3A_1491] {strides = array<i32>} : memref<128x128xf32, #tpu.memory_space<vmem>>, vector<1x16xf32>,
        %parallel_loop3A_1493 = vector.shape_cast %parallel_loop3A_1492 : vector<1x16xf32> to vector<16xf32>
        %parallel_loop3A_1494 = vector.broadcast %parallel_loop3A_1454 : f32 to vector<16xf32>
        %parallel_loop3A_1495 = arith.mulf %parallel_loop3A_1493, %parallel_loop3A_1494 : vector<16xf32>
        %parallel_loop3A_1496 = arith.index_cast %parallel_loop3A_1456 : i32 to index
        %parallel_loop3A_1497 = arith.constant 48 : index
        %parallel_loop3A_1498 = tpu.vector_load %arg11[%parallel_loop3A_1496, %parallel_loop3A_1497] {strides = array<i32>} : memref<128x128xf32, #tpu.memory_space<vmem>>, vector<1x16xf32>,
        %parallel_loop3A_1499 = vector.shape_cast %parallel_loop3A_1498 : vector<1x16xf32> to vector<16xf32>
        %parallel_loop3A_1500 = vector.shape_cast %parallel_loop3A_1495 : vector<16xf32> to vector<1x16xf32>
        tpu.vector_store %arg11[%parallel_loop3A_1496, %parallel_loop3A_1497], %parallel_loop3A_1500 {strides = array<i32>} : memref<128x128xf32, #tpu.memory_space<vmem>>, vector<1x16xf32>,
        %parallel_loop3A_1501 = arith.index_cast %parallel_loop3A_1456 : i32 to index
        %parallel_loop3A_1502 = arith.constant 64 : index
        %parallel_loop3A_1503 = tpu.vector_load %arg11[%parallel_loop3A_1501, %parallel_loop3A_1502] {strides = array<i32>} : memref<128x128xf32, #tpu.memory_space<vmem>>, vector<1x16xf32>,
        %parallel_loop3A_1504 = vector.shape_cast %parallel_loop3A_1503 : vector<1x16xf32> to vector<16xf32>
        %parallel_loop3A_1505 = vector.broadcast %parallel_loop3A_1454 : f32 to vector<16xf32>
        %parallel_loop3A_1506 = arith.mulf %parallel_loop3A_1504, %parallel_loop3A_1505 : vector<16xf32>
        %parallel_loop3A_1507 = arith.index_cast %parallel_loop3A_1456 : i32 to index
        %parallel_loop3A_1508 = arith.constant 64 : index
        %parallel_loop3A_1509 = tpu.vector_load %arg11[%parallel_loop3A_1507, %parallel_loop3A_1508] {strides = array<i32>} : memref<128x128xf32, #tpu.memory_space<vmem>>, vector<1x16xf32>,
        %parallel_loop3A_1510 = vector.shape_cast %parallel_loop3A_1509 : vector<1x16xf32> to vector<16xf32>
        %parallel_loop3A_1511 = vector.shape_cast %parallel_loop3A_1506 : vector<16xf32> to vector<1x16xf32>
        tpu.vector_store %arg11[%parallel_loop3A_1507, %parallel_loop3A_1508], %parallel_loop3A_1511 {strides = array<i32>} : memref<128x128xf32, #tpu.memory_space<vmem>>, vector<1x16xf32>,
        %parallel_loop3A_1512 = arith.index_cast %parallel_loop3A_1456 : i32 to index
        %parallel_loop3A_1513 = arith.constant 80 : index
        %parallel_loop3A_1514 = tpu.vector_load %arg11[%parallel_loop3A_1512, %parallel_loop3A_1513] {strides = array<i32>} : memref<128x128xf32, #tpu.memory_space<vmem>>, vector<1x16xf32>,
        %parallel_loop3A_1515 = vector.shape_cast %parallel_loop3A_1514 : vector<1x16xf32> to vector<16xf32>
        %parallel_loop3A_1516 = vector.broadcast %parallel_loop3A_1454 : f32 to vector<16xf32>
        %parallel_loop3A_1517 = arith.mulf %parallel_loop3A_1515, %parallel_loop3A_1516 : vector<16xf32>
        %parallel_loop3A_1518 = arith.index_cast %parallel_loop3A_1456 : i32 to index
        %parallel_loop3A_1519 = arith.constant 80 : index
        %parallel_loop3A_1520 = tpu.vector_load %arg11[%parallel_loop3A_1518, %parallel_loop3A_1519] {strides = array<i32>} : memref<128x128xf32, #tpu.memory_space<vmem>>, vector<1x16xf32>,
        %parallel_loop3A_1521 = vector.shape_cast %parallel_loop3A_1520 : vector<1x16xf32> to vector<16xf32>
        %parallel_loop3A_1522 = vector.shape_cast %parallel_loop3A_1517 : vector<16xf32> to vector<1x16xf32>
        tpu.vector_store %arg11[%parallel_loop3A_1518, %parallel_loop3A_1519], %parallel_loop3A_1522 {strides = array<i32>} : memref<128x128xf32, #tpu.memory_space<vmem>>, vector<1x16xf32>,
        %parallel_loop3A_1523 = arith.index_cast %parallel_loop3A_1456 : i32 to index
        %parallel_loop3A_1524 = arith.constant 96 : index
        %parallel_loop3A_1525 = tpu.vector_load %arg11[%parallel_loop3A_1523, %parallel_loop3A_1524] {strides = array<i32>} : memref<128x128xf32, #tpu.memory_space<vmem>>, vector<1x16xf32>,
        %parallel_loop3A_1526 = vector.shape_cast %parallel_loop3A_1525 : vector<1x16xf32> to vector<16xf32>
        %parallel_loop3A_1527 = vector.broadcast %parallel_loop3A_1454 : f32 to vector<16xf32>
        %parallel_loop3A_1528 = arith.mulf %parallel_loop3A_1526, %parallel_loop3A_1527 : vector<16xf32>
        %parallel_loop3A_1529 = arith.index_cast %parallel_loop3A_1456 : i32 to index
        %parallel_loop3A_1530 = arith.constant 96 : index
        %parallel_loop3A_1531 = tpu.vector_load %arg11[%parallel_loop3A_1529, %parallel_loop3A_1530] {strides = array<i32>} : memref<128x128xf32, #tpu.memory_space<vmem>>, vector<1x16xf32>,
        %parallel_loop3A_1532 = vector.shape_cast %parallel_loop3A_1531 : vector<1x16xf32> to vector<16xf32>
        %parallel_loop3A_1533 = vector.shape_cast %parallel_loop3A_1528 : vector<16xf32> to vector<1x16xf32>
        tpu.vector_store %arg11[%parallel_loop3A_1529, %parallel_loop3A_1530], %parallel_loop3A_1533 {strides = array<i32>} : memref<128x128xf32, #tpu.memory_space<vmem>>, vector<1x16xf32>,
        %parallel_loop3A_1534 = arith.index_cast %parallel_loop3A_1456 : i32 to index
        %parallel_loop3A_1535 = arith.constant 112 : index
        %parallel_loop3A_1536 = tpu.vector_load %arg11[%parallel_loop3A_1534, %parallel_loop3A_1535] {strides = array<i32>} : memref<128x128xf32, #tpu.memory_space<vmem>>, vector<1x16xf32>,
        %parallel_loop3A_1537 = vector.shape_cast %parallel_loop3A_1536 : vector<1x16xf32> to vector<16xf32>
        %parallel_loop3A_1538 = vector.broadcast %parallel_loop3A_1454 : f32 to vector<16xf32>
        %parallel_loop3A_1539 = arith.mulf %parallel_loop3A_1537, %parallel_loop3A_1538 : vector<16xf32>
        %parallel_loop3A_1540 = arith.index_cast %parallel_loop3A_1456 : i32 to index
        %parallel_loop3A_1541 = arith.constant 112 : index
        %parallel_loop3A_1542 = tpu.vector_load %arg11[%parallel_loop3A_1540, %parallel_loop3A_1541] {strides = array<i32>} : memref<128x128xf32, #tpu.memory_space<vmem>>, vector<1x16xf32>,
        %parallel_loop3A_1543 = vector.shape_cast %parallel_loop3A_1542 : vector<1x16xf32> to vector<16xf32>
        %parallel_loop3A_1544 = vector.shape_cast %parallel_loop3A_1539 : vector<16xf32> to vector<1x16xf32>
        tpu.vector_store %arg11[%parallel_loop3A_1540, %parallel_loop3A_1541], %parallel_loop3A_1544 {strides = array<i32>} : memref<128x128xf32, #tpu.memory_space<vmem>>, vector<1x16xf32>,
        %parallel_loop3A_1545 = vector.extract_strided_slice %parallel_loop3A_256 {offsets = [14], sizes = [1], strides = [1]} : vector<16xf32> to vector<1xf32>
        %parallel_loop3A_1546 = vector.extract %parallel_loop3A_1545[0] : f32 from vector<1xf32>
        %parallel_loop3A_1547 = arith.constant 14 : i32
        %parallel_loop3A_1548 = arith.addi %parallel_loop3A_251, %parallel_loop3A_1547 : i32
        %parallel_loop3A_1549 = arith.index_cast %parallel_loop3A_1548 : i32 to index
        %parallel_loop3A_1550 = arith.constant 0 : index
        %parallel_loop3A_1551 = tpu.vector_load %arg11[%parallel_loop3A_1549, %parallel_loop3A_1550] {strides = array<i32>} : memref<128x128xf32, #tpu.memory_space<vmem>>, vector<1x16xf32>,
        %parallel_loop3A_1552 = vector.shape_cast %parallel_loop3A_1551 : vector<1x16xf32> to vector<16xf32>
        %parallel_loop3A_1553 = vector.broadcast %parallel_loop3A_1546 : f32 to vector<16xf32>
        %parallel_loop3A_1554 = arith.mulf %parallel_loop3A_1552, %parallel_loop3A_1553 : vector<16xf32>
        %parallel_loop3A_1555 = arith.index_cast %parallel_loop3A_1548 : i32 to index
        %parallel_loop3A_1556 = arith.constant 0 : index
        %parallel_loop3A_1557 = tpu.vector_load %arg11[%parallel_loop3A_1555, %parallel_loop3A_1556] {strides = array<i32>} : memref<128x128xf32, #tpu.memory_space<vmem>>, vector<1x16xf32>,
        %parallel_loop3A_1558 = vector.shape_cast %parallel_loop3A_1557 : vector<1x16xf32> to vector<16xf32>
        %parallel_loop3A_1559 = vector.shape_cast %parallel_loop3A_1554 : vector<16xf32> to vector<1x16xf32>
        tpu.vector_store %arg11[%parallel_loop3A_1555, %parallel_loop3A_1556], %parallel_loop3A_1559 {strides = array<i32>} : memref<128x128xf32, #tpu.memory_space<vmem>>, vector<1x16xf32>,
        %parallel_loop3A_1560 = arith.index_cast %parallel_loop3A_1548 : i32 to index
        %parallel_loop3A_1561 = arith.constant 16 : index
        %parallel_loop3A_1562 = tpu.vector_load %arg11[%parallel_loop3A_1560, %parallel_loop3A_1561] {strides = array<i32>} : memref<128x128xf32, #tpu.memory_space<vmem>>, vector<1x16xf32>,
        %parallel_loop3A_1563 = vector.shape_cast %parallel_loop3A_1562 : vector<1x16xf32> to vector<16xf32>
        %parallel_loop3A_1564 = vector.broadcast %parallel_loop3A_1546 : f32 to vector<16xf32>
        %parallel_loop3A_1565 = arith.mulf %parallel_loop3A_1563, %parallel_loop3A_1564 : vector<16xf32>
        %parallel_loop3A_1566 = arith.index_cast %parallel_loop3A_1548 : i32 to index
        %parallel_loop3A_1567 = arith.constant 16 : index
        %parallel_loop3A_1568 = tpu.vector_load %arg11[%parallel_loop3A_1566, %parallel_loop3A_1567] {strides = array<i32>} : memref<128x128xf32, #tpu.memory_space<vmem>>, vector<1x16xf32>,
        %parallel_loop3A_1569 = vector.shape_cast %parallel_loop3A_1568 : vector<1x16xf32> to vector<16xf32>
        %parallel_loop3A_1570 = vector.shape_cast %parallel_loop3A_1565 : vector<16xf32> to vector<1x16xf32>
        tpu.vector_store %arg11[%parallel_loop3A_1566, %parallel_loop3A_1567], %parallel_loop3A_1570 {strides = array<i32>} : memref<128x128xf32, #tpu.memory_space<vmem>>, vector<1x16xf32>,
        %parallel_loop3A_1571 = arith.index_cast %parallel_loop3A_1548 : i32 to index
        %parallel_loop3A_1572 = arith.constant 32 : index
        %parallel_loop3A_1573 = tpu.vector_load %arg11[%parallel_loop3A_1571, %parallel_loop3A_1572] {strides = array<i32>} : memref<128x128xf32, #tpu.memory_space<vmem>>, vector<1x16xf32>,
        %parallel_loop3A_1574 = vector.shape_cast %parallel_loop3A_1573 : vector<1x16xf32> to vector<16xf32>
        %parallel_loop3A_1575 = vector.broadcast %parallel_loop3A_1546 : f32 to vector<16xf32>
        %parallel_loop3A_1576 = arith.mulf %parallel_loop3A_1574, %parallel_loop3A_1575 : vector<16xf32>
        %parallel_loop3A_1577 = arith.index_cast %parallel_loop3A_1548 : i32 to index
        %parallel_loop3A_1578 = arith.constant 32 : index
        %parallel_loop3A_1579 = tpu.vector_load %arg11[%parallel_loop3A_1577, %parallel_loop3A_1578] {strides = array<i32>} : memref<128x128xf32, #tpu.memory_space<vmem>>, vector<1x16xf32>,
        %parallel_loop3A_1580 = vector.shape_cast %parallel_loop3A_1579 : vector<1x16xf32> to vector<16xf32>
        %parallel_loop3A_1581 = vector.shape_cast %parallel_loop3A_1576 : vector<16xf32> to vector<1x16xf32>
        tpu.vector_store %arg11[%parallel_loop3A_1577, %parallel_loop3A_1578], %parallel_loop3A_1581 {strides = array<i32>} : memref<128x128xf32, #tpu.memory_space<vmem>>, vector<1x16xf32>,
        %parallel_loop3A_1582 = arith.index_cast %parallel_loop3A_1548 : i32 to index
        %parallel_loop3A_1583 = arith.constant 48 : index
        %parallel_loop3A_1584 = tpu.vector_load %arg11[%parallel_loop3A_1582, %parallel_loop3A_1583] {strides = array<i32>} : memref<128x128xf32, #tpu.memory_space<vmem>>, vector<1x16xf32>,
        %parallel_loop3A_1585 = vector.shape_cast %parallel_loop3A_1584 : vector<1x16xf32> to vector<16xf32>
        %parallel_loop3A_1586 = vector.broadcast %parallel_loop3A_1546 : f32 to vector<16xf32>
        %parallel_loop3A_1587 = arith.mulf %parallel_loop3A_1585, %parallel_loop3A_1586 : vector<16xf32>
        %parallel_loop3A_1588 = arith.index_cast %parallel_loop3A_1548 : i32 to index
        %parallel_loop3A_1589 = arith.constant 48 : index
        %parallel_loop3A_1590 = tpu.vector_load %arg11[%parallel_loop3A_1588, %parallel_loop3A_1589] {strides = array<i32>} : memref<128x128xf32, #tpu.memory_space<vmem>>, vector<1x16xf32>,
        %parallel_loop3A_1591 = vector.shape_cast %parallel_loop3A_1590 : vector<1x16xf32> to vector<16xf32>
        %parallel_loop3A_1592 = vector.shape_cast %parallel_loop3A_1587 : vector<16xf32> to vector<1x16xf32>
        tpu.vector_store %arg11[%parallel_loop3A_1588, %parallel_loop3A_1589], %parallel_loop3A_1592 {strides = array<i32>} : memref<128x128xf32, #tpu.memory_space<vmem>>, vector<1x16xf32>,
        %parallel_loop3A_1593 = arith.index_cast %parallel_loop3A_1548 : i32 to index
        %parallel_loop3A_1594 = arith.constant 64 : index
        %parallel_loop3A_1595 = tpu.vector_load %arg11[%parallel_loop3A_1593, %parallel_loop3A_1594] {strides = array<i32>} : memref<128x128xf32, #tpu.memory_space<vmem>>, vector<1x16xf32>,
        %parallel_loop3A_1596 = vector.shape_cast %parallel_loop3A_1595 : vector<1x16xf32> to vector<16xf32>
        %parallel_loop3A_1597 = vector.broadcast %parallel_loop3A_1546 : f32 to vector<16xf32>
        %parallel_loop3A_1598 = arith.mulf %parallel_loop3A_1596, %parallel_loop3A_1597 : vector<16xf32>
        %parallel_loop3A_1599 = arith.index_cast %parallel_loop3A_1548 : i32 to index
        %parallel_loop3A_1600 = arith.constant 64 : index
        %parallel_loop3A_1601 = tpu.vector_load %arg11[%parallel_loop3A_1599, %parallel_loop3A_1600] {strides = array<i32>} : memref<128x128xf32, #tpu.memory_space<vmem>>, vector<1x16xf32>,
        %parallel_loop3A_1602 = vector.shape_cast %parallel_loop3A_1601 : vector<1x16xf32> to vector<16xf32>
        %parallel_loop3A_1603 = vector.shape_cast %parallel_loop3A_1598 : vector<16xf32> to vector<1x16xf32>
        tpu.vector_store %arg11[%parallel_loop3A_1599, %parallel_loop3A_1600], %parallel_loop3A_1603 {strides = array<i32>} : memref<128x128xf32, #tpu.memory_space<vmem>>, vector<1x16xf32>,
        %parallel_loop3A_1604 = arith.index_cast %parallel_loop3A_1548 : i32 to index
        %parallel_loop3A_1605 = arith.constant 80 : index
        %parallel_loop3A_1606 = tpu.vector_load %arg11[%parallel_loop3A_1604, %parallel_loop3A_1605] {strides = array<i32>} : memref<128x128xf32, #tpu.memory_space<vmem>>, vector<1x16xf32>,
        %parallel_loop3A_1607 = vector.shape_cast %parallel_loop3A_1606 : vector<1x16xf32> to vector<16xf32>
        %parallel_loop3A_1608 = vector.broadcast %parallel_loop3A_1546 : f32 to vector<16xf32>
        %parallel_loop3A_1609 = arith.mulf %parallel_loop3A_1607, %parallel_loop3A_1608 : vector<16xf32>
        %parallel_loop3A_1610 = arith.index_cast %parallel_loop3A_1548 : i32 to index
        %parallel_loop3A_1611 = arith.constant 80 : index
        %parallel_loop3A_1612 = tpu.vector_load %arg11[%parallel_loop3A_1610, %parallel_loop3A_1611] {strides = array<i32>} : memref<128x128xf32, #tpu.memory_space<vmem>>, vector<1x16xf32>,
        %parallel_loop3A_1613 = vector.shape_cast %parallel_loop3A_1612 : vector<1x16xf32> to vector<16xf32>
        %parallel_loop3A_1614 = vector.shape_cast %parallel_loop3A_1609 : vector<16xf32> to vector<1x16xf32>
        tpu.vector_store %arg11[%parallel_loop3A_1610, %parallel_loop3A_1611], %parallel_loop3A_1614 {strides = array<i32>} : memref<128x128xf32, #tpu.memory_space<vmem>>, vector<1x16xf32>,
        %parallel_loop3A_1615 = arith.index_cast %parallel_loop3A_1548 : i32 to index
        %parallel_loop3A_1616 = arith.constant 96 : index
        %parallel_loop3A_1617 = tpu.vector_load %arg11[%parallel_loop3A_1615, %parallel_loop3A_1616] {strides = array<i32>} : memref<128x128xf32, #tpu.memory_space<vmem>>, vector<1x16xf32>,
        %parallel_loop3A_1618 = vector.shape_cast %parallel_loop3A_1617 : vector<1x16xf32> to vector<16xf32>
        %parallel_loop3A_1619 = vector.broadcast %parallel_loop3A_1546 : f32 to vector<16xf32>
        %parallel_loop3A_1620 = arith.mulf %parallel_loop3A_1618, %parallel_loop3A_1619 : vector<16xf32>
        %parallel_loop3A_1621 = arith.index_cast %parallel_loop3A_1548 : i32 to index
        %parallel_loop3A_1622 = arith.constant 96 : index
        %parallel_loop3A_1623 = tpu.vector_load %arg11[%parallel_loop3A_1621, %parallel_loop3A_1622] {strides = array<i32>} : memref<128x128xf32, #tpu.memory_space<vmem>>, vector<1x16xf32>,
        %parallel_loop3A_1624 = vector.shape_cast %parallel_loop3A_1623 : vector<1x16xf32> to vector<16xf32>
        %parallel_loop3A_1625 = vector.shape_cast %parallel_loop3A_1620 : vector<16xf32> to vector<1x16xf32>
        tpu.vector_store %arg11[%parallel_loop3A_1621, %parallel_loop3A_1622], %parallel_loop3A_1625 {strides = array<i32>} : memref<128x128xf32, #tpu.memory_space<vmem>>, vector<1x16xf32>,
        %parallel_loop3A_1626 = arith.index_cast %parallel_loop3A_1548 : i32 to index
        %parallel_loop3A_1627 = arith.constant 112 : index
        %parallel_loop3A_1628 = tpu.vector_load %arg11[%parallel_loop3A_1626, %parallel_loop3A_1627] {strides = array<i32>} : memref<128x128xf32, #tpu.memory_space<vmem>>, vector<1x16xf32>,
        %parallel_loop3A_1629 = vector.shape_cast %parallel_loop3A_1628 : vector<1x16xf32> to vector<16xf32>
        %parallel_loop3A_1630 = vector.broadcast %parallel_loop3A_1546 : f32 to vector<16xf32>
        %parallel_loop3A_1631 = arith.mulf %parallel_loop3A_1629, %parallel_loop3A_1630 : vector<16xf32>
        %parallel_loop3A_1632 = arith.index_cast %parallel_loop3A_1548 : i32 to index
        %parallel_loop3A_1633 = arith.constant 112 : index
        %parallel_loop3A_1634 = tpu.vector_load %arg11[%parallel_loop3A_1632, %parallel_loop3A_1633] {strides = array<i32>} : memref<128x128xf32, #tpu.memory_space<vmem>>, vector<1x16xf32>,
        %parallel_loop3A_1635 = vector.shape_cast %parallel_loop3A_1634 : vector<1x16xf32> to vector<16xf32>
        %parallel_loop3A_1636 = vector.shape_cast %parallel_loop3A_1631 : vector<16xf32> to vector<1x16xf32>
        tpu.vector_store %arg11[%parallel_loop3A_1632, %parallel_loop3A_1633], %parallel_loop3A_1636 {strides = array<i32>} : memref<128x128xf32, #tpu.memory_space<vmem>>, vector<1x16xf32>,
        %parallel_loop3A_1637 = vector.extract_strided_slice %parallel_loop3A_256 {offsets = [15], sizes = [1], strides = [1]} : vector<16xf32> to vector<1xf32>
        %parallel_loop3A_1638 = vector.extract %parallel_loop3A_1637[0] : f32 from vector<1xf32>
        %parallel_loop3A_1639 = arith.constant 15 : i32
        %parallel_loop3A_1640 = arith.addi %parallel_loop3A_251, %parallel_loop3A_1639 : i32
        %parallel_loop3A_1641 = arith.index_cast %parallel_loop3A_1640 : i32 to index
        %parallel_loop3A_1642 = arith.constant 0 : index
        %parallel_loop3A_1643 = tpu.vector_load %arg11[%parallel_loop3A_1641, %parallel_loop3A_1642] {strides = array<i32>} : memref<128x128xf32, #tpu.memory_space<vmem>>, vector<1x16xf32>,
        %parallel_loop3A_1644 = vector.shape_cast %parallel_loop3A_1643 : vector<1x16xf32> to vector<16xf32>
        %parallel_loop3A_1645 = vector.broadcast %parallel_loop3A_1638 : f32 to vector<16xf32>
        %parallel_loop3A_1646 = arith.mulf %parallel_loop3A_1644, %parallel_loop3A_1645 : vector<16xf32>
        %parallel_loop3A_1647 = arith.index_cast %parallel_loop3A_1640 : i32 to index
        %parallel_loop3A_1648 = arith.constant 0 : index
        %parallel_loop3A_1649 = tpu.vector_load %arg11[%parallel_loop3A_1647, %parallel_loop3A_1648] {strides = array<i32>} : memref<128x128xf32, #tpu.memory_space<vmem>>, vector<1x16xf32>,
        %parallel_loop3A_1650 = vector.shape_cast %parallel_loop3A_1649 : vector<1x16xf32> to vector<16xf32>
        %parallel_loop3A_1651 = vector.shape_cast %parallel_loop3A_1646 : vector<16xf32> to vector<1x16xf32>
        tpu.vector_store %arg11[%parallel_loop3A_1647, %parallel_loop3A_1648], %parallel_loop3A_1651 {strides = array<i32>} : memref<128x128xf32, #tpu.memory_space<vmem>>, vector<1x16xf32>,
        %parallel_loop3A_1652 = arith.index_cast %parallel_loop3A_1640 : i32 to index
        %parallel_loop3A_1653 = arith.constant 16 : index
        %parallel_loop3A_1654 = tpu.vector_load %arg11[%parallel_loop3A_1652, %parallel_loop3A_1653] {strides = array<i32>} : memref<128x128xf32, #tpu.memory_space<vmem>>, vector<1x16xf32>,
        %parallel_loop3A_1655 = vector.shape_cast %parallel_loop3A_1654 : vector<1x16xf32> to vector<16xf32>
        %parallel_loop3A_1656 = vector.broadcast %parallel_loop3A_1638 : f32 to vector<16xf32>
        %parallel_loop3A_1657 = arith.mulf %parallel_loop3A_1655, %parallel_loop3A_1656 : vector<16xf32>
        %parallel_loop3A_1658 = arith.index_cast %parallel_loop3A_1640 : i32 to index
        %parallel_loop3A_1659 = arith.constant 16 : index
        %parallel_loop3A_1660 = tpu.vector_load %arg11[%parallel_loop3A_1658, %parallel_loop3A_1659] {strides = array<i32>} : memref<128x128xf32, #tpu.memory_space<vmem>>, vector<1x16xf32>,
        %parallel_loop3A_1661 = vector.shape_cast %parallel_loop3A_1660 : vector<1x16xf32> to vector<16xf32>
        %parallel_loop3A_1662 = vector.shape_cast %parallel_loop3A_1657 : vector<16xf32> to vector<1x16xf32>
        tpu.vector_store %arg11[%parallel_loop3A_1658, %parallel_loop3A_1659], %parallel_loop3A_1662 {strides = array<i32>} : memref<128x128xf32, #tpu.memory_space<vmem>>, vector<1x16xf32>,
        %parallel_loop3A_1663 = arith.index_cast %parallel_loop3A_1640 : i32 to index
        %parallel_loop3A_1664 = arith.constant 32 : index
        %parallel_loop3A_1665 = tpu.vector_load %arg11[%parallel_loop3A_1663, %parallel_loop3A_1664] {strides = array<i32>} : memref<128x128xf32, #tpu.memory_space<vmem>>, vector<1x16xf32>,
        %parallel_loop3A_1666 = vector.shape_cast %parallel_loop3A_1665 : vector<1x16xf32> to vector<16xf32>
        %parallel_loop3A_1667 = vector.broadcast %parallel_loop3A_1638 : f32 to vector<16xf32>
        %parallel_loop3A_1668 = arith.mulf %parallel_loop3A_1666, %parallel_loop3A_1667 : vector<16xf32>
        %parallel_loop3A_1669 = arith.index_cast %parallel_loop3A_1640 : i32 to index
        %parallel_loop3A_1670 = arith.constant 32 : index
        %parallel_loop3A_1671 = tpu.vector_load %arg11[%parallel_loop3A_1669, %parallel_loop3A_1670] {strides = array<i32>} : memref<128x128xf32, #tpu.memory_space<vmem>>, vector<1x16xf32>,
        %parallel_loop3A_1672 = vector.shape_cast %parallel_loop3A_1671 : vector<1x16xf32> to vector<16xf32>
        %parallel_loop3A_1673 = vector.shape_cast %parallel_loop3A_1668 : vector<16xf32> to vector<1x16xf32>
        tpu.vector_store %arg11[%parallel_loop3A_1669, %parallel_loop3A_1670], %parallel_loop3A_1673 {strides = array<i32>} : memref<128x128xf32, #tpu.memory_space<vmem>>, vector<1x16xf32>,
        %parallel_loop3A_1674 = arith.index_cast %parallel_loop3A_1640 : i32 to index
        %parallel_loop3A_1675 = arith.constant 48 : index
        %parallel_loop3A_1676 = tpu.vector_load %arg11[%parallel_loop3A_1674, %parallel_loop3A_1675] {strides = array<i32>} : memref<128x128xf32, #tpu.memory_space<vmem>>, vector<1x16xf32>,
        %parallel_loop3A_1677 = vector.shape_cast %parallel_loop3A_1676 : vector<1x16xf32> to vector<16xf32>
        %parallel_loop3A_1678 = vector.broadcast %parallel_loop3A_1638 : f32 to vector<16xf32>
        %parallel_loop3A_1679 = arith.mulf %parallel_loop3A_1677, %parallel_loop3A_1678 : vector<16xf32>
        %parallel_loop3A_1680 = arith.index_cast %parallel_loop3A_1640 : i32 to index
        %parallel_loop3A_1681 = arith.constant 48 : index
        %parallel_loop3A_1682 = tpu.vector_load %arg11[%parallel_loop3A_1680, %parallel_loop3A_1681] {strides = array<i32>} : memref<128x128xf32, #tpu.memory_space<vmem>>, vector<1x16xf32>,
        %parallel_loop3A_1683 = vector.shape_cast %parallel_loop3A_1682 : vector<1x16xf32> to vector<16xf32>
        %parallel_loop3A_1684 = vector.shape_cast %parallel_loop3A_1679 : vector<16xf32> to vector<1x16xf32>
        tpu.vector_store %arg11[%parallel_loop3A_1680, %parallel_loop3A_1681], %parallel_loop3A_1684 {strides = array<i32>} : memref<128x128xf32, #tpu.memory_space<vmem>>, vector<1x16xf32>,
        %parallel_loop3A_1685 = arith.index_cast %parallel_loop3A_1640 : i32 to index
        %parallel_loop3A_1686 = arith.constant 64 : index
        %parallel_loop3A_1687 = tpu.vector_load %arg11[%parallel_loop3A_1685, %parallel_loop3A_1686] {strides = array<i32>} : memref<128x128xf32, #tpu.memory_space<vmem>>, vector<1x16xf32>,
        %parallel_loop3A_1688 = vector.shape_cast %parallel_loop3A_1687 : vector<1x16xf32> to vector<16xf32>
        %parallel_loop3A_1689 = vector.broadcast %parallel_loop3A_1638 : f32 to vector<16xf32>
        %parallel_loop3A_1690 = arith.mulf %parallel_loop3A_1688, %parallel_loop3A_1689 : vector<16xf32>
        %parallel_loop3A_1691 = arith.index_cast %parallel_loop3A_1640 : i32 to index
        %parallel_loop3A_1692 = arith.constant 64 : index
        %parallel_loop3A_1693 = tpu.vector_load %arg11[%parallel_loop3A_1691, %parallel_loop3A_1692] {strides = array<i32>} : memref<128x128xf32, #tpu.memory_space<vmem>>, vector<1x16xf32>,
        %parallel_loop3A_1694 = vector.shape_cast %parallel_loop3A_1693 : vector<1x16xf32> to vector<16xf32>
        %parallel_loop3A_1695 = vector.shape_cast %parallel_loop3A_1690 : vector<16xf32> to vector<1x16xf32>
        tpu.vector_store %arg11[%parallel_loop3A_1691, %parallel_loop3A_1692], %parallel_loop3A_1695 {strides = array<i32>} : memref<128x128xf32, #tpu.memory_space<vmem>>, vector<1x16xf32>,
        %parallel_loop3A_1696 = arith.index_cast %parallel_loop3A_1640 : i32 to index
        %parallel_loop3A_1697 = arith.constant 80 : index
        %parallel_loop3A_1698 = tpu.vector_load %arg11[%parallel_loop3A_1696, %parallel_loop3A_1697] {strides = array<i32>} : memref<128x128xf32, #tpu.memory_space<vmem>>, vector<1x16xf32>,
        %parallel_loop3A_1699 = vector.shape_cast %parallel_loop3A_1698 : vector<1x16xf32> to vector<16xf32>
        %parallel_loop3A_1700 = vector.broadcast %parallel_loop3A_1638 : f32 to vector<16xf32>
        %parallel_loop3A_1701 = arith.mulf %parallel_loop3A_1699, %parallel_loop3A_1700 : vector<16xf32>
        %parallel_loop3A_1702 = arith.index_cast %parallel_loop3A_1640 : i32 to index
        %parallel_loop3A_1703 = arith.constant 80 : index
        %parallel_loop3A_1704 = tpu.vector_load %arg11[%parallel_loop3A_1702, %parallel_loop3A_1703] {strides = array<i32>} : memref<128x128xf32, #tpu.memory_space<vmem>>, vector<1x16xf32>,
        %parallel_loop3A_1705 = vector.shape_cast %parallel_loop3A_1704 : vector<1x16xf32> to vector<16xf32>
        %parallel_loop3A_1706 = vector.shape_cast %parallel_loop3A_1701 : vector<16xf32> to vector<1x16xf32>
        tpu.vector_store %arg11[%parallel_loop3A_1702, %parallel_loop3A_1703], %parallel_loop3A_1706 {strides = array<i32>} : memref<128x128xf32, #tpu.memory_space<vmem>>, vector<1x16xf32>,
        %parallel_loop3A_1707 = arith.index_cast %parallel_loop3A_1640 : i32 to index
        %parallel_loop3A_1708 = arith.constant 96 : index
        %parallel_loop3A_1709 = tpu.vector_load %arg11[%parallel_loop3A_1707, %parallel_loop3A_1708] {strides = array<i32>} : memref<128x128xf32, #tpu.memory_space<vmem>>, vector<1x16xf32>,
        %parallel_loop3A_1710 = vector.shape_cast %parallel_loop3A_1709 : vector<1x16xf32> to vector<16xf32>
        %parallel_loop3A_1711 = vector.broadcast %parallel_loop3A_1638 : f32 to vector<16xf32>
        %parallel_loop3A_1712 = arith.mulf %parallel_loop3A_1710, %parallel_loop3A_1711 : vector<16xf32>
        %parallel_loop3A_1713 = arith.index_cast %parallel_loop3A_1640 : i32 to index
        %parallel_loop3A_1714 = arith.constant 96 : index
        %parallel_loop3A_1715 = tpu.vector_load %arg11[%parallel_loop3A_1713, %parallel_loop3A_1714] {strides = array<i32>} : memref<128x128xf32, #tpu.memory_space<vmem>>, vector<1x16xf32>,
        %parallel_loop3A_1716 = vector.shape_cast %parallel_loop3A_1715 : vector<1x16xf32> to vector<16xf32>
        %parallel_loop3A_1717 = vector.shape_cast %parallel_loop3A_1712 : vector<16xf32> to vector<1x16xf32>
        tpu.vector_store %arg11[%parallel_loop3A_1713, %parallel_loop3A_1714], %parallel_loop3A_1717 {strides = array<i32>} : memref<128x128xf32, #tpu.memory_space<vmem>>, vector<1x16xf32>,
        %parallel_loop3A_1718 = arith.index_cast %parallel_loop3A_1640 : i32 to index
        %parallel_loop3A_1719 = arith.constant 112 : index
        %parallel_loop3A_1720 = tpu.vector_load %arg11[%parallel_loop3A_1718, %parallel_loop3A_1719] {strides = array<i32>} : memref<128x128xf32, #tpu.memory_space<vmem>>, vector<1x16xf32>,
        %parallel_loop3A_1721 = vector.shape_cast %parallel_loop3A_1720 : vector<1x16xf32> to vector<16xf32>
        %parallel_loop3A_1722 = vector.broadcast %parallel_loop3A_1638 : f32 to vector<16xf32>
        %parallel_loop3A_1723 = arith.mulf %parallel_loop3A_1721, %parallel_loop3A_1722 : vector<16xf32>
        %parallel_loop3A_1724 = arith.index_cast %parallel_loop3A_1640 : i32 to index
        %parallel_loop3A_1725 = arith.constant 112 : index
        %parallel_loop3A_1726 = tpu.vector_load %arg11[%parallel_loop3A_1724, %parallel_loop3A_1725] {strides = array<i32>} : memref<128x128xf32, #tpu.memory_space<vmem>>, vector<1x16xf32>,
        %parallel_loop3A_1727 = vector.shape_cast %parallel_loop3A_1726 : vector<1x16xf32> to vector<16xf32>
        %parallel_loop3A_1728 = vector.shape_cast %parallel_loop3A_1723 : vector<16xf32> to vector<1x16xf32>
        tpu.vector_store %arg11[%parallel_loop3A_1724, %parallel_loop3A_1725], %parallel_loop3A_1728 {strides = array<i32>} : memref<128x128xf32, #tpu.memory_space<vmem>>, vector<1x16xf32>,
      } {sc.loop_unroll_factor = 2 : i64, sc.parallel_access}
      %dma_start3A_243 = arith.constant 0 : i32
      %dma_start3A_244 = tpu.memref_slice %arg8[%rem3A_196, %rem3A_198, %dma_start3A_243] : memref<2x8x128xi32, #tpu.memory_space<vmem>> -> memref<1x1x128xi32, #tpu.memory_space<vmem>>
      %dma_start3A_245 = tpu.memref_squeeze %dma_start3A_244 : memref<1x1x128xi32, #tpu.memory_space<vmem>> -> memref<128xi32, #tpu.memory_space<vmem>>
      %dma_start3A_246 = arith.constant 0 : i32
      %dma_start3A_247 = arith.constant 0 : i32
      %dma_start3A_248 = tpu.memref_slice %arg12[%dma_start3A_246, %dma_start3A_247] : memref<10112x128xf32, #tpu.memory_space<vmem_shared>> -> memref<10112x128xf32, #tpu.memory_space<vmem_shared>>
      tpu.enqueue_indirect_dma source(%arg11 : memref<128x128xf32, #tpu.memory_space<vmem>>) target(%dma_start3A_248 : memref<10112x128xf32, #tpu.memory_space<vmem_shared>>) offsets(%dma_start3A_245 : memref<128xi32, #tpu.memory_space<vmem>>) semaphore(%arg16 : memref<!tpu.dma_semaphore, #tpu.memory_space<semaphore_mem>>) {add = true}
    }
    %scan3A_118 = arith.constant 40 : i32
    %dma_wait3A_119 = arith.constant 1 : i32
    %dma_wait3A_120 = arith.constant 6 : i32
    %dma_wait3A_121 = arith.constant 0 : i32
    %dma_wait3A_122 = tpu.memref_slice %arg8[%dma_wait3A_119, %dma_wait3A_120, %dma_wait3A_121] : memref<2x8x128xi32, #tpu.memory_space<vmem>> -> memref<1x1x128xi32, #tpu.memory_space<vmem>>
    %dma_wait3A_123 = tpu.memref_squeeze %dma_wait3A_122 : memref<1x1x128xi32, #tpu.memory_space<vmem>> -> memref<128xi32, #tpu.memory_space<vmem>>
    %dma_wait3A_124 = arith.constant 0 : i32
    %dma_wait3A_125 = arith.constant 0 : i32
    %dma_wait3A_126 = tpu.memref_slice %arg12[%dma_wait3A_124, %dma_wait3A_125] : memref<10112x128xf32, #tpu.memory_space<vmem_shared>> -> memref<10112x128xf32, #tpu.memory_space<vmem_shared>>
    tpu.wait_indirect_dma semaphore(%arg15 : memref<!tpu.dma_semaphore, #tpu.memory_space<semaphore_mem>>) src(%arg10 : memref<128x128xf32, #tpu.memory_space<vmem>>) dst(%dma_wait3A_126 : memref<10112x128xf32, #tpu.memory_space<vmem_shared>>)
    %dma_wait3A_127 = arith.constant 1 : i32
    %dma_wait3A_128 = arith.constant 7 : i32
    %dma_wait3A_129 = arith.constant 0 : i32
    %dma_wait3A_130 = tpu.memref_slice %arg8[%dma_wait3A_127, %dma_wait3A_128, %dma_wait3A_129] : memref<2x8x128xi32, #tpu.memory_space<vmem>> -> memref<1x1x128xi32, #tpu.memory_space<vmem>>
    %dma_wait3A_131 = tpu.memref_squeeze %dma_wait3A_130 : memref<1x1x128xi32, #tpu.memory_space<vmem>> -> memref<128xi32, #tpu.memory_space<vmem>>
    %dma_wait3A_132 = arith.constant 0 : i32
    %dma_wait3A_133 = arith.constant 0 : i32
    %dma_wait3A_134 = tpu.memref_slice %arg12[%dma_wait3A_132, %dma_wait3A_133] : memref<10112x128xf32, #tpu.memory_space<vmem_shared>> -> memref<10112x128xf32, #tpu.memory_space<vmem_shared>>
    tpu.wait_indirect_dma semaphore(%arg16 : memref<!tpu.dma_semaphore, #tpu.memory_space<semaphore_mem>>) src(%arg11 : memref<128x128xf32, #tpu.memory_space<vmem>>) dst(%dma_wait3A_134 : memref<10112x128xf32, #tpu.memory_space<vmem_shared>>)
    %barrier3A_135 = arith.constant 0 : index
    tpu.barrier barrier_id(%barrier3A_135)
    "tpu.region"() ({
      %run_scoped3A = tpu.sem_alloc : memref<!tpu.dma_semaphore, #tpu.memory_space<semaphore_mem>>
      %dma_start3A_136 = arith.constant 0 : i32
      %dma_start3A_137 = tpu.memref_slice %arg6[%arg0, %mul3A_10, %dma_start3A_136] : memref<2x10112x128xf32, #tpu.memory_space<hbm>> -> memref<1x632x128xf32, #tpu.memory_space<hbm>>
      %dma_start3A_138 = tpu.memref_squeeze %dma_start3A_137 : memref<1x632x128xf32, #tpu.memory_space<hbm>> -> memref<632x128xf32, #tpu.memory_space<hbm>>
      %dma_start3A_139 = arith.constant 0 : i32
      %dma_start3A_140 = tpu.memref_slice %arg12[%mul3A_10, %dma_start3A_139] : memref<10112x128xf32, #tpu.memory_space<vmem_shared>> -> memref<632x128xf32, #tpu.memory_space<vmem_shared>>
      tpu.enqueue_dma source(%dma_start3A_140 : memref<632x128xf32, #tpu.memory_space<vmem_shared>>) target(%dma_start3A_138 : memref<632x128xf32, #tpu.memory_space<hbm>>) target_semaphore(%run_scoped3A : memref<!tpu.dma_semaphore, #tpu.memory_space<semaphore_mem>>)
      %dma_wait3A_141 = arith.constant 0 : i32
      %dma_wait3A_142 = tpu.memref_slice %arg6[%arg0, %mul3A_10, %dma_wait3A_141] : memref<2x10112x128xf32, #tpu.memory_space<hbm>> -> memref<1x632x128xf32, #tpu.memory_space<hbm>>
      %dma_wait3A_143 = tpu.memref_squeeze %dma_wait3A_142 : memref<1x632x128xf32, #tpu.memory_space<hbm>> -> memref<632x128xf32, #tpu.memory_space<hbm>>
      %dma_wait3A_144 = arith.constant 0 : i32
      %dma_wait3A_145 = tpu.memref_slice %arg12[%mul3A_10, %dma_wait3A_144] : memref<10112x128xf32, #tpu.memory_space<vmem_shared>> -> memref<632x128xf32, #tpu.memory_space<vmem_shared>>
      tpu.wait_dma2 semaphore(%run_scoped3A : memref<!tpu.dma_semaphore, #tpu.memory_space<semaphore_mem>>) src(%dma_wait3A_145 : memref<632x128xf32, #tpu.memory_space<vmem_shared>>) dst(%dma_wait3A_143 : memref<632x128xf32, #tpu.memory_space<hbm>>)
      tpu.yield
    }) : () -> ()
    return
  }
}

module attributes {stable_mosaic.version = 14 : i64} {
  func.func @_tc_body(%arg0: i32, %arg1: memref<2x5000x128xf32, #tpu.memory_space<vmem>>, %arg2: memref<128x128xf32, #tpu.memory_space<vmem>>, %arg3: memref<1x128xf32, #tpu.memory_space<vmem>>, %arg4: memref<1x128xf32, #tpu.memory_space<vmem>>, %arg5: memref<1x128xf32, #tpu.memory_space<vmem>>, %arg6: memref<5000x128xf32, #tpu.memory_space<vmem>>, %arg7: memref<10000x128xf32, #tpu.memory_space<vmem>>, %arg8: memref<8x128xf32, #tpu.memory_space<vmem>>) attributes {dimension_semantics = [#tpu.dimension_semantics<arbitrary>], iteration_bounds = array<i64: 4>, scalar_prefetch = 0 : i64, scratch_operands = 2 : i64, tpu.core_type = #tpu.core_type<tc>, window_params = [{transform_indices = @transform_0, window_bounds = array<i64: 2, 5000, 128>}, {pipeline_mode = #tpu.pipeline_mode<synchronous>, transform_indices = @transform_1, window_bounds = array<i64: 128, 128>}, {pipeline_mode = #tpu.pipeline_mode<synchronous>, transform_indices = @transform_2, window_bounds = array<i64: 1, 128>}, {pipeline_mode = #tpu.pipeline_mode<synchronous>, transform_indices = @transform_3, window_bounds = array<i64: 1, 128>}, {pipeline_mode = #tpu.pipeline_mode<synchronous>, transform_indices = @transform_4, window_bounds = array<i64: 1, 128>}, {transform_indices = @transform_5, window_bounds = array<i64: 5000, 128>}]} {
    %lt3A = arith.constant 2 : i32
    %lt3A_0 = arith.cmpi slt, %arg0, %lt3A : i32
    %convert_element_type3A = arith.extui %lt3A_0 : i1 to i32
    %cond3A = arith.constant 0 : i32
    %cond3A_1 = arith.cmpi ne, %convert_element_type3A, %cond3A : i32
    scf.if %cond3A_1 {
      %get3A = arith.constant 0 : index
      %get3A_6 = arith.constant 0 : index
      %get3A_7 = arith.constant 0 : index
      %get3A_8 = vector.load %arg1[%get3A, %get3A_6, %get3A_7] : memref<2x5000x128xf32, #tpu.memory_space<vmem>>, vector<1x5000x128xf32>
      %get3A_9 = vector.shape_cast %get3A_8 : vector<1x5000x128xf32> to vector<5000x128xf32>
      %get3A_10 = arith.constant 1 : index
      %get3A_11 = arith.constant 0 : index
      %get3A_12 = arith.constant 0 : index
      %get3A_13 = vector.load %arg1[%get3A_10, %get3A_11, %get3A_12] : memref<2x5000x128xf32, #tpu.memory_space<vmem>>, vector<1x5000x128xf32>
      %get3A_14 = vector.shape_cast %get3A_13 : vector<1x5000x128xf32> to vector<5000x128xf32>
      %add3A = arith.addf %get3A_9, %get3A_14 : vector<5000x128xf32>
      %get3A_15 = arith.constant 0 : index
      %get3A_16 = arith.constant 0 : index
      %get3A_17 = vector.load %arg2[%get3A_15, %get3A_16] : memref<128x128xf32, #tpu.memory_space<vmem>>, vector<128x128xf32>
      %dot_general3A = arith.constant dense<0.000000e+00> : vector<5000x128xf32>
      %dot_general3A_18 = tpu.matmul %add3A, %get3A_17, %dot_general3A {dimension_numbers = #tpu.dot_dimension_numbers<[1], [0], [0], [1], [0, 0, 1, 1], [], []>, transpose_lhs_hint = false} : vector<5000x128xf32>, vector<128x128xf32>, vector<5000x128xf32> -> vector<5000x128xf32>
      %get3A_19 = arith.constant 0 : index
      %get3A_20 = arith.constant 0 : index
      %get3A_21 = vector.load %arg3[%get3A_19, %get3A_20] : memref<1x128xf32, #tpu.memory_space<vmem>>, vector<1x128xf32>
      %add3A_22 = vector.broadcast %get3A_21 : vector<1x128xf32> to vector<5000x128xf32>
      %add3A_23 = arith.addf %dot_general3A_18, %add3A_22 : vector<5000x128xf32>
      %mul3A = arith.constant 5000 : i32
      %mul3A_24 = arith.muli %arg0, %mul3A : i32
      %swap3A = arith.index_cast %mul3A_24 : i32 to index
      %swap3A_25 = arith.constant 0 : index
      %swap3A_26 = vector.load %arg7[%swap3A, %swap3A_25] : memref<10000x128xf32, #tpu.memory_space<vmem>>, vector<5000x128xf32>
      tpu.vector_store %arg7[%swap3A, %swap3A_25], %add3A_23 {strides = array<i32>} : memref<10000x128xf32, #tpu.memory_space<vmem>>, vector<5000x128xf32>,
      %eq3A = arith.constant 0 : i32
      %eq3A_27 = arith.cmpi eq, %arg0, %eq3A : i32
      %convert_element_type3A_28 = arith.extui %eq3A_27 : i1 to i32
      %cond3A_29 = arith.constant 0 : i32
      %cond3A_30 = arith.cmpi ne, %convert_element_type3A_28, %cond3A_29 : i32
      scf.if %cond3A_30 {
        %broadcast_in_dim3A_50 = arith.constant 0.000000e+00 : f32
        %broadcast_in_dim3A_51 = vector.broadcast %broadcast_in_dim3A_50 : f32 to vector<8x128xf32>
        %swap3A_52 = arith.constant 0 : index
        %swap3A_53 = arith.constant 0 : index
        %swap3A_54 = vector.load %arg8[%swap3A_52, %swap3A_53] : memref<8x128xf32, #tpu.memory_space<vmem>>, vector<8x128xf32>
        tpu.vector_store %arg8[%swap3A_52, %swap3A_53], %broadcast_in_dim3A_51 {strides = array<i32>} : memref<8x128xf32, #tpu.memory_space<vmem>>, vector<8x128xf32>,
      } else {
      }
      %get3A_31 = arith.constant 0 : index
      %get3A_32 = arith.constant 0 : index
      %get3A_33 = vector.load %arg8[%get3A_31, %get3A_32] : memref<8x128xf32, #tpu.memory_space<vmem>>, vector<1x128xf32>
      %reduce_sum3A = arith.constant dense<0.000000e+00> : vector<128xf32>
      %reduce_sum3A_34 = vector.multi_reduction <add>, %add3A_23, %reduce_sum3A [0] : vector<5000x128xf32> to vector<128xf32>
      %broadcast_in_dim3A = vector.shape_cast %reduce_sum3A_34 : vector<128xf32> to vector<1x128xf32>
      %add3A_35 = arith.addf %get3A_33, %broadcast_in_dim3A : vector<1x128xf32>
      %swap3A_36 = arith.constant 0 : index
      %swap3A_37 = arith.constant 0 : index
      %swap3A_38 = vector.load %arg8[%swap3A_36, %swap3A_37] : memref<8x128xf32, #tpu.memory_space<vmem>>, vector<1x128xf32>
      tpu.vector_store %arg8[%swap3A_36, %swap3A_37], %add3A_35 {strides = array<i32>} : memref<8x128xf32, #tpu.memory_space<vmem>>, vector<1x128xf32>,
      %get3A_39 = arith.constant 1 : index
      %get3A_40 = arith.constant 0 : index
      %get3A_41 = vector.load %arg8[%get3A_39, %get3A_40] : memref<8x128xf32, #tpu.memory_space<vmem>>, vector<1x128xf32>
      %mul3A_42 = arith.mulf %add3A_23, %add3A_23 : vector<5000x128xf32>
      %reduce_sum3A_43 = arith.constant dense<0.000000e+00> : vector<128xf32>
      %reduce_sum3A_44 = vector.multi_reduction <add>, %mul3A_42, %reduce_sum3A_43 [0] : vector<5000x128xf32> to vector<128xf32>
      %broadcast_in_dim3A_45 = vector.shape_cast %reduce_sum3A_44 : vector<128xf32> to vector<1x128xf32>
      %add3A_46 = arith.addf %get3A_41, %broadcast_in_dim3A_45 : vector<1x128xf32>
      %swap3A_47 = arith.constant 1 : index
      %swap3A_48 = arith.constant 0 : index
      %swap3A_49 = vector.load %arg8[%swap3A_47, %swap3A_48] : memref<8x128xf32, #tpu.memory_space<vmem>>, vector<1x128xf32>
      tpu.vector_store %arg8[%swap3A_47, %swap3A_48], %add3A_46 {strides = array<i32>} : memref<8x128xf32, #tpu.memory_space<vmem>>, vector<1x128xf32>,
    } else {
    }
    %ge3A = arith.constant 2 : i32
    %ge3A_2 = arith.cmpi sge, %arg0, %ge3A : i32
    %convert_element_type3A_3 = arith.extui %ge3A_2 : i1 to i32
    %cond3A_4 = arith.constant 0 : i32
    %cond3A_5 = arith.cmpi ne, %convert_element_type3A_3, %cond3A_4 : i32
    scf.if %cond3A_5 {
      %sub3A = arith.constant 2 : i32
      %sub3A_6 = arith.subi %arg0, %sub3A : i32
      %get3A = arith.constant 0 : index
      %get3A_7 = arith.constant 0 : index
      %get3A_8 = vector.load %arg8[%get3A, %get3A_7] : memref<8x128xf32, #tpu.memory_space<vmem>>, vector<1x128xf32>
      %div3A = arith.constant 1.000000e+04 : f32
      %div3A_9 = vector.broadcast %div3A : f32 to vector<1x128xf32>
      %div3A_10 = arith.divf %get3A_8, %div3A_9 : vector<1x128xf32>
      %get3A_11 = arith.constant 1 : index
      %get3A_12 = arith.constant 0 : index
      %get3A_13 = vector.load %arg8[%get3A_11, %get3A_12] : memref<8x128xf32, #tpu.memory_space<vmem>>, vector<1x128xf32>
      %div3A_14 = arith.constant 1.000000e+04 : f32
      %div3A_15 = vector.broadcast %div3A_14 : f32 to vector<1x128xf32>
      %div3A_16 = arith.divf %get3A_13, %div3A_15 : vector<1x128xf32>
      %mul3A = arith.mulf %div3A_10, %div3A_10 : vector<1x128xf32>
      %sub3A_17 = arith.subf %div3A_16, %mul3A : vector<1x128xf32>
      %add3A = arith.constant 9.99999974E-6 : f32
      %add3A_18 = vector.broadcast %add3A : f32 to vector<1x128xf32>
      %add3A_19 = arith.addf %sub3A_17, %add3A_18 : vector<1x128xf32>
      %rsqrt3A = math.rsqrt %add3A_19 : vector<1x128xf32>
      %get3A_20 = arith.constant 0 : index
      %get3A_21 = arith.constant 0 : index
      %get3A_22 = vector.load %arg4[%get3A_20, %get3A_21] : memref<1x128xf32, #tpu.memory_space<vmem>>, vector<1x128xf32>
      %mul3A_23 = arith.mulf %rsqrt3A, %get3A_22 : vector<1x128xf32>
      %get3A_24 = arith.constant 0 : index
      %get3A_25 = arith.constant 0 : index
      %get3A_26 = vector.load %arg5[%get3A_24, %get3A_25] : memref<1x128xf32, #tpu.memory_space<vmem>>, vector<1x128xf32>
      %mul3A_27 = arith.mulf %div3A_10, %mul3A_23 : vector<1x128xf32>
      %sub3A_28 = arith.subf %get3A_26, %mul3A_27 : vector<1x128xf32>
      %mul3A_29 = arith.constant 5000 : i32
      %mul3A_30 = arith.muli %sub3A_6, %mul3A_29 : i32
      %get3A_31 = arith.index_cast %mul3A_30 : i32 to index
      %get3A_32 = arith.constant 0 : index
      %get3A_33 = vector.load %arg7[%get3A_31, %get3A_32] : memref<10000x128xf32, #tpu.memory_space<vmem>>, vector<5000x128xf32>
      %mul3A_34 = vector.broadcast %mul3A_23 : vector<1x128xf32> to vector<5000x128xf32>
      %mul3A_35 = arith.mulf %get3A_33, %mul3A_34 : vector<5000x128xf32>
      %add3A_36 = vector.broadcast %sub3A_28 : vector<1x128xf32> to vector<5000x128xf32>
      %add3A_37 = arith.addf %mul3A_35, %add3A_36 : vector<5000x128xf32>
      %swap3A = arith.constant 0 : index
      %swap3A_38 = arith.constant 0 : index
      %swap3A_39 = vector.load %arg6[%swap3A, %swap3A_38] : memref<5000x128xf32, #tpu.memory_space<vmem>>, vector<5000x128xf32>
      tpu.vector_store %arg6[%swap3A, %swap3A_38], %add3A_37 {strides = array<i32>} : memref<5000x128xf32, #tpu.memory_space<vmem>>, vector<5000x128xf32>,
    } else {
    }
    return
  }
  func.func @transform_0(%arg0: i32) -> (i32, i32, i32) {
    %min3A = arith.constant 1 : i32
    %min3A_0 = arith.minsi %arg0, %min3A : i32
    %c0_i32 = arith.constant 0 : i32
    %c0_i32_1 = arith.constant 0 : i32
    %c0_i32_2 = arith.constant 0 : i32
    return %c0_i32, %min3A_0, %c0_i32_1 : i32, i32, i32
  }
  func.func @transform_1(%arg0: i32) -> (i32, i32) {
    %c0_i32 = arith.constant 0 : i32
    %c0_i32_0 = arith.constant 0 : i32
    %c0_i32_1 = arith.constant 0 : i32
    return %c0_i32, %c0_i32_0 : i32, i32
  }
  func.func @transform_2(%arg0: i32) -> (i32, i32) {
    %c0_i32 = arith.constant 0 : i32
    %c0_i32_0 = arith.constant 0 : i32
    %c0_i32_1 = arith.constant 0 : i32
    return %c0_i32, %c0_i32_0 : i32, i32
  }
  func.func @transform_3(%arg0: i32) -> (i32, i32) {
    %c0_i32 = arith.constant 0 : i32
    %c0_i32_0 = arith.constant 0 : i32
    %c0_i32_1 = arith.constant 0 : i32
    return %c0_i32, %c0_i32_0 : i32, i32
  }
  func.func @transform_4(%arg0: i32) -> (i32, i32) {
    %c0_i32 = arith.constant 0 : i32
    %c0_i32_0 = arith.constant 0 : i32
    %c0_i32_1 = arith.constant 0 : i32
    return %c0_i32, %c0_i32_0 : i32, i32
  }
  func.func @transform_5(%arg0: i32) -> (i32, i32) {
    %sub3A = arith.constant 2 : i32
    %sub3A_0 = arith.subi %arg0, %sub3A : i32
    %max3A = arith.constant 0 : i32
    %max3A_1 = arith.maxsi %sub3A_0, %max3A : i32
    %c0_i32 = arith.constant 0 : i32
    %c0_i32_2 = arith.constant 0 : i32
    return %max3A_1, %c0_i32 : i32, i32
  }
}

</mosaic_0001>

<sc_bundles>
// kernel: kernel.4.cloned.1.call-start
scs
__scs_entry_jumppad:
0x0: {  	(pc) =	sbr.rel $0x88, $3  }
0x1: {  	(tag) =	ssettag $0x0;
	lr =	simm.s32 $0x1  }
0x2: {  	[smem:$0x3F9A] =	sst lr;
	_ =	strace $0xD0000000  }
0x3: {  	_ = 	snop  }
0x4: {  	_ = 	snop  }
0x5: {  	_ = 	snop  }
0x6: {  	_ = 	snop  }
0x7: {  	_ = 	snop  }
__scs_overlays_trampoline_lowered:
0x8: {  	[smem:$0x3FA9] =	sst s0  }
0x9: {  	[smem:$0x3FAA] =	sst s1  }
0xa: {  	[smem:$0x3FAB] =	sst s2  }
0xb: {  	[smem:$0x3FAC] =	sst s3  }
0xc: {  	[smem:$0x3FAD] =	sst s4  }
0xd: {  	[smem:$0x3FAE] =	sst s5  }
0xe: {  	[smem:$0x3FAF] =	sst s6  }
0xf: {  	[smem:$0x3FB0] =	sst s7  }
0x10: {  	[smem:$0x3FB1] =	sst s8  }
0x11: {  	[smem:$0x3FB2] =	sst s9;
	s0 =	simm.s32 @!p0 $0x0  }
0x12: {  	s1 =	sld [smem:$0x3F98];
	s0 =	simm.s32 @p0 $0x1  }
0x13: {  	[smem:$0x3FB3] =	sst s0;
	s0 =	simm.s32 @!p1 $0x0  }
0x14: {  	s2 =	sld [smem:$0x3F97];
	s0 =	simm.s32 @p1 $0x1  }
0x15: {  	[smem:$0x3FB4] =	sst s0;
	s0 =	simm.s32 @!p2 $0x0  }
0x16: {  	s3 =	sld [smem:$0x3FDB];
	s0 =	simm.s32 @p2 $0x1  }
0x17: {  	s4 =	simm.s32 $0x1BF5;
	[smem:$0x3FB6] =	sst s0  }
0x18: {  	s0 =	sld [smem:$0x3F99];
	_ =	swait.ge [sflag:s4], $0x0  }
0x19: {  	s7 =	sld [smem:$0x3F9A]  }
0x1a: {  	s8 =	sadd.s32 $0xFFFFE003, lr  }
0x1b: {  	s9 =	sadd.s32 $0xFFFFFEF7, lr;
	s5 =	simm.s32 $0xFFFFFFFF;
	p2 =	slt.u32 s8, $0xFFFFF086  }
0x1c: {  	p1 =	slt.u32 s9, $0xF7A;
	s5 =	simm.s32 @!p2 $0x0  }
0x1d: {  	s5 =	simm.s32 @p1 $0x1;
	p0 =	seq.s32 s7, s2  }
0x1e: {  	s7 =	smul.u32 @!p0 $0xF7A, s2;
	p2 =	seq.s32 @!p0 s5, $0x0  }
0x1f: {  	s9 =	smul.u32 $0xF7A, s1;
	s8 =	simm.s32 @!p0 $0x1BF5;
	p2 =	por !p2, p0  }
0x20: {  	[sflag:s8] =	ssyncset.s32 @!p0 $0xFFFFF086;
	s6 =	sadd.s32 @!p0 s3, s7;
	s7 =	simm.s32 @!p0 $0x108  }
0x21: {  	s3 =	sadd.s32 s3, s9;
	s6 =	sadd.s32 @!p0 $0x88, s6;
	s7 =	simm.s32 @p2 $0x1082  }
0x22: {  	[simem:s7], [sflag:s8] =	dma.local @!p0 [hbm:s6], $0xF7A  }
0x23: {  	s9 =	sor.u32 $0xD0000000, s2;
	s6 =	simm.s32 $0x108;
	_ =	swait.ge @!p0 [sflag:s8], $0x0  }
0x24: {  	s3 =	sadd.s32 $0x88, s3;
	s6 =	simm.s32 @!p1 $0x1082;
	[sflag:s4] =	ssyncset.s32 $0xFFFFF086  }
0x25: {  	[simem:s6], [sflag:s4] =	dma.local [hbm:s3], $0xF7A  }
0x26: {  	[smem:$0x3F9A] =	sst s1;
	(tag) =	ssettag s2;
	_ =	strace s9  }
0x27: {  	s1 =	sld [smem:$0x3FAA]  }
0x28: {  	s2 =	sld [smem:$0x3FAB]  }
0x29: {  	s4 =	sld [smem:$0x3FAD]  }
0x2a: {  	p0 =	seq.s32 s5, $0x0;
	s5 =	sld [smem:$0x3FAE]  }
0x2b: {  	s6 =	sld [smem:$0x3FAF]  }
0x2c: {  	s7 =	sld [smem:$0x3FB0]  }
0x2d: {  	s3 =	simm.s32 $0x108;
	s8 =	sld [smem:$0x3FB1]  }
0x2e: {  	s3 =	simm.s32 @!p0 $0x1082;
	s9 =	sld [smem:$0x3FB2]  }
0x2f: {  	lr =	sadd.s32 s0, s3;
	s0 =	sld [smem:$0x3FA9]  }
0x30: {  	s3 =	sld [smem:$0x3FAC]  }
0x31: {  	[smem:$0x3FB5] =	sst s10  }
0x32: {  	s10 =	sld [smem:$0x3FB3];
	_ =	sdelay $0x3  }
0x33: {  	p0 =	seq.s32 s10, $0x1;
	s10 =	sld [smem:$0x3FB5];
	_ =	sdelay $0x3  }
0x34: {  	[smem:$0x3FB5] =	sst s10  }
0x35: {  	s10 =	sld [smem:$0x3FB4];
	_ =	sdelay $0x3  }
0x36: {  	p1 =	seq.s32 s10, $0x1;
	s10 =	sld [smem:$0x3FB5];
	_ =	sdelay $0x3  }
0x37: {  	[smem:$0x3FB5] =	sst s10  }
0x38: {  	s10 =	sld [smem:$0x3FB6]  }
0x39: {  	_ = 	snop;
	(pc) =	sbr.ind lr, $3  }
0x3a: {  	_ = 	snop  }
0x3b: {  	_ = 	snop  }
0x3c: {  	p2 =	seq.s32 s10, $0x1;
	s10 =	sld [smem:$0x3FB5]  }
0x3d: {  	_ =	shalt  }
0x3e: {  	_ =	shalt  }
0x3f: {  	_ =	shalt  }
0x40: {  	_ =	shalt  }
0x41: {  	_ =	shalt  }
0x42: {  	_ =	shalt  }
0x43: {  	_ =	shalt  }
0x44: {  	_ =	shalt  }
0x45: {  	_ =	shalt  }
0x46: {  	_ =	shalt  }
0x47: {  	_ =	shalt  }
0x48: {  	_ =	shalt  }
0x49: {  	_ =	shalt  }
0x4a: {  	_ =	shalt  }
0x4b: {  	_ =	shalt  }
0x4c: {  	_ =	shalt  }
0x4d: {  	_ =	shalt  }
0x4e: {  	_ =	shalt  }
0x4f: {  	_ =	shalt  }
0x50: {  	_ =	shalt  }
0x51: {  	_ =	shalt  }
0x52: {  	_ =	shalt  }
0x53: {  	_ =	shalt  }
0x54: {  	_ =	shalt  }
0x55: {  	_ =	shalt  }
0x56: {  	_ =	shalt  }
0x57: {  	_ =	shalt  }
0x58: {  	_ =	shalt  }
0x59: {  	_ =	shalt  }
0x5a: {  	_ =	shalt  }
0x5b: {  	_ =	shalt  }
0x5c: {  	_ =	shalt  }
0x5d: {  	_ =	shalt  }
0x5e: {  	_ =	shalt  }
0x5f: {  	_ =	shalt  }
0x60: {  	_ =	shalt  }
0x61: {  	_ =	shalt  }
0x62: {  	_ =	shalt  }
0x63: {  	_ =	shalt  }
0x64: {  	_ =	shalt  }
0x65: {  	_ =	shalt  }
0x66: {  	_ =	shalt  }
0x67: {  	_ =	shalt  }
0x68: {  	_ =	shalt  }
0x69: {  	_ =	shalt  }
0x6a: {  	_ =	shalt  }
0x6b: {  	_ =	shalt  }
0x6c: {  	_ =	shalt  }
0x6d: {  	_ =	shalt  }
0x6e: {  	_ =	shalt  }
0x6f: {  	_ =	shalt  }
0x70: {  	_ =	shalt  }
0x71: {  	_ =	shalt  }
0x72: {  	_ =	shalt  }
0x73: {  	_ =	shalt  }
0x74: {  	_ =	shalt  }
0x75: {  	_ =	shalt  }
0x76: {  	_ =	shalt  }
0x77: {  	_ =	shalt  }
0x78: {  	_ =	shalt  }
0x79: {  	_ =	shalt  }
0x7a: {  	_ =	shalt  }
0x7b: {  	_ =	shalt  }
0x7c: {  	_ =	shalt  }
0x7d: {  	_ =	shalt  }
0x7e: {  	_ =	shalt  }
0x7f: {  	_ =	shalt  }
0x80: {  	_ =	shalt  }
0x81: {  	_ =	shalt  }
0x82: {  	_ =	shalt  }
0x83: {  	_ =	shalt  }
0x84: {  	_ =	shalt  }
0x85: {  	_ =	shalt  }
0x86: {  	_ =	shalt  }
0x87: {  	_ =	shalt  }
.Lfunc_end0:
.L_simem_size_0:
called_computation_lowered:
.L_overlay_start_0:
0x88: {  	s2 =	sld [smem:$0x3FD9]  }
0x89: {  	s3 =	sld [smem:$0x3FFE];
	_ =	sdelay $0x1  }
0x8a: {  	s1 =	srdreg.scid  }
0x8b: {  	s0 =	sand.u32 $0x1, s1  }
0x8c: {  	s17 =	sshll.u32 s0, $0xA;
	s2 =	sadd.s32 s3, s2  }
0x8d: {  	s2 =	sadd.s32 s2, s17  }
0x8e: {  	[smem:$0x3FC1] =	sst s2  }
0x8f: {  	_ = 	snop  }
0x90: {  	s2 =	sld [smem:$0x3FC9]  }
0x91: {  	s18 =	sld [smem:$0x3FD0];
	(tm) =	ssettm $0x1  }
0x92: {  	s4 =	sld [smem:$0x3FFB];
	_ =	sdelay $0x3  }
0x93: {  	_ =	strace s4  }
0x94: {  	s4 =	sld [smem:$0x3FFC];
	_ =	sdelay $0x3  }
0x95: {  	_ =	strace s4  }
0x96: {  	s4 =	sld [smem:$0x3FFD];
	_ =	sdelay $0x3  }
0x97: {  	_ =	strace s4  }
0x98: {  	_ =	strace $0x8FFFFFFF  }
0x99: {  	s19 =	sld [smem:$0x3FDB];
	_ =	sdelay $0x1  }
0x9a: {  	s5 =	simm.s32 $_scs_section_size  }
0x9b: {  	s6 =	simm.s32 $_size__tile_overlayer_lowered;
	s7 =	simm.s32 $_tile_overlayer_lowered  }
0x9c: {  	s22 =	simm.s32 $0x1BFF;
	s21 =	sshll.u32 s7, $0x1;
	s4 =	sadd.s32 s5, s19  }
0x9d: {  	s8 =	simm.s32 $0x0;
	s20 =	sshll.u32 s6, $0x1;
	s6 =	sadd.s32 s21, s4  }
0x9e: {  	[timem:s8], [sflag:s22] =	dma.local [hbm:s6], s20  }
0x9f: {  	_ =	swait.ge [sflag:s22], s20  }
0xa0: {  	s5 =	ssub.s32 $0x0, s20;
	[sflag:s22] =	ssyncset.done $0x0  }
0xa1: {  	[sflag:s22] =	ssyncadd.s32 s5;
	_ =	sdelay $0x1  }
0xa2: {  	s23 =	simm.s32 $0x1B8B  }
0xa3: {  	_ =	swait.ge [sflag:s23], $0x1  }
0xa4: {  	[sflag:s23] =	ssyncset.done $0x0  }
0xa5: {  	s25 =	simm.s32 $0x1B8E;
	s24 =	sld [smem:$0x3FFE];
	[sflag:s23] =	ssyncadd.s32 $0xFFFFFFFF  }
0xa6: {  	s26 =	simm.s32 $execute0_lowered;
	[smem:$0x3FD2] =	sst s25  }
0xa7: {  	s6 =	sshll.u32 s26, $0x1;
	_ =	strace $0x80000046;
	[dreg:$0x1] =	wrdreg $0xFFFFFFFF  }
0xa8: {  	s28 =	simm.s32 $_size_execute0_lowered;
	s4 =	sadd.s32 s4, s6;
	[dreg:$0x0] =	wrdreg $0x0  }
0xa9: {  	s6 =	sshll.u32 s28, $0x1;
	[dreg:$0x2] =	wrdreg s4  }
0xaa: {  	[dreg:$0x3] =	wrdreg s6  }
0xab: {  	[dreg:$0x4] =	wrdreg $0xC0  }
0xac: {  	_ =	task [dreg:s8], $0x5FFFF  }
0xad: {  	[dreg:$0x1] =	wrdreg $0xFFFFFFFF  }
0xae: {  	[dreg:$0x0] =	wrdreg $0x60  }
0xaf: {  	[dreg:$0x2] =	wrdreg s2  }
0xb0: {  	[dreg:$0x3] =	wrdreg s18  }
0xb1: {  	[dreg:$0x4] =	wrdreg s24  }
0xb2: {  	[dreg:$0x5] =	wrdreg $0x98000  }
0xb3: {  	[dreg:$0x6] =	wrdreg $0x9  }
0xb4: {  	_ =	task.clear_ibuf [dreg:s8], $0x7FFFF;
	_ =	strace $0x90000046  }
0xb5: {  	s29 =	simm.s32 $0x9;
	_ =	strace $0x80000048  }
0xb6: {  	_ =	swait.ge [sflag:s29], $0x1  }
0xb7: {  	[sflag:s29] =	ssyncadd.s32 $0xFFFFFFFF  }
0xb8: {  	_ =	strace $0x90000048  }
0xb9: {  	_ =	sfence  }
0xba: {  	s30 =	sld [smem:$0x0];
	_ =	sdelay $0x2  }
0xbb: {  	s31 =	sshll.u32 s1, $0xD;
	s1 =	sshrl.u32 s1, $0x2  }
0xbc: {  	s3 =	sand.u32 $0x4000, s31;
	s1 =	sadd.s32 s1, s30  }
0xbd: {  	s0 =	sor.u32 s3, s0;
	s1 =	sshll.u32 s1, $0x11  }
0xbe: {  	s0 =	sor.u32 s1, s0  }
0xbf: {  	s0 =	sadd.s32 $0x8F2B, s0  }
0xc0: {  	[sflag:s0] =	ssyncadd.remote.s32 $0x1  }
0xc1: {  	_ =	sfence.sel $0xFFFF  }
0xc2: {  	[dreg:$0x0] =	wrdreg $0xFFFFFFFF;
	(pc) =	sbr.abs _section_cstart, $3  }
0xc3: {  	[dreg:$0x1] =	wrdreg $0xFFFFFFFF  }
0xc4: {  	_ =	task.clear_ibuf [dreg:s8], $0x2FFFF;
	_ =	strace $0x9FFFFFFF  }
0xc5: {  	(tm) =	ssettm $0x7FFFFFFF  }
tec
execute0_lowered:
.L_overlay_start_1:
0x0: {  	(tag) =	ssettag $0x1  }
0x1: {  	s0 =	rddreg [dreg:$0x0]  }
0x2: {  	s1 =	rddreg [dreg:$0x1]  }
0x3: {  	s2 =	rddreg [dreg:$0x2]  }
0x4: {  	s3 =	srdreg.scid;
	s4 =	rddreg [dreg:$0x3]  }
0x5: {  	s10 =	stileid.u32;
	s5 =	simm.s32 $0x0;
	s19 =	simm.s32 $0x1800  }
0x6: {  	s20 =	simm.s32 $0x6;
	s28 =	simm.s32 $0x3;
	s29 =	simm.s32 $0x2  }
0x7: {  	s30 =	simm.s32 $0x4;
	s3 =	sand.u32 $0x1, s3;
	s8 =	smul.u32 $0x13C00, s10  }
0x8: {  	[smem:$0x7FF] =	sst s5;
	s6 =	sadd.s32 $0xAA00, s2;
	s9 =	smul.u32 $0x4F000, s10  }
0x9: {  	s10 =	sshll.u32 s10, $0x1;
	s7 =	smul.u32 $0x13C000, s3;
	s21 =	ssub.s32 $0x2, s3  }
0xa: {  	_ =	strace $0x80000047;
	s3 =	sor.u32 s3, s10;
	s11 =	sshrl.u32 s21, $0x1  }
0xb: {  	s9 =	sshrl.u32 s9, $0x2;
	s23 =	smul.u32 $0x500, s3;
	s8 =	sadd.s32 s8, s7  }
0xc: {  	s16 =	smul.u32 $0xA, s3;
	s7 =	sadd.s32 $0xA00, s2;
	s8 =	sshrl.u32 s8, $0x3  }
0xd: {  	s22 =	ssub.s32 s21, s11;
	s2 =	sadd.s32 s8, s2;
	s8 =	sadd.s32 s9, s4  }
0xe: {  	s13 =	sadd.s32 s1, s23;
	s14 =	sadd.s32 s6, s23;
	s24 =	sadd.s32 $0x4000, s8  }
.Ltmp0:
0xf: {  	s25 =	sadd.s32 $0x8000, s8;
	[dreg:$0x5] =	wrdreg s24;
	(pc) =	sbr.rel .LBB2_1-.Ltmp0, $4  }
0x10: {  	s15 =	sadd.s32 s7, s23;
	s26 =	sadd.s32 $0xC000, s8;
	[dreg:$0x6] =	wrdreg s25  }
0x11: {  	s18 =	smax.u32 s22, $0x1;
	s31 =	sadd.s32 $0x10000, s8;
	[dreg:$0x7] =	wrdreg s26  }
0x12: {  	s23 =	simm.s32 $0x5;
	s17 =	sadd.s32 $0x14A00, s2;
	[dreg:$0x8] =	wrdreg s31  }
0x13: {  	v0 =	vimm.f32 $0.0e+00;
	s24 =	simm.s32 $0x80;
	s25 =	simm.s32 $0x5800;
	s26 =	simm.s32 $0x1  }
.LBB2_13:
0x14: {  	_ =	swait.ge [sflag:s28], $0x4000  }
0x15: {  	[sflag:s28] =	ssyncset.done $0x0  }
0x16: {  	[sflag:s28] =	ssyncadd.s32 $0xFFFFC000  }
0x17: {  	s2 =	stileid.u32;
	_ =	swait.ge [sflag:s30], $0x4000  }
0x18: {  	s3 =	sshrl.u32 s8, $0x3;
	s5 =	sadd.s32 $0x1, s5;
	[sflag:s30] =	ssyncset.done $0x0  }
0x19: {  	s2 =	sshll.u32 s2, $0x6;
	p0 =	sne.s32 s5, s18;
	[sflag:s30] =	ssyncadd.s32 $0xFFFFC000  }
.Ltmp1:
0x1a: {  	s2 =	sor.u32 $0x1C06, s2;
	[bflag:$0x0] =	sbarrier.arrive $0xFFFF;
	(pc) =	sbr.rel @!p0 .LBB2_14-.Ltmp1, $4  }
0x1b: {  	[hbm:s17], [sflag:s2] =	dma.local [spmem:s3], $0x2780  }
0x1c: {  	_ =	swait.ge [sflag:s20], $0x2780  }
0x1d: {  	[sflag:s20] =	ssyncset.done $0x0  }
0x1e: {  	[sflag:s20] =	ssyncadd.s32 $0xFFFFD880  }
.LBB2_1:
0x1f: {  	s2 =	simm.s32 $0x0;
	s3 =	simm.s32 $0x200  }
.LBB2_2:
0x20: {  	p0 =	sne.s32 s3, $0xFE00;
	[tilespmem:s2+$0x1870] =	vst v0  }
0x21: {  	[tilespmem:s2+$0x1800] =	vst v0  }
0x22: {  	[tilespmem:s2+$0x1810] =	vst v0  }
.Ltmp2:
0x23: {  	[tilespmem:s2+$0x1820] =	vst v0;
	(pc) =	sbr.rel @p0 .LBB2_2-.Ltmp2, $4  }
0x24: {  	[tilespmem:s2+$0x1830] =	vst v0  }
0x25: {  	[tilespmem:s2+$0x1840] =	vst v0  }
0x26: {  	[tilespmem:s2+$0x1850] =	vst v0  }
0x27: {  	[tilespmem:s2+$0x1860] =	vst v0;
	s2 =	sshra.s32 s3, $0x2;
	s3 =	sadd.s32 $0x200, s3  }
0x28: {  	[tilespmem:s2+$0x1870] =	vst v0  }
0x29: {  	[tilespmem:s2+$0x1800] =	vst v0  }
0x2a: {  	[tilespmem:s2+$0x1810] =	vst v0  }
0x2b: {  	[tilespmem:s2+$0x1820] =	vst v0  }
0x2c: {  	[tilespmem:s2+$0x1830] =	vst v0  }
0x2d: {  	[tilespmem:s2+$0x1840] =	vst v0  }
0x2e: {  	[tilespmem:s2+$0x1850] =	vst v0  }
0x2f: {  	[tilespmem:s2+$0x1860] =	vst v0  }
0x30: {  	[spmem:s8] =	stream.linear.scatter [tilespmem:s19], [sflag:$0x6], $0x4000, $0x38;
	[tilespmem:$0x1D400] =	vst v63  }
0x31: {  	_ =	swait.ge [sflag:s20], $0x4000  }
0x32: {  	[sflag:s20] =	ssyncset.done $0x0  }
0x33: {  	s9 =	rddreg [dreg:$0x5];
	[sflag:s20] =	ssyncadd.s32 $0xFFFFC000  }
0x34: {  	[spmem:s9] =	stream.linear.scatter [tilespmem:s19], [sflag:$0x6], $0x4000, $0x38;
	[tilespmem:$0x1D400] =	vst v63  }
0x35: {  	_ =	swait.ge [sflag:s20], $0x4000  }
0x36: {  	[sflag:s20] =	ssyncset.done $0x0  }
0x37: {  	s10 =	rddreg [dreg:$0x6];
	[sflag:s20] =	ssyncadd.s32 $0xFFFFC000  }
0x38: {  	[spmem:s10] =	stream.linear.scatter [tilespmem:s19], [sflag:$0x6], $0x4000, $0x38;
	[tilespmem:$0x1D400] =	vst v63  }
0x39: {  	_ =	swait.ge [sflag:s20], $0x4000  }
0x3a: {  	[sflag:s20] =	ssyncset.done $0x0  }
0x3b: {  	s11 =	rddreg [dreg:$0x7];
	[sflag:s20] =	ssyncadd.s32 $0xFFFFC000  }
0x3c: {  	[spmem:s11] =	stream.linear.scatter [tilespmem:s19], [sflag:$0x6], $0x4000, $0x38;
	[tilespmem:$0x1D400] =	vst v63  }
0x3d: {  	_ =	swait.ge [sflag:s20], $0x4000  }
0x3e: {  	[sflag:s20] =	ssyncset.done $0x0  }
0x3f: {  	s12 =	rddreg [dreg:$0x8];
	[sflag:s20] =	ssyncadd.s32 $0xFFFFC000  }
0x40: {  	[spmem:s12] =	stream.linear.scatter [tilespmem:s19], [sflag:$0x6], $0x3C00, $0x38;
	[tilespmem:$0x1D400] =	vst v63  }
0x41: {  	_ =	swait.ge [sflag:s20], $0x3C00  }
0x42: {  	[sflag:s20] =	ssyncset.done $0x0  }
0x43: {  	[sflag:s20] =	ssyncadd.s32 $0xFFFFC400  }
0x44: {  	s31 =	simm.s32 $0x0;
	[bflag:$0x0] =	sbarrier.arrive $0xFFFF  }
0x45: {  	[tilespmem:s31], [sflag:$0x5] =	stream.linear.gather [hbm4b:s13+s31], $0x400, $0x38;
	[tilespmem:$0x1D400] =	vst v63  }
0x46: {  	s21 =	simm.s32 $0x800  }
0x47: {  	[tilespmem:s21], [sflag:$0x5] =	stream.linear.gather [hbm4b:s14+s31], $0x400, $0x38;
	[tilespmem:$0x1D400] =	vst v63  }
0x48: {  	s22 =	simm.s32 $0x1000  }
0x49: {  	[tilespmem:s22], [sflag:$0x5] =	stream.linear.gather [hbm4b:s15+s31], $0x400, $0x38;
	[tilespmem:$0x1D400] =	vst v63  }
0x4a: {  	_ =	swait.ge [sflag:s23], $0x400  }
0x4b: {  	[sflag:s23] =	ssyncset.done $0x0  }
0x4c: {  	[sflag:s23] =	ssyncadd.s32 $0xFFFFFC00  }
0x4d: {  	_ =	swait.ge [sflag:s23], $0x400  }
0x4e: {  	[sflag:s23] =	ssyncset.done $0x0  }
0x4f: {  	[sflag:s23] =	ssyncadd.s32 $0xFFFFFC00  }
0x50: {  	_ =	swait.ge [sflag:s23], $0x400  }
0x51: {  	[sflag:s23] =	ssyncset.done $0x0  }
0x52: {  	[sflag:s23] =	ssyncadd.s32 $0xFFFFFC00  }
0x53: {  	[tilespmem:s19], [sflag:$0x1] =	stream.indirect.gather [hbm4b:s0+s24], $0x80, s31, s24, $0xb8;
	[tilespmem:$0x1D400] =	vst v63  }
.LBB2_4:
0x54: {  	s2 =	sshll.u32 s31, $0x1  }
0x55: {  	p0 =	sgt.u32 s31, $0x23;
	s9 =	sand.u32 $0x6, s2  }
0x56: {  	p1 =	sne.s32 @!p0 s9, $0x0  }
0x57: {  	s10 =	sshrl.u32 s31, $0x2;
	p1 =	por p1, p0  }
0x58: {  	s3 =	sadd.s32 @!p1 $0x1, s10  }
0x59: {  	s11 =	sadd.s32 @!p1 s16, s3  }
0x5a: {  	s11 =	sshll.u32 @!p1 s11, $0x7  }
0x5b: {  	s3 =	sshll.u32 @!p1 s3, $0xA;
	s11 =	sand.u32 @!p1 $0x1FFFFF80, s11  }
0x5c: {  	s21 =	simm.s32 @!p1 $0x0;
	s3 =	sand.u32 @!p1 $0x400, s3;
	s12 =	sadd.s32 @!p1 s1, s11  }
0x5d: {  	[tilespmem:s3], [sflag:$0x5] =	stream.linear.gather @!p1 [hbm4b:s12+s21], $0x400, $0x38;
	[tilespmem:$0x1D400] =	vst v63  }
0x5e: {  	s22 =	sadd.s32 @!p1 s6, s11;
	s12 =	sor.u32 @!p1 $0x800, s3  }
0x5f: {  	[tilespmem:s12], [sflag:$0x5] =	stream.linear.gather @!p1 [hbm4b:s22+s21], $0x400, $0x38;
	[tilespmem:$0x1D400] =	vst v63  }
0x60: {  	s11 =	sadd.s32 @!p1 s7, s11;
	s3 =	sor.u32 @!p1 $0x1000, s3  }
0x61: {  	[tilespmem:s3], [sflag:$0x5] =	stream.linear.gather @!p1 [hbm4b:s11+s21], $0x400, $0x38;
	[tilespmem:$0x1D400] =	vst v63  }
0x62: {  	p1 =	seq.s32 s31, $0x0;
	s3 =	sor.u32 $0x1, s2  }
0x63: {  	s12 =	sshll.u32 s31, $0x8;
	s2 =	simm.s32 @!p1 $0x4;
	s21 =	sshll.u32 s3, $0x7  }
0x64: {  	s11 =	sand.u32 $0x400, s12;
	_ =	swait.ge @!p1 [sflag:s2], $0x4000;
	s12 =	sand.u32 $0x380, s21  }
0x65: {  	[sflag:s2] =	ssyncset.done @!p1 $0x0;
	s22 =	sor.u32 s12, s11;
	s11 =	sshll.u32 s10, $0xC  }
0x66: {  	[sflag:s2] =	ssyncadd.s32 @!p1 $0xFFFFC000;
	s2 =	sand.u32 $0x1000, s11  }
0x67: {  	[tilespmem:s25], [sflag:$0x2] =	stream.indirect.gather [hbm4b:s0+s24], $0x80, s22, s24, $0xb8;
	[tilespmem:$0x1D400] =	vst v63  }
0x68: {  	s9 =	sshll.u32 s9, $0x9;
	s21 =	sshrl.u32 s2, $0x2  }
0x69: {  	s9 =	sshrl.u32 s9, $0x2;
	s2 =	sor.u32 $0x1000, s21  }
0x6a: {  	s12 =	sor.u32 s9, s2  }
0x6b: {  	_ =	swait.ge [sflag:s26], $0x4000;
	v1 =	vmov s12  }
0x6c: {  	[sflag:s26] =	ssyncset.done $0x0  }
0x6d: {  	s10 =	simm.s32 $0x0;
	s22 =	sshll.u32 s31, $0xA;
	[sflag:s26] =	ssyncadd.s32 $0xFFFFC000  }
.LBB2_5:
0x6e: {  	s12 =	sshll.u32 s10, $0x4  }
0x6f: {  	s11 =	sand.u32 $0x3FFFFFF0, s12  }
0x70: {  	v3 =	vld.idx.msk [tilespmem:v1+s11+$0x0 ss:$0x1], $0xffff;
	s11 =	sshll.u32 s10, $0xB  }
0x71: {  	s11 =	sand.u32 $0x3FFFF800, s11  }
0x72: {  	v2 =	vld [tilespmem:s11+$0x1800]  }
0x73: {  	v4 =	vld [tilespmem:s11+$0x1810]  }
0x74: {  	v5 =	vld [tilespmem:s11+$0x1820]  }
0x75: {  	v7 =	vld [tilespmem:s11+$0x1830];
	v6 =	vbroadcast v3, $0x0  }
0x76: {  	v8 =	vld [tilespmem:s11+$0x1840]  }
0x77: {  	v9 =	vld [tilespmem:s11+$0x1850];
	v2 =	vmul.f32 v6, v2  }
0x78: {  	v10 =	vld [tilespmem:s11+$0x1860];
	v4 =	vmul.f32 v4, v6  }
0x79: {  	[tilespmem:s11+$0x1800] =	vst v2;
	v2 =	vmul.f32 v5, v6  }
0x7a: {  	v20 =	vmul.f32 v7, v6;
	[tilespmem:s11+$0x1810] =	vst v4  }
0x7b: {  	[tilespmem:s11+$0x1820] =	vst v2;
	v2 =	vmul.f32 v8, v6  }
0x7c: {  	v21 =	vmul.f32 v9, v6;
	[tilespmem:s11+$0x1830] =	vst v20  }
0x7d: {  	[tilespmem:s11+$0x1840] =	vst v2;
	v2 =	vmul.f32 v10, v6  }
0x7e: {  	[tilespmem:s11+$0x1850] =	vst v21  }
0x7f: {  	[tilespmem:s11+$0x1860] =	vst v2  }
0x80: {  	v2 =	vld [tilespmem:s11+$0x1870]  }
0x81: {  	v22 =	vld [tilespmem:s11+$0x1880]  }
0x82: {  	v23 =	vld [tilespmem:s11+$0x1890]  }
0x83: {  	v24 =	vld [tilespmem:s11+$0x18A0]  }
0x84: {  	v25 =	vld [tilespmem:s11+$0x18B0]  }
0x85: {  	v26 =	vbroadcast v3, $0x1;
	v27 =	vld [tilespmem:s11+$0x18C0]  }
0x86: {  	v28 =	vld [tilespmem:s11+$0x18D0];
	v2 =	vmul.f32 v2, v6  }
0x87: {  	v11 =	vld [tilespmem:s11+$0x18E0];
	v4 =	vmul.f32 v22, v26  }
0x88: {  	v29 =	vld [tilespmem:s11+$0x18F0];
	v30 =	vmul.f32 v24, v26;
	[tilespmem:s11+$0x1870] =	vst v2  }
0x89: {  	v31 =	vld [tilespmem:s11+$0x1900];
	v2 =	vmul.f32 v23, v26;
	[tilespmem:s11+$0x1880] =	vst v4  }
0x8a: {  	v32 =	vld [tilespmem:s11+$0x1910];
	v33 =	vmul.f32 v27, v26;
	[tilespmem:s11+$0x18A0] =	vst v30  }
0x8b: {  	v34 =	vld [tilespmem:s11+$0x1920];
	[tilespmem:s11+$0x1890] =	vst v2;
	v2 =	vmul.f32 v25, v26  }
0x8c: {  	v37 =	vbroadcast v3, $0x2;
	v35 =	vld [tilespmem:s11+$0x1930];
	v36 =	vmul.f32 v11, v26;
	[tilespmem:s11+$0x18C0] =	vst v33  }
0x8d: {  	v12 =	vld [tilespmem:s11+$0x1940];
	[tilespmem:s11+$0x18B0] =	vst v2;
	v2 =	vmul.f32 v28, v26  }
0x8e: {  	v38 =	vld [tilespmem:s11+$0x1950];
	v39 =	vmul.f32 v31, v37;
	[tilespmem:s11+$0x18E0] =	vst v36  }
0x8f: {  	v40 =	vld [tilespmem:s11+$0x1960];
	[tilespmem:s11+$0x18D0] =	vst v2;
	v2 =	vmul.f32 v29, v26  }
0x90: {  	v41 =	vld [tilespmem:s11+$0x1970];
	v42 =	vmul.f32 v34, v37;
	[tilespmem:s11+$0x1900] =	vst v39  }
0x91: {  	v43 =	vld [tilespmem:s11+$0x1980];
	[tilespmem:s11+$0x18F0] =	vst v2;
	v2 =	vmul.f32 v32, v37  }
0x92: {  	v44 =	vld [tilespmem:s11+$0x1990];
	v45 =	vmul.f32 v12, v37;
	[tilespmem:s11+$0x1920] =	vst v42  }
0x93: {  	v46 =	vld [tilespmem:s11+$0x19A0];
	[tilespmem:s11+$0x1910] =	vst v2;
	v2 =	vmul.f32 v35, v37  }
0x94: {  	v49 =	vbroadcast v3, $0x3;
	v47 =	vld [tilespmem:s11+$0x19B0];
	v48 =	vmul.f32 v40, v37;
	[tilespmem:s11+$0x1940] =	vst v45  }
0x95: {  	v50 =	vld [tilespmem:s11+$0x19C0];
	[tilespmem:s11+$0x1930] =	vst v2;
	v2 =	vmul.f32 v38, v37  }
0x96: {  	v51 =	vld [tilespmem:s11+$0x19D0];
	v52 =	vmul.f32 v43, v49;
	[tilespmem:s11+$0x1960] =	vst v48  }
0x97: {  	v53 =	vld [tilespmem:s11+$0x19E0];
	[tilespmem:s11+$0x1950] =	vst v2;
	v2 =	vmul.f32 v41, v37  }
0x98: {  	v54 =	vld [tilespmem:s11+$0x19F0];
	v55 =	vmul.f32 v46, v49;
	[tilespmem:s11+$0x1980] =	vst v52  }
0x99: {  	v56 =	vld [tilespmem:s11+$0x1A00];
	[tilespmem:s11+$0x1970] =	vst v2;
	v2 =	vmul.f32 v44, v49  }
0x9a: {  	v57 =	vld [tilespmem:s11+$0x1A10];
	v58 =	vmul.f32 v50, v49;
	[tilespmem:s11+$0x19A0] =	vst v55  }
0x9b: {  	v59 =	vld [tilespmem:s11+$0x1A20];
	[tilespmem:s11+$0x1990] =	vst v2;
	v2 =	vmul.f32 v47, v49  }
0x9c: {  	v62 =	vbroadcast v3, $0x4;
	v60 =	vld [tilespmem:s11+$0x1A30];
	v61 =	vmul.f32 v53, v49;
	[tilespmem:s11+$0x19C0] =	vst v58  }
0x9d: {  	v63 =	vld [tilespmem:s11+$0x1A40];
	[tilespmem:s11+$0x19B0] =	vst v2;
	v2 =	vmul.f32 v51, v49  }
0x9e: {  	v14 =	vld [tilespmem:s11+$0x1A50];
	v15 =	vmul.f32 v56, v62;
	[tilespmem:s11+$0x19E0] =	vst v61  }
0x9f: {  	v16 =	vld [tilespmem:s11+$0x1A60];
	[tilespmem:s11+$0x19D0] =	vst v2;
	v2 =	vmul.f32 v54, v49  }
0xa0: {  	v17 =	vld [tilespmem:s11+$0x1A70];
	v18 =	vmul.f32 v59, v62;
	[tilespmem:s11+$0x1A00] =	vst v15  }
0xa1: {  	v19 =	vld [tilespmem:s11+$0x1A80];
	[tilespmem:s11+$0x19F0] =	vst v2;
	v2 =	vmul.f32 v57, v62  }
0xa2: {  	v20 =	vld [tilespmem:s11+$0x1A90];
	v21 =	vmul.f32 v63, v62;
	[tilespmem:s11+$0x1A20] =	vst v18  }
0xa3: {  	v22 =	vld [tilespmem:s11+$0x1AA0];
	[tilespmem:s11+$0x1A10] =	vst v2;
	v2 =	vmul.f32 v60, v62  }
0xa4: {  	v24 =	vmul.f32 v16, v62;
	v27 =	vld [tilespmem:s11+$0x1AD0];
	[tilespmem:s11+$0x1A40] =	vst v21;
	v25 =	vbroadcast v3, $0x5  }
0xa5: {  	v58 =	vld [tilespmem:s11+$0x1C00];
	[tilespmem:s11+$0x1A30] =	vst v2;
	v2 =	vmul.f32 v14, v62  }
0xa6: {  	v23 =	vld [tilespmem:s11+$0x1AB0];
	[tilespmem:s11+$0x1A60] =	vst v24;
	v28 =	vmul.f32 v19, v25  }
0xa7: {  	v61 =	vld [tilespmem:s11+$0x1C20];
	[tilespmem:s11+$0x1A50] =	vst v2;
	v2 =	vmul.f32 v17, v62  }
0xa8: {  	v40 =	vld [tilespmem:s11+$0x1B50];
	v16 =	vbroadcast v3, $0x8;
	v31 =	vmul.f32 v22, v25;
	[tilespmem:s11+$0x1A80] =	vst v28  }
0xa9: {  	v26 =	vld [tilespmem:s11+$0x1AC0];
	[tilespmem:s11+$0x1A70] =	vst v2;
	v2 =	vmul.f32 v20, v25  }
0xaa: {  	v30 =	vld [tilespmem:s11+$0x1AF0];
	v19 =	vmul.f32 v58, v16;
	[tilespmem:s11+$0x1AA0] =	vst v31  }
0xab: {  	v29 =	vld [tilespmem:s11+$0x1AE0];
	[tilespmem:s11+$0x1A90] =	vst v2;
	v2 =	vmul.f32 v23, v25  }
0xac: {  	v33 =	vld [tilespmem:s11+$0x1B10];
	v22 =	vmul.f32 v61, v16;
	[tilespmem:s11+$0x1C00] =	vst v19  }
0xad: {  	v32 =	vld [tilespmem:s11+$0x1B00];
	[tilespmem:s11+$0x1AB0] =	vst v2;
	v2 =	vmul.f32 v27, v25  }
0xae: {  	v36 =	vld [tilespmem:s11+$0x1B30];
	[tilespmem:s11+$0x1C20] =	vst v22;
	v34 =	vmul.f32 v26, v25  }
0xaf: {  	v42 =	vld [tilespmem:s11+$0x1B60];
	v38 =	vbroadcast v3, $0x6;
	[tilespmem:s11+$0x1AD0] =	vst v2;
	v2 =	vmul.f32 v30, v25  }
0xb0: {  	v43 =	vld [tilespmem:s11+$0x1B70];
	[tilespmem:s11+$0x1AC0] =	vst v34;
	v37 =	vmul.f32 v29, v25  }
0xb1: {  	v35 =	vld [tilespmem:s11+$0x1B20];
	[tilespmem:s11+$0x1AF0] =	vst v2;
	v2 =	vmul.f32 v33, v38  }
0xb2: {  	v46 =	vld [tilespmem:s11+$0x1B90];
	v41 =	vmul.f32 v32, v38;
	[tilespmem:s11+$0x1AE0] =	vst v37  }
0xb3: {  	v26 =	vld [tilespmem:s11+$0x1CA0];
	[tilespmem:s11+$0x1B10] =	vst v2;
	v2 =	vmul.f32 v36, v38  }
0xb4: {  	v53 =	vld [tilespmem:s11+$0x1BD0];
	v50 =	vmul.f32 v42, v38;
	[tilespmem:s11+$0x1B00] =	vst v41  }
0xb5: {  	v39 =	vld [tilespmem:s11+$0x1B40];
	[tilespmem:s11+$0x1B30] =	vst v2;
	v2 =	vmul.f32 v40, v38  }
0xb6: {  	v29 =	vbroadcast v3, $0x9;
	v44 =	vmul.f32 v35, v38;
	[tilespmem:s11+$0x1B60] =	vst v50;
	v49 =	vld [tilespmem:s11+$0x1BB0]  }
0xb7: {  	v45 =	vld [tilespmem:s11+$0x1B80];
	v51 =	vbroadcast v3, $0x7;
	[tilespmem:s11+$0x1B50] =	vst v2;
	v2 =	vmul.f32 v43, v38  }
0xb8: {  	v56 =	vld [tilespmem:s11+$0x1BF0];
	v35 =	vmul.f32 v26, v29;
	[tilespmem:s11+$0x1B20] =	vst v44  }
0xb9: {  	v55 =	vld [tilespmem:s11+$0x1BE0];
	[tilespmem:s11+$0x1B70] =	vst v2;
	v2 =	vmul.f32 v46, v51  }
0xba: {  	v59 =	vld [tilespmem:s11+$0x1C10];
	v47 =	vmul.f32 v39, v38;
	[tilespmem:s11+$0x1CA0] =	vst v35  }
0xbb: {  	v48 =	vld [tilespmem:s11+$0x1BA0];
	[tilespmem:s11+$0x1B90] =	vst v2;
	v2 =	vmul.f32 v49, v51  }
0xbc: {  	v52 =	vld [tilespmem:s11+$0x1BC0];
	[tilespmem:s11+$0x1B40] =	vst v47;
	v54 =	vmul.f32 v45, v51  }
0xbd: {  	v39 =	vld [tilespmem:s11+$0x1D20];
	[tilespmem:s11+$0x1BB0] =	vst v2;
	v2 =	vmul.f32 v53, v51  }
0xbe: {  	v63 =	vmul.f32 v55, v51;
	[tilespmem:s11+$0x1B80] =	vst v54;
	v62 =	vld [tilespmem:s11+$0x1C30]  }
0xbf: {  	v18 =	vld [tilespmem:s11+$0x1C50];
	[tilespmem:s11+$0x1BD0] =	vst v2;
	v2 =	vmul.f32 v56, v51  }
0xc0: {  	v21 =	vld [tilespmem:s11+$0x1C70];
	v42 =	vbroadcast v3, $0xA;
	v57 =	vmul.f32 v48, v51;
	[tilespmem:s11+$0x1BE0] =	vst v63  }
0xc1: {  	v60 =	vmul.f32 v52, v51;
	v52 =	vld [tilespmem:s11+$0x1DA0];
	[tilespmem:s11+$0x1BF0] =	vst v2;
	v2 =	vmul.f32 v59, v16  }
0xc2: {  	v24 =	vld [tilespmem:s11+$0x1C90];
	v48 =	vmul.f32 v39, v42;
	[tilespmem:s11+$0x1BA0] =	vst v57  }
0xc3: {  	v20 =	vld [tilespmem:s11+$0x1C60];
	[tilespmem:s11+$0x1C10] =	vst v2;
	v2 =	vmul.f32 v62, v16  }
0xc4: {  	v31 =	vld [tilespmem:s11+$0x1CD0];
	v55 =	vbroadcast v3, $0xB;
	[tilespmem:s11+$0x1D20] =	vst v48  }
0xc5: {  	v17 =	vld [tilespmem:s11+$0x1C40];
	[tilespmem:s11+$0x1C30] =	vst v2;
	v2 =	vmul.f32 v18, v16  }
0xc6: {  	[tilespmem:s11+$0x1BC0] =	vst v60;
	v61 =	vmul.f32 v52, v55;
	v27 =	vld [tilespmem:s11+$0x1CB0]  }
0xc7: {  	v23 =	vld [tilespmem:s11+$0x1C80];
	[tilespmem:s11+$0x1C50] =	vst v2;
	v2 =	vmul.f32 v21, v16  }
0xc8: {  	v34 =	vld [tilespmem:s11+$0x1CF0];
	[tilespmem:s11+$0x1DA0] =	vst v61;
	v28 =	vmul.f32 v20, v16  }
0xc9: {  	v20 =	vld [tilespmem:s11+$0x1E40];
	[tilespmem:s11+$0x1C70] =	vst v2;
	v2 =	vmul.f32 v24, v29  }
0xca: {  	v37 =	vld [tilespmem:s11+$0x1D10];
	v25 =	vmul.f32 v17, v16;
	[tilespmem:s11+$0x1C60] =	vst v28  }
0xcb: {  	v26 =	vld [tilespmem:s11+$0x1E80];
	[tilespmem:s11+$0x1C90] =	vst v2;
	v2 =	vmul.f32 v27, v29  }
0xcc: {  	v19 =	vbroadcast v3, $0xC;
	v50 =	vld [tilespmem:s11+$0x1D90];
	v32 =	vmul.f32 v23, v29;
	[tilespmem:s11+$0x1C40] =	vst v25  }
0xcd: {  	v33 =	vld [tilespmem:s11+$0x1CE0];
	[tilespmem:s11+$0x1CB0] =	vst v2;
	v2 =	vmul.f32 v31, v29  }
0xce: {  	[tilespmem:s11+$0x1C80] =	vst v32;
	v32 =	vbroadcast v3, $0xD;
	v28 =	vmul.f32 v20, v19;
	v40 =	vld [tilespmem:s11+$0x1D30]  }
0xcf: {  	v30 =	vld [tilespmem:s11+$0x1CC0];
	[tilespmem:s11+$0x1CD0] =	vst v2;
	v2 =	vmul.f32 v34, v29  }
0xd0: {  	v44 =	vld [tilespmem:s11+$0x1D50];
	v35 =	vmul.f32 v26, v32;
	[tilespmem:s11+$0x1E40] =	vst v28  }
0xd1: {  	v36 =	vld [tilespmem:s11+$0x1D00];
	[tilespmem:s11+$0x1CF0] =	vst v2;
	v2 =	vmul.f32 v37, v42  }
0xd2: {  	v47 =	vld [tilespmem:s11+$0x1D70];
	v41 =	vmul.f32 v33, v29;
	[tilespmem:s11+$0x1E80] =	vst v35  }
0xd3: {  	v33 =	vld [tilespmem:s11+$0x1EC0];
	[tilespmem:s11+$0x1D10] =	vst v2;
	v2 =	vmul.f32 v40, v42  }
0xd4: {  	v63 =	vld [tilespmem:s11+$0x1E10];
	v38 =	vmul.f32 v30, v29;
	[tilespmem:s11+$0x1CE0] =	vst v41  }
0xd5: {  	v39 =	vld [tilespmem:s11+$0x1F00];
	[tilespmem:s11+$0x1D30] =	vst v2;
	v2 =	vmul.f32 v44, v42  }
0xd6: {  	v45 =	vmul.f32 v36, v42;
	[tilespmem:s11+$0x1CC0] =	vst v38;
	v53 =	vld [tilespmem:s11+$0x1DB0]  }
0xd7: {  	v52 =	vld [tilespmem:s11+$0x1F80];
	[tilespmem:s11+$0x1D50] =	vst v2;
	v2 =	vmul.f32 v47, v42  }
0xd8: {  	v57 =	vld [tilespmem:s11+$0x1DD0];
	[tilespmem:s11+$0x1D00] =	vst v45;
	v45 =	vbroadcast v3, $0xE;
	v41 =	vmul.f32 v33, v32  }
0xd9: {  	v46 =	vld [tilespmem:s11+$0x1D60];
	[tilespmem:s11+$0x1D70] =	vst v2;
	v2 =	vmul.f32 v50, v55  }
0xda: {  	v60 =	vld [tilespmem:s11+$0x1DF0];
	v3 =	vbroadcast v3, $0xF;
	v48 =	vmul.f32 v39, v45;
	[tilespmem:s11+$0x1EC0] =	vst v41  }
0xdb: {  	v43 =	vld [tilespmem:s11+$0x1D40];
	[tilespmem:s11+$0x1D90] =	vst v2;
	v2 =	vmul.f32 v53, v55  }
0xdc: {  	v17 =	vld [tilespmem:s11+$0x1E30];
	v61 =	vmul.f32 v52, v3;
	[tilespmem:s11+$0x1F00] =	vst v48  }
0xdd: {  	v49 =	vld [tilespmem:s11+$0x1D80];
	[tilespmem:s11+$0x1DB0] =	vst v2;
	v2 =	vmul.f32 v57, v55  }
0xde: {  	v23 =	vld [tilespmem:s11+$0x1E60];
	v54 =	vmul.f32 v46, v42;
	[tilespmem:s11+$0x1F80] =	vst v61  }
0xdf: {  	v56 =	vld [tilespmem:s11+$0x1DC0];
	[tilespmem:s11+$0x1DD0] =	vst v2;
	v2 =	vmul.f32 v60, v55  }
0xe0: {  	v51 =	vmul.f32 v43, v42;
	[tilespmem:s11+$0x1D60] =	vst v54;
	v21 =	vld [tilespmem:s11+$0x1E50]  }
0xe1: {  	v43 =	vld [tilespmem:s11+$0x1F30];
	[tilespmem:s11+$0x1DF0] =	vst v2;
	v2 =	vmul.f32 v63, v19  }
0xe2: {  	v58 =	vmul.f32 v49, v55;
	[tilespmem:s11+$0x1D40] =	vst v51;
	v24 =	vld [tilespmem:s11+$0x1E70]  }
0xe3: {  	v49 =	vld [tilespmem:s11+$0x1F60];
	[tilespmem:s11+$0x1E10] =	vst v2;
	v2 =	vmul.f32 v17, v19  }
0xe4: {  	[tilespmem:s11+$0x1D80] =	vst v58;
	v15 =	vmul.f32 v56, v55;
	v27 =	vld [tilespmem:s11+$0x1E90]  }
0xe5: {  	v59 =	vld [tilespmem:s11+$0x1DE0];
	[tilespmem:s11+$0x1E30] =	vst v2;
	v2 =	vmul.f32 v21, v19  }
0xe6: {  	v30 =	vld [tilespmem:s11+$0x1EB0];
	v6 =	vmul.f32 v43, v45;
	[tilespmem:s11+$0x1DC0] =	vst v15  }
0xe7: {  	v62 =	vld [tilespmem:s11+$0x1E00];
	[tilespmem:s11+$0x1E50] =	vst v2;
	v2 =	vmul.f32 v24, v19  }
0xe8: {  	v56 =	vmul.f32 v49, v45;
	[tilespmem:s11+$0x1F30] =	vst v6;
	v34 =	vld [tilespmem:s11+$0x1ED0]  }
0xe9: {  	v16 =	vld [tilespmem:s11+$0x1E20];
	[tilespmem:s11+$0x1E70] =	vst v2;
	v2 =	vmul.f32 v27, v32  }
0xea: {  	v18 =	vmul.f32 v59, v55;
	[tilespmem:s11+$0x1F60] =	vst v56;
	v37 =	vld [tilespmem:s11+$0x1EF0]  }
0xeb: {  	v20 =	vld [tilespmem:s11+$0x1FC0];
	[tilespmem:s11+$0x1E90] =	vst v2;
	v2 =	vmul.f32 v30, v32  }
0xec: {  	v36 =	vld [tilespmem:s11+$0x1EE0];
	[tilespmem:s11+$0x1DE0] =	vst v18;
	v22 =	vmul.f32 v62, v19  }
0xed: {  	v29 =	vld [tilespmem:s11+$0x1EA0];
	[tilespmem:s11+$0x1EB0] =	vst v2;
	v2 =	vmul.f32 v34, v32  }
0xee: {  	[tilespmem:s11+$0x1E00] =	vst v22;
	v22 =	vld [tilespmem:s11+$0x1FE0];
	v25 =	vmul.f32 v16, v19  }
0xef: {  	v46 =	vld [tilespmem:s11+$0x1F40];
	[tilespmem:s11+$0x1ED0] =	vst v2;
	v2 =	vmul.f32 v37, v32  }
0xf0: {  	s12 =	sor.u32 $0x10, s12;
	v31 =	vmul.f32 v23, v19;
	[tilespmem:s11+$0x1E20] =	vst v25;
	v40 =	vld [tilespmem:s11+$0x1F10]  }
0xf1: {  	v25 =	vmul.f32 v20, v3;
	[tilespmem:s11+$0x1EF0] =	vst v2;
	v2 =	vld.idx.msk [tilespmem:v1+s12+$0x0 ss:$0x1], $0xffff;
	s12 =	sshll.u32 s12, $0x7  }
0xf2: {  	[tilespmem:s11+$0x1E60] =	vst v31;
	v38 =	vmul.f32 v29, v32;
	v42 =	vld [tilespmem:s11+$0x1F20];
	s12 =	sand.u32 $0x3FFFF800, s12  }
0xf3: {  	[tilespmem:s11+$0x1FC0] =	vst v25;
	v29 =	vmul.f32 v22, v3;
	v54 =	vld [tilespmem:s12+$0x1800]  }
0xf4: {  	v44 =	vmul.f32 v36, v32;
	[tilespmem:s11+$0x1EA0] =	vst v38;
	v55 =	vld [tilespmem:s12+$0x1810]  }
0xf5: {  	[tilespmem:s11+$0x1FE0] =	vst v29;
	v7 =	vmul.f32 v40, v45;
	v57 =	vld [tilespmem:s12+$0x1820]  }
0xf6: {  	[tilespmem:s11+$0x1EE0] =	vst v44;
	v53 =	vmul.f32 v46, v45;
	v60 =	vld [tilespmem:s12+$0x1830];
	v59 =	vbroadcast v2, $0x0  }
0xf7: {  	[tilespmem:s11+$0x1F10] =	vst v7;
	v51 =	vmul.f32 v42, v45;
	v62 =	vld [tilespmem:s12+$0x1840]  }
0xf8: {  	[tilespmem:s11+$0x1F40] =	vst v53;
	v12 =	vld [tilespmem:s12+$0x1850];
	v63 =	vmul.f32 v59, v54  }
0xf9: {  	[tilespmem:s11+$0x1F20] =	vst v51;
	v14 =	vld [tilespmem:s12+$0x1860];
	v13 =	vmul.f32 v55, v59  }
0xfa: {  	v16 =	vld [tilespmem:s12+$0x1870];
	v15 =	vmul.f32 v57, v59;
	[tilespmem:s12+$0x1800] =	vst v63  }
0xfb: {  	v47 =	vld [tilespmem:s11+$0x1F50];
	v10 =	vmul.f32 v60, v59;
	[tilespmem:s12+$0x1810] =	vst v13  }
0xfc: {  	v50 =	vld [tilespmem:s11+$0x1F70];
	v7 =	vmul.f32 v62, v59;
	[tilespmem:s12+$0x1820] =	vst v15  }
0xfd: {  	v18 =	vld [tilespmem:s11+$0x1FA0];
	v11 =	vmul.f32 v12, v59;
	[tilespmem:s12+$0x1830] =	vst v10  }
0xfe: {  	v17 =	vld [tilespmem:s11+$0x1F90];
	v6 =	vmul.f32 v14, v59;
	[tilespmem:s12+$0x1840] =	vst v7  }
0xff: {  	v21 =	vld [tilespmem:s11+$0x1FD0];
	v8 =	vmul.f32 v16, v59;
	[tilespmem:s12+$0x1850] =	vst v11  }
0x100: {  	v5 =	vmul.f32 v47, v45;
	v19 =	vld [tilespmem:s11+$0x1FB0];
	[tilespmem:s12+$0x1860] =	vst v6  }
0x101: {  	v23 =	vld [tilespmem:s11+$0x1FF0];
	v58 =	vmul.f32 v50, v45;
	[tilespmem:s12+$0x1870] =	vst v8  }
0x102: {  	[tilespmem:s11+$0x1F50] =	vst v5;
	v5 =	vmul.f32 v18, v3;
	v8 =	vld [tilespmem:s11+$0x2080]  }
0x103: {  	[tilespmem:s11+$0x1F70] =	vst v58;
	v4 =	vmul.f32 v17, v3;
	v26 =	vld [tilespmem:s11+$0x2090]  }
0x104: {  	[tilespmem:s11+$0x1FA0] =	vst v5;
	v27 =	vmul.f32 v21, v3;
	v28 =	vld [tilespmem:s11+$0x20A0]  }
0x105: {  	[tilespmem:s11+$0x1F90] =	vst v4;
	v24 =	vmul.f32 v19, v3;
	v30 =	vbroadcast v2, $0x1;
	v32 =	vld [tilespmem:s11+$0x20C0]  }
0x106: {  	[tilespmem:s11+$0x1FD0] =	vst v27;
	v3 =	vmul.f32 v23, v3;
	v31 =	vld [tilespmem:s11+$0x20B0]  }
0x107: {  	[tilespmem:s11+$0x1FB0] =	vst v24;
	v35 =	vld [tilespmem:s11+$0x20E0];
	v33 =	vmul.f32 v8, v30  }
0x108: {  	[tilespmem:s11+$0x1FF0] =	vst v3;
	v34 =	vld [tilespmem:s11+$0x20D0];
	v3 =	vmul.f32 v26, v30  }
0x109: {  	v38 =	vld [tilespmem:s11+$0x2100];
	v36 =	vmul.f32 v28, v30;
	[tilespmem:s11+$0x2080] =	vst v33  }
0x10a: {  	v37 =	vld [tilespmem:s11+$0x20F0];
	v4 =	vmul.f32 v32, v30;
	[tilespmem:s11+$0x2090] =	vst v3  }
0x10b: {  	v40 =	vld [tilespmem:s11+$0x2120];
	v3 =	vmul.f32 v31, v30;
	[tilespmem:s11+$0x20A0] =	vst v36  }
0x10c: {  	v42 =	vbroadcast v2, $0x2;
	v39 =	vld [tilespmem:s11+$0x2110];
	v41 =	vmul.f32 v35, v30;
	[tilespmem:s11+$0x20C0] =	vst v4  }
0x10d: {  	v44 =	vld [tilespmem:s11+$0x2140];
	[tilespmem:s11+$0x20B0] =	vst v3;
	v3 =	vmul.f32 v34, v30  }
0x10e: {  	v43 =	vld [tilespmem:s11+$0x2130];
	v45 =	vmul.f32 v38, v42;
	[tilespmem:s11+$0x20E0] =	vst v41  }
0x10f: {  	v47 =	vld [tilespmem:s11+$0x2160];
	[tilespmem:s11+$0x20D0] =	vst v3;
	v3 =	vmul.f32 v37, v30  }
0x110: {  	v46 =	vld [tilespmem:s11+$0x2150];
	v48 =	vmul.f32 v40, v42;
	[tilespmem:s11+$0x2100] =	vst v45  }
0x111: {  	v50 =	vld [tilespmem:s11+$0x2180];
	[tilespmem:s11+$0x20F0] =	vst v3;
	v3 =	vmul.f32 v39, v42  }
0x112: {  	v49 =	vld [tilespmem:s11+$0x2170];
	v51 =	vmul.f32 v44, v42;
	[tilespmem:s11+$0x2120] =	vst v48  }
0x113: {  	v53 =	vld [tilespmem:s11+$0x21A0];
	[tilespmem:s11+$0x2110] =	vst v3;
	v3 =	vmul.f32 v43, v42  }
0x114: {  	v55 =	vbroadcast v2, $0x3;
	v52 =	vld [tilespmem:s11+$0x2190];
	v54 =	vmul.f32 v47, v42;
	[tilespmem:s11+$0x2140] =	vst v51  }
0x115: {  	v57 =	vld [tilespmem:s11+$0x21C0];
	[tilespmem:s11+$0x2130] =	vst v3;
	v3 =	vmul.f32 v46, v42  }
0x116: {  	v56 =	vld [tilespmem:s11+$0x21B0];
	v58 =	vmul.f32 v50, v55;
	[tilespmem:s11+$0x2160] =	vst v54  }
0x117: {  	v60 =	vld [tilespmem:s11+$0x21E0];
	[tilespmem:s11+$0x2150] =	vst v3;
	v3 =	vmul.f32 v49, v42  }
0x118: {  	v59 =	vld [tilespmem:s11+$0x21D0];
	v61 =	vmul.f32 v53, v55;
	[tilespmem:s11+$0x2180] =	vst v58  }
0x119: {  	v63 =	vld [tilespmem:s11+$0x2200];
	[tilespmem:s11+$0x2170] =	vst v3;
	v3 =	vmul.f32 v52, v55  }
0x11a: {  	v62 =	vld [tilespmem:s11+$0x21F0];
	v12 =	vmul.f32 v57, v55;
	[tilespmem:s11+$0x21A0] =	vst v61  }
0x11b: {  	v14 =	vld [tilespmem:s11+$0x2220];
	[tilespmem:s11+$0x2190] =	vst v3;
	v3 =	vmul.f32 v56, v55  }
0x11c: {  	v16 =	vbroadcast v2, $0x4;
	v13 =	vld [tilespmem:s11+$0x2210];
	v15 =	vmul.f32 v60, v55;
	[tilespmem:s11+$0x21C0] =	vst v12  }
0x11d: {  	v18 =	vld [tilespmem:s11+$0x2240];
	[tilespmem:s11+$0x21B0] =	vst v3;
	v3 =	vmul.f32 v59, v55  }
0x11e: {  	v17 =	vld [tilespmem:s11+$0x2230];
	v19 =	vmul.f32 v63, v16;
	[tilespmem:s11+$0x21E0] =	vst v15  }
0x11f: {  	v21 =	vld [tilespmem:s11+$0x2260];
	[tilespmem:s11+$0x21D0] =	vst v3;
	v3 =	vmul.f32 v62, v55  }
0x120: {  	v20 =	vld [tilespmem:s11+$0x2250];
	v22 =	vmul.f32 v14, v16;
	[tilespmem:s11+$0x2200] =	vst v19  }
0x121: {  	v24 =	vld [tilespmem:s11+$0x2280];
	[tilespmem:s11+$0x21F0] =	vst v3;
	v3 =	vmul.f32 v13, v16  }
0x122: {  	v23 =	vld [tilespmem:s11+$0x2270];
	v25 =	vmul.f32 v18, v16;
	[tilespmem:s11+$0x2220] =	vst v22  }
0x123: {  	v27 =	vld [tilespmem:s11+$0x22A0];
	[tilespmem:s11+$0x2210] =	vst v3;
	v3 =	vmul.f32 v17, v16  }
0x124: {  	v29 =	vbroadcast v2, $0x5;
	v26 =	vld [tilespmem:s11+$0x2290];
	v28 =	vmul.f32 v21, v16;
	[tilespmem:s11+$0x2240] =	vst v25  }
0x125: {  	v31 =	vld [tilespmem:s11+$0x22C0];
	[tilespmem:s11+$0x2230] =	vst v3;
	v3 =	vmul.f32 v20, v16  }
0x126: {  	v32 =	vmul.f32 v24, v29;
	[tilespmem:s11+$0x2260] =	vst v28;
	v30 =	vld [tilespmem:s11+$0x22B0]  }
0x127: {  	v34 =	vld [tilespmem:s11+$0x22E0];
	[tilespmem:s11+$0x2250] =	vst v3;
	v3 =	vmul.f32 v23, v16  }
0x128: {  	v35 =	vmul.f32 v27, v29;
	v33 =	vld [tilespmem:s11+$0x22D0];
	[tilespmem:s11+$0x2280] =	vst v32  }
0x129: {  	v37 =	vld [tilespmem:s11+$0x2300];
	[tilespmem:s11+$0x2270] =	vst v3;
	v3 =	vmul.f32 v26, v29  }
0x12a: {  	v36 =	vld [tilespmem:s11+$0x22F0];
	[tilespmem:s11+$0x22A0] =	vst v35;
	v38 =	vmul.f32 v31, v29  }
0x12b: {  	v40 =	vld [tilespmem:s11+$0x2320];
	[tilespmem:s11+$0x2290] =	vst v3;
	v3 =	vmul.f32 v30, v29  }
0x12c: {  	v39 =	vld [tilespmem:s11+$0x2310];
	[tilespmem:s11+$0x22C0] =	vst v38;
	v41 =	vmul.f32 v34, v29;
	v42 =	vbroadcast v2, $0x6  }
0x12d: {  	v44 =	vld [tilespmem:s11+$0x2340];
	[tilespmem:s11+$0x22B0] =	vst v3;
	v3 =	vmul.f32 v33, v29  }
0x12e: {  	v43 =	vld [tilespmem:s11+$0x2330];
	[tilespmem:s11+$0x22E0] =	vst v41;
	v45 =	vmul.f32 v37, v42  }
0x12f: {  	v47 =	vld [tilespmem:s11+$0x2360];
	[tilespmem:s11+$0x22D0] =	vst v3;
	v3 =	vmul.f32 v36, v29  }
0x130: {  	v46 =	vld [tilespmem:s11+$0x2350];
	v48 =	vmul.f32 v40, v42;
	[tilespmem:s11+$0x2300] =	vst v45  }
0x131: {  	v50 =	vld [tilespmem:s11+$0x2380];
	[tilespmem:s11+$0x22F0] =	vst v3;
	v3 =	vmul.f32 v39, v42  }
0x132: {  	v49 =	vld [tilespmem:s11+$0x2370];
	v51 =	vmul.f32 v44, v42;
	[tilespmem:s11+$0x2320] =	vst v48  }
0x133: {  	v53 =	vld [tilespmem:s11+$0x23A0];
	[tilespmem:s11+$0x2310] =	vst v3;
	v3 =	vmul.f32 v43, v42  }
0x134: {  	v52 =	vld [tilespmem:s11+$0x2390];
	v54 =	vmul.f32 v47, v42;
	[tilespmem:s11+$0x2340] =	vst v51;
	v55 =	vbroadcast v2, $0x7  }
0x135: {  	v57 =	vld [tilespmem:s11+$0x23C0];
	[tilespmem:s11+$0x2330] =	vst v3;
	v3 =	vmul.f32 v46, v42  }
0x136: {  	v56 =	vld [tilespmem:s11+$0x23B0];
	[tilespmem:s11+$0x2360] =	vst v54;
	v58 =	vmul.f32 v50, v55  }
0x137: {  	v60 =	vld [tilespmem:s11+$0x23E0];
	[tilespmem:s11+$0x2350] =	vst v3;
	v3 =	vmul.f32 v49, v42  }
0x138: {  	v59 =	vld [tilespmem:s11+$0x23D0];
	v61 =	vmul.f32 v53, v55;
	[tilespmem:s11+$0x2380] =	vst v58  }
0x139: {  	v63 =	vld [tilespmem:s11+$0x2400];
	[tilespmem:s11+$0x2370] =	vst v3;
	v3 =	vmul.f32 v52, v55  }
0x13a: {  	v62 =	vld [tilespmem:s11+$0x23F0];
	v12 =	vmul.f32 v57, v55;
	[tilespmem:s11+$0x23A0] =	vst v61  }
0x13b: {  	v14 =	vld [tilespmem:s11+$0x2420];
	[tilespmem:s11+$0x2390] =	vst v3;
	v3 =	vmul.f32 v56, v55  }
0x13c: {  	v13 =	vld [tilespmem:s11+$0x2410];
	v15 =	vmul.f32 v60, v55;
	[tilespmem:s11+$0x23C0] =	vst v12;
	v16 =	vbroadcast v2, $0x8  }
0x13d: {  	v18 =	vld [tilespmem:s11+$0x2440];
	[tilespmem:s11+$0x23B0] =	vst v3;
	v3 =	vmul.f32 v59, v55  }
0x13e: {  	v17 =	vld [tilespmem:s11+$0x2430];
	[tilespmem:s11+$0x23E0] =	vst v15;
	v19 =	vmul.f32 v63, v16  }
0x13f: {  	v21 =	vld [tilespmem:s11+$0x2460];
	[tilespmem:s11+$0x23D0] =	vst v3;
	v3 =	vmul.f32 v62, v55  }
0x140: {  	v20 =	vld [tilespmem:s11+$0x2450];
	v22 =	vmul.f32 v14, v16;
	[tilespmem:s11+$0x2400] =	vst v19  }
0x141: {  	v24 =	vld [tilespmem:s11+$0x2480];
	[tilespmem:s11+$0x23F0] =	vst v3;
	v3 =	vmul.f32 v13, v16  }
0x142: {  	v23 =	vld [tilespmem:s11+$0x2470];
	v25 =	vmul.f32 v18, v16;
	[tilespmem:s11+$0x2420] =	vst v22  }
0x143: {  	v27 =	vld [tilespmem:s11+$0x24A0];
	[tilespmem:s11+$0x2410] =	vst v3;
	v3 =	vmul.f32 v17, v16  }
0x144: {  	v26 =	vld [tilespmem:s11+$0x2490];
	v28 =	vmul.f32 v21, v16;
	[tilespmem:s11+$0x2440] =	vst v25;
	v29 =	vbroadcast v2, $0x9  }
0x145: {  	v31 =	vld [tilespmem:s11+$0x24C0];
	[tilespmem:s11+$0x2430] =	vst v3;
	v3 =	vmul.f32 v20, v16  }
0x146: {  	v30 =	vld [tilespmem:s11+$0x24B0];
	[tilespmem:s11+$0x2460] =	vst v28;
	v32 =	vmul.f32 v24, v29  }
0x147: {  	v34 =	vld [tilespmem:s11+$0x24E0];
	[tilespmem:s11+$0x2450] =	vst v3;
	v3 =	vmul.f32 v23, v16  }
0x148: {  	v33 =	vld [tilespmem:s11+$0x24D0];
	v35 =	vmul.f32 v27, v29;
	[tilespmem:s11+$0x2480] =	vst v32  }
0x149: {  	v37 =	vld [tilespmem:s11+$0x2500];
	[tilespmem:s11+$0x2470] =	vst v3;
	v3 =	vmul.f32 v26, v29  }
0x14a: {  	v36 =	vld [tilespmem:s11+$0x24F0];
	v38 =	vmul.f32 v31, v29;
	[tilespmem:s11+$0x24A0] =	vst v35  }
0x14b: {  	v40 =	vld [tilespmem:s11+$0x2520];
	[tilespmem:s11+$0x2490] =	vst v3;
	v3 =	vmul.f32 v30, v29  }
0x14c: {  	v39 =	vld [tilespmem:s11+$0x2510];
	v41 =	vmul.f32 v34, v29;
	[tilespmem:s11+$0x24C0] =	vst v38;
	v42 =	vbroadcast v2, $0xA  }
0x14d: {  	v44 =	vld [tilespmem:s11+$0x2540];
	[tilespmem:s11+$0x24B0] =	vst v3;
	v3 =	vmul.f32 v33, v29  }
0x14e: {  	v43 =	vld [tilespmem:s11+$0x2530];
	[tilespmem:s11+$0x24E0] =	vst v41;
	v45 =	vmul.f32 v37, v42  }
0x14f: {  	v47 =	vld [tilespmem:s11+$0x2560];
	[tilespmem:s11+$0x24D0] =	vst v3;
	v3 =	vmul.f32 v36, v29  }
0x150: {  	v46 =	vld [tilespmem:s11+$0x2550];
	v48 =	vmul.f32 v40, v42;
	[tilespmem:s11+$0x2500] =	vst v45  }
0x151: {  	v50 =	vld [tilespmem:s11+$0x2580];
	[tilespmem:s11+$0x24F0] =	vst v3;
	v3 =	vmul.f32 v39, v42  }
0x152: {  	v49 =	vld [tilespmem:s11+$0x2570];
	v51 =	vmul.f32 v44, v42;
	[tilespmem:s11+$0x2520] =	vst v48  }
0x153: {  	v53 =	vld [tilespmem:s11+$0x25A0];
	[tilespmem:s11+$0x2510] =	vst v3;
	v3 =	vmul.f32 v43, v42  }
0x154: {  	v52 =	vld [tilespmem:s11+$0x2590];
	v54 =	vmul.f32 v47, v42;
	[tilespmem:s11+$0x2540] =	vst v51;
	v55 =	vbroadcast v2, $0xB  }
0x155: {  	v57 =	vld [tilespmem:s11+$0x25C0];
	[tilespmem:s11+$0x2530] =	vst v3;
	v3 =	vmul.f32 v46, v42  }
0x156: {  	v56 =	vld [tilespmem:s11+$0x25B0];
	[tilespmem:s11+$0x2560] =	vst v54;
	v58 =	vmul.f32 v50, v55  }
0x157: {  	v60 =	vld [tilespmem:s11+$0x25E0];
	[tilespmem:s11+$0x2550] =	vst v3;
	v3 =	vmul.f32 v49, v42  }
0x158: {  	v59 =	vld [tilespmem:s11+$0x25D0];
	v61 =	vmul.f32 v53, v55;
	[tilespmem:s11+$0x2580] =	vst v58  }
0x159: {  	v63 =	vld [tilespmem:s11+$0x2600];
	[tilespmem:s11+$0x2570] =	vst v3;
	v3 =	vmul.f32 v52, v55  }
0x15a: {  	v62 =	vld [tilespmem:s11+$0x25F0];
	v12 =	vmul.f32 v57, v55;
	[tilespmem:s11+$0x25A0] =	vst v61  }
0x15b: {  	v14 =	vld [tilespmem:s11+$0x2620];
	[tilespmem:s11+$0x2590] =	vst v3;
	v3 =	vmul.f32 v56, v55  }
0x15c: {  	v13 =	vld [tilespmem:s11+$0x2610];
	v15 =	vmul.f32 v60, v55;
	[tilespmem:s11+$0x25C0] =	vst v12;
	v16 =	vbroadcast v2, $0xC  }
0x15d: {  	v18 =	vld [tilespmem:s11+$0x2640];
	[tilespmem:s11+$0x25B0] =	vst v3;
	v3 =	vmul.f32 v59, v55  }
0x15e: {  	v17 =	vld [tilespmem:s11+$0x2630];
	[tilespmem:s11+$0x25E0] =	vst v15;
	v19 =	vmul.f32 v63, v16  }
0x15f: {  	v21 =	vld [tilespmem:s11+$0x2660];
	[tilespmem:s11+$0x25D0] =	vst v3;
	v3 =	vmul.f32 v62, v55  }
0x160: {  	v20 =	vld [tilespmem:s11+$0x2650];
	v22 =	vmul.f32 v14, v16;
	[tilespmem:s11+$0x2600] =	vst v19  }
0x161: {  	v24 =	vld [tilespmem:s11+$0x2680];
	[tilespmem:s11+$0x25F0] =	vst v3;
	v3 =	vmul.f32 v13, v16  }
0x162: {  	v23 =	vld [tilespmem:s11+$0x2670];
	v25 =	vmul.f32 v18, v16;
	[tilespmem:s11+$0x2620] =	vst v22  }
0x163: {  	v27 =	vld [tilespmem:s11+$0x26A0];
	[tilespmem:s11+$0x2610] =	vst v3;
	v3 =	vmul.f32 v17, v16  }
0x164: {  	v26 =	vld [tilespmem:s11+$0x2690];
	v28 =	vmul.f32 v21, v16;
	[tilespmem:s11+$0x2640] =	vst v25;
	v29 =	vbroadcast v2, $0xD  }
0x165: {  	v31 =	vld [tilespmem:s11+$0x26C0];
	[tilespmem:s11+$0x2630] =	vst v3;
	v3 =	vmul.f32 v20, v16  }
0x166: {  	v30 =	vld [tilespmem:s11+$0x26B0];
	[tilespmem:s11+$0x2660] =	vst v28;
	v32 =	vmul.f32 v24, v29  }
0x167: {  	v34 =	vld [tilespmem:s11+$0x26E0];
	[tilespmem:s11+$0x2650] =	vst v3;
	v3 =	vmul.f32 v23, v16  }
0x168: {  	v33 =	vld [tilespmem:s11+$0x26D0];
	v35 =	vmul.f32 v27, v29;
	[tilespmem:s11+$0x2680] =	vst v32  }
0x169: {  	v37 =	vld [tilespmem:s11+$0x2700];
	[tilespmem:s11+$0x2670] =	vst v3;
	v3 =	vmul.f32 v26, v29  }
0x16a: {  	v36 =	vld [tilespmem:s11+$0x26F0];
	v38 =	vmul.f32 v31, v29;
	[tilespmem:s11+$0x26A0] =	vst v35  }
0x16b: {  	v40 =	vld [tilespmem:s11+$0x2720];
	[tilespmem:s11+$0x2690] =	vst v3;
	v3 =	vmul.f32 v30, v29  }
0x16c: {  	v39 =	vld [tilespmem:s11+$0x2710];
	v41 =	vmul.f32 v34, v29;
	[tilespmem:s11+$0x26C0] =	vst v38;
	v42 =	vbroadcast v2, $0xE  }
0x16d: {  	v44 =	vld [tilespmem:s11+$0x2740];
	[tilespmem:s11+$0x26B0] =	vst v3;
	v3 =	vmul.f32 v33, v29  }
0x16e: {  	v43 =	vld [tilespmem:s11+$0x2730];
	[tilespmem:s11+$0x26E0] =	vst v41;
	v45 =	vmul.f32 v37, v42  }
0x16f: {  	v47 =	vld [tilespmem:s11+$0x2760];
	[tilespmem:s11+$0x26D0] =	vst v3;
	v3 =	vmul.f32 v36, v29  }
0x170: {  	v46 =	vld [tilespmem:s11+$0x2750];
	v48 =	vmul.f32 v40, v42;
	[tilespmem:s11+$0x2700] =	vst v45  }
0x171: {  	v50 =	vld [tilespmem:s11+$0x2780];
	[tilespmem:s11+$0x26F0] =	vst v3;
	v3 =	vmul.f32 v39, v42  }
0x172: {  	v49 =	vld [tilespmem:s11+$0x2770];
	v51 =	vmul.f32 v44, v42;
	[tilespmem:s11+$0x2720] =	vst v48  }
0x173: {  	v53 =	vld [tilespmem:s11+$0x27A0];
	[tilespmem:s11+$0x2710] =	vst v3;
	v3 =	vmul.f32 v43, v42  }
0x174: {  	v2 =	vbroadcast v2, $0xF;
	v52 =	vld [tilespmem:s11+$0x2790];
	v54 =	vmul.f32 v47, v42;
	[tilespmem:s11+$0x2740] =	vst v51  }
0x175: {  	v56 =	vld [tilespmem:s11+$0x27C0];
	[tilespmem:s11+$0x2730] =	vst v3;
	v3 =	vmul.f32 v46, v42  }
0x176: {  	v57 =	vmul.f32 v50, v2;
	[tilespmem:s11+$0x2760] =	vst v54;
	v55 =	vld [tilespmem:s11+$0x27B0]  }
0x177: {  	v59 =	vld [tilespmem:s11+$0x27E0];
	[tilespmem:s11+$0x2750] =	vst v3;
	v3 =	vmul.f32 v49, v42  }
0x178: {  	v58 =	vld [tilespmem:s11+$0x27D0];
	v60 =	vmul.f32 v53, v2;
	[tilespmem:s11+$0x2780] =	vst v57  }
0x179: {  	v61 =	vld [tilespmem:s11+$0x27F0];
	[tilespmem:s11+$0x2770] =	vst v3;
	v3 =	vmul.f32 v52, v2  }
0x17a: {  	[tilespmem:s11+$0x27A0] =	vst v60;
	v62 =	vmul.f32 v56, v2  }
0x17b: {  	p1 =	slt.u32 s10, $0x6;
	[tilespmem:s11+$0x2790] =	vst v3;
	v3 =	vmul.f32 v55, v2  }
.Ltmp3:
0x17c: {  	[tilespmem:s11+$0x27C0] =	vst v62;
	v63 =	vmul.f32 v59, v2;
	(pc) =	sbr.rel @p1 .LBB2_5-.Ltmp3, $4  }
0x17d: {  	[tilespmem:s11+$0x27B0] =	vst v3;
	v3 =	vmul.f32 v58, v2  }
0x17e: {  	[tilespmem:s11+$0x27E0] =	vst v63;
	v2 =	vmul.f32 v61, v2  }
0x17f: {  	s12 =	sadd.s32 $0x2, s10;
	[tilespmem:s11+$0x27D0] =	vst v3  }
0x180: {  	s10 =	smov.u32 s12;
	[tilespmem:s11+$0x27F0] =	vst v2  }
0x181: {  	s3 =	sand.u32 $0x7, s3  }
0x182: {  	p1 =	sne.s32 @!p0 s3, $0x7  }
0x183: {  	p0 =	por p0, p1  }
.Ltmp4:
0x184: {  	_ = 	snop;
	(pc) =	sbr.rel @p0 .LBB2_8-.Ltmp4, $4  }
0x185: {  	_ = 	snop  }
0x186: {  	s21 =	sor.u32 $0x800, s21  }
0x187: {  	s9 =	sadd.s32 s9, s21  }
0x188: {  	[spmem:s4] =	stream.indirect.scatter.add.f32 [tilespmem:s19], [sflag:$0x3], $0x80, s9, s24, $0xb8;
	[tilespmem:$0x1D400] =	vst v63  }
0x189: {  	_ =	swait.ge [sflag:s23], $0x400  }
0x18a: {  	[sflag:s23] =	ssyncset.done $0x0  }
0x18b: {  	[sflag:s23] =	ssyncadd.s32 $0xFFFFFC00  }
0x18c: {  	_ =	swait.ge [sflag:s23], $0x400  }
0x18d: {  	[sflag:s23] =	ssyncset.done $0x0  }
0x18e: {  	[sflag:s23] =	ssyncadd.s32 $0xFFFFFC00  }
0x18f: {  	_ =	swait.ge [sflag:s23], $0x400  }
0x190: {  	[sflag:s23] =	ssyncset.done $0x0  }
0x191: {  	[sflag:s23] =	ssyncadd.s32 $0xFFFFFC00  }
.LBB2_9:
0x192: {  	_ =	swait.ge [sflag:s28], $0x4000;
	s9 =	sadd.s32 $0x400, s22  }
0x193: {  	[sflag:s28] =	ssyncset.done $0x0;
	s9 =	sand.u32 $0x1C00, s9  }
0x194: {  	[sflag:s28] =	ssyncadd.s32 $0xFFFFC000;
	s9 =	sshrl.u32 s9, $0x2  }
0x195: {  	[tilespmem:s19], [sflag:$0x1] =	stream.indirect.gather [hbm4b:s0+s24], $0x80, s9, s24, $0xb8;
	[tilespmem:$0x1D400] =	vst v63  }
.LBB2_10:
0x196: {  	s3 =	sshll.u32 s3, $0x9  }
0x197: {  	s3 =	sshrl.u32 s3, $0x2  }
0x198: {  	s9 =	sadd.s32 s3, s2  }
0x199: {  	_ =	swait.ge [sflag:s29], $0x4000;
	v1 =	vmov s9  }
0x19a: {  	[sflag:s29] =	ssyncset.done $0x0  }
0x19b: {  	[sflag:s29] =	ssyncadd.s32 $0xFFFFC000;
	s2 =	simm.s32 $0x0  }
.LBB2_11:
0x19c: {  	s10 =	sshll.u32 s2, $0x4  }
0x19d: {  	s9 =	sand.u32 $0x3FFFFFF0, s10  }
0x19e: {  	s12 =	sshll.u32 s2, $0xB;
	v3 =	vld.idx.msk [tilespmem:v1+s9+$0x0 ss:$0x1], $0xffff  }
0x19f: {  	s9 =	sand.u32 $0x3FFFF800, s12  }
0x1a0: {  	v2 =	vld [tilespmem:s9+$0x5800]  }
0x1a1: {  	v4 =	vld [tilespmem:s9+$0x5810]  }
0x1a2: {  	v5 =	vld [tilespmem:s9+$0x5820]  }
0x1a3: {  	v7 =	vld [tilespmem:s9+$0x5830];
	v6 =	vbroadcast v3, $0x0  }
0x1a4: {  	v8 =	vld [tilespmem:s9+$0x5840]  }
0x1a5: {  	v9 =	vld [tilespmem:s9+$0x5850];
	v2 =	vmul.f32 v6, v2  }
0x1a6: {  	v10 =	vld [tilespmem:s9+$0x5860];
	v4 =	vmul.f32 v4, v6  }
0x1a7: {  	[tilespmem:s9+$0x5800] =	vst v2;
	v2 =	vmul.f32 v5, v6  }
0x1a8: {  	v20 =	vmul.f32 v7, v6;
	[tilespmem:s9+$0x5810] =	vst v4  }
0x1a9: {  	[tilespmem:s9+$0x5820] =	vst v2;
	v2 =	vmul.f32 v8, v6  }
0x1aa: {  	v21 =	vmul.f32 v9, v6;
	[tilespmem:s9+$0x5830] =	vst v20  }
0x1ab: {  	[tilespmem:s9+$0x5840] =	vst v2;
	v2 =	vmul.f32 v10, v6  }
0x1ac: {  	[tilespmem:s9+$0x5850] =	vst v21  }
0x1ad: {  	[tilespmem:s9+$0x5860] =	vst v2  }
0x1ae: {  	v2 =	vld [tilespmem:s9+$0x5870]  }
0x1af: {  	v22 =	vld [tilespmem:s9+$0x5880]  }
0x1b0: {  	v23 =	vld [tilespmem:s9+$0x5890]  }
0x1b1: {  	v24 =	vld [tilespmem:s9+$0x58A0]  }
0x1b2: {  	v25 =	vld [tilespmem:s9+$0x58B0]  }
0x1b3: {  	v26 =	vbroadcast v3, $0x1;
	v27 =	vld [tilespmem:s9+$0x58C0]  }
0x1b4: {  	v28 =	vld [tilespmem:s9+$0x58D0];
	v2 =	vmul.f32 v2, v6  }
0x1b5: {  	v11 =	vld [tilespmem:s9+$0x58E0];
	v4 =	vmul.f32 v22, v26  }
0x1b6: {  	v29 =	vld [tilespmem:s9+$0x58F0];
	v30 =	vmul.f32 v24, v26;
	[tilespmem:s9+$0x5870] =	vst v2  }
0x1b7: {  	v31 =	vld [tilespmem:s9+$0x5900];
	v2 =	vmul.f32 v23, v26;
	[tilespmem:s9+$0x5880] =	vst v4  }
0x1b8: {  	v32 =	vld [tilespmem:s9+$0x5910];
	v33 =	vmul.f32 v27, v26;
	[tilespmem:s9+$0x58A0] =	vst v30  }
0x1b9: {  	v34 =	vld [tilespmem:s9+$0x5920];
	[tilespmem:s9+$0x5890] =	vst v2;
	v2 =	vmul.f32 v25, v26  }
0x1ba: {  	v37 =	vbroadcast v3, $0x2;
	v35 =	vld [tilespmem:s9+$0x5930];
	v36 =	vmul.f32 v11, v26;
	[tilespmem:s9+$0x58C0] =	vst v33  }
0x1bb: {  	v12 =	vld [tilespmem:s9+$0x5940];
	[tilespmem:s9+$0x58B0] =	vst v2;
	v2 =	vmul.f32 v28, v26  }
0x1bc: {  	v38 =	vld [tilespmem:s9+$0x5950];
	v39 =	vmul.f32 v31, v37;
	[tilespmem:s9+$0x58E0] =	vst v36  }
0x1bd: {  	v40 =	vld [tilespmem:s9+$0x5960];
	[tilespmem:s9+$0x58D0] =	vst v2;
	v2 =	vmul.f32 v29, v26  }
0x1be: {  	v41 =	vld [tilespmem:s9+$0x5970];
	v42 =	vmul.f32 v34, v37;
	[tilespmem:s9+$0x5900] =	vst v39  }
0x1bf: {  	v43 =	vld [tilespmem:s9+$0x5980];
	[tilespmem:s9+$0x58F0] =	vst v2;
	v2 =	vmul.f32 v32, v37  }
0x1c0: {  	v44 =	vld [tilespmem:s9+$0x5990];
	v45 =	vmul.f32 v12, v37;
	[tilespmem:s9+$0x5920] =	vst v42  }
0x1c1: {  	v46 =	vld [tilespmem:s9+$0x59A0];
	[tilespmem:s9+$0x5910] =	vst v2;
	v2 =	vmul.f32 v35, v37  }
0x1c2: {  	v49 =	vbroadcast v3, $0x3;
	v47 =	vld [tilespmem:s9+$0x59B0];
	v48 =	vmul.f32 v40, v37;
	[tilespmem:s9+$0x5940] =	vst v45  }
0x1c3: {  	v50 =	vld [tilespmem:s9+$0x59C0];
	[tilespmem:s9+$0x5930] =	vst v2;
	v2 =	vmul.f32 v38, v37  }
0x1c4: {  	v51 =	vld [tilespmem:s9+$0x59D0];
	v52 =	vmul.f32 v43, v49;
	[tilespmem:s9+$0x5960] =	vst v48  }
0x1c5: {  	v53 =	vld [tilespmem:s9+$0x59E0];
	[tilespmem:s9+$0x5950] =	vst v2;
	v2 =	vmul.f32 v41, v37  }
0x1c6: {  	v54 =	vld [tilespmem:s9+$0x59F0];
	v55 =	vmul.f32 v46, v49;
	[tilespmem:s9+$0x5980] =	vst v52  }
0x1c7: {  	v56 =	vld [tilespmem:s9+$0x5A00];
	[tilespmem:s9+$0x5970] =	vst v2;
	v2 =	vmul.f32 v44, v49  }
0x1c8: {  	v57 =	vld [tilespmem:s9+$0x5A10];
	v58 =	vmul.f32 v50, v49;
	[tilespmem:s9+$0x59A0] =	vst v55  }
0x1c9: {  	v59 =	vld [tilespmem:s9+$0x5A20];
	[tilespmem:s9+$0x5990] =	vst v2;
	v2 =	vmul.f32 v47, v49  }
0x1ca: {  	v62 =	vbroadcast v3, $0x4;
	v60 =	vld [tilespmem:s9+$0x5A30];
	v61 =	vmul.f32 v53, v49;
	[tilespmem:s9+$0x59C0] =	vst v58  }
0x1cb: {  	v63 =	vld [tilespmem:s9+$0x5A40];
	[tilespmem:s9+$0x59B0] =	vst v2;
	v2 =	vmul.f32 v51, v49  }
0x1cc: {  	v14 =	vld [tilespmem:s9+$0x5A50];
	v15 =	vmul.f32 v56, v62;
	[tilespmem:s9+$0x59E0] =	vst v61  }
0x1cd: {  	v16 =	vld [tilespmem:s9+$0x5A60];
	[tilespmem:s9+$0x59D0] =	vst v2;
	v2 =	vmul.f32 v54, v49  }
0x1ce: {  	v17 =	vld [tilespmem:s9+$0x5A70];
	v18 =	vmul.f32 v59, v62;
	[tilespmem:s9+$0x5A00] =	vst v15  }
0x1cf: {  	v19 =	vld [tilespmem:s9+$0x5A80];
	[tilespmem:s9+$0x59F0] =	vst v2;
	v2 =	vmul.f32 v57, v62  }
0x1d0: {  	v20 =	vld [tilespmem:s9+$0x5A90];
	v21 =	vmul.f32 v63, v62;
	[tilespmem:s9+$0x5A20] =	vst v18  }
0x1d1: {  	v22 =	vld [tilespmem:s9+$0x5AA0];
	[tilespmem:s9+$0x5A10] =	vst v2;
	v2 =	vmul.f32 v60, v62  }
0x1d2: {  	v24 =	vmul.f32 v16, v62;
	v27 =	vld [tilespmem:s9+$0x5AD0];
	[tilespmem:s9+$0x5A40] =	vst v21;
	v25 =	vbroadcast v3, $0x5  }
0x1d3: {  	v58 =	vld [tilespmem:s9+$0x5C00];
	[tilespmem:s9+$0x5A30] =	vst v2;
	v2 =	vmul.f32 v14, v62  }
0x1d4: {  	v23 =	vld [tilespmem:s9+$0x5AB0];
	[tilespmem:s9+$0x5A60] =	vst v24;
	v28 =	vmul.f32 v19, v25  }
0x1d5: {  	v61 =	vld [tilespmem:s9+$0x5C20];
	[tilespmem:s9+$0x5A50] =	vst v2;
	v2 =	vmul.f32 v17, v62  }
0x1d6: {  	v40 =	vld [tilespmem:s9+$0x5B50];
	v16 =	vbroadcast v3, $0x8;
	v31 =	vmul.f32 v22, v25;
	[tilespmem:s9+$0x5A80] =	vst v28  }
0x1d7: {  	v26 =	vld [tilespmem:s9+$0x5AC0];
	[tilespmem:s9+$0x5A70] =	vst v2;
	v2 =	vmul.f32 v20, v25  }
0x1d8: {  	v30 =	vld [tilespmem:s9+$0x5AF0];
	v19 =	vmul.f32 v58, v16;
	[tilespmem:s9+$0x5AA0] =	vst v31  }
0x1d9: {  	v29 =	vld [tilespmem:s9+$0x5AE0];
	[tilespmem:s9+$0x5A90] =	vst v2;
	v2 =	vmul.f32 v23, v25  }
0x1da: {  	v33 =	vld [tilespmem:s9+$0x5B10];
	v22 =	vmul.f32 v61, v16;
	[tilespmem:s9+$0x5C00] =	vst v19  }
0x1db: {  	v32 =	vld [tilespmem:s9+$0x5B00];
	[tilespmem:s9+$0x5AB0] =	vst v2;
	v2 =	vmul.f32 v27, v25  }
0x1dc: {  	v36 =	vld [tilespmem:s9+$0x5B30];
	[tilespmem:s9+$0x5C20] =	vst v22;
	v34 =	vmul.f32 v26, v25  }
0x1dd: {  	v42 =	vld [tilespmem:s9+$0x5B60];
	v38 =	vbroadcast v3, $0x6;
	[tilespmem:s9+$0x5AD0] =	vst v2;
	v2 =	vmul.f32 v30, v25  }
0x1de: {  	v43 =	vld [tilespmem:s9+$0x5B70];
	[tilespmem:s9+$0x5AC0] =	vst v34;
	v37 =	vmul.f32 v29, v25  }
0x1df: {  	v35 =	vld [tilespmem:s9+$0x5B20];
	[tilespmem:s9+$0x5AF0] =	vst v2;
	v2 =	vmul.f32 v33, v38  }
0x1e0: {  	v46 =	vld [tilespmem:s9+$0x5B90];
	v41 =	vmul.f32 v32, v38;
	[tilespmem:s9+$0x5AE0] =	vst v37  }
0x1e1: {  	v26 =	vld [tilespmem:s9+$0x5CA0];
	[tilespmem:s9+$0x5B10] =	vst v2;
	v2 =	vmul.f32 v36, v38  }
0x1e2: {  	v53 =	vld [tilespmem:s9+$0x5BD0];
	v50 =	vmul.f32 v42, v38;
	[tilespmem:s9+$0x5B00] =	vst v41  }
0x1e3: {  	v39 =	vld [tilespmem:s9+$0x5B40];
	[tilespmem:s9+$0x5B30] =	vst v2;
	v2 =	vmul.f32 v40, v38  }
0x1e4: {  	v29 =	vbroadcast v3, $0x9;
	v44 =	vmul.f32 v35, v38;
	[tilespmem:s9+$0x5B60] =	vst v50;
	v49 =	vld [tilespmem:s9+$0x5BB0]  }
0x1e5: {  	v45 =	vld [tilespmem:s9+$0x5B80];
	v51 =	vbroadcast v3, $0x7;
	[tilespmem:s9+$0x5B50] =	vst v2;
	v2 =	vmul.f32 v43, v38  }
0x1e6: {  	v56 =	vld [tilespmem:s9+$0x5BF0];
	v35 =	vmul.f32 v26, v29;
	[tilespmem:s9+$0x5B20] =	vst v44  }
0x1e7: {  	v55 =	vld [tilespmem:s9+$0x5BE0];
	[tilespmem:s9+$0x5B70] =	vst v2;
	v2 =	vmul.f32 v46, v51  }
0x1e8: {  	v59 =	vld [tilespmem:s9+$0x5C10];
	v47 =	vmul.f32 v39, v38;
	[tilespmem:s9+$0x5CA0] =	vst v35  }
0x1e9: {  	v48 =	vld [tilespmem:s9+$0x5BA0];
	[tilespmem:s9+$0x5B90] =	vst v2;
	v2 =	vmul.f32 v49, v51  }
0x1ea: {  	v52 =	vld [tilespmem:s9+$0x5BC0];
	[tilespmem:s9+$0x5B40] =	vst v47;
	v54 =	vmul.f32 v45, v51  }
0x1eb: {  	v39 =	vld [tilespmem:s9+$0x5D20];
	[tilespmem:s9+$0x5BB0] =	vst v2;
	v2 =	vmul.f32 v53, v51  }
0x1ec: {  	v63 =	vmul.f32 v55, v51;
	[tilespmem:s9+$0x5B80] =	vst v54;
	v62 =	vld [tilespmem:s9+$0x5C30]  }
0x1ed: {  	v18 =	vld [tilespmem:s9+$0x5C50];
	[tilespmem:s9+$0x5BD0] =	vst v2;
	v2 =	vmul.f32 v56, v51  }
0x1ee: {  	v21 =	vld [tilespmem:s9+$0x5C70];
	v42 =	vbroadcast v3, $0xA;
	v57 =	vmul.f32 v48, v51;
	[tilespmem:s9+$0x5BE0] =	vst v63  }
0x1ef: {  	v60 =	vmul.f32 v52, v51;
	v52 =	vld [tilespmem:s9+$0x5DA0];
	[tilespmem:s9+$0x5BF0] =	vst v2;
	v2 =	vmul.f32 v59, v16  }
0x1f0: {  	v24 =	vld [tilespmem:s9+$0x5C90];
	v48 =	vmul.f32 v39, v42;
	[tilespmem:s9+$0x5BA0] =	vst v57  }
0x1f1: {  	v20 =	vld [tilespmem:s9+$0x5C60];
	[tilespmem:s9+$0x5C10] =	vst v2;
	v2 =	vmul.f32 v62, v16  }
0x1f2: {  	v31 =	vld [tilespmem:s9+$0x5CD0];
	v55 =	vbroadcast v3, $0xB;
	[tilespmem:s9+$0x5D20] =	vst v48  }
0x1f3: {  	v17 =	vld [tilespmem:s9+$0x5C40];
	[tilespmem:s9+$0x5C30] =	vst v2;
	v2 =	vmul.f32 v18, v16  }
0x1f4: {  	[tilespmem:s9+$0x5BC0] =	vst v60;
	v61 =	vmul.f32 v52, v55;
	v27 =	vld [tilespmem:s9+$0x5CB0]  }
0x1f5: {  	v23 =	vld [tilespmem:s9+$0x5C80];
	[tilespmem:s9+$0x5C50] =	vst v2;
	v2 =	vmul.f32 v21, v16  }
0x1f6: {  	v34 =	vld [tilespmem:s9+$0x5CF0];
	[tilespmem:s9+$0x5DA0] =	vst v61;
	v28 =	vmul.f32 v20, v16  }
0x1f7: {  	v20 =	vld [tilespmem:s9+$0x5E40];
	[tilespmem:s9+$0x5C70] =	vst v2;
	v2 =	vmul.f32 v24, v29  }
0x1f8: {  	v37 =	vld [tilespmem:s9+$0x5D10];
	v25 =	vmul.f32 v17, v16;
	[tilespmem:s9+$0x5C60] =	vst v28  }
0x1f9: {  	v26 =	vld [tilespmem:s9+$0x5E80];
	[tilespmem:s9+$0x5C90] =	vst v2;
	v2 =	vmul.f32 v27, v29  }
0x1fa: {  	v19 =	vbroadcast v3, $0xC;
	v50 =	vld [tilespmem:s9+$0x5D90];
	v32 =	vmul.f32 v23, v29;
	[tilespmem:s9+$0x5C40] =	vst v25  }
0x1fb: {  	v33 =	vld [tilespmem:s9+$0x5CE0];
	[tilespmem:s9+$0x5CB0] =	vst v2;
	v2 =	vmul.f32 v31, v29  }
0x1fc: {  	[tilespmem:s9+$0x5C80] =	vst v32;
	v32 =	vbroadcast v3, $0xD;
	v28 =	vmul.f32 v20, v19;
	v40 =	vld [tilespmem:s9+$0x5D30]  }
0x1fd: {  	v30 =	vld [tilespmem:s9+$0x5CC0];
	[tilespmem:s9+$0x5CD0] =	vst v2;
	v2 =	vmul.f32 v34, v29  }
0x1fe: {  	v44 =	vld [tilespmem:s9+$0x5D50];
	v35 =	vmul.f32 v26, v32;
	[tilespmem:s9+$0x5E40] =	vst v28  }
0x1ff: {  	v36 =	vld [tilespmem:s9+$0x5D00];
	[tilespmem:s9+$0x5CF0] =	vst v2;
	v2 =	vmul.f32 v37, v42  }
0x200: {  	v47 =	vld [tilespmem:s9+$0x5D70];
	v41 =	vmul.f32 v33, v29;
	[tilespmem:s9+$0x5E80] =	vst v35  }
0x201: {  	v33 =	vld [tilespmem:s9+$0x5EC0];
	[tilespmem:s9+$0x5D10] =	vst v2;
	v2 =	vmul.f32 v40, v42  }
0x202: {  	v63 =	vld [tilespmem:s9+$0x5E10];
	v38 =	vmul.f32 v30, v29;
	[tilespmem:s9+$0x5CE0] =	vst v41  }
0x203: {  	v39 =	vld [tilespmem:s9+$0x5F00];
	[tilespmem:s9+$0x5D30] =	vst v2;
	v2 =	vmul.f32 v44, v42  }
0x204: {  	v45 =	vmul.f32 v36, v42;
	[tilespmem:s9+$0x5CC0] =	vst v38;
	v53 =	vld [tilespmem:s9+$0x5DB0]  }
0x205: {  	v52 =	vld [tilespmem:s9+$0x5F80];
	[tilespmem:s9+$0x5D50] =	vst v2;
	v2 =	vmul.f32 v47, v42  }
0x206: {  	v57 =	vld [tilespmem:s9+$0x5DD0];
	[tilespmem:s9+$0x5D00] =	vst v45;
	v45 =	vbroadcast v3, $0xE;
	v41 =	vmul.f32 v33, v32  }
0x207: {  	v46 =	vld [tilespmem:s9+$0x5D60];
	[tilespmem:s9+$0x5D70] =	vst v2;
	v2 =	vmul.f32 v50, v55  }
0x208: {  	v60 =	vld [tilespmem:s9+$0x5DF0];
	v3 =	vbroadcast v3, $0xF;
	v48 =	vmul.f32 v39, v45;
	[tilespmem:s9+$0x5EC0] =	vst v41  }
0x209: {  	v43 =	vld [tilespmem:s9+$0x5D40];
	[tilespmem:s9+$0x5D90] =	vst v2;
	v2 =	vmul.f32 v53, v55  }
0x20a: {  	v17 =	vld [tilespmem:s9+$0x5E30];
	v61 =	vmul.f32 v52, v3;
	[tilespmem:s9+$0x5F00] =	vst v48  }
0x20b: {  	v49 =	vld [tilespmem:s9+$0x5D80];
	[tilespmem:s9+$0x5DB0] =	vst v2;
	v2 =	vmul.f32 v57, v55  }
0x20c: {  	v23 =	vld [tilespmem:s9+$0x5E60];
	v54 =	vmul.f32 v46, v42;
	[tilespmem:s9+$0x5F80] =	vst v61  }
0x20d: {  	v56 =	vld [tilespmem:s9+$0x5DC0];
	[tilespmem:s9+$0x5DD0] =	vst v2;
	v2 =	vmul.f32 v60, v55  }
0x20e: {  	v51 =	vmul.f32 v43, v42;
	[tilespmem:s9+$0x5D60] =	vst v54;
	v21 =	vld [tilespmem:s9+$0x5E50]  }
0x20f: {  	v43 =	vld [tilespmem:s9+$0x5F30];
	[tilespmem:s9+$0x5DF0] =	vst v2;
	v2 =	vmul.f32 v63, v19  }
0x210: {  	v58 =	vmul.f32 v49, v55;
	[tilespmem:s9+$0x5D40] =	vst v51;
	v24 =	vld [tilespmem:s9+$0x5E70]  }
0x211: {  	v49 =	vld [tilespmem:s9+$0x5F60];
	[tilespmem:s9+$0x5E10] =	vst v2;
	v2 =	vmul.f32 v17, v19  }
0x212: {  	[tilespmem:s9+$0x5D80] =	vst v58;
	v15 =	vmul.f32 v56, v55;
	v27 =	vld [tilespmem:s9+$0x5E90]  }
0x213: {  	v59 =	vld [tilespmem:s9+$0x5DE0];
	[tilespmem:s9+$0x5E30] =	vst v2;
	v2 =	vmul.f32 v21, v19  }
0x214: {  	v30 =	vld [tilespmem:s9+$0x5EB0];
	v6 =	vmul.f32 v43, v45;
	[tilespmem:s9+$0x5DC0] =	vst v15  }
0x215: {  	v62 =	vld [tilespmem:s9+$0x5E00];
	[tilespmem:s9+$0x5E50] =	vst v2;
	v2 =	vmul.f32 v24, v19  }
0x216: {  	v56 =	vmul.f32 v49, v45;
	[tilespmem:s9+$0x5F30] =	vst v6;
	v34 =	vld [tilespmem:s9+$0x5ED0]  }
0x217: {  	v16 =	vld [tilespmem:s9+$0x5E20];
	[tilespmem:s9+$0x5E70] =	vst v2;
	v2 =	vmul.f32 v27, v32  }
0x218: {  	v18 =	vmul.f32 v59, v55;
	[tilespmem:s9+$0x5F60] =	vst v56;
	v37 =	vld [tilespmem:s9+$0x5EF0]  }
0x219: {  	v20 =	vld [tilespmem:s9+$0x5FC0];
	[tilespmem:s9+$0x5E90] =	vst v2;
	v2 =	vmul.f32 v30, v32  }
0x21a: {  	v36 =	vld [tilespmem:s9+$0x5EE0];
	[tilespmem:s9+$0x5DE0] =	vst v18;
	v22 =	vmul.f32 v62, v19  }
0x21b: {  	v29 =	vld [tilespmem:s9+$0x5EA0];
	[tilespmem:s9+$0x5EB0] =	vst v2;
	v2 =	vmul.f32 v34, v32  }
0x21c: {  	[tilespmem:s9+$0x5E00] =	vst v22;
	v22 =	vld [tilespmem:s9+$0x5FE0];
	v25 =	vmul.f32 v16, v19  }
0x21d: {  	v46 =	vld [tilespmem:s9+$0x5F40];
	[tilespmem:s9+$0x5ED0] =	vst v2;
	v2 =	vmul.f32 v37, v32  }
0x21e: {  	s10 =	sor.u32 $0x10, s10;
	v31 =	vmul.f32 v23, v19;
	[tilespmem:s9+$0x5E20] =	vst v25;
	v40 =	vld [tilespmem:s9+$0x5F10]  }
0x21f: {  	v25 =	vmul.f32 v20, v3;
	[tilespmem:s9+$0x5EF0] =	vst v2;
	v2 =	vld.idx.msk [tilespmem:v1+s10+$0x0 ss:$0x1], $0xffff;
	s10 =	sshll.u32 s10, $0x7  }
0x220: {  	[tilespmem:s9+$0x5E60] =	vst v31;
	v38 =	vmul.f32 v29, v32;
	v42 =	vld [tilespmem:s9+$0x5F20];
	s10 =	sand.u32 $0x3FFFF800, s10  }
0x221: {  	[tilespmem:s9+$0x5FC0] =	vst v25;
	v29 =	vmul.f32 v22, v3;
	v54 =	vld [tilespmem:s10+$0x5800]  }
0x222: {  	v44 =	vmul.f32 v36, v32;
	[tilespmem:s9+$0x5EA0] =	vst v38;
	v55 =	vld [tilespmem:s10+$0x5810]  }
0x223: {  	[tilespmem:s9+$0x5FE0] =	vst v29;
	v7 =	vmul.f32 v40, v45;
	v57 =	vld [tilespmem:s10+$0x5820]  }
0x224: {  	[tilespmem:s9+$0x5EE0] =	vst v44;
	v53 =	vmul.f32 v46, v45;
	v60 =	vld [tilespmem:s10+$0x5830];
	v59 =	vbroadcast v2, $0x0  }
0x225: {  	[tilespmem:s9+$0x5F10] =	vst v7;
	v51 =	vmul.f32 v42, v45;
	v62 =	vld [tilespmem:s10+$0x5840]  }
0x226: {  	[tilespmem:s9+$0x5F40] =	vst v53;
	v12 =	vld [tilespmem:s10+$0x5850];
	v63 =	vmul.f32 v59, v54  }
0x227: {  	[tilespmem:s9+$0x5F20] =	vst v51;
	v14 =	vld [tilespmem:s10+$0x5860];
	v13 =	vmul.f32 v55, v59  }
0x228: {  	v16 =	vld [tilespmem:s10+$0x5870];
	v15 =	vmul.f32 v57, v59;
	[tilespmem:s10+$0x5800] =	vst v63  }
0x229: {  	v47 =	vld [tilespmem:s9+$0x5F50];
	v10 =	vmul.f32 v60, v59;
	[tilespmem:s10+$0x5810] =	vst v13  }
0x22a: {  	v50 =	vld [tilespmem:s9+$0x5F70];
	v7 =	vmul.f32 v62, v59;
	[tilespmem:s10+$0x5820] =	vst v15  }
0x22b: {  	v18 =	vld [tilespmem:s9+$0x5FA0];
	v11 =	vmul.f32 v12, v59;
	[tilespmem:s10+$0x5830] =	vst v10  }
0x22c: {  	v17 =	vld [tilespmem:s9+$0x5F90];
	v6 =	vmul.f32 v14, v59;
	[tilespmem:s10+$0x5840] =	vst v7  }
0x22d: {  	v21 =	vld [tilespmem:s9+$0x5FD0];
	v8 =	vmul.f32 v16, v59;
	[tilespmem:s10+$0x5850] =	vst v11  }
0x22e: {  	v5 =	vmul.f32 v47, v45;
	v19 =	vld [tilespmem:s9+$0x5FB0];
	[tilespmem:s10+$0x5860] =	vst v6  }
0x22f: {  	v23 =	vld [tilespmem:s9+$0x5FF0];
	v58 =	vmul.f32 v50, v45;
	[tilespmem:s10+$0x5870] =	vst v8  }
0x230: {  	[tilespmem:s9+$0x5F50] =	vst v5;
	v5 =	vmul.f32 v18, v3;
	v8 =	vld [tilespmem:s9+$0x6080]  }
0x231: {  	[tilespmem:s9+$0x5F70] =	vst v58;
	v4 =	vmul.f32 v17, v3;
	v26 =	vld [tilespmem:s9+$0x6090]  }
0x232: {  	[tilespmem:s9+$0x5FA0] =	vst v5;
	v27 =	vmul.f32 v21, v3;
	v28 =	vld [tilespmem:s9+$0x60A0]  }
0x233: {  	[tilespmem:s9+$0x5F90] =	vst v4;
	v24 =	vmul.f32 v19, v3;
	v30 =	vbroadcast v2, $0x1;
	v32 =	vld [tilespmem:s9+$0x60C0]  }
0x234: {  	[tilespmem:s9+$0x5FD0] =	vst v27;
	v3 =	vmul.f32 v23, v3;
	v31 =	vld [tilespmem:s9+$0x60B0]  }
0x235: {  	[tilespmem:s9+$0x5FB0] =	vst v24;
	v35 =	vld [tilespmem:s9+$0x60E0];
	v33 =	vmul.f32 v8, v30  }
0x236: {  	[tilespmem:s9+$0x5FF0] =	vst v3;
	v34 =	vld [tilespmem:s9+$0x60D0];
	v3 =	vmul.f32 v26, v30  }
0x237: {  	v38 =	vld [tilespmem:s9+$0x6100];
	v36 =	vmul.f32 v28, v30;
	[tilespmem:s9+$0x6080] =	vst v33  }
0x238: {  	v37 =	vld [tilespmem:s9+$0x60F0];
	v4 =	vmul.f32 v32, v30;
	[tilespmem:s9+$0x6090] =	vst v3  }
0x239: {  	v40 =	vld [tilespmem:s9+$0x6120];
	v3 =	vmul.f32 v31, v30;
	[tilespmem:s9+$0x60A0] =	vst v36  }
0x23a: {  	v42 =	vbroadcast v2, $0x2;
	v39 =	vld [tilespmem:s9+$0x6110];
	v41 =	vmul.f32 v35, v30;
	[tilespmem:s9+$0x60C0] =	vst v4  }
0x23b: {  	v44 =	vld [tilespmem:s9+$0x6140];
	[tilespmem:s9+$0x60B0] =	vst v3;
	v3 =	vmul.f32 v34, v30  }
0x23c: {  	v43 =	vld [tilespmem:s9+$0x6130];
	v45 =	vmul.f32 v38, v42;
	[tilespmem:s9+$0x60E0] =	vst v41  }
0x23d: {  	v47 =	vld [tilespmem:s9+$0x6160];
	[tilespmem:s9+$0x60D0] =	vst v3;
	v3 =	vmul.f32 v37, v30  }
0x23e: {  	v46 =	vld [tilespmem:s9+$0x6150];
	v48 =	vmul.f32 v40, v42;
	[tilespmem:s9+$0x6100] =	vst v45  }
0x23f: {  	v50 =	vld [tilespmem:s9+$0x6180];
	[tilespmem:s9+$0x60F0] =	vst v3;
	v3 =	vmul.f32 v39, v42  }
0x240: {  	v49 =	vld [tilespmem:s9+$0x6170];
	v51 =	vmul.f32 v44, v42;
	[tilespmem:s9+$0x6120] =	vst v48  }
0x241: {  	v53 =	vld [tilespmem:s9+$0x61A0];
	[tilespmem:s9+$0x6110] =	vst v3;
	v3 =	vmul.f32 v43, v42  }
0x242: {  	v55 =	vbroadcast v2, $0x3;
	v52 =	vld [tilespmem:s9+$0x6190];
	v54 =	vmul.f32 v47, v42;
	[tilespmem:s9+$0x6140] =	vst v51  }
0x243: {  	v57 =	vld [tilespmem:s9+$0x61C0];
	[tilespmem:s9+$0x6130] =	vst v3;
	v3 =	vmul.f32 v46, v42  }
0x244: {  	v56 =	vld [tilespmem:s9+$0x61B0];
	v58 =	vmul.f32 v50, v55;
	[tilespmem:s9+$0x6160] =	vst v54  }
0x245: {  	v60 =	vld [tilespmem:s9+$0x61E0];
	[tilespmem:s9+$0x6150] =	vst v3;
	v3 =	vmul.f32 v49, v42  }
0x246: {  	v59 =	vld [tilespmem:s9+$0x61D0];
	v61 =	vmul.f32 v53, v55;
	[tilespmem:s9+$0x6180] =	vst v58  }
0x247: {  	v63 =	vld [tilespmem:s9+$0x6200];
	[tilespmem:s9+$0x6170] =	vst v3;
	v3 =	vmul.f32 v52, v55  }
0x248: {  	v62 =	vld [tilespmem:s9+$0x61F0];
	v12 =	vmul.f32 v57, v55;
	[tilespmem:s9+$0x61A0] =	vst v61  }
0x249: {  	v14 =	vld [tilespmem:s9+$0x6220];
	[tilespmem:s9+$0x6190] =	vst v3;
	v3 =	vmul.f32 v56, v55  }
0x24a: {  	v16 =	vbroadcast v2, $0x4;
	v13 =	vld [tilespmem:s9+$0x6210];
	v15 =	vmul.f32 v60, v55;
	[tilespmem:s9+$0x61C0] =	vst v12  }
0x24b: {  	v18 =	vld [tilespmem:s9+$0x6240];
	[tilespmem:s9+$0x61B0] =	vst v3;
	v3 =	vmul.f32 v59, v55  }
0x24c: {  	v17 =	vld [tilespmem:s9+$0x6230];
	v19 =	vmul.f32 v63, v16;
	[tilespmem:s9+$0x61E0] =	vst v15  }
0x24d: {  	v21 =	vld [tilespmem:s9+$0x6260];
	[tilespmem:s9+$0x61D0] =	vst v3;
	v3 =	vmul.f32 v62, v55  }
0x24e: {  	v20 =	vld [tilespmem:s9+$0x6250];
	v22 =	vmul.f32 v14, v16;
	[tilespmem:s9+$0x6200] =	vst v19  }
0x24f: {  	v24 =	vld [tilespmem:s9+$0x6280];
	[tilespmem:s9+$0x61F0] =	vst v3;
	v3 =	vmul.f32 v13, v16  }
0x250: {  	v23 =	vld [tilespmem:s9+$0x6270];
	v25 =	vmul.f32 v18, v16;
	[tilespmem:s9+$0x6220] =	vst v22  }
0x251: {  	v27 =	vld [tilespmem:s9+$0x62A0];
	[tilespmem:s9+$0x6210] =	vst v3;
	v3 =	vmul.f32 v17, v16  }
0x252: {  	v29 =	vbroadcast v2, $0x5;
	v26 =	vld [tilespmem:s9+$0x6290];
	v28 =	vmul.f32 v21, v16;
	[tilespmem:s9+$0x6240] =	vst v25  }
0x253: {  	v31 =	vld [tilespmem:s9+$0x62C0];
	[tilespmem:s9+$0x6230] =	vst v3;
	v3 =	vmul.f32 v20, v16  }
0x254: {  	v32 =	vmul.f32 v24, v29;
	[tilespmem:s9+$0x6260] =	vst v28;
	v30 =	vld [tilespmem:s9+$0x62B0]  }
0x255: {  	v34 =	vld [tilespmem:s9+$0x62E0];
	[tilespmem:s9+$0x6250] =	vst v3;
	v3 =	vmul.f32 v23, v16  }
0x256: {  	v35 =	vmul.f32 v27, v29;
	v33 =	vld [tilespmem:s9+$0x62D0];
	[tilespmem:s9+$0x6280] =	vst v32  }
0x257: {  	v37 =	vld [tilespmem:s9+$0x6300];
	[tilespmem:s9+$0x6270] =	vst v3;
	v3 =	vmul.f32 v26, v29  }
0x258: {  	v36 =	vld [tilespmem:s9+$0x62F0];
	[tilespmem:s9+$0x62A0] =	vst v35;
	v38 =	vmul.f32 v31, v29  }
0x259: {  	v40 =	vld [tilespmem:s9+$0x6320];
	[tilespmem:s9+$0x6290] =	vst v3;
	v3 =	vmul.f32 v30, v29  }
0x25a: {  	v39 =	vld [tilespmem:s9+$0x6310];
	[tilespmem:s9+$0x62C0] =	vst v38;
	v41 =	vmul.f32 v34, v29;
	v42 =	vbroadcast v2, $0x6  }
0x25b: {  	v44 =	vld [tilespmem:s9+$0x6340];
	[tilespmem:s9+$0x62B0] =	vst v3;
	v3 =	vmul.f32 v33, v29  }
0x25c: {  	v43 =	vld [tilespmem:s9+$0x6330];
	[tilespmem:s9+$0x62E0] =	vst v41;
	v45 =	vmul.f32 v37, v42  }
0x25d: {  	v47 =	vld [tilespmem:s9+$0x6360];
	[tilespmem:s9+$0x62D0] =	vst v3;
	v3 =	vmul.f32 v36, v29  }
0x25e: {  	v46 =	vld [tilespmem:s9+$0x6350];
	v48 =	vmul.f32 v40, v42;
	[tilespmem:s9+$0x6300] =	vst v45  }
0x25f: {  	v50 =	vld [tilespmem:s9+$0x6380];
	[tilespmem:s9+$0x62F0] =	vst v3;
	v3 =	vmul.f32 v39, v42  }
0x260: {  	v49 =	vld [tilespmem:s9+$0x6370];
	v51 =	vmul.f32 v44, v42;
	[tilespmem:s9+$0x6320] =	vst v48  }
0x261: {  	v53 =	vld [tilespmem:s9+$0x63A0];
	[tilespmem:s9+$0x6310] =	vst v3;
	v3 =	vmul.f32 v43, v42  }
0x262: {  	v52 =	vld [tilespmem:s9+$0x6390];
	v54 =	vmul.f32 v47, v42;
	[tilespmem:s9+$0x6340] =	vst v51;
	v55 =	vbroadcast v2, $0x7  }
0x263: {  	v57 =	vld [tilespmem:s9+$0x63C0];
	[tilespmem:s9+$0x6330] =	vst v3;
	v3 =	vmul.f32 v46, v42  }
0x264: {  	v56 =	vld [tilespmem:s9+$0x63B0];
	[tilespmem:s9+$0x6360] =	vst v54;
	v58 =	vmul.f32 v50, v55  }
0x265: {  	v60 =	vld [tilespmem:s9+$0x63E0];
	[tilespmem:s9+$0x6350] =	vst v3;
	v3 =	vmul.f32 v49, v42  }
0x266: {  	v59 =	vld [tilespmem:s9+$0x63D0];
	v61 =	vmul.f32 v53, v55;
	[tilespmem:s9+$0x6380] =	vst v58  }
0x267: {  	v63 =	vld [tilespmem:s9+$0x6400];
	[tilespmem:s9+$0x6370] =	vst v3;
	v3 =	vmul.f32 v52, v55  }
0x268: {  	v62 =	vld [tilespmem:s9+$0x63F0];
	v12 =	vmul.f32 v57, v55;
	[tilespmem:s9+$0x63A0] =	vst v61  }
0x269: {  	v14 =	vld [tilespmem:s9+$0x6420];
	[tilespmem:s9+$0x6390] =	vst v3;
	v3 =	vmul.f32 v56, v55  }
0x26a: {  	v13 =	vld [tilespmem:s9+$0x6410];
	v15 =	vmul.f32 v60, v55;
	[tilespmem:s9+$0x63C0] =	vst v12;
	v16 =	vbroadcast v2, $0x8  }
0x26b: {  	v18 =	vld [tilespmem:s9+$0x6440];
	[tilespmem:s9+$0x63B0] =	vst v3;
	v3 =	vmul.f32 v59, v55  }
0x26c: {  	v17 =	vld [tilespmem:s9+$0x6430];
	[tilespmem:s9+$0x63E0] =	vst v15;
	v19 =	vmul.f32 v63, v16  }
0x26d: {  	v21 =	vld [tilespmem:s9+$0x6460];
	[tilespmem:s9+$0x63D0] =	vst v3;
	v3 =	vmul.f32 v62, v55  }
0x26e: {  	v20 =	vld [tilespmem:s9+$0x6450];
	v22 =	vmul.f32 v14, v16;
	[tilespmem:s9+$0x6400] =	vst v19  }
0x26f: {  	v24 =	vld [tilespmem:s9+$0x6480];
	[tilespmem:s9+$0x63F0] =	vst v3;
	v3 =	vmul.f32 v13, v16  }
0x270: {  	v23 =	vld [tilespmem:s9+$0x6470];
	v25 =	vmul.f32 v18, v16;
	[tilespmem:s9+$0x6420] =	vst v22  }
0x271: {  	v27 =	vld [tilespmem:s9+$0x64A0];
	[tilespmem:s9+$0x6410] =	vst v3;
	v3 =	vmul.f32 v17, v16  }
0x272: {  	v26 =	vld [tilespmem:s9+$0x6490];
	v28 =	vmul.f32 v21, v16;
	[tilespmem:s9+$0x6440] =	vst v25;
	v29 =	vbroadcast v2, $0x9  }
0x273: {  	v31 =	vld [tilespmem:s9+$0x64C0];
	[tilespmem:s9+$0x6430] =	vst v3;
	v3 =	vmul.f32 v20, v16  }
0x274: {  	v30 =	vld [tilespmem:s9+$0x64B0];
	[tilespmem:s9+$0x6460] =	vst v28;
	v32 =	vmul.f32 v24, v29  }
0x275: {  	v34 =	vld [tilespmem:s9+$0x64E0];
	[tilespmem:s9+$0x6450] =	vst v3;
	v3 =	vmul.f32 v23, v16  }
0x276: {  	v33 =	vld [tilespmem:s9+$0x64D0];
	v35 =	vmul.f32 v27, v29;
	[tilespmem:s9+$0x6480] =	vst v32  }
0x277: {  	v37 =	vld [tilespmem:s9+$0x6500];
	[tilespmem:s9+$0x6470] =	vst v3;
	v3 =	vmul.f32 v26, v29  }
0x278: {  	v36 =	vld [tilespmem:s9+$0x64F0];
	v38 =	vmul.f32 v31, v29;
	[tilespmem:s9+$0x64A0] =	vst v35  }
0x279: {  	v40 =	vld [tilespmem:s9+$0x6520];
	[tilespmem:s9+$0x6490] =	vst v3;
	v3 =	vmul.f32 v30, v29  }
0x27a: {  	v39 =	vld [tilespmem:s9+$0x6510];
	v41 =	vmul.f32 v34, v29;
	[tilespmem:s9+$0x64C0] =	vst v38;
	v42 =	vbroadcast v2, $0xA  }
0x27b: {  	v44 =	vld [tilespmem:s9+$0x6540];
	[tilespmem:s9+$0x64B0] =	vst v3;
	v3 =	vmul.f32 v33, v29  }
0x27c: {  	v43 =	vld [tilespmem:s9+$0x6530];
	[tilespmem:s9+$0x64E0] =	vst v41;
	v45 =	vmul.f32 v37, v42  }
0x27d: {  	v47 =	vld [tilespmem:s9+$0x6560];
	[tilespmem:s9+$0x64D0] =	vst v3;
	v3 =	vmul.f32 v36, v29  }
0x27e: {  	v46 =	vld [tilespmem:s9+$0x6550];
	v48 =	vmul.f32 v40, v42;
	[tilespmem:s9+$0x6500] =	vst v45  }
0x27f: {  	v50 =	vld [tilespmem:s9+$0x6580];
	[tilespmem:s9+$0x64F0] =	vst v3;
	v3 =	vmul.f32 v39, v42  }
0x280: {  	v49 =	vld [tilespmem:s9+$0x6570];
	v51 =	vmul.f32 v44, v42;
	[tilespmem:s9+$0x6520] =	vst v48  }
0x281: {  	v53 =	vld [tilespmem:s9+$0x65A0];
	[tilespmem:s9+$0x6510] =	vst v3;
	v3 =	vmul.f32 v43, v42  }
0x282: {  	v52 =	vld [tilespmem:s9+$0x6590];
	v54 =	vmul.f32 v47, v42;
	[tilespmem:s9+$0x6540] =	vst v51;
	v55 =	vbroadcast v2, $0xB  }
0x283: {  	v57 =	vld [tilespmem:s9+$0x65C0];
	[tilespmem:s9+$0x6530] =	vst v3;
	v3 =	vmul.f32 v46, v42  }
0x284: {  	v56 =	vld [tilespmem:s9+$0x65B0];
	[tilespmem:s9+$0x6560] =	vst v54;
	v58 =	vmul.f32 v50, v55  }
0x285: {  	v60 =	vld [tilespmem:s9+$0x65E0];
	[tilespmem:s9+$0x6550] =	vst v3;
	v3 =	vmul.f32 v49, v42  }
0x286: {  	v59 =	vld [tilespmem:s9+$0x65D0];
	v61 =	vmul.f32 v53, v55;
	[tilespmem:s9+$0x6580] =	vst v58  }
0x287: {  	v63 =	vld [tilespmem:s9+$0x6600];
	[tilespmem:s9+$0x6570] =	vst v3;
	v3 =	vmul.f32 v52, v55  }
0x288: {  	v62 =	vld [tilespmem:s9+$0x65F0];
	v12 =	vmul.f32 v57, v55;
	[tilespmem:s9+$0x65A0] =	vst v61  }
0x289: {  	v14 =	vld [tilespmem:s9+$0x6620];
	[tilespmem:s9+$0x6590] =	vst v3;
	v3 =	vmul.f32 v56, v55  }
0x28a: {  	v13 =	vld [tilespmem:s9+$0x6610];
	v15 =	vmul.f32 v60, v55;
	[tilespmem:s9+$0x65C0] =	vst v12;
	v16 =	vbroadcast v2, $0xC  }
0x28b: {  	v18 =	vld [tilespmem:s9+$0x6640];
	[tilespmem:s9+$0x65B0] =	vst v3;
	v3 =	vmul.f32 v59, v55  }
0x28c: {  	v17 =	vld [tilespmem:s9+$0x6630];
	[tilespmem:s9+$0x65E0] =	vst v15;
	v19 =	vmul.f32 v63, v16  }
0x28d: {  	v21 =	vld [tilespmem:s9+$0x6660];
	[tilespmem:s9+$0x65D0] =	vst v3;
	v3 =	vmul.f32 v62, v55  }
0x28e: {  	v20 =	vld [tilespmem:s9+$0x6650];
	v22 =	vmul.f32 v14, v16;
	[tilespmem:s9+$0x6600] =	vst v19  }
0x28f: {  	v24 =	vld [tilespmem:s9+$0x6680];
	[tilespmem:s9+$0x65F0] =	vst v3;
	v3 =	vmul.f32 v13, v16  }
0x290: {  	v23 =	vld [tilespmem:s9+$0x6670];
	v25 =	vmul.f32 v18, v16;
	[tilespmem:s9+$0x6620] =	vst v22  }
0x291: {  	v27 =	vld [tilespmem:s9+$0x66A0];
	[tilespmem:s9+$0x6610] =	vst v3;
	v3 =	vmul.f32 v17, v16  }
0x292: {  	v26 =	vld [tilespmem:s9+$0x6690];
	v28 =	vmul.f32 v21, v16;
	[tilespmem:s9+$0x6640] =	vst v25;
	v29 =	vbroadcast v2, $0xD  }
0x293: {  	v31 =	vld [tilespmem:s9+$0x66C0];
	[tilespmem:s9+$0x6630] =	vst v3;
	v3 =	vmul.f32 v20, v16  }
0x294: {  	v30 =	vld [tilespmem:s9+$0x66B0];
	[tilespmem:s9+$0x6660] =	vst v28;
	v32 =	vmul.f32 v24, v29  }
0x295: {  	v34 =	vld [tilespmem:s9+$0x66E0];
	[tilespmem:s9+$0x6650] =	vst v3;
	v3 =	vmul.f32 v23, v16  }
0x296: {  	v33 =	vld [tilespmem:s9+$0x66D0];
	v35 =	vmul.f32 v27, v29;
	[tilespmem:s9+$0x6680] =	vst v32  }
0x297: {  	v37 =	vld [tilespmem:s9+$0x6700];
	[tilespmem:s9+$0x6670] =	vst v3;
	v3 =	vmul.f32 v26, v29  }
0x298: {  	v36 =	vld [tilespmem:s9+$0x66F0];
	v38 =	vmul.f32 v31, v29;
	[tilespmem:s9+$0x66A0] =	vst v35  }
0x299: {  	v40 =	vld [tilespmem:s9+$0x6720];
	[tilespmem:s9+$0x6690] =	vst v3;
	v3 =	vmul.f32 v30, v29  }
0x29a: {  	v39 =	vld [tilespmem:s9+$0x6710];
	v41 =	vmul.f32 v34, v29;
	[tilespmem:s9+$0x66C0] =	vst v38;
	v42 =	vbroadcast v2, $0xE  }
0x29b: {  	v44 =	vld [tilespmem:s9+$0x6740];
	[tilespmem:s9+$0x66B0] =	vst v3;
	v3 =	vmul.f32 v33, v29  }
0x29c: {  	v43 =	vld [tilespmem:s9+$0x6730];
	[tilespmem:s9+$0x66E0] =	vst v41;
	v45 =	vmul.f32 v37, v42  }
0x29d: {  	v47 =	vld [tilespmem:s9+$0x6760];
	[tilespmem:s9+$0x66D0] =	vst v3;
	v3 =	vmul.f32 v36, v29  }
0x29e: {  	v46 =	vld [tilespmem:s9+$0x6750];
	v48 =	vmul.f32 v40, v42;
	[tilespmem:s9+$0x6700] =	vst v45  }
0x29f: {  	v50 =	vld [tilespmem:s9+$0x6780];
	[tilespmem:s9+$0x66F0] =	vst v3;
	v3 =	vmul.f32 v39, v42  }
0x2a0: {  	v49 =	vld [tilespmem:s9+$0x6770];
	v51 =	vmul.f32 v44, v42;
	[tilespmem:s9+$0x6720] =	vst v48  }
0x2a1: {  	v53 =	vld [tilespmem:s9+$0x67A0];
	[tilespmem:s9+$0x6710] =	vst v3;
	v3 =	vmul.f32 v43, v42  }
0x2a2: {  	v2 =	vbroadcast v2, $0xF;
	v52 =	vld [tilespmem:s9+$0x6790];
	v54 =	vmul.f32 v47, v42;
	[tilespmem:s9+$0x6740] =	vst v51  }
0x2a3: {  	v56 =	vld [tilespmem:s9+$0x67C0];
	[tilespmem:s9+$0x6730] =	vst v3;
	v3 =	vmul.f32 v46, v42  }
0x2a4: {  	v57 =	vmul.f32 v50, v2;
	[tilespmem:s9+$0x6760] =	vst v54;
	v55 =	vld [tilespmem:s9+$0x67B0]  }
0x2a5: {  	v59 =	vld [tilespmem:s9+$0x67E0];
	[tilespmem:s9+$0x6750] =	vst v3;
	v3 =	vmul.f32 v49, v42  }
0x2a6: {  	v58 =	vld [tilespmem:s9+$0x67D0];
	v60 =	vmul.f32 v53, v2;
	[tilespmem:s9+$0x6780] =	vst v57  }
0x2a7: {  	v61 =	vld [tilespmem:s9+$0x67F0];
	[tilespmem:s9+$0x6770] =	vst v3;
	v3 =	vmul.f32 v52, v2  }
0x2a8: {  	[tilespmem:s9+$0x67A0] =	vst v60;
	v62 =	vmul.f32 v56, v2  }
0x2a9: {  	p0 =	slt.u32 s2, $0x6;
	[tilespmem:s9+$0x6790] =	vst v3;
	v3 =	vmul.f32 v55, v2  }
.Ltmp5:
0x2aa: {  	[tilespmem:s9+$0x67C0] =	vst v62;
	v63 =	vmul.f32 v59, v2;
	(pc) =	sbr.rel @p0 .LBB2_11-.Ltmp5, $4  }
0x2ab: {  	[tilespmem:s9+$0x67B0] =	vst v3;
	v3 =	vmul.f32 v58, v2  }
0x2ac: {  	[tilespmem:s9+$0x67E0] =	vst v63;
	v2 =	vmul.f32 v61, v2  }
0x2ad: {  	s22 =	sadd.s32 $0x2, s2;
	[tilespmem:s9+$0x67D0] =	vst v3  }
0x2ae: {  	s2 =	smov.u32 s22;
	[tilespmem:s9+$0x67F0] =	vst v2  }
0x2af: {  	s31 =	sadd.s32 $0x1, s31  }
0x2b0: {  	p0 =	sne.s32 s31, $0x28  }
.Ltmp6:
0x2b1: {  	_ = 	snop;
	(pc) =	sbr.rel @p0 .LBB2_4-.Ltmp6, $4  }
.Ltmp7:
0x2b2: {  	_ = 	snop;
	(pc) =	sbr.rel @!p0 .LBB2_13-.Ltmp7, $4  }
0x2b3: {  	_ = 	snop  }
0x2b4: {  	s2 =	sadd.s32 s3, s21  }
0x2b5: {  	[spmem:s4] =	stream.indirect.scatter.add.f32 [tilespmem:s25], [sflag:$0x4], $0x80, s2, s24, $0xb8;
	[tilespmem:$0x1D400] =	vst v63  }
0x2b6: {  	_ = 	snop  }
.LBB2_8:
0x2b7: {  	p0 =	seq.s32 s31, $0x27  }
.Ltmp8:
0x2b8: {  	_ = 	snop;
	(pc) =	sbr.rel @p0 .LBB2_10-.Ltmp8, $4  }
.Ltmp9:
0x2b9: {  	_ = 	snop;
	(pc) =	sbr.rel @!p0 .LBB2_9-.Ltmp9, $4  }
0x2ba: {  	_ = 	snop  }
0x2bb: {  	_ = 	snop  }
0x2bc: {  	_ = 	snop  }
0x2bd: {  	_ = 	snop  }
.LBB2_14:
0x2be: {  	_ =	sfence.sel $0x180000  }
0x2bf: {  	[bflag:$0x0] =	sbarrier.arrive $0xFFFF  }
0x2c0: {  	_ =	strace $0x90000047  }
0x2c1: {  	s0 =	stileid.u32;
	[bflag:$0x2] =	sbarrier.arrive $0xFFFF  }
0x2c2: {  	p0 =	sne.s32 s0, $0x0;
	s0 =	rddreg [dreg:$0x4]  }
0x2c3: {  	s0 =	sadd.s32 @!p0 $0x100000, s0  }
0x2c4: {  	[sflag:s0] =	ssyncadd.tile.s32 @!p0 $0x1;
	_ =	shalt  }
.Lfunc_end2:
_tile_overlayer_lowered:
.L_overlay_start_2:
0x2c5: {  	(tag) =	ssettag $0x2  }
0x2c6: {  	s0 =	rddreg [dreg:$0x0];
	s2 =	stileid.u32  }
0x2c7: {  	s1 =	rddreg [dreg:$0x1];
	p0 =	sne.s32 s2, $0x0  }
0x2c8: {  	s3 =	rddreg [dreg:$0x2];
	[bflag:$0x3] =	sbarrier.arrive $0xFFFF;
	s2 =	simm.s32 @!p0 $0x1C06  }
0x2c9: {  	[timem:s3], [sflag:s2] =	dma.local @!p0 [hbm:s0], s1  }
0x2ca: {  	s0 =	simm.s32 @!p0 $0x6  }
0x2cb: {  	_ =	swait.ge @!p0 [sflag:s0], s1  }
0x2cc: {  	s1 =	ssub.s32 @!p0 $0x0, s1;
	[sflag:s0] =	ssyncset.done @!p0 $0x0  }
0x2cd: {  	[sflag:s0] =	ssyncadd.s32 @!p0 s1  }
0x2ce: {  	[bflag:$0x3] =	sbarrier.arrive $0xFFFF  }
0x2cf: {  	_ =	shalt  }

</sc_bundles>
